<compile_context>
chip_gen: v7x
topology: tpu7x:2x2x1
jax: 0.10.2.dev20260603
libtpu: 0.0.44.dev20260713+nightly
codegen_flags: <defaults>
</compile_context>

<pallas_src>
import functools

import jax
import jax.numpy as jnp
from jax import lax
from jax.experimental import pallas as pl
from jax.experimental.pallas import tpu as pltpu
from jax.experimental.pallas import tpu_sc as plsc

N = 50000
E = 800000
NC = 2
NS = 16
NP = 51200
NA = 50176
RPT = NA // NS
CH = 125
EROWS = E // CH
TROWS = EROWS // NS
DROWS = EROWS // (NC * NS)
BN = 2048
NBLK = NP // BN

_mesh = functools.partial(
    plsc.VectorSubcoreMesh,
    core_axis_name="c", subcore_axis_name="s",
    num_cores=NC, num_subcores=NS,
)
_sc_params = pltpu.CompilerParams(use_tc_tiling_on_sc=False)


@functools.partial(
    pl.kernel,
    out_type=jax.ShapeDtypeStruct((NC * NP,), jnp.float32),
    mesh=_mesh(),
    compiler_params=_sc_params,
    scratch_types=[
        pltpu.VMEM_SHARED((NP,), jnp.float32),
        pltpu.VMEM((DROWS, CH), jnp.int32),
        pltpu.VMEM((CH,), jnp.float32),
        pltpu.SemaphoreType.DMA((5,)),
    ],
)
def _deg_kernel(e3_hbm, zeros_hbm, ones_hbm, out_hbm, acc, dstb, onesb, ssem):
    c = lax.axis_index("c")
    s = lax.axis_index("s")
    seg = pl.ds(s * (NP // NS), NP // NS)
    pltpu.sync_copy(zeros_hbm.at[seg], acc.at[seg])
    pltpu.sync_copy(ones_hbm, onesb)
    pltpu.sync_copy(e3_hbm.at[1, pl.ds((c * NS + s) * DROWS, DROWS)], dstb)
    plsc.subcore_barrier()

    @pl.loop(0, DROWS // 5)
    def _(t):
        puts = [
            pltpu.async_copy(
                onesb, acc.at[dstb.at[t * 5 + b]], ssem.at[b], add=True)
            for b in range(5)
        ]
        for p in puts:
            p.wait()

    plsc.subcore_barrier()
    pltpu.sync_copy(acc.at[seg], out_hbm.at[pl.ds(c * NP + s * (NP // NS), NP // NS)])


def _make_edge_pass(F, G, NBUF, spmem_table=False):
    @functools.partial(
        pl.kernel,
        out_type=[
            jax.ShapeDtypeStruct((NP, F), jnp.float32),
            jax.ShapeDtypeStruct((NP, F), jnp.float32),
        ],
        mesh=_mesh(),
        compiler_params=_sc_params,
        scratch_types=[
            pltpu.VMEM_SHARED((NA, F), jnp.float32),
            pltpu.VMEM((G, CH), jnp.int32),
            pltpu.VMEM((G, CH), jnp.int32),
            [pltpu.VMEM((CH, F), jnp.float32) for _ in range(NBUF)],
            pltpu.SemaphoreType.DMA((NBUF,)),
            pltpu.SemaphoreType.DMA((NBUF,)),
        ] + ([pltpu.VMEM_SHARED((NP, F), jnp.float32)] if spmem_table else []),
    )
    def edge_pass(ya_hbm, yb_hbm, e3_hbm, outa_hbm, outb_hbm,
                  acc, srcb, dstb, rows, gsem, ssem, *maybe_ytab):
        c = lax.axis_index("c")
        s = lax.axis_index("s")
        base = s * RPT

        def run(y_hbm, out_hbm):
            pltpu.sync_copy(y_hbm.at[pl.ds(base, RPT)], acc.at[pl.ds(base, RPT)])
            if spmem_table:
                ytab = maybe_ytab[0]
                tseg = pl.ds(s * (NP // NS), NP // NS)
                pltpu.sync_copy(y_hbm.at[tseg], ytab.at[tseg])
                table = ytab
            else:
                table = y_hbm
            plsc.subcore_barrier()

            @pl.loop(0, TROWS // G)
            def _(g):
                row0 = s * TROWS + g * G
                pltpu.sync_copy(e3_hbm.at[0, pl.ds(row0, G)], srcb)
                pltpu.sync_copy(e3_hbm.at[1, pl.ds(row0, G)], dstb)

                @pl.loop(0, G // NBUF)
                def _(t):
                    gets = [
                        pltpu.async_copy(
                            table.at[srcb.at[t * NBUF + b]], rows[b],
                            gsem.at[b])
                        for b in range(NBUF)
                    ]
                    puts = []
                    for b in range(NBUF):
                        gets[b].wait()
                        puts.append(pltpu.async_copy(
                            rows[b], acc.at[dstb.at[t * NBUF + b]],
                            ssem.at[b], add=True))
                    for p in puts:
                        p.wait()

            plsc.subcore_barrier()
            pltpu.sync_copy(acc.at[pl.ds(base, RPT)], out_hbm.at[pl.ds(base, RPT)])

        @pl.when(c == 0)
        def _():
            run(ya_hbm, outa_hbm)

        @pl.when(c == 1)
        def _():
            run(yb_hbm, outb_hbm)

    return edge_pass


_edge_pass_32 = _make_edge_pass(32, 40, 5)
_edge_pass_16 = _make_edge_pass(16, 40, 8, spmem_table=True)


def _dinv_block(d0_ref, d1_ref):
    return lax.rsqrt(d0_ref[...] + d1_ref[...] + 1.0)


def _deg_specs():
    return [
        pl.BlockSpec((BN,), lambda i: (i,)),
        pl.BlockSpec((BN,), lambda i: (NBLK + i,)),
    ]


def _y1_body(emb_ref, w_ref, d0_ref, d1_ref, outa_ref, outb_ref):
    dinv = _dinv_block(d0_ref, d1_ref)
    xw = jnp.dot(emb_ref[...], w_ref[...], preferred_element_type=jnp.float32)
    y = xw * dinv[:, None]
    outa_ref[...] = y[:, :32]
    outb_ref[...] = y[:, 32:]


def _tc_y1(emb, W1, degp):
    return pl.pallas_call(
        _y1_body,
        grid=(NBLK,),
        in_specs=[
            pl.BlockSpec((BN, 64), lambda i: (i, 0)),
            pl.BlockSpec((64, 64), lambda i: (0, 0)),
        ] + _deg_specs(),
        out_specs=[
            pl.BlockSpec((BN, 32), lambda i: (i, 0)),
            pl.BlockSpec((BN, 32), lambda i: (i, 0)),
        ],
        out_shape=[
            jax.ShapeDtypeStruct((NP, 32), jnp.float32),
            jax.ShapeDtypeStruct((NP, 32), jnp.float32),
        ],
    )(emb, W1, degp, degp)


def _y2_body(acca_ref, accb_ref, d0_ref, d1_ref, b1_ref, w2_ref,
             outa_ref, outb_ref):
    dinv = _dinv_block(d0_ref, d1_ref)
    dcol = dinv[:, None]
    a = jnp.concatenate([acca_ref[...], accb_ref[...]], axis=1)
    h = jnp.maximum(a * dcol + b1_ref[...], 0.0)
    xw2 = jnp.dot(h, w2_ref[...], preferred_element_type=jnp.float32)
    y2 = xw2 * dcol
    outa_ref[...] = y2[:, :16]
    outb_ref[...] = y2[:, 16:]


def _tc_y2(acca, accb, degp, b1, W2):
    return pl.pallas_call(
        _y2_body,
        grid=(NBLK,),
        in_specs=[
            pl.BlockSpec((BN, 32), lambda i: (i, 0)),
            pl.BlockSpec((BN, 32), lambda i: (i, 0)),
        ] + _deg_specs() + [
            pl.BlockSpec((1, 64), lambda i: (0, 0)),
            pl.BlockSpec((64, 32), lambda i: (0, 0)),
        ],
        out_specs=[
            pl.BlockSpec((BN, 16), lambda i: (i, 0)),
            pl.BlockSpec((BN, 16), lambda i: (i, 0)),
        ],
        out_shape=[
            jax.ShapeDtypeStruct((NP, 16), jnp.float32),
            jax.ShapeDtypeStruct((NP, 16), jnp.float32),
        ],
    )(acca, accb, degp, degp, b1, W2)


def _final_body(acca_ref, accb_ref, d0_ref, d1_ref, b2_ref, out_ref):
    dinv = _dinv_block(d0_ref, d1_ref)
    a = jnp.concatenate([acca_ref[...], accb_ref[...]], axis=1)
    out_ref[...] = a * dinv[:, None] + b2_ref[...]


def _tc_final(acca, accb, degp, b2):
    return pl.pallas_call(
        _final_body,
        grid=(NBLK,),
        in_specs=[
            pl.BlockSpec((BN, 16), lambda i: (i, 0)),
            pl.BlockSpec((BN, 16), lambda i: (i, 0)),
        ] + _deg_specs() + [
            pl.BlockSpec((1, 32), lambda i: (0, 0)),
        ],
        out_specs=pl.BlockSpec((BN, 32), lambda i: (i, 0)),
        out_shape=jax.ShapeDtypeStruct((NP, 32), jnp.float32),
    )(acca, accb, degp, degp, b2)


@jax.jit
def kernel(edge_index, emb, W1, b1, W2, b2):
    e3 = edge_index.astype(jnp.int32).reshape(2, EROWS, CH)
    zeros_np = jnp.zeros((NP,), jnp.float32)
    ones_c = jnp.ones((CH,), jnp.float32)
    emb_p = jnp.pad(emb, ((0, NP - N), (0, 0)))

    degp = _deg_kernel(e3, zeros_np, ones_c)
    ya1, yb1 = _tc_y1(emb_p, W1, degp)
    acca1, accb1 = _edge_pass_32(ya1, yb1, e3)
    y2a, y2b = _tc_y2(acca1, accb1, degp, b1.reshape(1, 64), W2)
    acca2, accb2 = _edge_pass_16(y2a, y2b, e3)
    return _tc_final(acca2, accb2, degp, b2.reshape(1, 32))[:N]

# --- scband reference (transcript-rebuilt; emitter-appended) ---
"""Pipeline reference for scband-gnnrecommender-90142773608980 (READ-ONLY COPY).

The authoritative reference and input builder live on the scoring server;
editing this copy changes nothing except your own understanding.
"""

import jax, jax.numpy as jnp
import numpy as np

NUM_USERS = 25000
NUM_ITEMS = 25000
N = NUM_USERS + NUM_ITEMS
D_EMB = 64
D_H1 = 64
D_H2 = 32
E = 800000


def gcn_conv(x, edge_index, W, b, num_nodes):
    # PyG GCNConv: linear transform, add self-loops, symmetric normalization, scatter-add
    xw = x @ W
    src = edge_index[0]
    dst = edge_index[1]
    loop = jnp.arange(num_nodes, dtype=edge_index.dtype)
    src = jnp.concatenate([src, loop])
    dst = jnp.concatenate([dst, loop])
    ones = jnp.ones(src.shape[0], dtype=xw.dtype)
    deg = jnp.zeros(num_nodes, dtype=xw.dtype).at[dst].add(ones)
    deg_inv_sqrt = jnp.where(deg > 0, deg ** -0.5, 0.0)
    norm = deg_inv_sqrt[src] * deg_inv_sqrt[dst]
    msg = xw[src] * norm[:, None]
    out = jnp.zeros((num_nodes, xw.shape[1]), dtype=xw.dtype).at[dst].add(msg)
    return out + b


def setup_inputs(seed: int = 0) -> dict:
    key = jax.random.key(seed)
    k1, k2, k3, k4, k5, k6 = jax.random.split(key, 6)
    edge_index = jax.random.randint(k1, (2, E), 0, N, dtype=jnp.int64) if jax.config.jax_enable_x64 else jax.random.randint(k1, (2, E), 0, N).astype(jnp.int32)
    emb = jax.random.normal(k2, (N, D_EMB), dtype=jnp.float32)
    W1 = jax.random.normal(k3, (D_EMB, D_H1), dtype=jnp.float32) * (1.0 / np.sqrt(D_EMB))
    b1 = jnp.zeros((D_H1,), dtype=jnp.float32)
    W2 = jax.random.normal(k4, (D_H1, D_H2), dtype=jnp.float32) * (1.0 / np.sqrt(D_H1))
    b2 = jnp.zeros((D_H2,), dtype=jnp.float32)
    return {"edge_index": edge_index, "emb": emb, "W1": W1, "b1": b1, "W2": W2, "b2": b2}


def reference(edge_index, emb, W1, b1, W2, b2):
    x = emb  # self.embedding.weight
    h = jax.nn.relu(gcn_conv(x, edge_index, W1, b1, N))
    out = gcn_conv(h, edge_index, W2, b2, N)
    return out

if __name__ == "__main__":
    import jax
    _d = setup_inputs()
    print(jax.jit(kernel)(*tuple(_d.values())))

</pallas_src>

<mosaic_0001>
#map = affine_map<(d0, d1) -> (0, 0, 0)>
#map1 = affine_map<(d0, d1) -> (0)>
module attributes {stable_mosaic.version = 14 : i64} {
  func.func @_deg_kernel(%arg0: i32, %arg1: i32, %arg2: memref<2x6400x125xi32, #tpu.memory_space<hbm>>, %arg3: memref<51200xf32, #tpu.memory_space<hbm>>, %arg4: memref<125xf32, #tpu.memory_space<hbm>>, %arg5: memref<102400xf32, #tpu.memory_space<hbm>>, %arg6: memref<51200xf32, #tpu.memory_space<vmem_shared>>, %arg7: memref<200x125xi32, #tpu.memory_space<vmem>>, %arg8: memref<125xf32, #tpu.memory_space<vmem>>, %arg9: memref<5x!tpu.dma_semaphore, #tpu.memory_space<semaphore_mem>>) attributes {dimension_semantics = [#tpu.dimension_semantics<core_parallel>, #tpu.dimension_semantics<subcore_parallel>], iteration_bounds = array<i64: 2, 16>, scalar_prefetch = 0 : i64, scratch_operands = 4 : i64, tpu.core_type = #tpu.core_type<sc_vector_subcore>, window_params = [{transform_indices = #map}, {transform_indices = #map1}, {transform_indices = #map1}, {transform_indices = #map1}]} {
    %mul3A = arith.constant 3200 : i32
    %mul3A_0 = arith.muli %arg1, %mul3A : i32
    "tpu.region"() ({
      %run_scoped3A_15 = tpu.sem_alloc : memref<!tpu.dma_semaphore, #tpu.memory_space<semaphore_mem>>
      %dma_start3A = tpu.memref_slice %arg6[%mul3A_0] : memref<51200xf32, #tpu.memory_space<vmem_shared>> -> memref<3200xf32, #tpu.memory_space<vmem_shared>>
      %dma_start3A_16 = tpu.memref_slice %arg3[%mul3A_0] : memref<51200xf32, #tpu.memory_space<hbm>> -> memref<3200xf32, #tpu.memory_space<hbm>>
      tpu.enqueue_dma source(%dma_start3A_16 : memref<3200xf32, #tpu.memory_space<hbm>>) target(%dma_start3A : memref<3200xf32, #tpu.memory_space<vmem_shared>>) target_semaphore(%run_scoped3A_15 : memref<!tpu.dma_semaphore, #tpu.memory_space<semaphore_mem>>)
      %dma_wait3A = tpu.memref_slice %arg6[%mul3A_0] : memref<51200xf32, #tpu.memory_space<vmem_shared>> -> memref<3200xf32, #tpu.memory_space<vmem_shared>>
      %dma_wait3A_17 = tpu.memref_slice %arg3[%mul3A_0] : memref<51200xf32, #tpu.memory_space<hbm>> -> memref<3200xf32, #tpu.memory_space<hbm>>
      tpu.wait_dma2 semaphore(%run_scoped3A_15 : memref<!tpu.dma_semaphore, #tpu.memory_space<semaphore_mem>>) src(%dma_wait3A_17 : memref<3200xf32, #tpu.memory_space<hbm>>) dst(%dma_wait3A : memref<3200xf32, #tpu.memory_space<vmem_shared>>)
      tpu.yield
    }) : () -> ()
    "tpu.region"() ({
      %run_scoped3A_15 = tpu.sem_alloc : memref<!tpu.dma_semaphore, #tpu.memory_space<semaphore_mem>>
      tpu.enqueue_dma source(%arg4 : memref<125xf32, #tpu.memory_space<hbm>>) target(%arg8 : memref<125xf32, #tpu.memory_space<vmem>>) target_semaphore(%run_scoped3A_15 : memref<!tpu.dma_semaphore, #tpu.memory_space<semaphore_mem>>)
      tpu.wait_dma2 semaphore(%run_scoped3A_15 : memref<!tpu.dma_semaphore, #tpu.memory_space<semaphore_mem>>) src(%arg4 : memref<125xf32, #tpu.memory_space<hbm>>) dst(%arg8 : memref<125xf32, #tpu.memory_space<vmem>>)
      tpu.yield
    }) : () -> ()
    %mul3A_1 = arith.constant 16 : i32
    %mul3A_2 = arith.muli %arg0, %mul3A_1 : i32
    %add3A = arith.addi %mul3A_2, %arg1 : i32
    %mul3A_3 = arith.constant 200 : i32
    %mul3A_4 = arith.muli %add3A, %mul3A_3 : i32
    %run_scoped3A = arith.constant 1 : i32
    "tpu.region"() ({
      %run_scoped3A_15 = tpu.sem_alloc : memref<!tpu.dma_semaphore, #tpu.memory_space<semaphore_mem>>
      %dma_start3A = arith.constant 0 : i32
      %dma_start3A_16 = tpu.memref_slice %arg2[%run_scoped3A, %mul3A_4, %dma_start3A] : memref<2x6400x125xi32, #tpu.memory_space<hbm>> -> memref<1x200x125xi32, #tpu.memory_space<hbm>>
      %dma_start3A_17 = tpu.memref_squeeze %dma_start3A_16 : memref<1x200x125xi32, #tpu.memory_space<hbm>> -> memref<200x125xi32, #tpu.memory_space<hbm>>
      %dma_start3A_18 = arith.constant 0 : i32
      %dma_start3A_19 = tpu.memref_slice %arg2[%run_scoped3A, %mul3A_4, %dma_start3A_18] : memref<2x6400x125xi32, #tpu.memory_space<hbm>> -> memref<1x200x125xi32, #tpu.memory_space<hbm>>
      %dma_start3A_20 = tpu.memref_squeeze %dma_start3A_19 : memref<1x200x125xi32, #tpu.memory_space<hbm>> -> memref<200x125xi32, #tpu.memory_space<hbm>>
      tpu.enqueue_dma source(%dma_start3A_20 : memref<200x125xi32, #tpu.memory_space<hbm>>) target(%arg7 : memref<200x125xi32, #tpu.memory_space<vmem>>) target_semaphore(%run_scoped3A_15 : memref<!tpu.dma_semaphore, #tpu.memory_space<semaphore_mem>>)
      %dma_wait3A = arith.constant 0 : i32
      %dma_wait3A_21 = tpu.memref_slice %arg2[%run_scoped3A, %mul3A_4, %dma_wait3A] : memref<2x6400x125xi32, #tpu.memory_space<hbm>> -> memref<1x200x125xi32, #tpu.memory_space<hbm>>
      %dma_wait3A_22 = tpu.memref_squeeze %dma_wait3A_21 : memref<1x200x125xi32, #tpu.memory_space<hbm>> -> memref<200x125xi32, #tpu.memory_space<hbm>>
      %dma_wait3A_23 = arith.constant 0 : i32
      %dma_wait3A_24 = tpu.memref_slice %arg2[%run_scoped3A, %mul3A_4, %dma_wait3A_23] : memref<2x6400x125xi32, #tpu.memory_space<hbm>> -> memref<1x200x125xi32, #tpu.memory_space<hbm>>
      %dma_wait3A_25 = tpu.memref_squeeze %dma_wait3A_24 : memref<1x200x125xi32, #tpu.memory_space<hbm>> -> memref<200x125xi32, #tpu.memory_space<hbm>>
      tpu.wait_dma2 semaphore(%run_scoped3A_15 : memref<!tpu.dma_semaphore, #tpu.memory_space<semaphore_mem>>) src(%dma_wait3A_25 : memref<200x125xi32, #tpu.memory_space<hbm>>) dst(%arg7 : memref<200x125xi32, #tpu.memory_space<vmem>>)
      tpu.yield
    }) : () -> ()
    %barrier3A = arith.constant 0 : index
    tpu.barrier barrier_id(%barrier3A)
    %scan3A = arith.constant 0 : i32
    %scan3A_5 = arith.constant 40 : i32
    %scan3A_6 = arith.addi %scan3A, %scan3A_5 : i32
    %scan3A_7 = arith.constant 1 : i32
    scf.for %scan3A_15 = %scan3A to %scan3A_6 step %scan3A_7  : i32 {
      %mul3A_16 = arith.constant 1 : i32
      %mul3A_17 = arith.muli %scan3A_15, %mul3A_16 : i32
      %add3A_18 = arith.constant 0 : i32
      %add3A_19 = arith.addi %add3A_18, %mul3A_17 : i32
      %mul3A_20 = arith.constant 5 : i32
      %mul3A_21 = arith.muli %add3A_19, %mul3A_20 : i32
      %add3A_22 = arith.constant 0 : i32
      %add3A_23 = arith.addi %mul3A_21, %add3A_22 : i32
      %dma_start3A = arith.constant 0 : i32
      %dma_start3A_24 = arith.constant 0 : i32
      %dma_start3A_25 = tpu.memref_slice %arg7[%add3A_23, %dma_start3A_24] : memref<200x125xi32, #tpu.memory_space<vmem>> -> memref<1x125xi32, #tpu.memory_space<vmem>>
      %dma_start3A_26 = tpu.memref_squeeze %dma_start3A_25 : memref<1x125xi32, #tpu.memory_space<vmem>> -> memref<125xi32, #tpu.memory_space<vmem>>
      %dma_start3A_27 = arith.constant 0 : i32
      %dma_start3A_28 = tpu.memref_slice %arg6[%dma_start3A_27] : memref<51200xf32, #tpu.memory_space<vmem_shared>> -> memref<51200xf32, #tpu.memory_space<vmem_shared>>
      %dma_start3A_29 = tpu.memref_slice %arg9[%dma_start3A] : memref<5x!tpu.dma_semaphore, #tpu.memory_space<semaphore_mem>> -> memref<1x!tpu.dma_semaphore, #tpu.memory_space<semaphore_mem>>
      %dma_start3A_30 = tpu.memref_squeeze %dma_start3A_29 : memref<1x!tpu.dma_semaphore, #tpu.memory_space<semaphore_mem>> -> memref<!tpu.dma_semaphore, #tpu.memory_space<semaphore_mem>>
      tpu.enqueue_indirect_dma source(%arg8 : memref<125xf32, #tpu.memory_space<vmem>>) target(%dma_start3A_28 : memref<51200xf32, #tpu.memory_space<vmem_shared>>) offsets(%dma_start3A_26 : memref<125xi32, #tpu.memory_space<vmem>>) semaphore(%dma_start3A_30 : memref<!tpu.dma_semaphore, #tpu.memory_space<semaphore_mem>>) {add = true}
      %mul3A_31 = arith.constant 5 : i32
      %mul3A_32 = arith.muli %add3A_19, %mul3A_31 : i32
      %add3A_33 = arith.constant 1 : i32
      %add3A_34 = arith.addi %mul3A_32, %add3A_33 : i32
      %dma_start3A_35 = arith.constant 1 : i32
      %dma_start3A_36 = arith.constant 0 : i32
      %dma_start3A_37 = tpu.memref_slice %arg7[%add3A_34, %dma_start3A_36] : memref<200x125xi32, #tpu.memory_space<vmem>> -> memref<1x125xi32, #tpu.memory_space<vmem>>
      %dma_start3A_38 = tpu.memref_squeeze %dma_start3A_37 : memref<1x125xi32, #tpu.memory_space<vmem>> -> memref<125xi32, #tpu.memory_space<vmem>>
      %dma_start3A_39 = arith.constant 0 : i32
      %dma_start3A_40 = tpu.memref_slice %arg6[%dma_start3A_39] : memref<51200xf32, #tpu.memory_space<vmem_shared>> -> memref<51200xf32, #tpu.memory_space<vmem_shared>>
      %dma_start3A_41 = tpu.memref_slice %arg9[%dma_start3A_35] : memref<5x!tpu.dma_semaphore, #tpu.memory_space<semaphore_mem>> -> memref<1x!tpu.dma_semaphore, #tpu.memory_space<semaphore_mem>>
      %dma_start3A_42 = tpu.memref_squeeze %dma_start3A_41 : memref<1x!tpu.dma_semaphore, #tpu.memory_space<semaphore_mem>> -> memref<!tpu.dma_semaphore, #tpu.memory_space<semaphore_mem>>
      tpu.enqueue_indirect_dma source(%arg8 : memref<125xf32, #tpu.memory_space<vmem>>) target(%dma_start3A_40 : memref<51200xf32, #tpu.memory_space<vmem_shared>>) offsets(%dma_start3A_38 : memref<125xi32, #tpu.memory_space<vmem>>) semaphore(%dma_start3A_42 : memref<!tpu.dma_semaphore, #tpu.memory_space<semaphore_mem>>) {add = true}
      %mul3A_43 = arith.constant 5 : i32
      %mul3A_44 = arith.muli %add3A_19, %mul3A_43 : i32
      %add3A_45 = arith.constant 2 : i32
      %add3A_46 = arith.addi %mul3A_44, %add3A_45 : i32
      %dma_start3A_47 = arith.constant 2 : i32
      %dma_start3A_48 = arith.constant 0 : i32
      %dma_start3A_49 = tpu.memref_slice %arg7[%add3A_46, %dma_start3A_48] : memref<200x125xi32, #tpu.memory_space<vmem>> -> memref<1x125xi32, #tpu.memory_space<vmem>>
      %dma_start3A_50 = tpu.memref_squeeze %dma_start3A_49 : memref<1x125xi32, #tpu.memory_space<vmem>> -> memref<125xi32, #tpu.memory_space<vmem>>
      %dma_start3A_51 = arith.constant 0 : i32
      %dma_start3A_52 = tpu.memref_slice %arg6[%dma_start3A_51] : memref<51200xf32, #tpu.memory_space<vmem_shared>> -> memref<51200xf32, #tpu.memory_space<vmem_shared>>
      %dma_start3A_53 = tpu.memref_slice %arg9[%dma_start3A_47] : memref<5x!tpu.dma_semaphore, #tpu.memory_space<semaphore_mem>> -> memref<1x!tpu.dma_semaphore, #tpu.memory_space<semaphore_mem>>
      %dma_start3A_54 = tpu.memref_squeeze %dma_start3A_53 : memref<1x!tpu.dma_semaphore, #tpu.memory_space<semaphore_mem>> -> memref<!tpu.dma_semaphore, #tpu.memory_space<semaphore_mem>>
      tpu.enqueue_indirect_dma source(%arg8 : memref<125xf32, #tpu.memory_space<vmem>>) target(%dma_start3A_52 : memref<51200xf32, #tpu.memory_space<vmem_shared>>) offsets(%dma_start3A_50 : memref<125xi32, #tpu.memory_space<vmem>>) semaphore(%dma_start3A_54 : memref<!tpu.dma_semaphore, #tpu.memory_space<semaphore_mem>>) {add = true}
      %mul3A_55 = arith.constant 5 : i32
      %mul3A_56 = arith.muli %add3A_19, %mul3A_55 : i32
      %add3A_57 = arith.constant 3 : i32
      %add3A_58 = arith.addi %mul3A_56, %add3A_57 : i32
      %dma_start3A_59 = arith.constant 3 : i32
      %dma_start3A_60 = arith.constant 0 : i32
      %dma_start3A_61 = tpu.memref_slice %arg7[%add3A_58, %dma_start3A_60] : memref<200x125xi32, #tpu.memory_space<vmem>> -> memref<1x125xi32, #tpu.memory_space<vmem>>
      %dma_start3A_62 = tpu.memref_squeeze %dma_start3A_61 : memref<1x125xi32, #tpu.memory_space<vmem>> -> memref<125xi32, #tpu.memory_space<vmem>>
      %dma_start3A_63 = arith.constant 0 : i32
      %dma_start3A_64 = tpu.memref_slice %arg6[%dma_start3A_63] : memref<51200xf32, #tpu.memory_space<vmem_shared>> -> memref<51200xf32, #tpu.memory_space<vmem_shared>>
      %dma_start3A_65 = tpu.memref_slice %arg9[%dma_start3A_59] : memref<5x!tpu.dma_semaphore, #tpu.memory_space<semaphore_mem>> -> memref<1x!tpu.dma_semaphore, #tpu.memory_space<semaphore_mem>>
      %dma_start3A_66 = tpu.memref_squeeze %dma_start3A_65 : memref<1x!tpu.dma_semaphore, #tpu.memory_space<semaphore_mem>> -> memref<!tpu.dma_semaphore, #tpu.memory_space<semaphore_mem>>
      tpu.enqueue_indirect_dma source(%arg8 : memref<125xf32, #tpu.memory_space<vmem>>) target(%dma_start3A_64 : memref<51200xf32, #tpu.memory_space<vmem_shared>>) offsets(%dma_start3A_62 : memref<125xi32, #tpu.memory_space<vmem>>) semaphore(%dma_start3A_66 : memref<!tpu.dma_semaphore, #tpu.memory_space<semaphore_mem>>) {add = true}
      %mul3A_67 = arith.constant 5 : i32
      %mul3A_68 = arith.muli %add3A_19, %mul3A_67 : i32
      %add3A_69 = arith.constant 4 : i32
      %add3A_70 = arith.addi %mul3A_68, %add3A_69 : i32
      %dma_start3A_71 = arith.constant 4 : i32
      %dma_start3A_72 = arith.constant 0 : i32
      %dma_start3A_73 = tpu.memref_slice %arg7[%add3A_70, %dma_start3A_72] : memref<200x125xi32, #tpu.memory_space<vmem>> -> memref<1x125xi32, #tpu.memory_space<vmem>>
      %dma_start3A_74 = tpu.memref_squeeze %dma_start3A_73 : memref<1x125xi32, #tpu.memory_space<vmem>> -> memref<125xi32, #tpu.memory_space<vmem>>
      %dma_start3A_75 = arith.constant 0 : i32
      %dma_start3A_76 = tpu.memref_slice %arg6[%dma_start3A_75] : memref<51200xf32, #tpu.memory_space<vmem_shared>> -> memref<51200xf32, #tpu.memory_space<vmem_shared>>
      %dma_start3A_77 = tpu.memref_slice %arg9[%dma_start3A_71] : memref<5x!tpu.dma_semaphore, #tpu.memory_space<semaphore_mem>> -> memref<1x!tpu.dma_semaphore, #tpu.memory_space<semaphore_mem>>
      %dma_start3A_78 = tpu.memref_squeeze %dma_start3A_77 : memref<1x!tpu.dma_semaphore, #tpu.memory_space<semaphore_mem>> -> memref<!tpu.dma_semaphore, #tpu.memory_space<semaphore_mem>>
      tpu.enqueue_indirect_dma source(%arg8 : memref<125xf32, #tpu.memory_space<vmem>>) target(%dma_start3A_76 : memref<51200xf32, #tpu.memory_space<vmem_shared>>) offsets(%dma_start3A_74 : memref<125xi32, #tpu.memory_space<vmem>>) semaphore(%dma_start3A_78 : memref<!tpu.dma_semaphore, #tpu.memory_space<semaphore_mem>>) {add = true}
      %dma_wait3A = arith.constant 0 : i32
      %dma_wait3A_79 = arith.constant 0 : i32
      %dma_wait3A_80 = tpu.memref_slice %arg7[%add3A_23, %dma_wait3A_79] : memref<200x125xi32, #tpu.memory_space<vmem>> -> memref<1x125xi32, #tpu.memory_space<vmem>>
      %dma_wait3A_81 = tpu.memref_squeeze %dma_wait3A_80 : memref<1x125xi32, #tpu.memory_space<vmem>> -> memref<125xi32, #tpu.memory_space<vmem>>
      %dma_wait3A_82 = arith.constant 0 : i32
      %dma_wait3A_83 = tpu.memref_slice %arg6[%dma_wait3A_82] : memref<51200xf32, #tpu.memory_space<vmem_shared>> -> memref<51200xf32, #tpu.memory_space<vmem_shared>>
      %dma_wait3A_84 = tpu.memref_slice %arg9[%dma_wait3A] : memref<5x!tpu.dma_semaphore, #tpu.memory_space<semaphore_mem>> -> memref<1x!tpu.dma_semaphore, #tpu.memory_space<semaphore_mem>>
      %dma_wait3A_85 = tpu.memref_squeeze %dma_wait3A_84 : memref<1x!tpu.dma_semaphore, #tpu.memory_space<semaphore_mem>> -> memref<!tpu.dma_semaphore, #tpu.memory_space<semaphore_mem>>
      tpu.wait_indirect_dma semaphore(%dma_wait3A_85 : memref<!tpu.dma_semaphore, #tpu.memory_space<semaphore_mem>>) src(%arg8 : memref<125xf32, #tpu.memory_space<vmem>>) dst(%dma_wait3A_83 : memref<51200xf32, #tpu.memory_space<vmem_shared>>)
      %dma_wait3A_86 = arith.constant 1 : i32
      %dma_wait3A_87 = arith.constant 0 : i32
      %dma_wait3A_88 = tpu.memref_slice %arg7[%add3A_34, %dma_wait3A_87] : memref<200x125xi32, #tpu.memory_space<vmem>> -> memref<1x125xi32, #tpu.memory_space<vmem>>
      %dma_wait3A_89 = tpu.memref_squeeze %dma_wait3A_88 : memref<1x125xi32, #tpu.memory_space<vmem>> -> memref<125xi32, #tpu.memory_space<vmem>>
      %dma_wait3A_90 = arith.constant 0 : i32
      %dma_wait3A_91 = tpu.memref_slice %arg6[%dma_wait3A_90] : memref<51200xf32, #tpu.memory_space<vmem_shared>> -> memref<51200xf32, #tpu.memory_space<vmem_shared>>
      %dma_wait3A_92 = tpu.memref_slice %arg9[%dma_wait3A_86] : memref<5x!tpu.dma_semaphore, #tpu.memory_space<semaphore_mem>> -> memref<1x!tpu.dma_semaphore, #tpu.memory_space<semaphore_mem>>
      %dma_wait3A_93 = tpu.memref_squeeze %dma_wait3A_92 : memref<1x!tpu.dma_semaphore, #tpu.memory_space<semaphore_mem>> -> memref<!tpu.dma_semaphore, #tpu.memory_space<semaphore_mem>>
      tpu.wait_indirect_dma semaphore(%dma_wait3A_93 : memref<!tpu.dma_semaphore, #tpu.memory_space<semaphore_mem>>) src(%arg8 : memref<125xf32, #tpu.memory_space<vmem>>) dst(%dma_wait3A_91 : memref<51200xf32, #tpu.memory_space<vmem_shared>>)
      %dma_wait3A_94 = arith.constant 2 : i32
      %dma_wait3A_95 = arith.constant 0 : i32
      %dma_wait3A_96 = tpu.memref_slice %arg7[%add3A_46, %dma_wait3A_95] : memref<200x125xi32, #tpu.memory_space<vmem>> -> memref<1x125xi32, #tpu.memory_space<vmem>>
      %dma_wait3A_97 = tpu.memref_squeeze %dma_wait3A_96 : memref<1x125xi32, #tpu.memory_space<vmem>> -> memref<125xi32, #tpu.memory_space<vmem>>
      %dma_wait3A_98 = arith.constant 0 : i32
      %dma_wait3A_99 = tpu.memref_slice %arg6[%dma_wait3A_98] : memref<51200xf32, #tpu.memory_space<vmem_shared>> -> memref<51200xf32, #tpu.memory_space<vmem_shared>>
      %dma_wait3A_100 = tpu.memref_slice %arg9[%dma_wait3A_94] : memref<5x!tpu.dma_semaphore, #tpu.memory_space<semaphore_mem>> -> memref<1x!tpu.dma_semaphore, #tpu.memory_space<semaphore_mem>>
      %dma_wait3A_101 = tpu.memref_squeeze %dma_wait3A_100 : memref<1x!tpu.dma_semaphore, #tpu.memory_space<semaphore_mem>> -> memref<!tpu.dma_semaphore, #tpu.memory_space<semaphore_mem>>
      tpu.wait_indirect_dma semaphore(%dma_wait3A_101 : memref<!tpu.dma_semaphore, #tpu.memory_space<semaphore_mem>>) src(%arg8 : memref<125xf32, #tpu.memory_space<vmem>>) dst(%dma_wait3A_99 : memref<51200xf32, #tpu.memory_space<vmem_shared>>)
      %dma_wait3A_102 = arith.constant 3 : i32
      %dma_wait3A_103 = arith.constant 0 : i32
      %dma_wait3A_104 = tpu.memref_slice %arg7[%add3A_58, %dma_wait3A_103] : memref<200x125xi32, #tpu.memory_space<vmem>> -> memref<1x125xi32, #tpu.memory_space<vmem>>
      %dma_wait3A_105 = tpu.memref_squeeze %dma_wait3A_104 : memref<1x125xi32, #tpu.memory_space<vmem>> -> memref<125xi32, #tpu.memory_space<vmem>>
      %dma_wait3A_106 = arith.constant 0 : i32
      %dma_wait3A_107 = tpu.memref_slice %arg6[%dma_wait3A_106] : memref<51200xf32, #tpu.memory_space<vmem_shared>> -> memref<51200xf32, #tpu.memory_space<vmem_shared>>
      %dma_wait3A_108 = tpu.memref_slice %arg9[%dma_wait3A_102] : memref<5x!tpu.dma_semaphore, #tpu.memory_space<semaphore_mem>> -> memref<1x!tpu.dma_semaphore, #tpu.memory_space<semaphore_mem>>
      %dma_wait3A_109 = tpu.memref_squeeze %dma_wait3A_108 : memref<1x!tpu.dma_semaphore, #tpu.memory_space<semaphore_mem>> -> memref<!tpu.dma_semaphore, #tpu.memory_space<semaphore_mem>>
      tpu.wait_indirect_dma semaphore(%dma_wait3A_109 : memref<!tpu.dma_semaphore, #tpu.memory_space<semaphore_mem>>) src(%arg8 : memref<125xf32, #tpu.memory_space<vmem>>) dst(%dma_wait3A_107 : memref<51200xf32, #tpu.memory_space<vmem_shared>>)
      %dma_wait3A_110 = arith.constant 4 : i32
      %dma_wait3A_111 = arith.constant 0 : i32
      %dma_wait3A_112 = tpu.memref_slice %arg7[%add3A_70, %dma_wait3A_111] : memref<200x125xi32, #tpu.memory_space<vmem>> -> memref<1x125xi32, #tpu.memory_space<vmem>>
      %dma_wait3A_113 = tpu.memref_squeeze %dma_wait3A_112 : memref<1x125xi32, #tpu.memory_space<vmem>> -> memref<125xi32, #tpu.memory_space<vmem>>
      %dma_wait3A_114 = arith.constant 0 : i32
      %dma_wait3A_115 = tpu.memref_slice %arg6[%dma_wait3A_114] : memref<51200xf32, #tpu.memory_space<vmem_shared>> -> memref<51200xf32, #tpu.memory_space<vmem_shared>>
      %dma_wait3A_116 = tpu.memref_slice %arg9[%dma_wait3A_110] : memref<5x!tpu.dma_semaphore, #tpu.memory_space<semaphore_mem>> -> memref<1x!tpu.dma_semaphore, #tpu.memory_space<semaphore_mem>>
      %dma_wait3A_117 = tpu.memref_squeeze %dma_wait3A_116 : memref<1x!tpu.dma_semaphore, #tpu.memory_space<semaphore_mem>> -> memref<!tpu.dma_semaphore, #tpu.memory_space<semaphore_mem>>
      tpu.wait_indirect_dma semaphore(%dma_wait3A_117 : memref<!tpu.dma_semaphore, #tpu.memory_space<semaphore_mem>>) src(%arg8 : memref<125xf32, #tpu.memory_space<vmem>>) dst(%dma_wait3A_115 : memref<51200xf32, #tpu.memory_space<vmem_shared>>)
    }
    %scan3A_8 = arith.constant 40 : i32
    %barrier3A_9 = arith.constant 0 : index
    tpu.barrier barrier_id(%barrier3A_9)
    %mul3A_10 = arith.constant 51200 : i32
    %mul3A_11 = arith.muli %arg0, %mul3A_10 : i32
    %mul3A_12 = arith.constant 3200 : i32
    %mul3A_13 = arith.muli %arg1, %mul3A_12 : i32
    %add3A_14 = arith.addi %mul3A_11, %mul3A_13 : i32
    "tpu.region"() ({
      %run_scoped3A_15 = tpu.sem_alloc : memref<!tpu.dma_semaphore, #tpu.memory_space<semaphore_mem>>
      %dma_start3A = tpu.memref_slice %arg5[%add3A_14] : memref<102400xf32, #tpu.memory_space<hbm>> -> memref<3200xf32, #tpu.memory_space<hbm>>
      %dma_start3A_16 = tpu.memref_slice %arg6[%mul3A_0] : memref<51200xf32, #tpu.memory_space<vmem_shared>> -> memref<3200xf32, #tpu.memory_space<vmem_shared>>
      tpu.enqueue_dma source(%dma_start3A_16 : memref<3200xf32, #tpu.memory_space<vmem_shared>>) target(%dma_start3A : memref<3200xf32, #tpu.memory_space<hbm>>) target_semaphore(%run_scoped3A_15 : memref<!tpu.dma_semaphore, #tpu.memory_space<semaphore_mem>>)
      %dma_wait3A = tpu.memref_slice %arg5[%add3A_14] : memref<102400xf32, #tpu.memory_space<hbm>> -> memref<3200xf32, #tpu.memory_space<hbm>>
      %dma_wait3A_17 = tpu.memref_slice %arg6[%mul3A_0] : memref<51200xf32, #tpu.memory_space<vmem_shared>> -> memref<3200xf32, #tpu.memory_space<vmem_shared>>
      tpu.wait_dma2 semaphore(%run_scoped3A_15 : memref<!tpu.dma_semaphore, #tpu.memory_space<semaphore_mem>>) src(%dma_wait3A_17 : memref<3200xf32, #tpu.memory_space<vmem_shared>>) dst(%dma_wait3A : memref<3200xf32, #tpu.memory_space<hbm>>)
      tpu.yield
    }) : () -> ()
    return
  }
}

#map = affine_map<(d0, d1) -> (0, 0)>
#map1 = affine_map<(d0, d1) -> (0, 0, 0)>
module attributes {stable_mosaic.version = 14 : i64} {
  func.func @edge_pass(%arg0: i32, %arg1: i32, %arg2: memref<51200x16xf32, #tpu.memory_space<hbm>>, %arg3: memref<51200x16xf32, #tpu.memory_space<hbm>>, %arg4: memref<2x6400x125xi32, #tpu.memory_space<hbm>>, %arg5: memref<51200x16xf32, #tpu.memory_space<hbm>>, %arg6: memref<51200x16xf32, #tpu.memory_space<hbm>>, %arg7: memref<50176x16xf32, #tpu.memory_space<vmem_shared>>, %arg8: memref<40x125xi32, #tpu.memory_space<vmem>>, %arg9: memref<40x125xi32, #tpu.memory_space<vmem>>, %arg10: memref<125x16xf32, #tpu.memory_space<vmem>>, %arg11: memref<125x16xf32, #tpu.memory_space<vmem>>, %arg12: memref<125x16xf32, #tpu.memory_space<vmem>>, %arg13: memref<125x16xf32, #tpu.memory_space<vmem>>, %arg14: memref<125x16xf32, #tpu.memory_space<vmem>>, %arg15: memref<125x16xf32, #tpu.memory_space<vmem>>, %arg16: memref<125x16xf32, #tpu.memory_space<vmem>>, %arg17: memref<125x16xf32, #tpu.memory_space<vmem>>, %arg18: memref<8x!tpu.dma_semaphore, #tpu.memory_space<semaphore_mem>>, %arg19: memref<8x!tpu.dma_semaphore, #tpu.memory_space<semaphore_mem>>, %arg20: memref<51200x16xf32, #tpu.memory_space<vmem_shared>>) attributes {dimension_semantics = [#tpu.dimension_semantics<core_parallel>, #tpu.dimension_semantics<subcore_parallel>], iteration_bounds = array<i64: 2, 16>, scalar_prefetch = 0 : i64, scratch_operands = 14 : i64, tpu.core_type = #tpu.core_type<sc_vector_subcore>, window_params = [{transform_indices = #map}, {transform_indices = #map}, {transform_indices = #map1}, {transform_indices = #map}, {transform_indices = #map}]} {
    %mul3A = arith.constant 3136 : i32
    %mul3A_0 = arith.muli %arg1, %mul3A : i32
    %eq3A = arith.constant 0 : i32
    %eq3A_1 = arith.cmpi eq, %arg0, %eq3A : i32
    %convert_element_type3A = arith.extui %eq3A_1 : i1 to i32
    %cond3A = arith.constant 0 : i32
    %cond3A_2 = arith.cmpi ne, %convert_element_type3A, %cond3A : i32
    scf.if %cond3A_2 {
      "tpu.region"() ({
        %run_scoped3A = tpu.sem_alloc : memref<!tpu.dma_semaphore, #tpu.memory_space<semaphore_mem>>
        %dma_start3A = arith.constant 0 : i32
        %dma_start3A_15 = tpu.memref_slice %arg7[%mul3A_0, %dma_start3A] : memref<50176x16xf32, #tpu.memory_space<vmem_shared>> -> memref<3136x16xf32, #tpu.memory_space<vmem_shared>>
        %dma_start3A_16 = arith.constant 0 : i32
        %dma_start3A_17 = tpu.memref_slice %arg2[%mul3A_0, %dma_start3A_16] : memref<51200x16xf32, #tpu.memory_space<hbm>> -> memref<3136x16xf32, #tpu.memory_space<hbm>>
        tpu.enqueue_dma source(%dma_start3A_17 : memref<3136x16xf32, #tpu.memory_space<hbm>>) target(%dma_start3A_15 : memref<3136x16xf32, #tpu.memory_space<vmem_shared>>) target_semaphore(%run_scoped3A : memref<!tpu.dma_semaphore, #tpu.memory_space<semaphore_mem>>)
        %dma_wait3A = arith.constant 0 : i32
        %dma_wait3A_18 = tpu.memref_slice %arg7[%mul3A_0, %dma_wait3A] : memref<50176x16xf32, #tpu.memory_space<vmem_shared>> -> memref<3136x16xf32, #tpu.memory_space<vmem_shared>>
        %dma_wait3A_19 = arith.constant 0 : i32
        %dma_wait3A_20 = tpu.memref_slice %arg2[%mul3A_0, %dma_wait3A_19] : memref<51200x16xf32, #tpu.memory_space<hbm>> -> memref<3136x16xf32, #tpu.memory_space<hbm>>
        tpu.wait_dma2 semaphore(%run_scoped3A : memref<!tpu.dma_semaphore, #tpu.memory_space<semaphore_mem>>) src(%dma_wait3A_20 : memref<3136x16xf32, #tpu.memory_space<hbm>>) dst(%dma_wait3A_18 : memref<3136x16xf32, #tpu.memory_space<vmem_shared>>)
        tpu.yield
      }) : () -> ()
      %mul3A_8 = arith.constant 3200 : i32
      %mul3A_9 = arith.muli %arg1, %mul3A_8 : i32
      "tpu.region"() ({
        %run_scoped3A = tpu.sem_alloc : memref<!tpu.dma_semaphore, #tpu.memory_space<semaphore_mem>>
        %dma_start3A = arith.constant 0 : i32
        %dma_start3A_15 = tpu.memref_slice %arg20[%mul3A_9, %dma_start3A] : memref<51200x16xf32, #tpu.memory_space<vmem_shared>> -> memref<3200x16xf32, #tpu.memory_space<vmem_shared>>
        %dma_start3A_16 = arith.constant 0 : i32
        %dma_start3A_17 = tpu.memref_slice %arg2[%mul3A_9, %dma_start3A_16] : memref<51200x16xf32, #tpu.memory_space<hbm>> -> memref<3200x16xf32, #tpu.memory_space<hbm>>
        tpu.enqueue_dma source(%dma_start3A_17 : memref<3200x16xf32, #tpu.memory_space<hbm>>) target(%dma_start3A_15 : memref<3200x16xf32, #tpu.memory_space<vmem_shared>>) target_semaphore(%run_scoped3A : memref<!tpu.dma_semaphore, #tpu.memory_space<semaphore_mem>>)
        %dma_wait3A = arith.constant 0 : i32
        %dma_wait3A_18 = tpu.memref_slice %arg20[%mul3A_9, %dma_wait3A] : memref<51200x16xf32, #tpu.memory_space<vmem_shared>> -> memref<3200x16xf32, #tpu.memory_space<vmem_shared>>
        %dma_wait3A_19 = arith.constant 0 : i32
        %dma_wait3A_20 = tpu.memref_slice %arg2[%mul3A_9, %dma_wait3A_19] : memref<51200x16xf32, #tpu.memory_space<hbm>> -> memref<3200x16xf32, #tpu.memory_space<hbm>>
        tpu.wait_dma2 semaphore(%run_scoped3A : memref<!tpu.dma_semaphore, #tpu.memory_space<semaphore_mem>>) src(%dma_wait3A_20 : memref<3200x16xf32, #tpu.memory_space<hbm>>) dst(%dma_wait3A_18 : memref<3200x16xf32, #tpu.memory_space<vmem_shared>>)
        tpu.yield
      }) : () -> ()
      %barrier3A = arith.constant 0 : index
      tpu.barrier barrier_id(%barrier3A)
      %scan3A = arith.constant 0 : i32
      %scan3A_10 = arith.constant 10 : i32
      %scan3A_11 = arith.addi %scan3A, %scan3A_10 : i32
      %scan3A_12 = arith.constant 1 : i32
      scf.for %scan3A_15 = %scan3A to %scan3A_11 step %scan3A_12  : i32 {
        %mul3A_16 = arith.constant 1 : i32
        %mul3A_17 = arith.muli %scan3A_15, %mul3A_16 : i32
        %add3A = arith.constant 0 : i32
        %add3A_18 = arith.addi %add3A, %mul3A_17 : i32
        %mul3A_19 = arith.constant 400 : i32
        %mul3A_20 = arith.muli %arg1, %mul3A_19 : i32
        %mul3A_21 = arith.constant 40 : i32
        %mul3A_22 = arith.muli %add3A_18, %mul3A_21 : i32
        %add3A_23 = arith.addi %mul3A_20, %mul3A_22 : i32
        %run_scoped3A = arith.constant 0 : i32
        "tpu.region"() ({
          %run_scoped3A_30 = tpu.sem_alloc : memref<!tpu.dma_semaphore, #tpu.memory_space<semaphore_mem>>
          %dma_start3A = arith.constant 0 : i32
          %dma_start3A_31 = tpu.memref_slice %arg4[%run_scoped3A, %add3A_23, %dma_start3A] : memref<2x6400x125xi32, #tpu.memory_space<hbm>> -> memref<1x40x125xi32, #tpu.memory_space<hbm>>
          %dma_start3A_32 = tpu.memref_squeeze %dma_start3A_31 : memref<1x40x125xi32, #tpu.memory_space<hbm>> -> memref<40x125xi32, #tpu.memory_space<hbm>>
          %dma_start3A_33 = arith.constant 0 : i32
          %dma_start3A_34 = tpu.memref_slice %arg4[%run_scoped3A, %add3A_23, %dma_start3A_33] : memref<2x6400x125xi32, #tpu.memory_space<hbm>> -> memref<1x40x125xi32, #tpu.memory_space<hbm>>
          %dma_start3A_35 = tpu.memref_squeeze %dma_start3A_34 : memref<1x40x125xi32, #tpu.memory_space<hbm>> -> memref<40x125xi32, #tpu.memory_space<hbm>>
          tpu.enqueue_dma source(%dma_start3A_35 : memref<40x125xi32, #tpu.memory_space<hbm>>) target(%arg8 : memref<40x125xi32, #tpu.memory_space<vmem>>) target_semaphore(%run_scoped3A_30 : memref<!tpu.dma_semaphore, #tpu.memory_space<semaphore_mem>>)
          %dma_wait3A = arith.constant 0 : i32
          %dma_wait3A_36 = tpu.memref_slice %arg4[%run_scoped3A, %add3A_23, %dma_wait3A] : memref<2x6400x125xi32, #tpu.memory_space<hbm>> -> memref<1x40x125xi32, #tpu.memory_space<hbm>>
          %dma_wait3A_37 = tpu.memref_squeeze %dma_wait3A_36 : memref<1x40x125xi32, #tpu.memory_space<hbm>> -> memref<40x125xi32, #tpu.memory_space<hbm>>
          %dma_wait3A_38 = arith.constant 0 : i32
          %dma_wait3A_39 = tpu.memref_slice %arg4[%run_scoped3A, %add3A_23, %dma_wait3A_38] : memref<2x6400x125xi32, #tpu.memory_space<hbm>> -> memref<1x40x125xi32, #tpu.memory_space<hbm>>
          %dma_wait3A_40 = tpu.memref_squeeze %dma_wait3A_39 : memref<1x40x125xi32, #tpu.memory_space<hbm>> -> memref<40x125xi32, #tpu.memory_space<hbm>>
          tpu.wait_dma2 semaphore(%run_scoped3A_30 : memref<!tpu.dma_semaphore, #tpu.memory_space<semaphore_mem>>) src(%dma_wait3A_40 : memref<40x125xi32, #tpu.memory_space<hbm>>) dst(%arg8 : memref<40x125xi32, #tpu.memory_space<vmem>>)
          tpu.yield
        }) : () -> ()
        %run_scoped3A_24 = arith.constant 1 : i32
        "tpu.region"() ({
          %run_scoped3A_30 = tpu.sem_alloc : memref<!tpu.dma_semaphore, #tpu.memory_space<semaphore_mem>>
          %dma_start3A = arith.constant 0 : i32
          %dma_start3A_31 = tpu.memref_slice %arg4[%run_scoped3A_24, %add3A_23, %dma_start3A] : memref<2x6400x125xi32, #tpu.memory_space<hbm>> -> memref<1x40x125xi32, #tpu.memory_space<hbm>>
          %dma_start3A_32 = tpu.memref_squeeze %dma_start3A_31 : memref<1x40x125xi32, #tpu.memory_space<hbm>> -> memref<40x125xi32, #tpu.memory_space<hbm>>
          %dma_start3A_33 = arith.constant 0 : i32
          %dma_start3A_34 = tpu.memref_slice %arg4[%run_scoped3A_24, %add3A_23, %dma_start3A_33] : memref<2x6400x125xi32, #tpu.memory_space<hbm>> -> memref<1x40x125xi32, #tpu.memory_space<hbm>>
          %dma_start3A_35 = tpu.memref_squeeze %dma_start3A_34 : memref<1x40x125xi32, #tpu.memory_space<hbm>> -> memref<40x125xi32, #tpu.memory_space<hbm>>
          tpu.enqueue_dma source(%dma_start3A_35 : memref<40x125xi32, #tpu.memory_space<hbm>>) target(%arg9 : memref<40x125xi32, #tpu.memory_space<vmem>>) target_semaphore(%run_scoped3A_30 : memref<!tpu.dma_semaphore, #tpu.memory_space<semaphore_mem>>)
          %dma_wait3A = arith.constant 0 : i32
          %dma_wait3A_36 = tpu.memref_slice %arg4[%run_scoped3A_24, %add3A_23, %dma_wait3A] : memref<2x6400x125xi32, #tpu.memory_space<hbm>> -> memref<1x40x125xi32, #tpu.memory_space<hbm>>
          %dma_wait3A_37 = tpu.memref_squeeze %dma_wait3A_36 : memref<1x40x125xi32, #tpu.memory_space<hbm>> -> memref<40x125xi32, #tpu.memory_space<hbm>>
          %dma_wait3A_38 = arith.constant 0 : i32
          %dma_wait3A_39 = tpu.memref_slice %arg4[%run_scoped3A_24, %add3A_23, %dma_wait3A_38] : memref<2x6400x125xi32, #tpu.memory_space<hbm>> -> memref<1x40x125xi32, #tpu.memory_space<hbm>>
          %dma_wait3A_40 = tpu.memref_squeeze %dma_wait3A_39 : memref<1x40x125xi32, #tpu.memory_space<hbm>> -> memref<40x125xi32, #tpu.memory_space<hbm>>
          tpu.wait_dma2 semaphore(%run_scoped3A_30 : memref<!tpu.dma_semaphore, #tpu.memory_space<semaphore_mem>>) src(%dma_wait3A_40 : memref<40x125xi32, #tpu.memory_space<hbm>>) dst(%arg9 : memref<40x125xi32, #tpu.memory_space<vmem>>)
          tpu.yield
        }) : () -> ()
        %scan3A_25 = arith.constant 0 : i32
        %scan3A_26 = arith.constant 5 : i32
        %scan3A_27 = arith.addi %scan3A_25, %scan3A_26 : i32
        %scan3A_28 = arith.constant 1 : i32
        scf.for %scan3A_30 = %scan3A_25 to %scan3A_27 step %scan3A_28  : i32 {
          %mul3A_31 = arith.constant 1 : i32
          %mul3A_32 = arith.muli %scan3A_30, %mul3A_31 : i32
          %add3A_33 = arith.constant 0 : i32
          %add3A_34 = arith.addi %add3A_33, %mul3A_32 : i32
          %mul3A_35 = arith.constant 8 : i32
          %mul3A_36 = arith.muli %add3A_34, %mul3A_35 : i32
          %add3A_37 = arith.constant 0 : i32
          %add3A_38 = arith.addi %mul3A_36, %add3A_37 : i32
          %dma_start3A = arith.constant 0 : i32
          %dma_start3A_39 = arith.constant 0 : i32
          %dma_start3A_40 = tpu.memref_slice %arg8[%add3A_38, %dma_start3A_39] : memref<40x125xi32, #tpu.memory_space<vmem>> -> memref<1x125xi32, #tpu.memory_space<vmem>>
          %dma_start3A_41 = tpu.memref_squeeze %dma_start3A_40 : memref<1x125xi32, #tpu.memory_space<vmem>> -> memref<125xi32, #tpu.memory_space<vmem>>
          %dma_start3A_42 = arith.constant 0 : i32
          %dma_start3A_43 = arith.constant 0 : i32
          %dma_start3A_44 = tpu.memref_slice %arg20[%dma_start3A_42, %dma_start3A_43] : memref<51200x16xf32, #tpu.memory_space<vmem_shared>> -> memref<51200x16xf32, #tpu.memory_space<vmem_shared>>
          %dma_start3A_45 = tpu.memref_slice %arg18[%dma_start3A] : memref<8x!tpu.dma_semaphore, #tpu.memory_space<semaphore_mem>> -> memref<1x!tpu.dma_semaphore, #tpu.memory_space<semaphore_mem>>
          %dma_start3A_46 = tpu.memref_squeeze %dma_start3A_45 : memref<1x!tpu.dma_semaphore, #tpu.memory_space<semaphore_mem>> -> memref<!tpu.dma_semaphore, #tpu.memory_space<semaphore_mem>>
          tpu.enqueue_indirect_dma source(%dma_start3A_44 : memref<51200x16xf32, #tpu.memory_space<vmem_shared>>) target(%arg10 : memref<125x16xf32, #tpu.memory_space<vmem>>) offsets(%dma_start3A_41 : memref<125xi32, #tpu.memory_space<vmem>>) semaphore(%dma_start3A_46 : memref<!tpu.dma_semaphore, #tpu.memory_space<semaphore_mem>>)
          %mul3A_47 = arith.constant 8 : i32
          %mul3A_48 = arith.muli %add3A_34, %mul3A_47 : i32
          %add3A_49 = arith.constant 1 : i32
          %add3A_50 = arith.addi %mul3A_48, %add3A_49 : i32
          %dma_start3A_51 = arith.constant 1 : i32
          %dma_start3A_52 = arith.constant 0 : i32
          %dma_start3A_53 = tpu.memref_slice %arg8[%add3A_50, %dma_start3A_52] : memref<40x125xi32, #tpu.memory_space<vmem>> -> memref<1x125xi32, #tpu.memory_space<vmem>>
          %dma_start3A_54 = tpu.memref_squeeze %dma_start3A_53 : memref<1x125xi32, #tpu.memory_space<vmem>> -> memref<125xi32, #tpu.memory_space<vmem>>
          %dma_start3A_55 = arith.constant 0 : i32
          %dma_start3A_56 = arith.constant 0 : i32
          %dma_start3A_57 = tpu.memref_slice %arg20[%dma_start3A_55, %dma_start3A_56] : memref<51200x16xf32, #tpu.memory_space<vmem_shared>> -> memref<51200x16xf32, #tpu.memory_space<vmem_shared>>
          %dma_start3A_58 = tpu.memref_slice %arg18[%dma_start3A_51] : memref<8x!tpu.dma_semaphore, #tpu.memory_space<semaphore_mem>> -> memref<1x!tpu.dma_semaphore, #tpu.memory_space<semaphore_mem>>
          %dma_start3A_59 = tpu.memref_squeeze %dma_start3A_58 : memref<1x!tpu.dma_semaphore, #tpu.memory_space<semaphore_mem>> -> memref<!tpu.dma_semaphore, #tpu.memory_space<semaphore_mem>>
          tpu.enqueue_indirect_dma source(%dma_start3A_57 : memref<51200x16xf32, #tpu.memory_space<vmem_shared>>) target(%arg11 : memref<125x16xf32, #tpu.memory_space<vmem>>) offsets(%dma_start3A_54 : memref<125xi32, #tpu.memory_space<vmem>>) semaphore(%dma_start3A_59 : memref<!tpu.dma_semaphore, #tpu.memory_space<semaphore_mem>>)
          %mul3A_60 = arith.constant 8 : i32
          %mul3A_61 = arith.muli %add3A_34, %mul3A_60 : i32
          %add3A_62 = arith.constant 2 : i32
          %add3A_63 = arith.addi %mul3A_61, %add3A_62 : i32
          %dma_start3A_64 = arith.constant 2 : i32
          %dma_start3A_65 = arith.constant 0 : i32
          %dma_start3A_66 = tpu.memref_slice %arg8[%add3A_63, %dma_start3A_65] : memref<40x125xi32, #tpu.memory_space<vmem>> -> memref<1x125xi32, #tpu.memory_space<vmem>>
          %dma_start3A_67 = tpu.memref_squeeze %dma_start3A_66 : memref<1x125xi32, #tpu.memory_space<vmem>> -> memref<125xi32, #tpu.memory_space<vmem>>
          %dma_start3A_68 = arith.constant 0 : i32
          %dma_start3A_69 = arith.constant 0 : i32
          %dma_start3A_70 = tpu.memref_slice %arg20[%dma_start3A_68, %dma_start3A_69] : memref<51200x16xf32, #tpu.memory_space<vmem_shared>> -> memref<51200x16xf32, #tpu.memory_space<vmem_shared>>
          %dma_start3A_71 = tpu.memref_slice %arg18[%dma_start3A_64] : memref<8x!tpu.dma_semaphore, #tpu.memory_space<semaphore_mem>> -> memref<1x!tpu.dma_semaphore, #tpu.memory_space<semaphore_mem>>
          %dma_start3A_72 = tpu.memref_squeeze %dma_start3A_71 : memref<1x!tpu.dma_semaphore, #tpu.memory_space<semaphore_mem>> -> memref<!tpu.dma_semaphore, #tpu.memory_space<semaphore_mem>>
          tpu.enqueue_indirect_dma source(%dma_start3A_70 : memref<51200x16xf32, #tpu.memory_space<vmem_shared>>) target(%arg12 : memref<125x16xf32, #tpu.memory_space<vmem>>) offsets(%dma_start3A_67 : memref<125xi32, #tpu.memory_space<vmem>>) semaphore(%dma_start3A_72 : memref<!tpu.dma_semaphore, #tpu.memory_space<semaphore_mem>>)
          %mul3A_73 = arith.constant 8 : i32
          %mul3A_74 = arith.muli %add3A_34, %mul3A_73 : i32
          %add3A_75 = arith.constant 3 : i32
          %add3A_76 = arith.addi %mul3A_74, %add3A_75 : i32
          %dma_start3A_77 = arith.constant 3 : i32
          %dma_start3A_78 = arith.constant 0 : i32
          %dma_start3A_79 = tpu.memref_slice %arg8[%add3A_76, %dma_start3A_78] : memref<40x125xi32, #tpu.memory_space<vmem>> -> memref<1x125xi32, #tpu.memory_space<vmem>>
          %dma_start3A_80 = tpu.memref_squeeze %dma_start3A_79 : memref<1x125xi32, #tpu.memory_space<vmem>> -> memref<125xi32, #tpu.memory_space<vmem>>
          %dma_start3A_81 = arith.constant 0 : i32
          %dma_start3A_82 = arith.constant 0 : i32
          %dma_start3A_83 = tpu.memref_slice %arg20[%dma_start3A_81, %dma_start3A_82] : memref<51200x16xf32, #tpu.memory_space<vmem_shared>> -> memref<51200x16xf32, #tpu.memory_space<vmem_shared>>
          %dma_start3A_84 = tpu.memref_slice %arg18[%dma_start3A_77] : memref<8x!tpu.dma_semaphore, #tpu.memory_space<semaphore_mem>> -> memref<1x!tpu.dma_semaphore, #tpu.memory_space<semaphore_mem>>
          %dma_start3A_85 = tpu.memref_squeeze %dma_start3A_84 : memref<1x!tpu.dma_semaphore, #tpu.memory_space<semaphore_mem>> -> memref<!tpu.dma_semaphore, #tpu.memory_space<semaphore_mem>>
          tpu.enqueue_indirect_dma source(%dma_start3A_83 : memref<51200x16xf32, #tpu.memory_space<vmem_shared>>) target(%arg13 : memref<125x16xf32, #tpu.memory_space<vmem>>) offsets(%dma_start3A_80 : memref<125xi32, #tpu.memory_space<vmem>>) semaphore(%dma_start3A_85 : memref<!tpu.dma_semaphore, #tpu.memory_space<semaphore_mem>>)
          %mul3A_86 = arith.constant 8 : i32
          %mul3A_87 = arith.muli %add3A_34, %mul3A_86 : i32
          %add3A_88 = arith.constant 4 : i32
          %add3A_89 = arith.addi %mul3A_87, %add3A_88 : i32
          %dma_start3A_90 = arith.constant 4 : i32
          %dma_start3A_91 = arith.constant 0 : i32
          %dma_start3A_92 = tpu.memref_slice %arg8[%add3A_89, %dma_start3A_91] : memref<40x125xi32, #tpu.memory_space<vmem>> -> memref<1x125xi32, #tpu.memory_space<vmem>>
          %dma_start3A_93 = tpu.memref_squeeze %dma_start3A_92 : memref<1x125xi32, #tpu.memory_space<vmem>> -> memref<125xi32, #tpu.memory_space<vmem>>
          %dma_start3A_94 = arith.constant 0 : i32
          %dma_start3A_95 = arith.constant 0 : i32
          %dma_start3A_96 = tpu.memref_slice %arg20[%dma_start3A_94, %dma_start3A_95] : memref<51200x16xf32, #tpu.memory_space<vmem_shared>> -> memref<51200x16xf32, #tpu.memory_space<vmem_shared>>
          %dma_start3A_97 = tpu.memref_slice %arg18[%dma_start3A_90] : memref<8x!tpu.dma_semaphore, #tpu.memory_space<semaphore_mem>> -> memref<1x!tpu.dma_semaphore, #tpu.memory_space<semaphore_mem>>
          %dma_start3A_98 = tpu.memref_squeeze %dma_start3A_97 : memref<1x!tpu.dma_semaphore, #tpu.memory_space<semaphore_mem>> -> memref<!tpu.dma_semaphore, #tpu.memory_space<semaphore_mem>>
          tpu.enqueue_indirect_dma source(%dma_start3A_96 : memref<51200x16xf32, #tpu.memory_space<vmem_shared>>) target(%arg14 : memref<125x16xf32, #tpu.memory_space<vmem>>) offsets(%dma_start3A_93 : memref<125xi32, #tpu.memory_space<vmem>>) semaphore(%dma_start3A_98 : memref<!tpu.dma_semaphore, #tpu.memory_space<semaphore_mem>>)
          %mul3A_99 = arith.constant 8 : i32
          %mul3A_100 = arith.muli %add3A_34, %mul3A_99 : i32
          %add3A_101 = arith.constant 5 : i32
          %add3A_102 = arith.addi %mul3A_100, %add3A_101 : i32
          %dma_start3A_103 = arith.constant 5 : i32
          %dma_start3A_104 = arith.constant 0 : i32
          %dma_start3A_105 = tpu.memref_slice %arg8[%add3A_102, %dma_start3A_104] : memref<40x125xi32, #tpu.memory_space<vmem>> -> memref<1x125xi32, #tpu.memory_space<vmem>>
          %dma_start3A_106 = tpu.memref_squeeze %dma_start3A_105 : memref<1x125xi32, #tpu.memory_space<vmem>> -> memref<125xi32, #tpu.memory_space<vmem>>
          %dma_start3A_107 = arith.constant 0 : i32
          %dma_start3A_108 = arith.constant 0 : i32
          %dma_start3A_109 = tpu.memref_slice %arg20[%dma_start3A_107, %dma_start3A_108] : memref<51200x16xf32, #tpu.memory_space<vmem_shared>> -> memref<51200x16xf32, #tpu.memory_space<vmem_shared>>
          %dma_start3A_110 = tpu.memref_slice %arg18[%dma_start3A_103] : memref<8x!tpu.dma_semaphore, #tpu.memory_space<semaphore_mem>> -> memref<1x!tpu.dma_semaphore, #tpu.memory_space<semaphore_mem>>
          %dma_start3A_111 = tpu.memref_squeeze %dma_start3A_110 : memref<1x!tpu.dma_semaphore, #tpu.memory_space<semaphore_mem>> -> memref<!tpu.dma_semaphore, #tpu.memory_space<semaphore_mem>>
          tpu.enqueue_indirect_dma source(%dma_start3A_109 : memref<51200x16xf32, #tpu.memory_space<vmem_shared>>) target(%arg15 : memref<125x16xf32, #tpu.memory_space<vmem>>) offsets(%dma_start3A_106 : memref<125xi32, #tpu.memory_space<vmem>>) semaphore(%dma_start3A_111 : memref<!tpu.dma_semaphore, #tpu.memory_space<semaphore_mem>>)
          %mul3A_112 = arith.constant 8 : i32
          %mul3A_113 = arith.muli %add3A_34, %mul3A_112 : i32
          %add3A_114 = arith.constant 6 : i32
          %add3A_115 = arith.addi %mul3A_113, %add3A_114 : i32
          %dma_start3A_116 = arith.constant 6 : i32
          %dma_start3A_117 = arith.constant 0 : i32
          %dma_start3A_118 = tpu.memref_slice %arg8[%add3A_115, %dma_start3A_117] : memref<40x125xi32, #tpu.memory_space<vmem>> -> memref<1x125xi32, #tpu.memory_space<vmem>>
          %dma_start3A_119 = tpu.memref_squeeze %dma_start3A_118 : memref<1x125xi32, #tpu.memory_space<vmem>> -> memref<125xi32, #tpu.memory_space<vmem>>
          %dma_start3A_120 = arith.constant 0 : i32
          %dma_start3A_121 = arith.constant 0 : i32
          %dma_start3A_122 = tpu.memref_slice %arg20[%dma_start3A_120, %dma_start3A_121] : memref<51200x16xf32, #tpu.memory_space<vmem_shared>> -> memref<51200x16xf32, #tpu.memory_space<vmem_shared>>
          %dma_start3A_123 = tpu.memref_slice %arg18[%dma_start3A_116] : memref<8x!tpu.dma_semaphore, #tpu.memory_space<semaphore_mem>> -> memref<1x!tpu.dma_semaphore, #tpu.memory_space<semaphore_mem>>
          %dma_start3A_124 = tpu.memref_squeeze %dma_start3A_123 : memref<1x!tpu.dma_semaphore, #tpu.memory_space<semaphore_mem>> -> memref<!tpu.dma_semaphore, #tpu.memory_space<semaphore_mem>>
          tpu.enqueue_indirect_dma source(%dma_start3A_122 : memref<51200x16xf32, #tpu.memory_space<vmem_shared>>) target(%arg16 : memref<125x16xf32, #tpu.memory_space<vmem>>) offsets(%dma_start3A_119 : memref<125xi32, #tpu.memory_space<vmem>>) semaphore(%dma_start3A_124 : memref<!tpu.dma_semaphore, #tpu.memory_space<semaphore_mem>>)
          %mul3A_125 = arith.constant 8 : i32
          %mul3A_126 = arith.muli %add3A_34, %mul3A_125 : i32
          %add3A_127 = arith.constant 7 : i32
          %add3A_128 = arith.addi %mul3A_126, %add3A_127 : i32
          %dma_start3A_129 = arith.constant 7 : i32
          %dma_start3A_130 = arith.constant 0 : i32
          %dma_start3A_131 = tpu.memref_slice %arg8[%add3A_128, %dma_start3A_130] : memref<40x125xi32, #tpu.memory_space<vmem>> -> memref<1x125xi32, #tpu.memory_space<vmem>>
          %dma_start3A_132 = tpu.memref_squeeze %dma_start3A_131 : memref<1x125xi32, #tpu.memory_space<vmem>> -> memref<125xi32, #tpu.memory_space<vmem>>
          %dma_start3A_133 = arith.constant 0 : i32
          %dma_start3A_134 = arith.constant 0 : i32
          %dma_start3A_135 = tpu.memref_slice %arg20[%dma_start3A_133, %dma_start3A_134] : memref<51200x16xf32, #tpu.memory_space<vmem_shared>> -> memref<51200x16xf32, #tpu.memory_space<vmem_shared>>
          %dma_start3A_136 = tpu.memref_slice %arg18[%dma_start3A_129] : memref<8x!tpu.dma_semaphore, #tpu.memory_space<semaphore_mem>> -> memref<1x!tpu.dma_semaphore, #tpu.memory_space<semaphore_mem>>
          %dma_start3A_137 = tpu.memref_squeeze %dma_start3A_136 : memref<1x!tpu.dma_semaphore, #tpu.memory_space<semaphore_mem>> -> memref<!tpu.dma_semaphore, #tpu.memory_space<semaphore_mem>>
          tpu.enqueue_indirect_dma source(%dma_start3A_135 : memref<51200x16xf32, #tpu.memory_space<vmem_shared>>) target(%arg17 : memref<125x16xf32, #tpu.memory_space<vmem>>) offsets(%dma_start3A_132 : memref<125xi32, #tpu.memory_space<vmem>>) semaphore(%dma_start3A_137 : memref<!tpu.dma_semaphore, #tpu.memory_space<semaphore_mem>>)
          %dma_wait3A = arith.constant 0 : i32
          %dma_wait3A_138 = arith.constant 0 : i32
          %dma_wait3A_139 = tpu.memref_slice %arg8[%add3A_38, %dma_wait3A_138] : memref<40x125xi32, #tpu.memory_space<vmem>> -> memref<1x125xi32, #tpu.memory_space<vmem>>
          %dma_wait3A_140 = tpu.memref_squeeze %dma_wait3A_139 : memref<1x125xi32, #tpu.memory_space<vmem>> -> memref<125xi32, #tpu.memory_space<vmem>>
          %dma_wait3A_141 = arith.constant 0 : i32
          %dma_wait3A_142 = arith.constant 0 : i32
          %dma_wait3A_143 = tpu.memref_slice %arg20[%dma_wait3A_141, %dma_wait3A_142] : memref<51200x16xf32, #tpu.memory_space<vmem_shared>> -> memref<51200x16xf32, #tpu.memory_space<vmem_shared>>
          %dma_wait3A_144 = tpu.memref_slice %arg18[%dma_wait3A] : memref<8x!tpu.dma_semaphore, #tpu.memory_space<semaphore_mem>> -> memref<1x!tpu.dma_semaphore, #tpu.memory_space<semaphore_mem>>
          %dma_wait3A_145 = tpu.memref_squeeze %dma_wait3A_144 : memref<1x!tpu.dma_semaphore, #tpu.memory_space<semaphore_mem>> -> memref<!tpu.dma_semaphore, #tpu.memory_space<semaphore_mem>>
          tpu.wait_indirect_dma semaphore(%dma_wait3A_145 : memref<!tpu.dma_semaphore, #tpu.memory_space<semaphore_mem>>) src(%dma_wait3A_143 : memref<51200x16xf32, #tpu.memory_space<vmem_shared>>) dst(%arg10 : memref<125x16xf32, #tpu.memory_space<vmem>>)
          %mul3A_146 = arith.constant 8 : i32
          %mul3A_147 = arith.muli %add3A_34, %mul3A_146 : i32
          %add3A_148 = arith.constant 0 : i32
          %add3A_149 = arith.addi %mul3A_147, %add3A_148 : i32
          %dma_start3A_150 = arith.constant 0 : i32
          %dma_start3A_151 = arith.constant 0 : i32
          %dma_start3A_152 = tpu.memref_slice %arg9[%add3A_149, %dma_start3A_151] : memref<40x125xi32, #tpu.memory_space<vmem>> -> memref<1x125xi32, #tpu.memory_space<vmem>>
          %dma_start3A_153 = tpu.memref_squeeze %dma_start3A_152 : memref<1x125xi32, #tpu.memory_space<vmem>> -> memref<125xi32, #tpu.memory_space<vmem>>
          %dma_start3A_154 = arith.constant 0 : i32
          %dma_start3A_155 = arith.constant 0 : i32
          %dma_start3A_156 = tpu.memref_slice %arg7[%dma_start3A_154, %dma_start3A_155] : memref<50176x16xf32, #tpu.memory_space<vmem_shared>> -> memref<50176x16xf32, #tpu.memory_space<vmem_shared>>
          %dma_start3A_157 = tpu.memref_slice %arg19[%dma_start3A_150] : memref<8x!tpu.dma_semaphore, #tpu.memory_space<semaphore_mem>> -> memref<1x!tpu.dma_semaphore, #tpu.memory_space<semaphore_mem>>
          %dma_start3A_158 = tpu.memref_squeeze %dma_start3A_157 : memref<1x!tpu.dma_semaphore, #tpu.memory_space<semaphore_mem>> -> memref<!tpu.dma_semaphore, #tpu.memory_space<semaphore_mem>>
          tpu.enqueue_indirect_dma source(%arg10 : memref<125x16xf32, #tpu.memory_space<vmem>>) target(%dma_start3A_156 : memref<50176x16xf32, #tpu.memory_space<vmem_shared>>) offsets(%dma_start3A_153 : memref<125xi32, #tpu.memory_space<vmem>>) semaphore(%dma_start3A_158 : memref<!tpu.dma_semaphore, #tpu.memory_space<semaphore_mem>>) {add = true}
          %dma_wait3A_159 = arith.constant 1 : i32
          %dma_wait3A_160 = arith.constant 0 : i32
          %dma_wait3A_161 = tpu.memref_slice %arg8[%add3A_50, %dma_wait3A_160] : memref<40x125xi32, #tpu.memory_space<vmem>> -> memref<1x125xi32, #tpu.memory_space<vmem>>
          %dma_wait3A_162 = tpu.memref_squeeze %dma_wait3A_161 : memref<1x125xi32, #tpu.memory_space<vmem>> -> memref<125xi32, #tpu.memory_space<vmem>>
          %dma_wait3A_163 = arith.constant 0 : i32
          %dma_wait3A_164 = arith.constant 0 : i32
          %dma_wait3A_165 = tpu.memref_slice %arg20[%dma_wait3A_163, %dma_wait3A_164] : memref<51200x16xf32, #tpu.memory_space<vmem_shared>> -> memref<51200x16xf32, #tpu.memory_space<vmem_shared>>
          %dma_wait3A_166 = tpu.memref_slice %arg18[%dma_wait3A_159] : memref<8x!tpu.dma_semaphore, #tpu.memory_space<semaphore_mem>> -> memref<1x!tpu.dma_semaphore, #tpu.memory_space<semaphore_mem>>
          %dma_wait3A_167 = tpu.memref_squeeze %dma_wait3A_166 : memref<1x!tpu.dma_semaphore, #tpu.memory_space<semaphore_mem>> -> memref<!tpu.dma_semaphore, #tpu.memory_space<semaphore_mem>>
          tpu.wait_indirect_dma semaphore(%dma_wait3A_167 : memref<!tpu.dma_semaphore, #tpu.memory_space<semaphore_mem>>) src(%dma_wait3A_165 : memref<51200x16xf32, #tpu.memory_space<vmem_shared>>) dst(%arg11 : memref<125x16xf32, #tpu.memory_space<vmem>>)
          %mul3A_168 = arith.constant 8 : i32
          %mul3A_169 = arith.muli %add3A_34, %mul3A_168 : i32
          %add3A_170 = arith.constant 1 : i32
          %add3A_171 = arith.addi %mul3A_169, %add3A_170 : i32
          %dma_start3A_172 = arith.constant 1 : i32
          %dma_start3A_173 = arith.constant 0 : i32
          %dma_start3A_174 = tpu.memref_slice %arg9[%add3A_171, %dma_start3A_173] : memref<40x125xi32, #tpu.memory_space<vmem>> -> memref<1x125xi32, #tpu.memory_space<vmem>>
          %dma_start3A_175 = tpu.memref_squeeze %dma_start3A_174 : memref<1x125xi32, #tpu.memory_space<vmem>> -> memref<125xi32, #tpu.memory_space<vmem>>
          %dma_start3A_176 = arith.constant 0 : i32
          %dma_start3A_177 = arith.constant 0 : i32
          %dma_start3A_178 = tpu.memref_slice %arg7[%dma_start3A_176, %dma_start3A_177] : memref<50176x16xf32, #tpu.memory_space<vmem_shared>> -> memref<50176x16xf32, #tpu.memory_space<vmem_shared>>
          %dma_start3A_179 = tpu.memref_slice %arg19[%dma_start3A_172] : memref<8x!tpu.dma_semaphore, #tpu.memory_space<semaphore_mem>> -> memref<1x!tpu.dma_semaphore, #tpu.memory_space<semaphore_mem>>
          %dma_start3A_180 = tpu.memref_squeeze %dma_start3A_179 : memref<1x!tpu.dma_semaphore, #tpu.memory_space<semaphore_mem>> -> memref<!tpu.dma_semaphore, #tpu.memory_space<semaphore_mem>>
          tpu.enqueue_indirect_dma source(%arg11 : memref<125x16xf32, #tpu.memory_space<vmem>>) target(%dma_start3A_178 : memref<50176x16xf32, #tpu.memory_space<vmem_shared>>) offsets(%dma_start3A_175 : memref<125xi32, #tpu.memory_space<vmem>>) semaphore(%dma_start3A_180 : memref<!tpu.dma_semaphore, #tpu.memory_space<semaphore_mem>>) {add = true}
          %dma_wait3A_181 = arith.constant 2 : i32
          %dma_wait3A_182 = arith.constant 0 : i32
          %dma_wait3A_183 = tpu.memref_slice %arg8[%add3A_63, %dma_wait3A_182] : memref<40x125xi32, #tpu.memory_space<vmem>> -> memref<1x125xi32, #tpu.memory_space<vmem>>
          %dma_wait3A_184 = tpu.memref_squeeze %dma_wait3A_183 : memref<1x125xi32, #tpu.memory_space<vmem>> -> memref<125xi32, #tpu.memory_space<vmem>>
          %dma_wait3A_185 = arith.constant 0 : i32
          %dma_wait3A_186 = arith.constant 0 : i32
          %dma_wait3A_187 = tpu.memref_slice %arg20[%dma_wait3A_185, %dma_wait3A_186] : memref<51200x16xf32, #tpu.memory_space<vmem_shared>> -> memref<51200x16xf32, #tpu.memory_space<vmem_shared>>
          %dma_wait3A_188 = tpu.memref_slice %arg18[%dma_wait3A_181] : memref<8x!tpu.dma_semaphore, #tpu.memory_space<semaphore_mem>> -> memref<1x!tpu.dma_semaphore, #tpu.memory_space<semaphore_mem>>
          %dma_wait3A_189 = tpu.memref_squeeze %dma_wait3A_188 : memref<1x!tpu.dma_semaphore, #tpu.memory_space<semaphore_mem>> -> memref<!tpu.dma_semaphore, #tpu.memory_space<semaphore_mem>>
          tpu.wait_indirect_dma semaphore(%dma_wait3A_189 : memref<!tpu.dma_semaphore, #tpu.memory_space<semaphore_mem>>) src(%dma_wait3A_187 : memref<51200x16xf32, #tpu.memory_space<vmem_shared>>) dst(%arg12 : memref<125x16xf32, #tpu.memory_space<vmem>>)
          %mul3A_190 = arith.constant 8 : i32
          %mul3A_191 = arith.muli %add3A_34, %mul3A_190 : i32
          %add3A_192 = arith.constant 2 : i32
          %add3A_193 = arith.addi %mul3A_191, %add3A_192 : i32
          %dma_start3A_194 = arith.constant 2 : i32
          %dma_start3A_195 = arith.constant 0 : i32
          %dma_start3A_196 = tpu.memref_slice %arg9[%add3A_193, %dma_start3A_195] : memref<40x125xi32, #tpu.memory_space<vmem>> -> memref<1x125xi32, #tpu.memory_space<vmem>>
          %dma_start3A_197 = tpu.memref_squeeze %dma_start3A_196 : memref<1x125xi32, #tpu.memory_space<vmem>> -> memref<125xi32, #tpu.memory_space<vmem>>
          %dma_start3A_198 = arith.constant 0 : i32
          %dma_start3A_199 = arith.constant 0 : i32
          %dma_start3A_200 = tpu.memref_slice %arg7[%dma_start3A_198, %dma_start3A_199] : memref<50176x16xf32, #tpu.memory_space<vmem_shared>> -> memref<50176x16xf32, #tpu.memory_space<vmem_shared>>
          %dma_start3A_201 = tpu.memref_slice %arg19[%dma_start3A_194] : memref<8x!tpu.dma_semaphore, #tpu.memory_space<semaphore_mem>> -> memref<1x!tpu.dma_semaphore, #tpu.memory_space<semaphore_mem>>
          %dma_start3A_202 = tpu.memref_squeeze %dma_start3A_201 : memref<1x!tpu.dma_semaphore, #tpu.memory_space<semaphore_mem>> -> memref<!tpu.dma_semaphore, #tpu.memory_space<semaphore_mem>>
          tpu.enqueue_indirect_dma source(%arg12 : memref<125x16xf32, #tpu.memory_space<vmem>>) target(%dma_start3A_200 : memref<50176x16xf32, #tpu.memory_space<vmem_shared>>) offsets(%dma_start3A_197 : memref<125xi32, #tpu.memory_space<vmem>>) semaphore(%dma_start3A_202 : memref<!tpu.dma_semaphore, #tpu.memory_space<semaphore_mem>>) {add = true}
          %dma_wait3A_203 = arith.constant 3 : i32
          %dma_wait3A_204 = arith.constant 0 : i32
          %dma_wait3A_205 = tpu.memref_slice %arg8[%add3A_76, %dma_wait3A_204] : memref<40x125xi32, #tpu.memory_space<vmem>> -> memref<1x125xi32, #tpu.memory_space<vmem>>
          %dma_wait3A_206 = tpu.memref_squeeze %dma_wait3A_205 : memref<1x125xi32, #tpu.memory_space<vmem>> -> memref<125xi32, #tpu.memory_space<vmem>>
          %dma_wait3A_207 = arith.constant 0 : i32
          %dma_wait3A_208 = arith.constant 0 : i32
          %dma_wait3A_209 = tpu.memref_slice %arg20[%dma_wait3A_207, %dma_wait3A_208] : memref<51200x16xf32, #tpu.memory_space<vmem_shared>> -> memref<51200x16xf32, #tpu.memory_space<vmem_shared>>
          %dma_wait3A_210 = tpu.memref_slice %arg18[%dma_wait3A_203] : memref<8x!tpu.dma_semaphore, #tpu.memory_space<semaphore_mem>> -> memref<1x!tpu.dma_semaphore, #tpu.memory_space<semaphore_mem>>
          %dma_wait3A_211 = tpu.memref_squeeze %dma_wait3A_210 : memref<1x!tpu.dma_semaphore, #tpu.memory_space<semaphore_mem>> -> memref<!tpu.dma_semaphore, #tpu.memory_space<semaphore_mem>>
          tpu.wait_indirect_dma semaphore(%dma_wait3A_211 : memref<!tpu.dma_semaphore, #tpu.memory_space<semaphore_mem>>) src(%dma_wait3A_209 : memref<51200x16xf32, #tpu.memory_space<vmem_shared>>) dst(%arg13 : memref<125x16xf32, #tpu.memory_space<vmem>>)
          %mul3A_212 = arith.constant 8 : i32
          %mul3A_213 = arith.muli %add3A_34, %mul3A_212 : i32
          %add3A_214 = arith.constant 3 : i32
          %add3A_215 = arith.addi %mul3A_213, %add3A_214 : i32
          %dma_start3A_216 = arith.constant 3 : i32
          %dma_start3A_217 = arith.constant 0 : i32
          %dma_start3A_218 = tpu.memref_slice %arg9[%add3A_215, %dma_start3A_217] : memref<40x125xi32, #tpu.memory_space<vmem>> -> memref<1x125xi32, #tpu.memory_space<vmem>>
          %dma_start3A_219 = tpu.memref_squeeze %dma_start3A_218 : memref<1x125xi32, #tpu.memory_space<vmem>> -> memref<125xi32, #tpu.memory_space<vmem>>
          %dma_start3A_220 = arith.constant 0 : i32
          %dma_start3A_221 = arith.constant 0 : i32
          %dma_start3A_222 = tpu.memref_slice %arg7[%dma_start3A_220, %dma_start3A_221] : memref<50176x16xf32, #tpu.memory_space<vmem_shared>> -> memref<50176x16xf32, #tpu.memory_space<vmem_shared>>
          %dma_start3A_223 = tpu.memref_slice %arg19[%dma_start3A_216] : memref<8x!tpu.dma_semaphore, #tpu.memory_space<semaphore_mem>> -> memref<1x!tpu.dma_semaphore, #tpu.memory_space<semaphore_mem>>
          %dma_start3A_224 = tpu.memref_squeeze %dma_start3A_223 : memref<1x!tpu.dma_semaphore, #tpu.memory_space<semaphore_mem>> -> memref<!tpu.dma_semaphore, #tpu.memory_space<semaphore_mem>>
          tpu.enqueue_indirect_dma source(%arg13 : memref<125x16xf32, #tpu.memory_space<vmem>>) target(%dma_start3A_222 : memref<50176x16xf32, #tpu.memory_space<vmem_shared>>) offsets(%dma_start3A_219 : memref<125xi32, #tpu.memory_space<vmem>>) semaphore(%dma_start3A_224 : memref<!tpu.dma_semaphore, #tpu.memory_space<semaphore_mem>>) {add = true}
          %dma_wait3A_225 = arith.constant 4 : i32
          %dma_wait3A_226 = arith.constant 0 : i32
          %dma_wait3A_227 = tpu.memref_slice %arg8[%add3A_89, %dma_wait3A_226] : memref<40x125xi32, #tpu.memory_space<vmem>> -> memref<1x125xi32, #tpu.memory_space<vmem>>
          %dma_wait3A_228 = tpu.memref_squeeze %dma_wait3A_227 : memref<1x125xi32, #tpu.memory_space<vmem>> -> memref<125xi32, #tpu.memory_space<vmem>>
          %dma_wait3A_229 = arith.constant 0 : i32
          %dma_wait3A_230 = arith.constant 0 : i32
          %dma_wait3A_231 = tpu.memref_slice %arg20[%dma_wait3A_229, %dma_wait3A_230] : memref<51200x16xf32, #tpu.memory_space<vmem_shared>> -> memref<51200x16xf32, #tpu.memory_space<vmem_shared>>
          %dma_wait3A_232 = tpu.memref_slice %arg18[%dma_wait3A_225] : memref<8x!tpu.dma_semaphore, #tpu.memory_space<semaphore_mem>> -> memref<1x!tpu.dma_semaphore, #tpu.memory_space<semaphore_mem>>
          %dma_wait3A_233 = tpu.memref_squeeze %dma_wait3A_232 : memref<1x!tpu.dma_semaphore, #tpu.memory_space<semaphore_mem>> -> memref<!tpu.dma_semaphore, #tpu.memory_space<semaphore_mem>>
          tpu.wait_indirect_dma semaphore(%dma_wait3A_233 : memref<!tpu.dma_semaphore, #tpu.memory_space<semaphore_mem>>) src(%dma_wait3A_231 : memref<51200x16xf32, #tpu.memory_space<vmem_shared>>) dst(%arg14 : memref<125x16xf32, #tpu.memory_space<vmem>>)
          %mul3A_234 = arith.constant 8 : i32
          %mul3A_235 = arith.muli %add3A_34, %mul3A_234 : i32
          %add3A_236 = arith.constant 4 : i32
          %add3A_237 = arith.addi %mul3A_235, %add3A_236 : i32
          %dma_start3A_238 = arith.constant 4 : i32
          %dma_start3A_239 = arith.constant 0 : i32
          %dma_start3A_240 = tpu.memref_slice %arg9[%add3A_237, %dma_start3A_239] : memref<40x125xi32, #tpu.memory_space<vmem>> -> memref<1x125xi32, #tpu.memory_space<vmem>>
          %dma_start3A_241 = tpu.memref_squeeze %dma_start3A_240 : memref<1x125xi32, #tpu.memory_space<vmem>> -> memref<125xi32, #tpu.memory_space<vmem>>
          %dma_start3A_242 = arith.constant 0 : i32
          %dma_start3A_243 = arith.constant 0 : i32
          %dma_start3A_244 = tpu.memref_slice %arg7[%dma_start3A_242, %dma_start3A_243] : memref<50176x16xf32, #tpu.memory_space<vmem_shared>> -> memref<50176x16xf32, #tpu.memory_space<vmem_shared>>
          %dma_start3A_245 = tpu.memref_slice %arg19[%dma_start3A_238] : memref<8x!tpu.dma_semaphore, #tpu.memory_space<semaphore_mem>> -> memref<1x!tpu.dma_semaphore, #tpu.memory_space<semaphore_mem>>
          %dma_start3A_246 = tpu.memref_squeeze %dma_start3A_245 : memref<1x!tpu.dma_semaphore, #tpu.memory_space<semaphore_mem>> -> memref<!tpu.dma_semaphore, #tpu.memory_space<semaphore_mem>>
          tpu.enqueue_indirect_dma source(%arg14 : memref<125x16xf32, #tpu.memory_space<vmem>>) target(%dma_start3A_244 : memref<50176x16xf32, #tpu.memory_space<vmem_shared>>) offsets(%dma_start3A_241 : memref<125xi32, #tpu.memory_space<vmem>>) semaphore(%dma_start3A_246 : memref<!tpu.dma_semaphore, #tpu.memory_space<semaphore_mem>>) {add = true}
          %dma_wait3A_247 = arith.constant 5 : i32
          %dma_wait3A_248 = arith.constant 0 : i32
          %dma_wait3A_249 = tpu.memref_slice %arg8[%add3A_102, %dma_wait3A_248] : memref<40x125xi32, #tpu.memory_space<vmem>> -> memref<1x125xi32, #tpu.memory_space<vmem>>
          %dma_wait3A_250 = tpu.memref_squeeze %dma_wait3A_249 : memref<1x125xi32, #tpu.memory_space<vmem>> -> memref<125xi32, #tpu.memory_space<vmem>>
          %dma_wait3A_251 = arith.constant 0 : i32
          %dma_wait3A_252 = arith.constant 0 : i32
          %dma_wait3A_253 = tpu.memref_slice %arg20[%dma_wait3A_251, %dma_wait3A_252] : memref<51200x16xf32, #tpu.memory_space<vmem_shared>> -> memref<51200x16xf32, #tpu.memory_space<vmem_shared>>
          %dma_wait3A_254 = tpu.memref_slice %arg18[%dma_wait3A_247] : memref<8x!tpu.dma_semaphore, #tpu.memory_space<semaphore_mem>> -> memref<1x!tpu.dma_semaphore, #tpu.memory_space<semaphore_mem>>
          %dma_wait3A_255 = tpu.memref_squeeze %dma_wait3A_254 : memref<1x!tpu.dma_semaphore, #tpu.memory_space<semaphore_mem>> -> memref<!tpu.dma_semaphore, #tpu.memory_space<semaphore_mem>>
          tpu.wait_indirect_dma semaphore(%dma_wait3A_255 : memref<!tpu.dma_semaphore, #tpu.memory_space<semaphore_mem>>) src(%dma_wait3A_253 : memref<51200x16xf32, #tpu.memory_space<vmem_shared>>) dst(%arg15 : memref<125x16xf32, #tpu.memory_space<vmem>>)
          %mul3A_256 = arith.constant 8 : i32
          %mul3A_257 = arith.muli %add3A_34, %mul3A_256 : i32
          %add3A_258 = arith.constant 5 : i32
          %add3A_259 = arith.addi %mul3A_257, %add3A_258 : i32
          %dma_start3A_260 = arith.constant 5 : i32
          %dma_start3A_261 = arith.constant 0 : i32
          %dma_start3A_262 = tpu.memref_slice %arg9[%add3A_259, %dma_start3A_261] : memref<40x125xi32, #tpu.memory_space<vmem>> -> memref<1x125xi32, #tpu.memory_space<vmem>>
          %dma_start3A_263 = tpu.memref_squeeze %dma_start3A_262 : memref<1x125xi32, #tpu.memory_space<vmem>> -> memref<125xi32, #tpu.memory_space<vmem>>
          %dma_start3A_264 = arith.constant 0 : i32
          %dma_start3A_265 = arith.constant 0 : i32
          %dma_start3A_266 = tpu.memref_slice %arg7[%dma_start3A_264, %dma_start3A_265] : memref<50176x16xf32, #tpu.memory_space<vmem_shared>> -> memref<50176x16xf32, #tpu.memory_space<vmem_shared>>
          %dma_start3A_267 = tpu.memref_slice %arg19[%dma_start3A_260] : memref<8x!tpu.dma_semaphore, #tpu.memory_space<semaphore_mem>> -> memref<1x!tpu.dma_semaphore, #tpu.memory_space<semaphore_mem>>
          %dma_start3A_268 = tpu.memref_squeeze %dma_start3A_267 : memref<1x!tpu.dma_semaphore, #tpu.memory_space<semaphore_mem>> -> memref<!tpu.dma_semaphore, #tpu.memory_space<semaphore_mem>>
          tpu.enqueue_indirect_dma source(%arg15 : memref<125x16xf32, #tpu.memory_space<vmem>>) target(%dma_start3A_266 : memref<50176x16xf32, #tpu.memory_space<vmem_shared>>) offsets(%dma_start3A_263 : memref<125xi32, #tpu.memory_space<vmem>>) semaphore(%dma_start3A_268 : memref<!tpu.dma_semaphore, #tpu.memory_space<semaphore_mem>>) {add = true}
          %dma_wait3A_269 = arith.constant 6 : i32
          %dma_wait3A_270 = arith.constant 0 : i32
          %dma_wait3A_271 = tpu.memref_slice %arg8[%add3A_115, %dma_wait3A_270] : memref<40x125xi32, #tpu.memory_space<vmem>> -> memref<1x125xi32, #tpu.memory_space<vmem>>
          %dma_wait3A_272 = tpu.memref_squeeze %dma_wait3A_271 : memref<1x125xi32, #tpu.memory_space<vmem>> -> memref<125xi32, #tpu.memory_space<vmem>>
          %dma_wait3A_273 = arith.constant 0 : i32
          %dma_wait3A_274 = arith.constant 0 : i32
          %dma_wait3A_275 = tpu.memref_slice %arg20[%dma_wait3A_273, %dma_wait3A_274] : memref<51200x16xf32, #tpu.memory_space<vmem_shared>> -> memref<51200x16xf32, #tpu.memory_space<vmem_shared>>
          %dma_wait3A_276 = tpu.memref_slice %arg18[%dma_wait3A_269] : memref<8x!tpu.dma_semaphore, #tpu.memory_space<semaphore_mem>> -> memref<1x!tpu.dma_semaphore, #tpu.memory_space<semaphore_mem>>
          %dma_wait3A_277 = tpu.memref_squeeze %dma_wait3A_276 : memref<1x!tpu.dma_semaphore, #tpu.memory_space<semaphore_mem>> -> memref<!tpu.dma_semaphore, #tpu.memory_space<semaphore_mem>>
          tpu.wait_indirect_dma semaphore(%dma_wait3A_277 : memref<!tpu.dma_semaphore, #tpu.memory_space<semaphore_mem>>) src(%dma_wait3A_275 : memref<51200x16xf32, #tpu.memory_space<vmem_shared>>) dst(%arg16 : memref<125x16xf32, #tpu.memory_space<vmem>>)
          %mul3A_278 = arith.constant 8 : i32
          %mul3A_279 = arith.muli %add3A_34, %mul3A_278 : i32
          %add3A_280 = arith.constant 6 : i32
          %add3A_281 = arith.addi %mul3A_279, %add3A_280 : i32
          %dma_start3A_282 = arith.constant 6 : i32
          %dma_start3A_283 = arith.constant 0 : i32
          %dma_start3A_284 = tpu.memref_slice %arg9[%add3A_281, %dma_start3A_283] : memref<40x125xi32, #tpu.memory_space<vmem>> -> memref<1x125xi32, #tpu.memory_space<vmem>>
          %dma_start3A_285 = tpu.memref_squeeze %dma_start3A_284 : memref<1x125xi32, #tpu.memory_space<vmem>> -> memref<125xi32, #tpu.memory_space<vmem>>
          %dma_start3A_286 = arith.constant 0 : i32
          %dma_start3A_287 = arith.constant 0 : i32
          %dma_start3A_288 = tpu.memref_slice %arg7[%dma_start3A_286, %dma_start3A_287] : memref<50176x16xf32, #tpu.memory_space<vmem_shared>> -> memref<50176x16xf32, #tpu.memory_space<vmem_shared>>
          %dma_start3A_289 = tpu.memref_slice %arg19[%dma_start3A_282] : memref<8x!tpu.dma_semaphore, #tpu.memory_space<semaphore_mem>> -> memref<1x!tpu.dma_semaphore, #tpu.memory_space<semaphore_mem>>
          %dma_start3A_290 = tpu.memref_squeeze %dma_start3A_289 : memref<1x!tpu.dma_semaphore, #tpu.memory_space<semaphore_mem>> -> memref<!tpu.dma_semaphore, #tpu.memory_space<semaphore_mem>>
          tpu.enqueue_indirect_dma source(%arg16 : memref<125x16xf32, #tpu.memory_space<vmem>>) target(%dma_start3A_288 : memref<50176x16xf32, #tpu.memory_space<vmem_shared>>) offsets(%dma_start3A_285 : memref<125xi32, #tpu.memory_space<vmem>>) semaphore(%dma_start3A_290 : memref<!tpu.dma_semaphore, #tpu.memory_space<semaphore_mem>>) {add = true}
          %dma_wait3A_291 = arith.constant 7 : i32
          %dma_wait3A_292 = arith.constant 0 : i32
          %dma_wait3A_293 = tpu.memref_slice %arg8[%add3A_128, %dma_wait3A_292] : memref<40x125xi32, #tpu.memory_space<vmem>> -> memref<1x125xi32, #tpu.memory_space<vmem>>
          %dma_wait3A_294 = tpu.memref_squeeze %dma_wait3A_293 : memref<1x125xi32, #tpu.memory_space<vmem>> -> memref<125xi32, #tpu.memory_space<vmem>>
          %dma_wait3A_295 = arith.constant 0 : i32
          %dma_wait3A_296 = arith.constant 0 : i32
          %dma_wait3A_297 = tpu.memref_slice %arg20[%dma_wait3A_295, %dma_wait3A_296] : memref<51200x16xf32, #tpu.memory_space<vmem_shared>> -> memref<51200x16xf32, #tpu.memory_space<vmem_shared>>
          %dma_wait3A_298 = tpu.memref_slice %arg18[%dma_wait3A_291] : memref<8x!tpu.dma_semaphore, #tpu.memory_space<semaphore_mem>> -> memref<1x!tpu.dma_semaphore, #tpu.memory_space<semaphore_mem>>
          %dma_wait3A_299 = tpu.memref_squeeze %dma_wait3A_298 : memref<1x!tpu.dma_semaphore, #tpu.memory_space<semaphore_mem>> -> memref<!tpu.dma_semaphore, #tpu.memory_space<semaphore_mem>>
          tpu.wait_indirect_dma semaphore(%dma_wait3A_299 : memref<!tpu.dma_semaphore, #tpu.memory_space<semaphore_mem>>) src(%dma_wait3A_297 : memref<51200x16xf32, #tpu.memory_space<vmem_shared>>) dst(%arg17 : memref<125x16xf32, #tpu.memory_space<vmem>>)
          %mul3A_300 = arith.constant 8 : i32
          %mul3A_301 = arith.muli %add3A_34, %mul3A_300 : i32
          %add3A_302 = arith.constant 7 : i32
          %add3A_303 = arith.addi %mul3A_301, %add3A_302 : i32
          %dma_start3A_304 = arith.constant 7 : i32
          %dma_start3A_305 = arith.constant 0 : i32
          %dma_start3A_306 = tpu.memref_slice %arg9[%add3A_303, %dma_start3A_305] : memref<40x125xi32, #tpu.memory_space<vmem>> -> memref<1x125xi32, #tpu.memory_space<vmem>>
          %dma_start3A_307 = tpu.memref_squeeze %dma_start3A_306 : memref<1x125xi32, #tpu.memory_space<vmem>> -> memref<125xi32, #tpu.memory_space<vmem>>
          %dma_start3A_308 = arith.constant 0 : i32
          %dma_start3A_309 = arith.constant 0 : i32
          %dma_start3A_310 = tpu.memref_slice %arg7[%dma_start3A_308, %dma_start3A_309] : memref<50176x16xf32, #tpu.memory_space<vmem_shared>> -> memref<50176x16xf32, #tpu.memory_space<vmem_shared>>
          %dma_start3A_311 = tpu.memref_slice %arg19[%dma_start3A_304] : memref<8x!tpu.dma_semaphore, #tpu.memory_space<semaphore_mem>> -> memref<1x!tpu.dma_semaphore, #tpu.memory_space<semaphore_mem>>
          %dma_start3A_312 = tpu.memref_squeeze %dma_start3A_311 : memref<1x!tpu.dma_semaphore, #tpu.memory_space<semaphore_mem>> -> memref<!tpu.dma_semaphore, #tpu.memory_space<semaphore_mem>>
          tpu.enqueue_indirect_dma source(%arg17 : memref<125x16xf32, #tpu.memory_space<vmem>>) target(%dma_start3A_310 : memref<50176x16xf32, #tpu.memory_space<vmem_shared>>) offsets(%dma_start3A_307 : memref<125xi32, #tpu.memory_space<vmem>>) semaphore(%dma_start3A_312 : memref<!tpu.dma_semaphore, #tpu.memory_space<semaphore_mem>>) {add = true}
          %dma_wait3A_313 = arith.constant 0 : i32
          %dma_wait3A_314 = arith.constant 0 : i32
          %dma_wait3A_315 = tpu.memref_slice %arg9[%add3A_149, %dma_wait3A_314] : memref<40x125xi32, #tpu.memory_space<vmem>> -> memref<1x125xi32, #tpu.memory_space<vmem>>
          %dma_wait3A_316 = tpu.memref_squeeze %dma_wait3A_315 : memref<1x125xi32, #tpu.memory_space<vmem>> -> memref<125xi32, #tpu.memory_space<vmem>>
          %dma_wait3A_317 = arith.constant 0 : i32
          %dma_wait3A_318 = arith.constant 0 : i32
          %dma_wait3A_319 = tpu.memref_slice %arg7[%dma_wait3A_317, %dma_wait3A_318] : memref<50176x16xf32, #tpu.memory_space<vmem_shared>> -> memref<50176x16xf32, #tpu.memory_space<vmem_shared>>
          %dma_wait3A_320 = tpu.memref_slice %arg19[%dma_wait3A_313] : memref<8x!tpu.dma_semaphore, #tpu.memory_space<semaphore_mem>> -> memref<1x!tpu.dma_semaphore, #tpu.memory_space<semaphore_mem>>
          %dma_wait3A_321 = tpu.memref_squeeze %dma_wait3A_320 : memref<1x!tpu.dma_semaphore, #tpu.memory_space<semaphore_mem>> -> memref<!tpu.dma_semaphore, #tpu.memory_space<semaphore_mem>>
          tpu.wait_indirect_dma semaphore(%dma_wait3A_321 : memref<!tpu.dma_semaphore, #tpu.memory_space<semaphore_mem>>) src(%arg10 : memref<125x16xf32, #tpu.memory_space<vmem>>) dst(%dma_wait3A_319 : memref<50176x16xf32, #tpu.memory_space<vmem_shared>>)
          %dma_wait3A_322 = arith.constant 1 : i32
          %dma_wait3A_323 = arith.constant 0 : i32
          %dma_wait3A_324 = tpu.memref_slice %arg9[%add3A_171, %dma_wait3A_323] : memref<40x125xi32, #tpu.memory_space<vmem>> -> memref<1x125xi32, #tpu.memory_space<vmem>>
          %dma_wait3A_325 = tpu.memref_squeeze %dma_wait3A_324 : memref<1x125xi32, #tpu.memory_space<vmem>> -> memref<125xi32, #tpu.memory_space<vmem>>
          %dma_wait3A_326 = arith.constant 0 : i32
          %dma_wait3A_327 = arith.constant 0 : i32
          %dma_wait3A_328 = tpu.memref_slice %arg7[%dma_wait3A_326, %dma_wait3A_327] : memref<50176x16xf32, #tpu.memory_space<vmem_shared>> -> memref<50176x16xf32, #tpu.memory_space<vmem_shared>>
          %dma_wait3A_329 = tpu.memref_slice %arg19[%dma_wait3A_322] : memref<8x!tpu.dma_semaphore, #tpu.memory_space<semaphore_mem>> -> memref<1x!tpu.dma_semaphore, #tpu.memory_space<semaphore_mem>>
          %dma_wait3A_330 = tpu.memref_squeeze %dma_wait3A_329 : memref<1x!tpu.dma_semaphore, #tpu.memory_space<semaphore_mem>> -> memref<!tpu.dma_semaphore, #tpu.memory_space<semaphore_mem>>
          tpu.wait_indirect_dma semaphore(%dma_wait3A_330 : memref<!tpu.dma_semaphore, #tpu.memory_space<semaphore_mem>>) src(%arg11 : memref<125x16xf32, #tpu.memory_space<vmem>>) dst(%dma_wait3A_328 : memref<50176x16xf32, #tpu.memory_space<vmem_shared>>)
          %dma_wait3A_331 = arith.constant 2 : i32
          %dma_wait3A_332 = arith.constant 0 : i32
          %dma_wait3A_333 = tpu.memref_slice %arg9[%add3A_193, %dma_wait3A_332] : memref<40x125xi32, #tpu.memory_space<vmem>> -> memref<1x125xi32, #tpu.memory_space<vmem>>
          %dma_wait3A_334 = tpu.memref_squeeze %dma_wait3A_333 : memref<1x125xi32, #tpu.memory_space<vmem>> -> memref<125xi32, #tpu.memory_space<vmem>>
          %dma_wait3A_335 = arith.constant 0 : i32
          %dma_wait3A_336 = arith.constant 0 : i32
          %dma_wait3A_337 = tpu.memref_slice %arg7[%dma_wait3A_335, %dma_wait3A_336] : memref<50176x16xf32, #tpu.memory_space<vmem_shared>> -> memref<50176x16xf32, #tpu.memory_space<vmem_shared>>
          %dma_wait3A_338 = tpu.memref_slice %arg19[%dma_wait3A_331] : memref<8x!tpu.dma_semaphore, #tpu.memory_space<semaphore_mem>> -> memref<1x!tpu.dma_semaphore, #tpu.memory_space<semaphore_mem>>
          %dma_wait3A_339 = tpu.memref_squeeze %dma_wait3A_338 : memref<1x!tpu.dma_semaphore, #tpu.memory_space<semaphore_mem>> -> memref<!tpu.dma_semaphore, #tpu.memory_space<semaphore_mem>>
          tpu.wait_indirect_dma semaphore(%dma_wait3A_339 : memref<!tpu.dma_semaphore, #tpu.memory_space<semaphore_mem>>) src(%arg12 : memref<125x16xf32, #tpu.memory_space<vmem>>) dst(%dma_wait3A_337 : memref<50176x16xf32, #tpu.memory_space<vmem_shared>>)
          %dma_wait3A_340 = arith.constant 3 : i32
          %dma_wait3A_341 = arith.constant 0 : i32
          %dma_wait3A_342 = tpu.memref_slice %arg9[%add3A_215, %dma_wait3A_341] : memref<40x125xi32, #tpu.memory_space<vmem>> -> memref<1x125xi32, #tpu.memory_space<vmem>>
          %dma_wait3A_343 = tpu.memref_squeeze %dma_wait3A_342 : memref<1x125xi32, #tpu.memory_space<vmem>> -> memref<125xi32, #tpu.memory_space<vmem>>
          %dma_wait3A_344 = arith.constant 0 : i32
          %dma_wait3A_345 = arith.constant 0 : i32
          %dma_wait3A_346 = tpu.memref_slice %arg7[%dma_wait3A_344, %dma_wait3A_345] : memref<50176x16xf32, #tpu.memory_space<vmem_shared>> -> memref<50176x16xf32, #tpu.memory_space<vmem_shared>>
          %dma_wait3A_347 = tpu.memref_slice %arg19[%dma_wait3A_340] : memref<8x!tpu.dma_semaphore, #tpu.memory_space<semaphore_mem>> -> memref<1x!tpu.dma_semaphore, #tpu.memory_space<semaphore_mem>>
          %dma_wait3A_348 = tpu.memref_squeeze %dma_wait3A_347 : memref<1x!tpu.dma_semaphore, #tpu.memory_space<semaphore_mem>> -> memref<!tpu.dma_semaphore, #tpu.memory_space<semaphore_mem>>
          tpu.wait_indirect_dma semaphore(%dma_wait3A_348 : memref<!tpu.dma_semaphore, #tpu.memory_space<semaphore_mem>>) src(%arg13 : memref<125x16xf32, #tpu.memory_space<vmem>>) dst(%dma_wait3A_346 : memref<50176x16xf32, #tpu.memory_space<vmem_shared>>)
          %dma_wait3A_349 = arith.constant 4 : i32
          %dma_wait3A_350 = arith.constant 0 : i32
          %dma_wait3A_351 = tpu.memref_slice %arg9[%add3A_237, %dma_wait3A_350] : memref<40x125xi32, #tpu.memory_space<vmem>> -> memref<1x125xi32, #tpu.memory_space<vmem>>
          %dma_wait3A_352 = tpu.memref_squeeze %dma_wait3A_351 : memref<1x125xi32, #tpu.memory_space<vmem>> -> memref<125xi32, #tpu.memory_space<vmem>>
          %dma_wait3A_353 = arith.constant 0 : i32
          %dma_wait3A_354 = arith.constant 0 : i32
          %dma_wait3A_355 = tpu.memref_slice %arg7[%dma_wait3A_353, %dma_wait3A_354] : memref<50176x16xf32, #tpu.memory_space<vmem_shared>> -> memref<50176x16xf32, #tpu.memory_space<vmem_shared>>
          %dma_wait3A_356 = tpu.memref_slice %arg19[%dma_wait3A_349] : memref<8x!tpu.dma_semaphore, #tpu.memory_space<semaphore_mem>> -> memref<1x!tpu.dma_semaphore, #tpu.memory_space<semaphore_mem>>
          %dma_wait3A_357 = tpu.memref_squeeze %dma_wait3A_356 : memref<1x!tpu.dma_semaphore, #tpu.memory_space<semaphore_mem>> -> memref<!tpu.dma_semaphore, #tpu.memory_space<semaphore_mem>>
          tpu.wait_indirect_dma semaphore(%dma_wait3A_357 : memref<!tpu.dma_semaphore, #tpu.memory_space<semaphore_mem>>) src(%arg14 : memref<125x16xf32, #tpu.memory_space<vmem>>) dst(%dma_wait3A_355 : memref<50176x16xf32, #tpu.memory_space<vmem_shared>>)
          %dma_wait3A_358 = arith.constant 5 : i32
          %dma_wait3A_359 = arith.constant 0 : i32
          %dma_wait3A_360 = tpu.memref_slice %arg9[%add3A_259, %dma_wait3A_359] : memref<40x125xi32, #tpu.memory_space<vmem>> -> memref<1x125xi32, #tpu.memory_space<vmem>>
          %dma_wait3A_361 = tpu.memref_squeeze %dma_wait3A_360 : memref<1x125xi32, #tpu.memory_space<vmem>> -> memref<125xi32, #tpu.memory_space<vmem>>
          %dma_wait3A_362 = arith.constant 0 : i32
          %dma_wait3A_363 = arith.constant 0 : i32
          %dma_wait3A_364 = tpu.memref_slice %arg7[%dma_wait3A_362, %dma_wait3A_363] : memref<50176x16xf32, #tpu.memory_space<vmem_shared>> -> memref<50176x16xf32, #tpu.memory_space<vmem_shared>>
          %dma_wait3A_365 = tpu.memref_slice %arg19[%dma_wait3A_358] : memref<8x!tpu.dma_semaphore, #tpu.memory_space<semaphore_mem>> -> memref<1x!tpu.dma_semaphore, #tpu.memory_space<semaphore_mem>>
          %dma_wait3A_366 = tpu.memref_squeeze %dma_wait3A_365 : memref<1x!tpu.dma_semaphore, #tpu.memory_space<semaphore_mem>> -> memref<!tpu.dma_semaphore, #tpu.memory_space<semaphore_mem>>
          tpu.wait_indirect_dma semaphore(%dma_wait3A_366 : memref<!tpu.dma_semaphore, #tpu.memory_space<semaphore_mem>>) src(%arg15 : memref<125x16xf32, #tpu.memory_space<vmem>>) dst(%dma_wait3A_364 : memref<50176x16xf32, #tpu.memory_space<vmem_shared>>)
          %dma_wait3A_367 = arith.constant 6 : i32
          %dma_wait3A_368 = arith.constant 0 : i32
          %dma_wait3A_369 = tpu.memref_slice %arg9[%add3A_281, %dma_wait3A_368] : memref<40x125xi32, #tpu.memory_space<vmem>> -> memref<1x125xi32, #tpu.memory_space<vmem>>
          %dma_wait3A_370 = tpu.memref_squeeze %dma_wait3A_369 : memref<1x125xi32, #tpu.memory_space<vmem>> -> memref<125xi32, #tpu.memory_space<vmem>>
          %dma_wait3A_371 = arith.constant 0 : i32
          %dma_wait3A_372 = arith.constant 0 : i32
          %dma_wait3A_373 = tpu.memref_slice %arg7[%dma_wait3A_371, %dma_wait3A_372] : memref<50176x16xf32, #tpu.memory_space<vmem_shared>> -> memref<50176x16xf32, #tpu.memory_space<vmem_shared>>
          %dma_wait3A_374 = tpu.memref_slice %arg19[%dma_wait3A_367] : memref<8x!tpu.dma_semaphore, #tpu.memory_space<semaphore_mem>> -> memref<1x!tpu.dma_semaphore, #tpu.memory_space<semaphore_mem>>
          %dma_wait3A_375 = tpu.memref_squeeze %dma_wait3A_374 : memref<1x!tpu.dma_semaphore, #tpu.memory_space<semaphore_mem>> -> memref<!tpu.dma_semaphore, #tpu.memory_space<semaphore_mem>>
          tpu.wait_indirect_dma semaphore(%dma_wait3A_375 : memref<!tpu.dma_semaphore, #tpu.memory_space<semaphore_mem>>) src(%arg16 : memref<125x16xf32, #tpu.memory_space<vmem>>) dst(%dma_wait3A_373 : memref<50176x16xf32, #tpu.memory_space<vmem_shared>>)
          %dma_wait3A_376 = arith.constant 7 : i32
          %dma_wait3A_377 = arith.constant 0 : i32
          %dma_wait3A_378 = tpu.memref_slice %arg9[%add3A_303, %dma_wait3A_377] : memref<40x125xi32, #tpu.memory_space<vmem>> -> memref<1x125xi32, #tpu.memory_space<vmem>>
          %dma_wait3A_379 = tpu.memref_squeeze %dma_wait3A_378 : memref<1x125xi32, #tpu.memory_space<vmem>> -> memref<125xi32, #tpu.memory_space<vmem>>
          %dma_wait3A_380 = arith.constant 0 : i32
          %dma_wait3A_381 = arith.constant 0 : i32
          %dma_wait3A_382 = tpu.memref_slice %arg7[%dma_wait3A_380, %dma_wait3A_381] : memref<50176x16xf32, #tpu.memory_space<vmem_shared>> -> memref<50176x16xf32, #tpu.memory_space<vmem_shared>>
          %dma_wait3A_383 = tpu.memref_slice %arg19[%dma_wait3A_376] : memref<8x!tpu.dma_semaphore, #tpu.memory_space<semaphore_mem>> -> memref<1x!tpu.dma_semaphore, #tpu.memory_space<semaphore_mem>>
          %dma_wait3A_384 = tpu.memref_squeeze %dma_wait3A_383 : memref<1x!tpu.dma_semaphore, #tpu.memory_space<semaphore_mem>> -> memref<!tpu.dma_semaphore, #tpu.memory_space<semaphore_mem>>
          tpu.wait_indirect_dma semaphore(%dma_wait3A_384 : memref<!tpu.dma_semaphore, #tpu.memory_space<semaphore_mem>>) src(%arg17 : memref<125x16xf32, #tpu.memory_space<vmem>>) dst(%dma_wait3A_382 : memref<50176x16xf32, #tpu.memory_space<vmem_shared>>)
        }
        %scan3A_29 = arith.constant 5 : i32
      }
      %scan3A_13 = arith.constant 10 : i32
      %barrier3A_14 = arith.constant 0 : index
      tpu.barrier barrier_id(%barrier3A_14)
      "tpu.region"() ({
        %run_scoped3A = tpu.sem_alloc : memref<!tpu.dma_semaphore, #tpu.memory_space<semaphore_mem>>
        %dma_start3A = arith.constant 0 : i32
        %dma_start3A_15 = tpu.memref_slice %arg5[%mul3A_0, %dma_start3A] : memref<51200x16xf32, #tpu.memory_space<hbm>> -> memref<3136x16xf32, #tpu.memory_space<hbm>>
        %dma_start3A_16 = arith.constant 0 : i32
        %dma_start3A_17 = tpu.memref_slice %arg7[%mul3A_0, %dma_start3A_16] : memref<50176x16xf32, #tpu.memory_space<vmem_shared>> -> memref<3136x16xf32, #tpu.memory_space<vmem_shared>>
        tpu.enqueue_dma source(%dma_start3A_17 : memref<3136x16xf32, #tpu.memory_space<vmem_shared>>) target(%dma_start3A_15 : memref<3136x16xf32, #tpu.memory_space<hbm>>) target_semaphore(%run_scoped3A : memref<!tpu.dma_semaphore, #tpu.memory_space<semaphore_mem>>)
        %dma_wait3A = arith.constant 0 : i32
        %dma_wait3A_18 = tpu.memref_slice %arg5[%mul3A_0, %dma_wait3A] : memref<51200x16xf32, #tpu.memory_space<hbm>> -> memref<3136x16xf32, #tpu.memory_space<hbm>>
        %dma_wait3A_19 = arith.constant 0 : i32
        %dma_wait3A_20 = tpu.memref_slice %arg7[%mul3A_0, %dma_wait3A_19] : memref<50176x16xf32, #tpu.memory_space<vmem_shared>> -> memref<3136x16xf32, #tpu.memory_space<vmem_shared>>
        tpu.wait_dma2 semaphore(%run_scoped3A : memref<!tpu.dma_semaphore, #tpu.memory_space<semaphore_mem>>) src(%dma_wait3A_20 : memref<3136x16xf32, #tpu.memory_space<vmem_shared>>) dst(%dma_wait3A_18 : memref<3136x16xf32, #tpu.memory_space<hbm>>)
        tpu.yield
      }) : () -> ()
    } else {
    }
    %eq3A_3 = arith.constant 1 : i32
    %eq3A_4 = arith.cmpi eq, %arg0, %eq3A_3 : i32
    %convert_element_type3A_5 = arith.extui %eq3A_4 : i1 to i32
    %cond3A_6 = arith.constant 0 : i32
    %cond3A_7 = arith.cmpi ne, %convert_element_type3A_5, %cond3A_6 : i32
    scf.if %cond3A_7 {
      "tpu.region"() ({
        %run_scoped3A = tpu.sem_alloc : memref<!tpu.dma_semaphore, #tpu.memory_space<semaphore_mem>>
        %dma_start3A = arith.constant 0 : i32
        %dma_start3A_15 = tpu.memref_slice %arg7[%mul3A_0, %dma_start3A] : memref<50176x16xf32, #tpu.memory_space<vmem_shared>> -> memref<3136x16xf32, #tpu.memory_space<vmem_shared>>
        %dma_start3A_16 = arith.constant 0 : i32
        %dma_start3A_17 = tpu.memref_slice %arg3[%mul3A_0, %dma_start3A_16] : memref<51200x16xf32, #tpu.memory_space<hbm>> -> memref<3136x16xf32, #tpu.memory_space<hbm>>
        tpu.enqueue_dma source(%dma_start3A_17 : memref<3136x16xf32, #tpu.memory_space<hbm>>) target(%dma_start3A_15 : memref<3136x16xf32, #tpu.memory_space<vmem_shared>>) target_semaphore(%run_scoped3A : memref<!tpu.dma_semaphore, #tpu.memory_space<semaphore_mem>>)
        %dma_wait3A = arith.constant 0 : i32
        %dma_wait3A_18 = tpu.memref_slice %arg7[%mul3A_0, %dma_wait3A] : memref<50176x16xf32, #tpu.memory_space<vmem_shared>> -> memref<3136x16xf32, #tpu.memory_space<vmem_shared>>
        %dma_wait3A_19 = arith.constant 0 : i32
        %dma_wait3A_20 = tpu.memref_slice %arg3[%mul3A_0, %dma_wait3A_19] : memref<51200x16xf32, #tpu.memory_space<hbm>> -> memref<3136x16xf32, #tpu.memory_space<hbm>>
        tpu.wait_dma2 semaphore(%run_scoped3A : memref<!tpu.dma_semaphore, #tpu.memory_space<semaphore_mem>>) src(%dma_wait3A_20 : memref<3136x16xf32, #tpu.memory_space<hbm>>) dst(%dma_wait3A_18 : memref<3136x16xf32, #tpu.memory_space<vmem_shared>>)
        tpu.yield
      }) : () -> ()
      %mul3A_8 = arith.constant 3200 : i32
      %mul3A_9 = arith.muli %arg1, %mul3A_8 : i32
      "tpu.region"() ({
        %run_scoped3A = tpu.sem_alloc : memref<!tpu.dma_semaphore, #tpu.memory_space<semaphore_mem>>
        %dma_start3A = arith.constant 0 : i32
        %dma_start3A_15 = tpu.memref_slice %arg20[%mul3A_9, %dma_start3A] : memref<51200x16xf32, #tpu.memory_space<vmem_shared>> -> memref<3200x16xf32, #tpu.memory_space<vmem_shared>>
        %dma_start3A_16 = arith.constant 0 : i32
        %dma_start3A_17 = tpu.memref_slice %arg3[%mul3A_9, %dma_start3A_16] : memref<51200x16xf32, #tpu.memory_space<hbm>> -> memref<3200x16xf32, #tpu.memory_space<hbm>>
        tpu.enqueue_dma source(%dma_start3A_17 : memref<3200x16xf32, #tpu.memory_space<hbm>>) target(%dma_start3A_15 : memref<3200x16xf32, #tpu.memory_space<vmem_shared>>) target_semaphore(%run_scoped3A : memref<!tpu.dma_semaphore, #tpu.memory_space<semaphore_mem>>)
        %dma_wait3A = arith.constant 0 : i32
        %dma_wait3A_18 = tpu.memref_slice %arg20[%mul3A_9, %dma_wait3A] : memref<51200x16xf32, #tpu.memory_space<vmem_shared>> -> memref<3200x16xf32, #tpu.memory_space<vmem_shared>>
        %dma_wait3A_19 = arith.constant 0 : i32
        %dma_wait3A_20 = tpu.memref_slice %arg3[%mul3A_9, %dma_wait3A_19] : memref<51200x16xf32, #tpu.memory_space<hbm>> -> memref<3200x16xf32, #tpu.memory_space<hbm>>
        tpu.wait_dma2 semaphore(%run_scoped3A : memref<!tpu.dma_semaphore, #tpu.memory_space<semaphore_mem>>) src(%dma_wait3A_20 : memref<3200x16xf32, #tpu.memory_space<hbm>>) dst(%dma_wait3A_18 : memref<3200x16xf32, #tpu.memory_space<vmem_shared>>)
        tpu.yield
      }) : () -> ()
      %barrier3A = arith.constant 0 : index
      tpu.barrier barrier_id(%barrier3A)
      %scan3A = arith.constant 0 : i32
      %scan3A_10 = arith.constant 10 : i32
      %scan3A_11 = arith.addi %scan3A, %scan3A_10 : i32
      %scan3A_12 = arith.constant 1 : i32
      scf.for %scan3A_15 = %scan3A to %scan3A_11 step %scan3A_12  : i32 {
        %mul3A_16 = arith.constant 1 : i32
        %mul3A_17 = arith.muli %scan3A_15, %mul3A_16 : i32
        %add3A = arith.constant 0 : i32
        %add3A_18 = arith.addi %add3A, %mul3A_17 : i32
        %mul3A_19 = arith.constant 400 : i32
        %mul3A_20 = arith.muli %arg1, %mul3A_19 : i32
        %mul3A_21 = arith.constant 40 : i32
        %mul3A_22 = arith.muli %add3A_18, %mul3A_21 : i32
        %add3A_23 = arith.addi %mul3A_20, %mul3A_22 : i32
        %run_scoped3A = arith.constant 0 : i32
        "tpu.region"() ({
          %run_scoped3A_30 = tpu.sem_alloc : memref<!tpu.dma_semaphore, #tpu.memory_space<semaphore_mem>>
          %dma_start3A = arith.constant 0 : i32
          %dma_start3A_31 = tpu.memref_slice %arg4[%run_scoped3A, %add3A_23, %dma_start3A] : memref<2x6400x125xi32, #tpu.memory_space<hbm>> -> memref<1x40x125xi32, #tpu.memory_space<hbm>>
          %dma_start3A_32 = tpu.memref_squeeze %dma_start3A_31 : memref<1x40x125xi32, #tpu.memory_space<hbm>> -> memref<40x125xi32, #tpu.memory_space<hbm>>
          %dma_start3A_33 = arith.constant 0 : i32
          %dma_start3A_34 = tpu.memref_slice %arg4[%run_scoped3A, %add3A_23, %dma_start3A_33] : memref<2x6400x125xi32, #tpu.memory_space<hbm>> -> memref<1x40x125xi32, #tpu.memory_space<hbm>>
          %dma_start3A_35 = tpu.memref_squeeze %dma_start3A_34 : memref<1x40x125xi32, #tpu.memory_space<hbm>> -> memref<40x125xi32, #tpu.memory_space<hbm>>
          tpu.enqueue_dma source(%dma_start3A_35 : memref<40x125xi32, #tpu.memory_space<hbm>>) target(%arg8 : memref<40x125xi32, #tpu.memory_space<vmem>>) target_semaphore(%run_scoped3A_30 : memref<!tpu.dma_semaphore, #tpu.memory_space<semaphore_mem>>)
          %dma_wait3A = arith.constant 0 : i32
          %dma_wait3A_36 = tpu.memref_slice %arg4[%run_scoped3A, %add3A_23, %dma_wait3A] : memref<2x6400x125xi32, #tpu.memory_space<hbm>> -> memref<1x40x125xi32, #tpu.memory_space<hbm>>
          %dma_wait3A_37 = tpu.memref_squeeze %dma_wait3A_36 : memref<1x40x125xi32, #tpu.memory_space<hbm>> -> memref<40x125xi32, #tpu.memory_space<hbm>>
          %dma_wait3A_38 = arith.constant 0 : i32
          %dma_wait3A_39 = tpu.memref_slice %arg4[%run_scoped3A, %add3A_23, %dma_wait3A_38] : memref<2x6400x125xi32, #tpu.memory_space<hbm>> -> memref<1x40x125xi32, #tpu.memory_space<hbm>>
          %dma_wait3A_40 = tpu.memref_squeeze %dma_wait3A_39 : memref<1x40x125xi32, #tpu.memory_space<hbm>> -> memref<40x125xi32, #tpu.memory_space<hbm>>
          tpu.wait_dma2 semaphore(%run_scoped3A_30 : memref<!tpu.dma_semaphore, #tpu.memory_space<semaphore_mem>>) src(%dma_wait3A_40 : memref<40x125xi32, #tpu.memory_space<hbm>>) dst(%arg8 : memref<40x125xi32, #tpu.memory_space<vmem>>)
          tpu.yield
        }) : () -> ()
        %run_scoped3A_24 = arith.constant 1 : i32
        "tpu.region"() ({
          %run_scoped3A_30 = tpu.sem_alloc : memref<!tpu.dma_semaphore, #tpu.memory_space<semaphore_mem>>
          %dma_start3A = arith.constant 0 : i32
          %dma_start3A_31 = tpu.memref_slice %arg4[%run_scoped3A_24, %add3A_23, %dma_start3A] : memref<2x6400x125xi32, #tpu.memory_space<hbm>> -> memref<1x40x125xi32, #tpu.memory_space<hbm>>
          %dma_start3A_32 = tpu.memref_squeeze %dma_start3A_31 : memref<1x40x125xi32, #tpu.memory_space<hbm>> -> memref<40x125xi32, #tpu.memory_space<hbm>>
          %dma_start3A_33 = arith.constant 0 : i32
          %dma_start3A_34 = tpu.memref_slice %arg4[%run_scoped3A_24, %add3A_23, %dma_start3A_33] : memref<2x6400x125xi32, #tpu.memory_space<hbm>> -> memref<1x40x125xi32, #tpu.memory_space<hbm>>
          %dma_start3A_35 = tpu.memref_squeeze %dma_start3A_34 : memref<1x40x125xi32, #tpu.memory_space<hbm>> -> memref<40x125xi32, #tpu.memory_space<hbm>>
          tpu.enqueue_dma source(%dma_start3A_35 : memref<40x125xi32, #tpu.memory_space<hbm>>) target(%arg9 : memref<40x125xi32, #tpu.memory_space<vmem>>) target_semaphore(%run_scoped3A_30 : memref<!tpu.dma_semaphore, #tpu.memory_space<semaphore_mem>>)
          %dma_wait3A = arith.constant 0 : i32
          %dma_wait3A_36 = tpu.memref_slice %arg4[%run_scoped3A_24, %add3A_23, %dma_wait3A] : memref<2x6400x125xi32, #tpu.memory_space<hbm>> -> memref<1x40x125xi32, #tpu.memory_space<hbm>>
          %dma_wait3A_37 = tpu.memref_squeeze %dma_wait3A_36 : memref<1x40x125xi32, #tpu.memory_space<hbm>> -> memref<40x125xi32, #tpu.memory_space<hbm>>
          %dma_wait3A_38 = arith.constant 0 : i32
          %dma_wait3A_39 = tpu.memref_slice %arg4[%run_scoped3A_24, %add3A_23, %dma_wait3A_38] : memref<2x6400x125xi32, #tpu.memory_space<hbm>> -> memref<1x40x125xi32, #tpu.memory_space<hbm>>
          %dma_wait3A_40 = tpu.memref_squeeze %dma_wait3A_39 : memref<1x40x125xi32, #tpu.memory_space<hbm>> -> memref<40x125xi32, #tpu.memory_space<hbm>>
          tpu.wait_dma2 semaphore(%run_scoped3A_30 : memref<!tpu.dma_semaphore, #tpu.memory_space<semaphore_mem>>) src(%dma_wait3A_40 : memref<40x125xi32, #tpu.memory_space<hbm>>) dst(%arg9 : memref<40x125xi32, #tpu.memory_space<vmem>>)
          tpu.yield
        }) : () -> ()
        %scan3A_25 = arith.constant 0 : i32
        %scan3A_26 = arith.constant 5 : i32
        %scan3A_27 = arith.addi %scan3A_25, %scan3A_26 : i32
        %scan3A_28 = arith.constant 1 : i32
        scf.for %scan3A_30 = %scan3A_25 to %scan3A_27 step %scan3A_28  : i32 {
          %mul3A_31 = arith.constant 1 : i32
          %mul3A_32 = arith.muli %scan3A_30, %mul3A_31 : i32
          %add3A_33 = arith.constant 0 : i32
          %add3A_34 = arith.addi %add3A_33, %mul3A_32 : i32
          %mul3A_35 = arith.constant 8 : i32
          %mul3A_36 = arith.muli %add3A_34, %mul3A_35 : i32
          %add3A_37 = arith.constant 0 : i32
          %add3A_38 = arith.addi %mul3A_36, %add3A_37 : i32
          %dma_start3A = arith.constant 0 : i32
          %dma_start3A_39 = arith.constant 0 : i32
          %dma_start3A_40 = tpu.memref_slice %arg8[%add3A_38, %dma_start3A_39] : memref<40x125xi32, #tpu.memory_space<vmem>> -> memref<1x125xi32, #tpu.memory_space<vmem>>
          %dma_start3A_41 = tpu.memref_squeeze %dma_start3A_40 : memref<1x125xi32, #tpu.memory_space<vmem>> -> memref<125xi32, #tpu.memory_space<vmem>>
          %dma_start3A_42 = arith.constant 0 : i32
          %dma_start3A_43 = arith.constant 0 : i32
          %dma_start3A_44 = tpu.memref_slice %arg20[%dma_start3A_42, %dma_start3A_43] : memref<51200x16xf32, #tpu.memory_space<vmem_shared>> -> memref<51200x16xf32, #tpu.memory_space<vmem_shared>>
          %dma_start3A_45 = tpu.memref_slice %arg18[%dma_start3A] : memref<8x!tpu.dma_semaphore, #tpu.memory_space<semaphore_mem>> -> memref<1x!tpu.dma_semaphore, #tpu.memory_space<semaphore_mem>>
          %dma_start3A_46 = tpu.memref_squeeze %dma_start3A_45 : memref<1x!tpu.dma_semaphore, #tpu.memory_space<semaphore_mem>> -> memref<!tpu.dma_semaphore, #tpu.memory_space<semaphore_mem>>
          tpu.enqueue_indirect_dma source(%dma_start3A_44 : memref<51200x16xf32, #tpu.memory_space<vmem_shared>>) target(%arg10 : memref<125x16xf32, #tpu.memory_space<vmem>>) offsets(%dma_start3A_41 : memref<125xi32, #tpu.memory_space<vmem>>) semaphore(%dma_start3A_46 : memref<!tpu.dma_semaphore, #tpu.memory_space<semaphore_mem>>)
          %mul3A_47 = arith.constant 8 : i32
          %mul3A_48 = arith.muli %add3A_34, %mul3A_47 : i32
          %add3A_49 = arith.constant 1 : i32
          %add3A_50 = arith.addi %mul3A_48, %add3A_49 : i32
          %dma_start3A_51 = arith.constant 1 : i32
          %dma_start3A_52 = arith.constant 0 : i32
          %dma_start3A_53 = tpu.memref_slice %arg8[%add3A_50, %dma_start3A_52] : memref<40x125xi32, #tpu.memory_space<vmem>> -> memref<1x125xi32, #tpu.memory_space<vmem>>
          %dma_start3A_54 = tpu.memref_squeeze %dma_start3A_53 : memref<1x125xi32, #tpu.memory_space<vmem>> -> memref<125xi32, #tpu.memory_space<vmem>>
          %dma_start3A_55 = arith.constant 0 : i32
          %dma_start3A_56 = arith.constant 0 : i32
          %dma_start3A_57 = tpu.memref_slice %arg20[%dma_start3A_55, %dma_start3A_56] : memref<51200x16xf32, #tpu.memory_space<vmem_shared>> -> memref<51200x16xf32, #tpu.memory_space<vmem_shared>>
          %dma_start3A_58 = tpu.memref_slice %arg18[%dma_start3A_51] : memref<8x!tpu.dma_semaphore, #tpu.memory_space<semaphore_mem>> -> memref<1x!tpu.dma_semaphore, #tpu.memory_space<semaphore_mem>>
          %dma_start3A_59 = tpu.memref_squeeze %dma_start3A_58 : memref<1x!tpu.dma_semaphore, #tpu.memory_space<semaphore_mem>> -> memref<!tpu.dma_semaphore, #tpu.memory_space<semaphore_mem>>
          tpu.enqueue_indirect_dma source(%dma_start3A_57 : memref<51200x16xf32, #tpu.memory_space<vmem_shared>>) target(%arg11 : memref<125x16xf32, #tpu.memory_space<vmem>>) offsets(%dma_start3A_54 : memref<125xi32, #tpu.memory_space<vmem>>) semaphore(%dma_start3A_59 : memref<!tpu.dma_semaphore, #tpu.memory_space<semaphore_mem>>)
          %mul3A_60 = arith.constant 8 : i32
          %mul3A_61 = arith.muli %add3A_34, %mul3A_60 : i32
          %add3A_62 = arith.constant 2 : i32
          %add3A_63 = arith.addi %mul3A_61, %add3A_62 : i32
          %dma_start3A_64 = arith.constant 2 : i32
          %dma_start3A_65 = arith.constant 0 : i32
          %dma_start3A_66 = tpu.memref_slice %arg8[%add3A_63, %dma_start3A_65] : memref<40x125xi32, #tpu.memory_space<vmem>> -> memref<1x125xi32, #tpu.memory_space<vmem>>
          %dma_start3A_67 = tpu.memref_squeeze %dma_start3A_66 : memref<1x125xi32, #tpu.memory_space<vmem>> -> memref<125xi32, #tpu.memory_space<vmem>>
          %dma_start3A_68 = arith.constant 0 : i32
          %dma_start3A_69 = arith.constant 0 : i32
          %dma_start3A_70 = tpu.memref_slice %arg20[%dma_start3A_68, %dma_start3A_69] : memref<51200x16xf32, #tpu.memory_space<vmem_shared>> -> memref<51200x16xf32, #tpu.memory_space<vmem_shared>>
          %dma_start3A_71 = tpu.memref_slice %arg18[%dma_start3A_64] : memref<8x!tpu.dma_semaphore, #tpu.memory_space<semaphore_mem>> -> memref<1x!tpu.dma_semaphore, #tpu.memory_space<semaphore_mem>>
          %dma_start3A_72 = tpu.memref_squeeze %dma_start3A_71 : memref<1x!tpu.dma_semaphore, #tpu.memory_space<semaphore_mem>> -> memref<!tpu.dma_semaphore, #tpu.memory_space<semaphore_mem>>
          tpu.enqueue_indirect_dma source(%dma_start3A_70 : memref<51200x16xf32, #tpu.memory_space<vmem_shared>>) target(%arg12 : memref<125x16xf32, #tpu.memory_space<vmem>>) offsets(%dma_start3A_67 : memref<125xi32, #tpu.memory_space<vmem>>) semaphore(%dma_start3A_72 : memref<!tpu.dma_semaphore, #tpu.memory_space<semaphore_mem>>)
          %mul3A_73 = arith.constant 8 : i32
          %mul3A_74 = arith.muli %add3A_34, %mul3A_73 : i32
          %add3A_75 = arith.constant 3 : i32
          %add3A_76 = arith.addi %mul3A_74, %add3A_75 : i32
          %dma_start3A_77 = arith.constant 3 : i32
          %dma_start3A_78 = arith.constant 0 : i32
          %dma_start3A_79 = tpu.memref_slice %arg8[%add3A_76, %dma_start3A_78] : memref<40x125xi32, #tpu.memory_space<vmem>> -> memref<1x125xi32, #tpu.memory_space<vmem>>
          %dma_start3A_80 = tpu.memref_squeeze %dma_start3A_79 : memref<1x125xi32, #tpu.memory_space<vmem>> -> memref<125xi32, #tpu.memory_space<vmem>>
          %dma_start3A_81 = arith.constant 0 : i32
          %dma_start3A_82 = arith.constant 0 : i32
          %dma_start3A_83 = tpu.memref_slice %arg20[%dma_start3A_81, %dma_start3A_82] : memref<51200x16xf32, #tpu.memory_space<vmem_shared>> -> memref<51200x16xf32, #tpu.memory_space<vmem_shared>>
          %dma_start3A_84 = tpu.memref_slice %arg18[%dma_start3A_77] : memref<8x!tpu.dma_semaphore, #tpu.memory_space<semaphore_mem>> -> memref<1x!tpu.dma_semaphore, #tpu.memory_space<semaphore_mem>>
          %dma_start3A_85 = tpu.memref_squeeze %dma_start3A_84 : memref<1x!tpu.dma_semaphore, #tpu.memory_space<semaphore_mem>> -> memref<!tpu.dma_semaphore, #tpu.memory_space<semaphore_mem>>
          tpu.enqueue_indirect_dma source(%dma_start3A_83 : memref<51200x16xf32, #tpu.memory_space<vmem_shared>>) target(%arg13 : memref<125x16xf32, #tpu.memory_space<vmem>>) offsets(%dma_start3A_80 : memref<125xi32, #tpu.memory_space<vmem>>) semaphore(%dma_start3A_85 : memref<!tpu.dma_semaphore, #tpu.memory_space<semaphore_mem>>)
          %mul3A_86 = arith.constant 8 : i32
          %mul3A_87 = arith.muli %add3A_34, %mul3A_86 : i32
          %add3A_88 = arith.constant 4 : i32
          %add3A_89 = arith.addi %mul3A_87, %add3A_88 : i32
          %dma_start3A_90 = arith.constant 4 : i32
          %dma_start3A_91 = arith.constant 0 : i32
          %dma_start3A_92 = tpu.memref_slice %arg8[%add3A_89, %dma_start3A_91] : memref<40x125xi32, #tpu.memory_space<vmem>> -> memref<1x125xi32, #tpu.memory_space<vmem>>
          %dma_start3A_93 = tpu.memref_squeeze %dma_start3A_92 : memref<1x125xi32, #tpu.memory_space<vmem>> -> memref<125xi32, #tpu.memory_space<vmem>>
          %dma_start3A_94 = arith.constant 0 : i32
          %dma_start3A_95 = arith.constant 0 : i32
          %dma_start3A_96 = tpu.memref_slice %arg20[%dma_start3A_94, %dma_start3A_95] : memref<51200x16xf32, #tpu.memory_space<vmem_shared>> -> memref<51200x16xf32, #tpu.memory_space<vmem_shared>>
          %dma_start3A_97 = tpu.memref_slice %arg18[%dma_start3A_90] : memref<8x!tpu.dma_semaphore, #tpu.memory_space<semaphore_mem>> -> memref<1x!tpu.dma_semaphore, #tpu.memory_space<semaphore_mem>>
          %dma_start3A_98 = tpu.memref_squeeze %dma_start3A_97 : memref<1x!tpu.dma_semaphore, #tpu.memory_space<semaphore_mem>> -> memref<!tpu.dma_semaphore, #tpu.memory_space<semaphore_mem>>
          tpu.enqueue_indirect_dma source(%dma_start3A_96 : memref<51200x16xf32, #tpu.memory_space<vmem_shared>>) target(%arg14 : memref<125x16xf32, #tpu.memory_space<vmem>>) offsets(%dma_start3A_93 : memref<125xi32, #tpu.memory_space<vmem>>) semaphore(%dma_start3A_98 : memref<!tpu.dma_semaphore, #tpu.memory_space<semaphore_mem>>)
          %mul3A_99 = arith.constant 8 : i32
          %mul3A_100 = arith.muli %add3A_34, %mul3A_99 : i32
          %add3A_101 = arith.constant 5 : i32
          %add3A_102 = arith.addi %mul3A_100, %add3A_101 : i32
          %dma_start3A_103 = arith.constant 5 : i32
          %dma_start3A_104 = arith.constant 0 : i32
          %dma_start3A_105 = tpu.memref_slice %arg8[%add3A_102, %dma_start3A_104] : memref<40x125xi32, #tpu.memory_space<vmem>> -> memref<1x125xi32, #tpu.memory_space<vmem>>
          %dma_start3A_106 = tpu.memref_squeeze %dma_start3A_105 : memref<1x125xi32, #tpu.memory_space<vmem>> -> memref<125xi32, #tpu.memory_space<vmem>>
          %dma_start3A_107 = arith.constant 0 : i32
          %dma_start3A_108 = arith.constant 0 : i32
          %dma_start3A_109 = tpu.memref_slice %arg20[%dma_start3A_107, %dma_start3A_108] : memref<51200x16xf32, #tpu.memory_space<vmem_shared>> -> memref<51200x16xf32, #tpu.memory_space<vmem_shared>>
          %dma_start3A_110 = tpu.memref_slice %arg18[%dma_start3A_103] : memref<8x!tpu.dma_semaphore, #tpu.memory_space<semaphore_mem>> -> memref<1x!tpu.dma_semaphore, #tpu.memory_space<semaphore_mem>>
          %dma_start3A_111 = tpu.memref_squeeze %dma_start3A_110 : memref<1x!tpu.dma_semaphore, #tpu.memory_space<semaphore_mem>> -> memref<!tpu.dma_semaphore, #tpu.memory_space<semaphore_mem>>
          tpu.enqueue_indirect_dma source(%dma_start3A_109 : memref<51200x16xf32, #tpu.memory_space<vmem_shared>>) target(%arg15 : memref<125x16xf32, #tpu.memory_space<vmem>>) offsets(%dma_start3A_106 : memref<125xi32, #tpu.memory_space<vmem>>) semaphore(%dma_start3A_111 : memref<!tpu.dma_semaphore, #tpu.memory_space<semaphore_mem>>)
          %mul3A_112 = arith.constant 8 : i32
          %mul3A_113 = arith.muli %add3A_34, %mul3A_112 : i32
          %add3A_114 = arith.constant 6 : i32
          %add3A_115 = arith.addi %mul3A_113, %add3A_114 : i32
          %dma_start3A_116 = arith.constant 6 : i32
          %dma_start3A_117 = arith.constant 0 : i32
          %dma_start3A_118 = tpu.memref_slice %arg8[%add3A_115, %dma_start3A_117] : memref<40x125xi32, #tpu.memory_space<vmem>> -> memref<1x125xi32, #tpu.memory_space<vmem>>
          %dma_start3A_119 = tpu.memref_squeeze %dma_start3A_118 : memref<1x125xi32, #tpu.memory_space<vmem>> -> memref<125xi32, #tpu.memory_space<vmem>>
          %dma_start3A_120 = arith.constant 0 : i32
          %dma_start3A_121 = arith.constant 0 : i32
          %dma_start3A_122 = tpu.memref_slice %arg20[%dma_start3A_120, %dma_start3A_121] : memref<51200x16xf32, #tpu.memory_space<vmem_shared>> -> memref<51200x16xf32, #tpu.memory_space<vmem_shared>>
          %dma_start3A_123 = tpu.memref_slice %arg18[%dma_start3A_116] : memref<8x!tpu.dma_semaphore, #tpu.memory_space<semaphore_mem>> -> memref<1x!tpu.dma_semaphore, #tpu.memory_space<semaphore_mem>>
          %dma_start3A_124 = tpu.memref_squeeze %dma_start3A_123 : memref<1x!tpu.dma_semaphore, #tpu.memory_space<semaphore_mem>> -> memref<!tpu.dma_semaphore, #tpu.memory_space<semaphore_mem>>
          tpu.enqueue_indirect_dma source(%dma_start3A_122 : memref<51200x16xf32, #tpu.memory_space<vmem_shared>>) target(%arg16 : memref<125x16xf32, #tpu.memory_space<vmem>>) offsets(%dma_start3A_119 : memref<125xi32, #tpu.memory_space<vmem>>) semaphore(%dma_start3A_124 : memref<!tpu.dma_semaphore, #tpu.memory_space<semaphore_mem>>)
          %mul3A_125 = arith.constant 8 : i32
          %mul3A_126 = arith.muli %add3A_34, %mul3A_125 : i32
          %add3A_127 = arith.constant 7 : i32
          %add3A_128 = arith.addi %mul3A_126, %add3A_127 : i32
          %dma_start3A_129 = arith.constant 7 : i32
          %dma_start3A_130 = arith.constant 0 : i32
          %dma_start3A_131 = tpu.memref_slice %arg8[%add3A_128, %dma_start3A_130] : memref<40x125xi32, #tpu.memory_space<vmem>> -> memref<1x125xi32, #tpu.memory_space<vmem>>
          %dma_start3A_132 = tpu.memref_squeeze %dma_start3A_131 : memref<1x125xi32, #tpu.memory_space<vmem>> -> memref<125xi32, #tpu.memory_space<vmem>>
          %dma_start3A_133 = arith.constant 0 : i32
          %dma_start3A_134 = arith.constant 0 : i32
          %dma_start3A_135 = tpu.memref_slice %arg20[%dma_start3A_133, %dma_start3A_134] : memref<51200x16xf32, #tpu.memory_space<vmem_shared>> -> memref<51200x16xf32, #tpu.memory_space<vmem_shared>>
          %dma_start3A_136 = tpu.memref_slice %arg18[%dma_start3A_129] : memref<8x!tpu.dma_semaphore, #tpu.memory_space<semaphore_mem>> -> memref<1x!tpu.dma_semaphore, #tpu.memory_space<semaphore_mem>>
          %dma_start3A_137 = tpu.memref_squeeze %dma_start3A_136 : memref<1x!tpu.dma_semaphore, #tpu.memory_space<semaphore_mem>> -> memref<!tpu.dma_semaphore, #tpu.memory_space<semaphore_mem>>
          tpu.enqueue_indirect_dma source(%dma_start3A_135 : memref<51200x16xf32, #tpu.memory_space<vmem_shared>>) target(%arg17 : memref<125x16xf32, #tpu.memory_space<vmem>>) offsets(%dma_start3A_132 : memref<125xi32, #tpu.memory_space<vmem>>) semaphore(%dma_start3A_137 : memref<!tpu.dma_semaphore, #tpu.memory_space<semaphore_mem>>)
          %dma_wait3A = arith.constant 0 : i32
          %dma_wait3A_138 = arith.constant 0 : i32
          %dma_wait3A_139 = tpu.memref_slice %arg8[%add3A_38, %dma_wait3A_138] : memref<40x125xi32, #tpu.memory_space<vmem>> -> memref<1x125xi32, #tpu.memory_space<vmem>>
          %dma_wait3A_140 = tpu.memref_squeeze %dma_wait3A_139 : memref<1x125xi32, #tpu.memory_space<vmem>> -> memref<125xi32, #tpu.memory_space<vmem>>
          %dma_wait3A_141 = arith.constant 0 : i32
          %dma_wait3A_142 = arith.constant 0 : i32
          %dma_wait3A_143 = tpu.memref_slice %arg20[%dma_wait3A_141, %dma_wait3A_142] : memref<51200x16xf32, #tpu.memory_space<vmem_shared>> -> memref<51200x16xf32, #tpu.memory_space<vmem_shared>>
          %dma_wait3A_144 = tpu.memref_slice %arg18[%dma_wait3A] : memref<8x!tpu.dma_semaphore, #tpu.memory_space<semaphore_mem>> -> memref<1x!tpu.dma_semaphore, #tpu.memory_space<semaphore_mem>>
          %dma_wait3A_145 = tpu.memref_squeeze %dma_wait3A_144 : memref<1x!tpu.dma_semaphore, #tpu.memory_space<semaphore_mem>> -> memref<!tpu.dma_semaphore, #tpu.memory_space<semaphore_mem>>
          tpu.wait_indirect_dma semaphore(%dma_wait3A_145 : memref<!tpu.dma_semaphore, #tpu.memory_space<semaphore_mem>>) src(%dma_wait3A_143 : memref<51200x16xf32, #tpu.memory_space<vmem_shared>>) dst(%arg10 : memref<125x16xf32, #tpu.memory_space<vmem>>)
          %mul3A_146 = arith.constant 8 : i32
          %mul3A_147 = arith.muli %add3A_34, %mul3A_146 : i32
          %add3A_148 = arith.constant 0 : i32
          %add3A_149 = arith.addi %mul3A_147, %add3A_148 : i32
          %dma_start3A_150 = arith.constant 0 : i32
          %dma_start3A_151 = arith.constant 0 : i32
          %dma_start3A_152 = tpu.memref_slice %arg9[%add3A_149, %dma_start3A_151] : memref<40x125xi32, #tpu.memory_space<vmem>> -> memref<1x125xi32, #tpu.memory_space<vmem>>
          %dma_start3A_153 = tpu.memref_squeeze %dma_start3A_152 : memref<1x125xi32, #tpu.memory_space<vmem>> -> memref<125xi32, #tpu.memory_space<vmem>>
          %dma_start3A_154 = arith.constant 0 : i32
          %dma_start3A_155 = arith.constant 0 : i32
          %dma_start3A_156 = tpu.memref_slice %arg7[%dma_start3A_154, %dma_start3A_155] : memref<50176x16xf32, #tpu.memory_space<vmem_shared>> -> memref<50176x16xf32, #tpu.memory_space<vmem_shared>>
          %dma_start3A_157 = tpu.memref_slice %arg19[%dma_start3A_150] : memref<8x!tpu.dma_semaphore, #tpu.memory_space<semaphore_mem>> -> memref<1x!tpu.dma_semaphore, #tpu.memory_space<semaphore_mem>>
          %dma_start3A_158 = tpu.memref_squeeze %dma_start3A_157 : memref<1x!tpu.dma_semaphore, #tpu.memory_space<semaphore_mem>> -> memref<!tpu.dma_semaphore, #tpu.memory_space<semaphore_mem>>
          tpu.enqueue_indirect_dma source(%arg10 : memref<125x16xf32, #tpu.memory_space<vmem>>) target(%dma_start3A_156 : memref<50176x16xf32, #tpu.memory_space<vmem_shared>>) offsets(%dma_start3A_153 : memref<125xi32, #tpu.memory_space<vmem>>) semaphore(%dma_start3A_158 : memref<!tpu.dma_semaphore, #tpu.memory_space<semaphore_mem>>) {add = true}
          %dma_wait3A_159 = arith.constant 1 : i32
          %dma_wait3A_160 = arith.constant 0 : i32
          %dma_wait3A_161 = tpu.memref_slice %arg8[%add3A_50, %dma_wait3A_160] : memref<40x125xi32, #tpu.memory_space<vmem>> -> memref<1x125xi32, #tpu.memory_space<vmem>>
          %dma_wait3A_162 = tpu.memref_squeeze %dma_wait3A_161 : memref<1x125xi32, #tpu.memory_space<vmem>> -> memref<125xi32, #tpu.memory_space<vmem>>
          %dma_wait3A_163 = arith.constant 0 : i32
          %dma_wait3A_164 = arith.constant 0 : i32
          %dma_wait3A_165 = tpu.memref_slice %arg20[%dma_wait3A_163, %dma_wait3A_164] : memref<51200x16xf32, #tpu.memory_space<vmem_shared>> -> memref<51200x16xf32, #tpu.memory_space<vmem_shared>>
          %dma_wait3A_166 = tpu.memref_slice %arg18[%dma_wait3A_159] : memref<8x!tpu.dma_semaphore, #tpu.memory_space<semaphore_mem>> -> memref<1x!tpu.dma_semaphore, #tpu.memory_space<semaphore_mem>>
          %dma_wait3A_167 = tpu.memref_squeeze %dma_wait3A_166 : memref<1x!tpu.dma_semaphore, #tpu.memory_space<semaphore_mem>> -> memref<!tpu.dma_semaphore, #tpu.memory_space<semaphore_mem>>
          tpu.wait_indirect_dma semaphore(%dma_wait3A_167 : memref<!tpu.dma_semaphore, #tpu.memory_space<semaphore_mem>>) src(%dma_wait3A_165 : memref<51200x16xf32, #tpu.memory_space<vmem_shared>>) dst(%arg11 : memref<125x16xf32, #tpu.memory_space<vmem>>)
          %mul3A_168 = arith.constant 8 : i32
          %mul3A_169 = arith.muli %add3A_34, %mul3A_168 : i32
          %add3A_170 = arith.constant 1 : i32
          %add3A_171 = arith.addi %mul3A_169, %add3A_170 : i32
          %dma_start3A_172 = arith.constant 1 : i32
          %dma_start3A_173 = arith.constant 0 : i32
          %dma_start3A_174 = tpu.memref_slice %arg9[%add3A_171, %dma_start3A_173] : memref<40x125xi32, #tpu.memory_space<vmem>> -> memref<1x125xi32, #tpu.memory_space<vmem>>
          %dma_start3A_175 = tpu.memref_squeeze %dma_start3A_174 : memref<1x125xi32, #tpu.memory_space<vmem>> -> memref<125xi32, #tpu.memory_space<vmem>>
          %dma_start3A_176 = arith.constant 0 : i32
          %dma_start3A_177 = arith.constant 0 : i32
          %dma_start3A_178 = tpu.memref_slice %arg7[%dma_start3A_176, %dma_start3A_177] : memref<50176x16xf32, #tpu.memory_space<vmem_shared>> -> memref<50176x16xf32, #tpu.memory_space<vmem_shared>>
          %dma_start3A_179 = tpu.memref_slice %arg19[%dma_start3A_172] : memref<8x!tpu.dma_semaphore, #tpu.memory_space<semaphore_mem>> -> memref<1x!tpu.dma_semaphore, #tpu.memory_space<semaphore_mem>>
          %dma_start3A_180 = tpu.memref_squeeze %dma_start3A_179 : memref<1x!tpu.dma_semaphore, #tpu.memory_space<semaphore_mem>> -> memref<!tpu.dma_semaphore, #tpu.memory_space<semaphore_mem>>
          tpu.enqueue_indirect_dma source(%arg11 : memref<125x16xf32, #tpu.memory_space<vmem>>) target(%dma_start3A_178 : memref<50176x16xf32, #tpu.memory_space<vmem_shared>>) offsets(%dma_start3A_175 : memref<125xi32, #tpu.memory_space<vmem>>) semaphore(%dma_start3A_180 : memref<!tpu.dma_semaphore, #tpu.memory_space<semaphore_mem>>) {add = true}
          %dma_wait3A_181 = arith.constant 2 : i32
          %dma_wait3A_182 = arith.constant 0 : i32
          %dma_wait3A_183 = tpu.memref_slice %arg8[%add3A_63, %dma_wait3A_182] : memref<40x125xi32, #tpu.memory_space<vmem>> -> memref<1x125xi32, #tpu.memory_space<vmem>>
          %dma_wait3A_184 = tpu.memref_squeeze %dma_wait3A_183 : memref<1x125xi32, #tpu.memory_space<vmem>> -> memref<125xi32, #tpu.memory_space<vmem>>
          %dma_wait3A_185 = arith.constant 0 : i32
          %dma_wait3A_186 = arith.constant 0 : i32
          %dma_wait3A_187 = tpu.memref_slice %arg20[%dma_wait3A_185, %dma_wait3A_186] : memref<51200x16xf32, #tpu.memory_space<vmem_shared>> -> memref<51200x16xf32, #tpu.memory_space<vmem_shared>>
          %dma_wait3A_188 = tpu.memref_slice %arg18[%dma_wait3A_181] : memref<8x!tpu.dma_semaphore, #tpu.memory_space<semaphore_mem>> -> memref<1x!tpu.dma_semaphore, #tpu.memory_space<semaphore_mem>>
          %dma_wait3A_189 = tpu.memref_squeeze %dma_wait3A_188 : memref<1x!tpu.dma_semaphore, #tpu.memory_space<semaphore_mem>> -> memref<!tpu.dma_semaphore, #tpu.memory_space<semaphore_mem>>
          tpu.wait_indirect_dma semaphore(%dma_wait3A_189 : memref<!tpu.dma_semaphore, #tpu.memory_space<semaphore_mem>>) src(%dma_wait3A_187 : memref<51200x16xf32, #tpu.memory_space<vmem_shared>>) dst(%arg12 : memref<125x16xf32, #tpu.memory_space<vmem>>)
          %mul3A_190 = arith.constant 8 : i32
          %mul3A_191 = arith.muli %add3A_34, %mul3A_190 : i32
          %add3A_192 = arith.constant 2 : i32
          %add3A_193 = arith.addi %mul3A_191, %add3A_192 : i32
          %dma_start3A_194 = arith.constant 2 : i32
          %dma_start3A_195 = arith.constant 0 : i32
          %dma_start3A_196 = tpu.memref_slice %arg9[%add3A_193, %dma_start3A_195] : memref<40x125xi32, #tpu.memory_space<vmem>> -> memref<1x125xi32, #tpu.memory_space<vmem>>
          %dma_start3A_197 = tpu.memref_squeeze %dma_start3A_196 : memref<1x125xi32, #tpu.memory_space<vmem>> -> memref<125xi32, #tpu.memory_space<vmem>>
          %dma_start3A_198 = arith.constant 0 : i32
          %dma_start3A_199 = arith.constant 0 : i32
          %dma_start3A_200 = tpu.memref_slice %arg7[%dma_start3A_198, %dma_start3A_199] : memref<50176x16xf32, #tpu.memory_space<vmem_shared>> -> memref<50176x16xf32, #tpu.memory_space<vmem_shared>>
          %dma_start3A_201 = tpu.memref_slice %arg19[%dma_start3A_194] : memref<8x!tpu.dma_semaphore, #tpu.memory_space<semaphore_mem>> -> memref<1x!tpu.dma_semaphore, #tpu.memory_space<semaphore_mem>>
          %dma_start3A_202 = tpu.memref_squeeze %dma_start3A_201 : memref<1x!tpu.dma_semaphore, #tpu.memory_space<semaphore_mem>> -> memref<!tpu.dma_semaphore, #tpu.memory_space<semaphore_mem>>
          tpu.enqueue_indirect_dma source(%arg12 : memref<125x16xf32, #tpu.memory_space<vmem>>) target(%dma_start3A_200 : memref<50176x16xf32, #tpu.memory_space<vmem_shared>>) offsets(%dma_start3A_197 : memref<125xi32, #tpu.memory_space<vmem>>) semaphore(%dma_start3A_202 : memref<!tpu.dma_semaphore, #tpu.memory_space<semaphore_mem>>) {add = true}
          %dma_wait3A_203 = arith.constant 3 : i32
          %dma_wait3A_204 = arith.constant 0 : i32
          %dma_wait3A_205 = tpu.memref_slice %arg8[%add3A_76, %dma_wait3A_204] : memref<40x125xi32, #tpu.memory_space<vmem>> -> memref<1x125xi32, #tpu.memory_space<vmem>>
          %dma_wait3A_206 = tpu.memref_squeeze %dma_wait3A_205 : memref<1x125xi32, #tpu.memory_space<vmem>> -> memref<125xi32, #tpu.memory_space<vmem>>
          %dma_wait3A_207 = arith.constant 0 : i32
          %dma_wait3A_208 = arith.constant 0 : i32
          %dma_wait3A_209 = tpu.memref_slice %arg20[%dma_wait3A_207, %dma_wait3A_208] : memref<51200x16xf32, #tpu.memory_space<vmem_shared>> -> memref<51200x16xf32, #tpu.memory_space<vmem_shared>>
          %dma_wait3A_210 = tpu.memref_slice %arg18[%dma_wait3A_203] : memref<8x!tpu.dma_semaphore, #tpu.memory_space<semaphore_mem>> -> memref<1x!tpu.dma_semaphore, #tpu.memory_space<semaphore_mem>>
          %dma_wait3A_211 = tpu.memref_squeeze %dma_wait3A_210 : memref<1x!tpu.dma_semaphore, #tpu.memory_space<semaphore_mem>> -> memref<!tpu.dma_semaphore, #tpu.memory_space<semaphore_mem>>
          tpu.wait_indirect_dma semaphore(%dma_wait3A_211 : memref<!tpu.dma_semaphore, #tpu.memory_space<semaphore_mem>>) src(%dma_wait3A_209 : memref<51200x16xf32, #tpu.memory_space<vmem_shared>>) dst(%arg13 : memref<125x16xf32, #tpu.memory_space<vmem>>)
          %mul3A_212 = arith.constant 8 : i32
          %mul3A_213 = arith.muli %add3A_34, %mul3A_212 : i32
          %add3A_214 = arith.constant 3 : i32
          %add3A_215 = arith.addi %mul3A_213, %add3A_214 : i32
          %dma_start3A_216 = arith.constant 3 : i32
          %dma_start3A_217 = arith.constant 0 : i32
          %dma_start3A_218 = tpu.memref_slice %arg9[%add3A_215, %dma_start3A_217] : memref<40x125xi32, #tpu.memory_space<vmem>> -> memref<1x125xi32, #tpu.memory_space<vmem>>
          %dma_start3A_219 = tpu.memref_squeeze %dma_start3A_218 : memref<1x125xi32, #tpu.memory_space<vmem>> -> memref<125xi32, #tpu.memory_space<vmem>>
          %dma_start3A_220 = arith.constant 0 : i32
          %dma_start3A_221 = arith.constant 0 : i32
          %dma_start3A_222 = tpu.memref_slice %arg7[%dma_start3A_220, %dma_start3A_221] : memref<50176x16xf32, #tpu.memory_space<vmem_shared>> -> memref<50176x16xf32, #tpu.memory_space<vmem_shared>>
          %dma_start3A_223 = tpu.memref_slice %arg19[%dma_start3A_216] : memref<8x!tpu.dma_semaphore, #tpu.memory_space<semaphore_mem>> -> memref<1x!tpu.dma_semaphore, #tpu.memory_space<semaphore_mem>>
          %dma_start3A_224 = tpu.memref_squeeze %dma_start3A_223 : memref<1x!tpu.dma_semaphore, #tpu.memory_space<semaphore_mem>> -> memref<!tpu.dma_semaphore, #tpu.memory_space<semaphore_mem>>
          tpu.enqueue_indirect_dma source(%arg13 : memref<125x16xf32, #tpu.memory_space<vmem>>) target(%dma_start3A_222 : memref<50176x16xf32, #tpu.memory_space<vmem_shared>>) offsets(%dma_start3A_219 : memref<125xi32, #tpu.memory_space<vmem>>) semaphore(%dma_start3A_224 : memref<!tpu.dma_semaphore, #tpu.memory_space<semaphore_mem>>) {add = true}
          %dma_wait3A_225 = arith.constant 4 : i32
          %dma_wait3A_226 = arith.constant 0 : i32
          %dma_wait3A_227 = tpu.memref_slice %arg8[%add3A_89, %dma_wait3A_226] : memref<40x125xi32, #tpu.memory_space<vmem>> -> memref<1x125xi32, #tpu.memory_space<vmem>>
          %dma_wait3A_228 = tpu.memref_squeeze %dma_wait3A_227 : memref<1x125xi32, #tpu.memory_space<vmem>> -> memref<125xi32, #tpu.memory_space<vmem>>
          %dma_wait3A_229 = arith.constant 0 : i32
          %dma_wait3A_230 = arith.constant 0 : i32
          %dma_wait3A_231 = tpu.memref_slice %arg20[%dma_wait3A_229, %dma_wait3A_230] : memref<51200x16xf32, #tpu.memory_space<vmem_shared>> -> memref<51200x16xf32, #tpu.memory_space<vmem_shared>>
          %dma_wait3A_232 = tpu.memref_slice %arg18[%dma_wait3A_225] : memref<8x!tpu.dma_semaphore, #tpu.memory_space<semaphore_mem>> -> memref<1x!tpu.dma_semaphore, #tpu.memory_space<semaphore_mem>>
          %dma_wait3A_233 = tpu.memref_squeeze %dma_wait3A_232 : memref<1x!tpu.dma_semaphore, #tpu.memory_space<semaphore_mem>> -> memref<!tpu.dma_semaphore, #tpu.memory_space<semaphore_mem>>
          tpu.wait_indirect_dma semaphore(%dma_wait3A_233 : memref<!tpu.dma_semaphore, #tpu.memory_space<semaphore_mem>>) src(%dma_wait3A_231 : memref<51200x16xf32, #tpu.memory_space<vmem_shared>>) dst(%arg14 : memref<125x16xf32, #tpu.memory_space<vmem>>)
          %mul3A_234 = arith.constant 8 : i32
          %mul3A_235 = arith.muli %add3A_34, %mul3A_234 : i32
          %add3A_236 = arith.constant 4 : i32
          %add3A_237 = arith.addi %mul3A_235, %add3A_236 : i32
          %dma_start3A_238 = arith.constant 4 : i32
          %dma_start3A_239 = arith.constant 0 : i32
          %dma_start3A_240 = tpu.memref_slice %arg9[%add3A_237, %dma_start3A_239] : memref<40x125xi32, #tpu.memory_space<vmem>> -> memref<1x125xi32, #tpu.memory_space<vmem>>
          %dma_start3A_241 = tpu.memref_squeeze %dma_start3A_240 : memref<1x125xi32, #tpu.memory_space<vmem>> -> memref<125xi32, #tpu.memory_space<vmem>>
          %dma_start3A_242 = arith.constant 0 : i32
          %dma_start3A_243 = arith.constant 0 : i32
          %dma_start3A_244 = tpu.memref_slice %arg7[%dma_start3A_242, %dma_start3A_243] : memref<50176x16xf32, #tpu.memory_space<vmem_shared>> -> memref<50176x16xf32, #tpu.memory_space<vmem_shared>>
          %dma_start3A_245 = tpu.memref_slice %arg19[%dma_start3A_238] : memref<8x!tpu.dma_semaphore, #tpu.memory_space<semaphore_mem>> -> memref<1x!tpu.dma_semaphore, #tpu.memory_space<semaphore_mem>>
          %dma_start3A_246 = tpu.memref_squeeze %dma_start3A_245 : memref<1x!tpu.dma_semaphore, #tpu.memory_space<semaphore_mem>> -> memref<!tpu.dma_semaphore, #tpu.memory_space<semaphore_mem>>
          tpu.enqueue_indirect_dma source(%arg14 : memref<125x16xf32, #tpu.memory_space<vmem>>) target(%dma_start3A_244 : memref<50176x16xf32, #tpu.memory_space<vmem_shared>>) offsets(%dma_start3A_241 : memref<125xi32, #tpu.memory_space<vmem>>) semaphore(%dma_start3A_246 : memref<!tpu.dma_semaphore, #tpu.memory_space<semaphore_mem>>) {add = true}
          %dma_wait3A_247 = arith.constant 5 : i32
          %dma_wait3A_248 = arith.constant 0 : i32
          %dma_wait3A_249 = tpu.memref_slice %arg8[%add3A_102, %dma_wait3A_248] : memref<40x125xi32, #tpu.memory_space<vmem>> -> memref<1x125xi32, #tpu.memory_space<vmem>>
          %dma_wait3A_250 = tpu.memref_squeeze %dma_wait3A_249 : memref<1x125xi32, #tpu.memory_space<vmem>> -> memref<125xi32, #tpu.memory_space<vmem>>
          %dma_wait3A_251 = arith.constant 0 : i32
          %dma_wait3A_252 = arith.constant 0 : i32
          %dma_wait3A_253 = tpu.memref_slice %arg20[%dma_wait3A_251, %dma_wait3A_252] : memref<51200x16xf32, #tpu.memory_space<vmem_shared>> -> memref<51200x16xf32, #tpu.memory_space<vmem_shared>>
          %dma_wait3A_254 = tpu.memref_slice %arg18[%dma_wait3A_247] : memref<8x!tpu.dma_semaphore, #tpu.memory_space<semaphore_mem>> -> memref<1x!tpu.dma_semaphore, #tpu.memory_space<semaphore_mem>>
          %dma_wait3A_255 = tpu.memref_squeeze %dma_wait3A_254 : memref<1x!tpu.dma_semaphore, #tpu.memory_space<semaphore_mem>> -> memref<!tpu.dma_semaphore, #tpu.memory_space<semaphore_mem>>
          tpu.wait_indirect_dma semaphore(%dma_wait3A_255 : memref<!tpu.dma_semaphore, #tpu.memory_space<semaphore_mem>>) src(%dma_wait3A_253 : memref<51200x16xf32, #tpu.memory_space<vmem_shared>>) dst(%arg15 : memref<125x16xf32, #tpu.memory_space<vmem>>)
          %mul3A_256 = arith.constant 8 : i32
          %mul3A_257 = arith.muli %add3A_34, %mul3A_256 : i32
          %add3A_258 = arith.constant 5 : i32
          %add3A_259 = arith.addi %mul3A_257, %add3A_258 : i32
          %dma_start3A_260 = arith.constant 5 : i32
          %dma_start3A_261 = arith.constant 0 : i32
          %dma_start3A_262 = tpu.memref_slice %arg9[%add3A_259, %dma_start3A_261] : memref<40x125xi32, #tpu.memory_space<vmem>> -> memref<1x125xi32, #tpu.memory_space<vmem>>
          %dma_start3A_263 = tpu.memref_squeeze %dma_start3A_262 : memref<1x125xi32, #tpu.memory_space<vmem>> -> memref<125xi32, #tpu.memory_space<vmem>>
          %dma_start3A_264 = arith.constant 0 : i32
          %dma_start3A_265 = arith.constant 0 : i32
          %dma_start3A_266 = tpu.memref_slice %arg7[%dma_start3A_264, %dma_start3A_265] : memref<50176x16xf32, #tpu.memory_space<vmem_shared>> -> memref<50176x16xf32, #tpu.memory_space<vmem_shared>>
          %dma_start3A_267 = tpu.memref_slice %arg19[%dma_start3A_260] : memref<8x!tpu.dma_semaphore, #tpu.memory_space<semaphore_mem>> -> memref<1x!tpu.dma_semaphore, #tpu.memory_space<semaphore_mem>>
          %dma_start3A_268 = tpu.memref_squeeze %dma_start3A_267 : memref<1x!tpu.dma_semaphore, #tpu.memory_space<semaphore_mem>> -> memref<!tpu.dma_semaphore, #tpu.memory_space<semaphore_mem>>
          tpu.enqueue_indirect_dma source(%arg15 : memref<125x16xf32, #tpu.memory_space<vmem>>) target(%dma_start3A_266 : memref<50176x16xf32, #tpu.memory_space<vmem_shared>>) offsets(%dma_start3A_263 : memref<125xi32, #tpu.memory_space<vmem>>) semaphore(%dma_start3A_268 : memref<!tpu.dma_semaphore, #tpu.memory_space<semaphore_mem>>) {add = true}
          %dma_wait3A_269 = arith.constant 6 : i32
          %dma_wait3A_270 = arith.constant 0 : i32
          %dma_wait3A_271 = tpu.memref_slice %arg8[%add3A_115, %dma_wait3A_270] : memref<40x125xi32, #tpu.memory_space<vmem>> -> memref<1x125xi32, #tpu.memory_space<vmem>>
          %dma_wait3A_272 = tpu.memref_squeeze %dma_wait3A_271 : memref<1x125xi32, #tpu.memory_space<vmem>> -> memref<125xi32, #tpu.memory_space<vmem>>
          %dma_wait3A_273 = arith.constant 0 : i32
          %dma_wait3A_274 = arith.constant 0 : i32
          %dma_wait3A_275 = tpu.memref_slice %arg20[%dma_wait3A_273, %dma_wait3A_274] : memref<51200x16xf32, #tpu.memory_space<vmem_shared>> -> memref<51200x16xf32, #tpu.memory_space<vmem_shared>>
          %dma_wait3A_276 = tpu.memref_slice %arg18[%dma_wait3A_269] : memref<8x!tpu.dma_semaphore, #tpu.memory_space<semaphore_mem>> -> memref<1x!tpu.dma_semaphore, #tpu.memory_space<semaphore_mem>>
          %dma_wait3A_277 = tpu.memref_squeeze %dma_wait3A_276 : memref<1x!tpu.dma_semaphore, #tpu.memory_space<semaphore_mem>> -> memref<!tpu.dma_semaphore, #tpu.memory_space<semaphore_mem>>
          tpu.wait_indirect_dma semaphore(%dma_wait3A_277 : memref<!tpu.dma_semaphore, #tpu.memory_space<semaphore_mem>>) src(%dma_wait3A_275 : memref<51200x16xf32, #tpu.memory_space<vmem_shared>>) dst(%arg16 : memref<125x16xf32, #tpu.memory_space<vmem>>)
          %mul3A_278 = arith.constant 8 : i32
          %mul3A_279 = arith.muli %add3A_34, %mul3A_278 : i32
          %add3A_280 = arith.constant 6 : i32
          %add3A_281 = arith.addi %mul3A_279, %add3A_280 : i32
          %dma_start3A_282 = arith.constant 6 : i32
          %dma_start3A_283 = arith.constant 0 : i32
          %dma_start3A_284 = tpu.memref_slice %arg9[%add3A_281, %dma_start3A_283] : memref<40x125xi32, #tpu.memory_space<vmem>> -> memref<1x125xi32, #tpu.memory_space<vmem>>
          %dma_start3A_285 = tpu.memref_squeeze %dma_start3A_284 : memref<1x125xi32, #tpu.memory_space<vmem>> -> memref<125xi32, #tpu.memory_space<vmem>>
          %dma_start3A_286 = arith.constant 0 : i32
          %dma_start3A_287 = arith.constant 0 : i32
          %dma_start3A_288 = tpu.memref_slice %arg7[%dma_start3A_286, %dma_start3A_287] : memref<50176x16xf32, #tpu.memory_space<vmem_shared>> -> memref<50176x16xf32, #tpu.memory_space<vmem_shared>>
          %dma_start3A_289 = tpu.memref_slice %arg19[%dma_start3A_282] : memref<8x!tpu.dma_semaphore, #tpu.memory_space<semaphore_mem>> -> memref<1x!tpu.dma_semaphore, #tpu.memory_space<semaphore_mem>>
          %dma_start3A_290 = tpu.memref_squeeze %dma_start3A_289 : memref<1x!tpu.dma_semaphore, #tpu.memory_space<semaphore_mem>> -> memref<!tpu.dma_semaphore, #tpu.memory_space<semaphore_mem>>
          tpu.enqueue_indirect_dma source(%arg16 : memref<125x16xf32, #tpu.memory_space<vmem>>) target(%dma_start3A_288 : memref<50176x16xf32, #tpu.memory_space<vmem_shared>>) offsets(%dma_start3A_285 : memref<125xi32, #tpu.memory_space<vmem>>) semaphore(%dma_start3A_290 : memref<!tpu.dma_semaphore, #tpu.memory_space<semaphore_mem>>) {add = true}
          %dma_wait3A_291 = arith.constant 7 : i32
          %dma_wait3A_292 = arith.constant 0 : i32
          %dma_wait3A_293 = tpu.memref_slice %arg8[%add3A_128, %dma_wait3A_292] : memref<40x125xi32, #tpu.memory_space<vmem>> -> memref<1x125xi32, #tpu.memory_space<vmem>>
          %dma_wait3A_294 = tpu.memref_squeeze %dma_wait3A_293 : memref<1x125xi32, #tpu.memory_space<vmem>> -> memref<125xi32, #tpu.memory_space<vmem>>
          %dma_wait3A_295 = arith.constant 0 : i32
          %dma_wait3A_296 = arith.constant 0 : i32
          %dma_wait3A_297 = tpu.memref_slice %arg20[%dma_wait3A_295, %dma_wait3A_296] : memref<51200x16xf32, #tpu.memory_space<vmem_shared>> -> memref<51200x16xf32, #tpu.memory_space<vmem_shared>>
          %dma_wait3A_298 = tpu.memref_slice %arg18[%dma_wait3A_291] : memref<8x!tpu.dma_semaphore, #tpu.memory_space<semaphore_mem>> -> memref<1x!tpu.dma_semaphore, #tpu.memory_space<semaphore_mem>>
          %dma_wait3A_299 = tpu.memref_squeeze %dma_wait3A_298 : memref<1x!tpu.dma_semaphore, #tpu.memory_space<semaphore_mem>> -> memref<!tpu.dma_semaphore, #tpu.memory_space<semaphore_mem>>
          tpu.wait_indirect_dma semaphore(%dma_wait3A_299 : memref<!tpu.dma_semaphore, #tpu.memory_space<semaphore_mem>>) src(%dma_wait3A_297 : memref<51200x16xf32, #tpu.memory_space<vmem_shared>>) dst(%arg17 : memref<125x16xf32, #tpu.memory_space<vmem>>)
          %mul3A_300 = arith.constant 8 : i32
          %mul3A_301 = arith.muli %add3A_34, %mul3A_300 : i32
          %add3A_302 = arith.constant 7 : i32
          %add3A_303 = arith.addi %mul3A_301, %add3A_302 : i32
          %dma_start3A_304 = arith.constant 7 : i32
          %dma_start3A_305 = arith.constant 0 : i32
          %dma_start3A_306 = tpu.memref_slice %arg9[%add3A_303, %dma_start3A_305] : memref<40x125xi32, #tpu.memory_space<vmem>> -> memref<1x125xi32, #tpu.memory_space<vmem>>
          %dma_start3A_307 = tpu.memref_squeeze %dma_start3A_306 : memref<1x125xi32, #tpu.memory_space<vmem>> -> memref<125xi32, #tpu.memory_space<vmem>>
          %dma_start3A_308 = arith.constant 0 : i32
          %dma_start3A_309 = arith.constant 0 : i32
          %dma_start3A_310 = tpu.memref_slice %arg7[%dma_start3A_308, %dma_start3A_309] : memref<50176x16xf32, #tpu.memory_space<vmem_shared>> -> memref<50176x16xf32, #tpu.memory_space<vmem_shared>>
          %dma_start3A_311 = tpu.memref_slice %arg19[%dma_start3A_304] : memref<8x!tpu.dma_semaphore, #tpu.memory_space<semaphore_mem>> -> memref<1x!tpu.dma_semaphore, #tpu.memory_space<semaphore_mem>>
          %dma_start3A_312 = tpu.memref_squeeze %dma_start3A_311 : memref<1x!tpu.dma_semaphore, #tpu.memory_space<semaphore_mem>> -> memref<!tpu.dma_semaphore, #tpu.memory_space<semaphore_mem>>
          tpu.enqueue_indirect_dma source(%arg17 : memref<125x16xf32, #tpu.memory_space<vmem>>) target(%dma_start3A_310 : memref<50176x16xf32, #tpu.memory_space<vmem_shared>>) offsets(%dma_start3A_307 : memref<125xi32, #tpu.memory_space<vmem>>) semaphore(%dma_start3A_312 : memref<!tpu.dma_semaphore, #tpu.memory_space<semaphore_mem>>) {add = true}
          %dma_wait3A_313 = arith.constant 0 : i32
          %dma_wait3A_314 = arith.constant 0 : i32
          %dma_wait3A_315 = tpu.memref_slice %arg9[%add3A_149, %dma_wait3A_314] : memref<40x125xi32, #tpu.memory_space<vmem>> -> memref<1x125xi32, #tpu.memory_space<vmem>>
          %dma_wait3A_316 = tpu.memref_squeeze %dma_wait3A_315 : memref<1x125xi32, #tpu.memory_space<vmem>> -> memref<125xi32, #tpu.memory_space<vmem>>
          %dma_wait3A_317 = arith.constant 0 : i32
          %dma_wait3A_318 = arith.constant 0 : i32
          %dma_wait3A_319 = tpu.memref_slice %arg7[%dma_wait3A_317, %dma_wait3A_318] : memref<50176x16xf32, #tpu.memory_space<vmem_shared>> -> memref<50176x16xf32, #tpu.memory_space<vmem_shared>>
          %dma_wait3A_320 = tpu.memref_slice %arg19[%dma_wait3A_313] : memref<8x!tpu.dma_semaphore, #tpu.memory_space<semaphore_mem>> -> memref<1x!tpu.dma_semaphore, #tpu.memory_space<semaphore_mem>>
          %dma_wait3A_321 = tpu.memref_squeeze %dma_wait3A_320 : memref<1x!tpu.dma_semaphore, #tpu.memory_space<semaphore_mem>> -> memref<!tpu.dma_semaphore, #tpu.memory_space<semaphore_mem>>
          tpu.wait_indirect_dma semaphore(%dma_wait3A_321 : memref<!tpu.dma_semaphore, #tpu.memory_space<semaphore_mem>>) src(%arg10 : memref<125x16xf32, #tpu.memory_space<vmem>>) dst(%dma_wait3A_319 : memref<50176x16xf32, #tpu.memory_space<vmem_shared>>)
          %dma_wait3A_322 = arith.constant 1 : i32
          %dma_wait3A_323 = arith.constant 0 : i32
          %dma_wait3A_324 = tpu.memref_slice %arg9[%add3A_171, %dma_wait3A_323] : memref<40x125xi32, #tpu.memory_space<vmem>> -> memref<1x125xi32, #tpu.memory_space<vmem>>
          %dma_wait3A_325 = tpu.memref_squeeze %dma_wait3A_324 : memref<1x125xi32, #tpu.memory_space<vmem>> -> memref<125xi32, #tpu.memory_space<vmem>>
          %dma_wait3A_326 = arith.constant 0 : i32
          %dma_wait3A_327 = arith.constant 0 : i32
          %dma_wait3A_328 = tpu.memref_slice %arg7[%dma_wait3A_326, %dma_wait3A_327] : memref<50176x16xf32, #tpu.memory_space<vmem_shared>> -> memref<50176x16xf32, #tpu.memory_space<vmem_shared>>
          %dma_wait3A_329 = tpu.memref_slice %arg19[%dma_wait3A_322] : memref<8x!tpu.dma_semaphore, #tpu.memory_space<semaphore_mem>> -> memref<1x!tpu.dma_semaphore, #tpu.memory_space<semaphore_mem>>
          %dma_wait3A_330 = tpu.memref_squeeze %dma_wait3A_329 : memref<1x!tpu.dma_semaphore, #tpu.memory_space<semaphore_mem>> -> memref<!tpu.dma_semaphore, #tpu.memory_space<semaphore_mem>>
          tpu.wait_indirect_dma semaphore(%dma_wait3A_330 : memref<!tpu.dma_semaphore, #tpu.memory_space<semaphore_mem>>) src(%arg11 : memref<125x16xf32, #tpu.memory_space<vmem>>) dst(%dma_wait3A_328 : memref<50176x16xf32, #tpu.memory_space<vmem_shared>>)
          %dma_wait3A_331 = arith.constant 2 : i32
          %dma_wait3A_332 = arith.constant 0 : i32
          %dma_wait3A_333 = tpu.memref_slice %arg9[%add3A_193, %dma_wait3A_332] : memref<40x125xi32, #tpu.memory_space<vmem>> -> memref<1x125xi32, #tpu.memory_space<vmem>>
          %dma_wait3A_334 = tpu.memref_squeeze %dma_wait3A_333 : memref<1x125xi32, #tpu.memory_space<vmem>> -> memref<125xi32, #tpu.memory_space<vmem>>
          %dma_wait3A_335 = arith.constant 0 : i32
          %dma_wait3A_336 = arith.constant 0 : i32
          %dma_wait3A_337 = tpu.memref_slice %arg7[%dma_wait3A_335, %dma_wait3A_336] : memref<50176x16xf32, #tpu.memory_space<vmem_shared>> -> memref<50176x16xf32, #tpu.memory_space<vmem_shared>>
          %dma_wait3A_338 = tpu.memref_slice %arg19[%dma_wait3A_331] : memref<8x!tpu.dma_semaphore, #tpu.memory_space<semaphore_mem>> -> memref<1x!tpu.dma_semaphore, #tpu.memory_space<semaphore_mem>>
          %dma_wait3A_339 = tpu.memref_squeeze %dma_wait3A_338 : memref<1x!tpu.dma_semaphore, #tpu.memory_space<semaphore_mem>> -> memref<!tpu.dma_semaphore, #tpu.memory_space<semaphore_mem>>
          tpu.wait_indirect_dma semaphore(%dma_wait3A_339 : memref<!tpu.dma_semaphore, #tpu.memory_space<semaphore_mem>>) src(%arg12 : memref<125x16xf32, #tpu.memory_space<vmem>>) dst(%dma_wait3A_337 : memref<50176x16xf32, #tpu.memory_space<vmem_shared>>)
          %dma_wait3A_340 = arith.constant 3 : i32
          %dma_wait3A_341 = arith.constant 0 : i32
          %dma_wait3A_342 = tpu.memref_slice %arg9[%add3A_215, %dma_wait3A_341] : memref<40x125xi32, #tpu.memory_space<vmem>> -> memref<1x125xi32, #tpu.memory_space<vmem>>
          %dma_wait3A_343 = tpu.memref_squeeze %dma_wait3A_342 : memref<1x125xi32, #tpu.memory_space<vmem>> -> memref<125xi32, #tpu.memory_space<vmem>>
          %dma_wait3A_344 = arith.constant 0 : i32
          %dma_wait3A_345 = arith.constant 0 : i32
          %dma_wait3A_346 = tpu.memref_slice %arg7[%dma_wait3A_344, %dma_wait3A_345] : memref<50176x16xf32, #tpu.memory_space<vmem_shared>> -> memref<50176x16xf32, #tpu.memory_space<vmem_shared>>
          %dma_wait3A_347 = tpu.memref_slice %arg19[%dma_wait3A_340] : memref<8x!tpu.dma_semaphore, #tpu.memory_space<semaphore_mem>> -> memref<1x!tpu.dma_semaphore, #tpu.memory_space<semaphore_mem>>
          %dma_wait3A_348 = tpu.memref_squeeze %dma_wait3A_347 : memref<1x!tpu.dma_semaphore, #tpu.memory_space<semaphore_mem>> -> memref<!tpu.dma_semaphore, #tpu.memory_space<semaphore_mem>>
          tpu.wait_indirect_dma semaphore(%dma_wait3A_348 : memref<!tpu.dma_semaphore, #tpu.memory_space<semaphore_mem>>) src(%arg13 : memref<125x16xf32, #tpu.memory_space<vmem>>) dst(%dma_wait3A_346 : memref<50176x16xf32, #tpu.memory_space<vmem_shared>>)
          %dma_wait3A_349 = arith.constant 4 : i32
          %dma_wait3A_350 = arith.constant 0 : i32
          %dma_wait3A_351 = tpu.memref_slice %arg9[%add3A_237, %dma_wait3A_350] : memref<40x125xi32, #tpu.memory_space<vmem>> -> memref<1x125xi32, #tpu.memory_space<vmem>>
          %dma_wait3A_352 = tpu.memref_squeeze %dma_wait3A_351 : memref<1x125xi32, #tpu.memory_space<vmem>> -> memref<125xi32, #tpu.memory_space<vmem>>
          %dma_wait3A_353 = arith.constant 0 : i32
          %dma_wait3A_354 = arith.constant 0 : i32
          %dma_wait3A_355 = tpu.memref_slice %arg7[%dma_wait3A_353, %dma_wait3A_354] : memref<50176x16xf32, #tpu.memory_space<vmem_shared>> -> memref<50176x16xf32, #tpu.memory_space<vmem_shared>>
          %dma_wait3A_356 = tpu.memref_slice %arg19[%dma_wait3A_349] : memref<8x!tpu.dma_semaphore, #tpu.memory_space<semaphore_mem>> -> memref<1x!tpu.dma_semaphore, #tpu.memory_space<semaphore_mem>>
          %dma_wait3A_357 = tpu.memref_squeeze %dma_wait3A_356 : memref<1x!tpu.dma_semaphore, #tpu.memory_space<semaphore_mem>> -> memref<!tpu.dma_semaphore, #tpu.memory_space<semaphore_mem>>
          tpu.wait_indirect_dma semaphore(%dma_wait3A_357 : memref<!tpu.dma_semaphore, #tpu.memory_space<semaphore_mem>>) src(%arg14 : memref<125x16xf32, #tpu.memory_space<vmem>>) dst(%dma_wait3A_355 : memref<50176x16xf32, #tpu.memory_space<vmem_shared>>)
          %dma_wait3A_358 = arith.constant 5 : i32
          %dma_wait3A_359 = arith.constant 0 : i32
          %dma_wait3A_360 = tpu.memref_slice %arg9[%add3A_259, %dma_wait3A_359] : memref<40x125xi32, #tpu.memory_space<vmem>> -> memref<1x125xi32, #tpu.memory_space<vmem>>
          %dma_wait3A_361 = tpu.memref_squeeze %dma_wait3A_360 : memref<1x125xi32, #tpu.memory_space<vmem>> -> memref<125xi32, #tpu.memory_space<vmem>>
          %dma_wait3A_362 = arith.constant 0 : i32
          %dma_wait3A_363 = arith.constant 0 : i32
          %dma_wait3A_364 = tpu.memref_slice %arg7[%dma_wait3A_362, %dma_wait3A_363] : memref<50176x16xf32, #tpu.memory_space<vmem_shared>> -> memref<50176x16xf32, #tpu.memory_space<vmem_shared>>
          %dma_wait3A_365 = tpu.memref_slice %arg19[%dma_wait3A_358] : memref<8x!tpu.dma_semaphore, #tpu.memory_space<semaphore_mem>> -> memref<1x!tpu.dma_semaphore, #tpu.memory_space<semaphore_mem>>
          %dma_wait3A_366 = tpu.memref_squeeze %dma_wait3A_365 : memref<1x!tpu.dma_semaphore, #tpu.memory_space<semaphore_mem>> -> memref<!tpu.dma_semaphore, #tpu.memory_space<semaphore_mem>>
          tpu.wait_indirect_dma semaphore(%dma_wait3A_366 : memref<!tpu.dma_semaphore, #tpu.memory_space<semaphore_mem>>) src(%arg15 : memref<125x16xf32, #tpu.memory_space<vmem>>) dst(%dma_wait3A_364 : memref<50176x16xf32, #tpu.memory_space<vmem_shared>>)
          %dma_wait3A_367 = arith.constant 6 : i32
          %dma_wait3A_368 = arith.constant 0 : i32
          %dma_wait3A_369 = tpu.memref_slice %arg9[%add3A_281, %dma_wait3A_368] : memref<40x125xi32, #tpu.memory_space<vmem>> -> memref<1x125xi32, #tpu.memory_space<vmem>>
          %dma_wait3A_370 = tpu.memref_squeeze %dma_wait3A_369 : memref<1x125xi32, #tpu.memory_space<vmem>> -> memref<125xi32, #tpu.memory_space<vmem>>
          %dma_wait3A_371 = arith.constant 0 : i32
          %dma_wait3A_372 = arith.constant 0 : i32
          %dma_wait3A_373 = tpu.memref_slice %arg7[%dma_wait3A_371, %dma_wait3A_372] : memref<50176x16xf32, #tpu.memory_space<vmem_shared>> -> memref<50176x16xf32, #tpu.memory_space<vmem_shared>>
          %dma_wait3A_374 = tpu.memref_slice %arg19[%dma_wait3A_367] : memref<8x!tpu.dma_semaphore, #tpu.memory_space<semaphore_mem>> -> memref<1x!tpu.dma_semaphore, #tpu.memory_space<semaphore_mem>>
          %dma_wait3A_375 = tpu.memref_squeeze %dma_wait3A_374 : memref<1x!tpu.dma_semaphore, #tpu.memory_space<semaphore_mem>> -> memref<!tpu.dma_semaphore, #tpu.memory_space<semaphore_mem>>
          tpu.wait_indirect_dma semaphore(%dma_wait3A_375 : memref<!tpu.dma_semaphore, #tpu.memory_space<semaphore_mem>>) src(%arg16 : memref<125x16xf32, #tpu.memory_space<vmem>>) dst(%dma_wait3A_373 : memref<50176x16xf32, #tpu.memory_space<vmem_shared>>)
          %dma_wait3A_376 = arith.constant 7 : i32
          %dma_wait3A_377 = arith.constant 0 : i32
          %dma_wait3A_378 = tpu.memref_slice %arg9[%add3A_303, %dma_wait3A_377] : memref<40x125xi32, #tpu.memory_space<vmem>> -> memref<1x125xi32, #tpu.memory_space<vmem>>
          %dma_wait3A_379 = tpu.memref_squeeze %dma_wait3A_378 : memref<1x125xi32, #tpu.memory_space<vmem>> -> memref<125xi32, #tpu.memory_space<vmem>>
          %dma_wait3A_380 = arith.constant 0 : i32
          %dma_wait3A_381 = arith.constant 0 : i32
          %dma_wait3A_382 = tpu.memref_slice %arg7[%dma_wait3A_380, %dma_wait3A_381] : memref<50176x16xf32, #tpu.memory_space<vmem_shared>> -> memref<50176x16xf32, #tpu.memory_space<vmem_shared>>
          %dma_wait3A_383 = tpu.memref_slice %arg19[%dma_wait3A_376] : memref<8x!tpu.dma_semaphore, #tpu.memory_space<semaphore_mem>> -> memref<1x!tpu.dma_semaphore, #tpu.memory_space<semaphore_mem>>
          %dma_wait3A_384 = tpu.memref_squeeze %dma_wait3A_383 : memref<1x!tpu.dma_semaphore, #tpu.memory_space<semaphore_mem>> -> memref<!tpu.dma_semaphore, #tpu.memory_space<semaphore_mem>>
          tpu.wait_indirect_dma semaphore(%dma_wait3A_384 : memref<!tpu.dma_semaphore, #tpu.memory_space<semaphore_mem>>) src(%arg17 : memref<125x16xf32, #tpu.memory_space<vmem>>) dst(%dma_wait3A_382 : memref<50176x16xf32, #tpu.memory_space<vmem_shared>>)
        }
        %scan3A_29 = arith.constant 5 : i32
      }
      %scan3A_13 = arith.constant 10 : i32
      %barrier3A_14 = arith.constant 0 : index
      tpu.barrier barrier_id(%barrier3A_14)
      "tpu.region"() ({
        %run_scoped3A = tpu.sem_alloc : memref<!tpu.dma_semaphore, #tpu.memory_space<semaphore_mem>>
        %dma_start3A = arith.constant 0 : i32
        %dma_start3A_15 = tpu.memref_slice %arg6[%mul3A_0, %dma_start3A] : memref<51200x16xf32, #tpu.memory_space<hbm>> -> memref<3136x16xf32, #tpu.memory_space<hbm>>
        %dma_start3A_16 = arith.constant 0 : i32
        %dma_start3A_17 = tpu.memref_slice %arg7[%mul3A_0, %dma_start3A_16] : memref<50176x16xf32, #tpu.memory_space<vmem_shared>> -> memref<3136x16xf32, #tpu.memory_space<vmem_shared>>
        tpu.enqueue_dma source(%dma_start3A_17 : memref<3136x16xf32, #tpu.memory_space<vmem_shared>>) target(%dma_start3A_15 : memref<3136x16xf32, #tpu.memory_space<hbm>>) target_semaphore(%run_scoped3A : memref<!tpu.dma_semaphore, #tpu.memory_space<semaphore_mem>>)
        %dma_wait3A = arith.constant 0 : i32
        %dma_wait3A_18 = tpu.memref_slice %arg6[%mul3A_0, %dma_wait3A] : memref<51200x16xf32, #tpu.memory_space<hbm>> -> memref<3136x16xf32, #tpu.memory_space<hbm>>
        %dma_wait3A_19 = arith.constant 0 : i32
        %dma_wait3A_20 = tpu.memref_slice %arg7[%mul3A_0, %dma_wait3A_19] : memref<50176x16xf32, #tpu.memory_space<vmem_shared>> -> memref<3136x16xf32, #tpu.memory_space<vmem_shared>>
        tpu.wait_dma2 semaphore(%run_scoped3A : memref<!tpu.dma_semaphore, #tpu.memory_space<semaphore_mem>>) src(%dma_wait3A_20 : memref<3136x16xf32, #tpu.memory_space<vmem_shared>>) dst(%dma_wait3A_18 : memref<3136x16xf32, #tpu.memory_space<hbm>>)
        tpu.yield
      }) : () -> ()
    } else {
    }
    return
  }
}

#map = affine_map<(d0, d1) -> (0, 0)>
#map1 = affine_map<(d0, d1) -> (0, 0, 0)>
module attributes {stable_mosaic.version = 14 : i64} {
  func.func @edge_pass(%arg0: i32, %arg1: i32, %arg2: memref<51200x32xf32, #tpu.memory_space<hbm>>, %arg3: memref<51200x32xf32, #tpu.memory_space<hbm>>, %arg4: memref<2x6400x125xi32, #tpu.memory_space<hbm>>, %arg5: memref<51200x32xf32, #tpu.memory_space<hbm>>, %arg6: memref<51200x32xf32, #tpu.memory_space<hbm>>, %arg7: memref<50176x32xf32, #tpu.memory_space<vmem_shared>>, %arg8: memref<40x125xi32, #tpu.memory_space<vmem>>, %arg9: memref<40x125xi32, #tpu.memory_space<vmem>>, %arg10: memref<125x32xf32, #tpu.memory_space<vmem>>, %arg11: memref<125x32xf32, #tpu.memory_space<vmem>>, %arg12: memref<125x32xf32, #tpu.memory_space<vmem>>, %arg13: memref<125x32xf32, #tpu.memory_space<vmem>>, %arg14: memref<125x32xf32, #tpu.memory_space<vmem>>, %arg15: memref<5x!tpu.dma_semaphore, #tpu.memory_space<semaphore_mem>>, %arg16: memref<5x!tpu.dma_semaphore, #tpu.memory_space<semaphore_mem>>) attributes {dimension_semantics = [#tpu.dimension_semantics<core_parallel>, #tpu.dimension_semantics<subcore_parallel>], iteration_bounds = array<i64: 2, 16>, scalar_prefetch = 0 : i64, scratch_operands = 10 : i64, tpu.core_type = #tpu.core_type<sc_vector_subcore>, window_params = [{transform_indices = #map}, {transform_indices = #map}, {transform_indices = #map1}, {transform_indices = #map}, {transform_indices = #map}]} {
    %mul3A = arith.constant 3136 : i32
    %mul3A_0 = arith.muli %arg1, %mul3A : i32
    %eq3A = arith.constant 0 : i32
    %eq3A_1 = arith.cmpi eq, %arg0, %eq3A : i32
    %convert_element_type3A = arith.extui %eq3A_1 : i1 to i32
    %cond3A = arith.constant 0 : i32
    %cond3A_2 = arith.cmpi ne, %convert_element_type3A, %cond3A : i32
    scf.if %cond3A_2 {
      "tpu.region"() ({
        %run_scoped3A = tpu.sem_alloc : memref<!tpu.dma_semaphore, #tpu.memory_space<semaphore_mem>>
        %dma_start3A = arith.constant 0 : i32
        %dma_start3A_13 = tpu.memref_slice %arg7[%mul3A_0, %dma_start3A] : memref<50176x32xf32, #tpu.memory_space<vmem_shared>> -> memref<3136x32xf32, #tpu.memory_space<vmem_shared>>
        %dma_start3A_14 = arith.constant 0 : i32
        %dma_start3A_15 = tpu.memref_slice %arg2[%mul3A_0, %dma_start3A_14] : memref<51200x32xf32, #tpu.memory_space<hbm>> -> memref<3136x32xf32, #tpu.memory_space<hbm>>
        tpu.enqueue_dma source(%dma_start3A_15 : memref<3136x32xf32, #tpu.memory_space<hbm>>) target(%dma_start3A_13 : memref<3136x32xf32, #tpu.memory_space<vmem_shared>>) target_semaphore(%run_scoped3A : memref<!tpu.dma_semaphore, #tpu.memory_space<semaphore_mem>>)
        %dma_wait3A = arith.constant 0 : i32
        %dma_wait3A_16 = tpu.memref_slice %arg7[%mul3A_0, %dma_wait3A] : memref<50176x32xf32, #tpu.memory_space<vmem_shared>> -> memref<3136x32xf32, #tpu.memory_space<vmem_shared>>
        %dma_wait3A_17 = arith.constant 0 : i32
        %dma_wait3A_18 = tpu.memref_slice %arg2[%mul3A_0, %dma_wait3A_17] : memref<51200x32xf32, #tpu.memory_space<hbm>> -> memref<3136x32xf32, #tpu.memory_space<hbm>>
        tpu.wait_dma2 semaphore(%run_scoped3A : memref<!tpu.dma_semaphore, #tpu.memory_space<semaphore_mem>>) src(%dma_wait3A_18 : memref<3136x32xf32, #tpu.memory_space<hbm>>) dst(%dma_wait3A_16 : memref<3136x32xf32, #tpu.memory_space<vmem_shared>>)
        tpu.yield
      }) : () -> ()
      %barrier3A = arith.constant 0 : index
      tpu.barrier barrier_id(%barrier3A)
      %scan3A = arith.constant 0 : i32
      %scan3A_8 = arith.constant 10 : i32
      %scan3A_9 = arith.addi %scan3A, %scan3A_8 : i32
      %scan3A_10 = arith.constant 1 : i32
      scf.for %scan3A_13 = %scan3A to %scan3A_9 step %scan3A_10  : i32 {
        %mul3A_14 = arith.constant 1 : i32
        %mul3A_15 = arith.muli %scan3A_13, %mul3A_14 : i32
        %add3A = arith.constant 0 : i32
        %add3A_16 = arith.addi %add3A, %mul3A_15 : i32
        %mul3A_17 = arith.constant 400 : i32
        %mul3A_18 = arith.muli %arg1, %mul3A_17 : i32
        %mul3A_19 = arith.constant 40 : i32
        %mul3A_20 = arith.muli %add3A_16, %mul3A_19 : i32
        %add3A_21 = arith.addi %mul3A_18, %mul3A_20 : i32
        %run_scoped3A = arith.constant 0 : i32
        "tpu.region"() ({
          %run_scoped3A_28 = tpu.sem_alloc : memref<!tpu.dma_semaphore, #tpu.memory_space<semaphore_mem>>
          %dma_start3A = arith.constant 0 : i32
          %dma_start3A_29 = tpu.memref_slice %arg4[%run_scoped3A, %add3A_21, %dma_start3A] : memref<2x6400x125xi32, #tpu.memory_space<hbm>> -> memref<1x40x125xi32, #tpu.memory_space<hbm>>
          %dma_start3A_30 = tpu.memref_squeeze %dma_start3A_29 : memref<1x40x125xi32, #tpu.memory_space<hbm>> -> memref<40x125xi32, #tpu.memory_space<hbm>>
          %dma_start3A_31 = arith.constant 0 : i32
          %dma_start3A_32 = tpu.memref_slice %arg4[%run_scoped3A, %add3A_21, %dma_start3A_31] : memref<2x6400x125xi32, #tpu.memory_space<hbm>> -> memref<1x40x125xi32, #tpu.memory_space<hbm>>
          %dma_start3A_33 = tpu.memref_squeeze %dma_start3A_32 : memref<1x40x125xi32, #tpu.memory_space<hbm>> -> memref<40x125xi32, #tpu.memory_space<hbm>>
          tpu.enqueue_dma source(%dma_start3A_33 : memref<40x125xi32, #tpu.memory_space<hbm>>) target(%arg8 : memref<40x125xi32, #tpu.memory_space<vmem>>) target_semaphore(%run_scoped3A_28 : memref<!tpu.dma_semaphore, #tpu.memory_space<semaphore_mem>>)
          %dma_wait3A = arith.constant 0 : i32
          %dma_wait3A_34 = tpu.memref_slice %arg4[%run_scoped3A, %add3A_21, %dma_wait3A] : memref<2x6400x125xi32, #tpu.memory_space<hbm>> -> memref<1x40x125xi32, #tpu.memory_space<hbm>>
          %dma_wait3A_35 = tpu.memref_squeeze %dma_wait3A_34 : memref<1x40x125xi32, #tpu.memory_space<hbm>> -> memref<40x125xi32, #tpu.memory_space<hbm>>
          %dma_wait3A_36 = arith.constant 0 : i32
          %dma_wait3A_37 = tpu.memref_slice %arg4[%run_scoped3A, %add3A_21, %dma_wait3A_36] : memref<2x6400x125xi32, #tpu.memory_space<hbm>> -> memref<1x40x125xi32, #tpu.memory_space<hbm>>
          %dma_wait3A_38 = tpu.memref_squeeze %dma_wait3A_37 : memref<1x40x125xi32, #tpu.memory_space<hbm>> -> memref<40x125xi32, #tpu.memory_space<hbm>>
          tpu.wait_dma2 semaphore(%run_scoped3A_28 : memref<!tpu.dma_semaphore, #tpu.memory_space<semaphore_mem>>) src(%dma_wait3A_38 : memref<40x125xi32, #tpu.memory_space<hbm>>) dst(%arg8 : memref<40x125xi32, #tpu.memory_space<vmem>>)
          tpu.yield
        }) : () -> ()
        %run_scoped3A_22 = arith.constant 1 : i32
        "tpu.region"() ({
          %run_scoped3A_28 = tpu.sem_alloc : memref<!tpu.dma_semaphore, #tpu.memory_space<semaphore_mem>>
          %dma_start3A = arith.constant 0 : i32
          %dma_start3A_29 = tpu.memref_slice %arg4[%run_scoped3A_22, %add3A_21, %dma_start3A] : memref<2x6400x125xi32, #tpu.memory_space<hbm>> -> memref<1x40x125xi32, #tpu.memory_space<hbm>>
          %dma_start3A_30 = tpu.memref_squeeze %dma_start3A_29 : memref<1x40x125xi32, #tpu.memory_space<hbm>> -> memref<40x125xi32, #tpu.memory_space<hbm>>
          %dma_start3A_31 = arith.constant 0 : i32
          %dma_start3A_32 = tpu.memref_slice %arg4[%run_scoped3A_22, %add3A_21, %dma_start3A_31] : memref<2x6400x125xi32, #tpu.memory_space<hbm>> -> memref<1x40x125xi32, #tpu.memory_space<hbm>>
          %dma_start3A_33 = tpu.memref_squeeze %dma_start3A_32 : memref<1x40x125xi32, #tpu.memory_space<hbm>> -> memref<40x125xi32, #tpu.memory_space<hbm>>
          tpu.enqueue_dma source(%dma_start3A_33 : memref<40x125xi32, #tpu.memory_space<hbm>>) target(%arg9 : memref<40x125xi32, #tpu.memory_space<vmem>>) target_semaphore(%run_scoped3A_28 : memref<!tpu.dma_semaphore, #tpu.memory_space<semaphore_mem>>)
          %dma_wait3A = arith.constant 0 : i32
          %dma_wait3A_34 = tpu.memref_slice %arg4[%run_scoped3A_22, %add3A_21, %dma_wait3A] : memref<2x6400x125xi32, #tpu.memory_space<hbm>> -> memref<1x40x125xi32, #tpu.memory_space<hbm>>
          %dma_wait3A_35 = tpu.memref_squeeze %dma_wait3A_34 : memref<1x40x125xi32, #tpu.memory_space<hbm>> -> memref<40x125xi32, #tpu.memory_space<hbm>>
          %dma_wait3A_36 = arith.constant 0 : i32
          %dma_wait3A_37 = tpu.memref_slice %arg4[%run_scoped3A_22, %add3A_21, %dma_wait3A_36] : memref<2x6400x125xi32, #tpu.memory_space<hbm>> -> memref<1x40x125xi32, #tpu.memory_space<hbm>>
          %dma_wait3A_38 = tpu.memref_squeeze %dma_wait3A_37 : memref<1x40x125xi32, #tpu.memory_space<hbm>> -> memref<40x125xi32, #tpu.memory_space<hbm>>
          tpu.wait_dma2 semaphore(%run_scoped3A_28 : memref<!tpu.dma_semaphore, #tpu.memory_space<semaphore_mem>>) src(%dma_wait3A_38 : memref<40x125xi32, #tpu.memory_space<hbm>>) dst(%arg9 : memref<40x125xi32, #tpu.memory_space<vmem>>)
          tpu.yield
        }) : () -> ()
        %scan3A_23 = arith.constant 0 : i32
        %scan3A_24 = arith.constant 8 : i32
        %scan3A_25 = arith.addi %scan3A_23, %scan3A_24 : i32
        %scan3A_26 = arith.constant 1 : i32
        scf.for %scan3A_28 = %scan3A_23 to %scan3A_25 step %scan3A_26  : i32 {
          %mul3A_29 = arith.constant 1 : i32
          %mul3A_30 = arith.muli %scan3A_28, %mul3A_29 : i32
          %add3A_31 = arith.constant 0 : i32
          %add3A_32 = arith.addi %add3A_31, %mul3A_30 : i32
          %mul3A_33 = arith.constant 5 : i32
          %mul3A_34 = arith.muli %add3A_32, %mul3A_33 : i32
          %add3A_35 = arith.constant 0 : i32
          %add3A_36 = arith.addi %mul3A_34, %add3A_35 : i32
          %dma_start3A = arith.constant 0 : i32
          %dma_start3A_37 = arith.constant 0 : i32
          %dma_start3A_38 = tpu.memref_slice %arg8[%add3A_36, %dma_start3A_37] : memref<40x125xi32, #tpu.memory_space<vmem>> -> memref<1x125xi32, #tpu.memory_space<vmem>>
          %dma_start3A_39 = tpu.memref_squeeze %dma_start3A_38 : memref<1x125xi32, #tpu.memory_space<vmem>> -> memref<125xi32, #tpu.memory_space<vmem>>
          %dma_start3A_40 = arith.constant 0 : i32
          %dma_start3A_41 = arith.constant 0 : i32
          %dma_start3A_42 = tpu.memref_slice %arg2[%dma_start3A_40, %dma_start3A_41] : memref<51200x32xf32, #tpu.memory_space<hbm>> -> memref<51200x32xf32, #tpu.memory_space<hbm>>
          %dma_start3A_43 = tpu.memref_slice %arg15[%dma_start3A] : memref<5x!tpu.dma_semaphore, #tpu.memory_space<semaphore_mem>> -> memref<1x!tpu.dma_semaphore, #tpu.memory_space<semaphore_mem>>
          %dma_start3A_44 = tpu.memref_squeeze %dma_start3A_43 : memref<1x!tpu.dma_semaphore, #tpu.memory_space<semaphore_mem>> -> memref<!tpu.dma_semaphore, #tpu.memory_space<semaphore_mem>>
          tpu.enqueue_indirect_dma source(%dma_start3A_42 : memref<51200x32xf32, #tpu.memory_space<hbm>>) target(%arg10 : memref<125x32xf32, #tpu.memory_space<vmem>>) offsets(%dma_start3A_39 : memref<125xi32, #tpu.memory_space<vmem>>) semaphore(%dma_start3A_44 : memref<!tpu.dma_semaphore, #tpu.memory_space<semaphore_mem>>)
          %mul3A_45 = arith.constant 5 : i32
          %mul3A_46 = arith.muli %add3A_32, %mul3A_45 : i32
          %add3A_47 = arith.constant 1 : i32
          %add3A_48 = arith.addi %mul3A_46, %add3A_47 : i32
          %dma_start3A_49 = arith.constant 1 : i32
          %dma_start3A_50 = arith.constant 0 : i32
          %dma_start3A_51 = tpu.memref_slice %arg8[%add3A_48, %dma_start3A_50] : memref<40x125xi32, #tpu.memory_space<vmem>> -> memref<1x125xi32, #tpu.memory_space<vmem>>
          %dma_start3A_52 = tpu.memref_squeeze %dma_start3A_51 : memref<1x125xi32, #tpu.memory_space<vmem>> -> memref<125xi32, #tpu.memory_space<vmem>>
          %dma_start3A_53 = arith.constant 0 : i32
          %dma_start3A_54 = arith.constant 0 : i32
          %dma_start3A_55 = tpu.memref_slice %arg2[%dma_start3A_53, %dma_start3A_54] : memref<51200x32xf32, #tpu.memory_space<hbm>> -> memref<51200x32xf32, #tpu.memory_space<hbm>>
          %dma_start3A_56 = tpu.memref_slice %arg15[%dma_start3A_49] : memref<5x!tpu.dma_semaphore, #tpu.memory_space<semaphore_mem>> -> memref<1x!tpu.dma_semaphore, #tpu.memory_space<semaphore_mem>>
          %dma_start3A_57 = tpu.memref_squeeze %dma_start3A_56 : memref<1x!tpu.dma_semaphore, #tpu.memory_space<semaphore_mem>> -> memref<!tpu.dma_semaphore, #tpu.memory_space<semaphore_mem>>
          tpu.enqueue_indirect_dma source(%dma_start3A_55 : memref<51200x32xf32, #tpu.memory_space<hbm>>) target(%arg11 : memref<125x32xf32, #tpu.memory_space<vmem>>) offsets(%dma_start3A_52 : memref<125xi32, #tpu.memory_space<vmem>>) semaphore(%dma_start3A_57 : memref<!tpu.dma_semaphore, #tpu.memory_space<semaphore_mem>>)
          %mul3A_58 = arith.constant 5 : i32
          %mul3A_59 = arith.muli %add3A_32, %mul3A_58 : i32
          %add3A_60 = arith.constant 2 : i32
          %add3A_61 = arith.addi %mul3A_59, %add3A_60 : i32
          %dma_start3A_62 = arith.constant 2 : i32
          %dma_start3A_63 = arith.constant 0 : i32
          %dma_start3A_64 = tpu.memref_slice %arg8[%add3A_61, %dma_start3A_63] : memref<40x125xi32, #tpu.memory_space<vmem>> -> memref<1x125xi32, #tpu.memory_space<vmem>>
          %dma_start3A_65 = tpu.memref_squeeze %dma_start3A_64 : memref<1x125xi32, #tpu.memory_space<vmem>> -> memref<125xi32, #tpu.memory_space<vmem>>
          %dma_start3A_66 = arith.constant 0 : i32
          %dma_start3A_67 = arith.constant 0 : i32
          %dma_start3A_68 = tpu.memref_slice %arg2[%dma_start3A_66, %dma_start3A_67] : memref<51200x32xf32, #tpu.memory_space<hbm>> -> memref<51200x32xf32, #tpu.memory_space<hbm>>
          %dma_start3A_69 = tpu.memref_slice %arg15[%dma_start3A_62] : memref<5x!tpu.dma_semaphore, #tpu.memory_space<semaphore_mem>> -> memref<1x!tpu.dma_semaphore, #tpu.memory_space<semaphore_mem>>
          %dma_start3A_70 = tpu.memref_squeeze %dma_start3A_69 : memref<1x!tpu.dma_semaphore, #tpu.memory_space<semaphore_mem>> -> memref<!tpu.dma_semaphore, #tpu.memory_space<semaphore_mem>>
          tpu.enqueue_indirect_dma source(%dma_start3A_68 : memref<51200x32xf32, #tpu.memory_space<hbm>>) target(%arg12 : memref<125x32xf32, #tpu.memory_space<vmem>>) offsets(%dma_start3A_65 : memref<125xi32, #tpu.memory_space<vmem>>) semaphore(%dma_start3A_70 : memref<!tpu.dma_semaphore, #tpu.memory_space<semaphore_mem>>)
          %mul3A_71 = arith.constant 5 : i32
          %mul3A_72 = arith.muli %add3A_32, %mul3A_71 : i32
          %add3A_73 = arith.constant 3 : i32
          %add3A_74 = arith.addi %mul3A_72, %add3A_73 : i32
          %dma_start3A_75 = arith.constant 3 : i32
          %dma_start3A_76 = arith.constant 0 : i32
          %dma_start3A_77 = tpu.memref_slice %arg8[%add3A_74, %dma_start3A_76] : memref<40x125xi32, #tpu.memory_space<vmem>> -> memref<1x125xi32, #tpu.memory_space<vmem>>
          %dma_start3A_78 = tpu.memref_squeeze %dma_start3A_77 : memref<1x125xi32, #tpu.memory_space<vmem>> -> memref<125xi32, #tpu.memory_space<vmem>>
          %dma_start3A_79 = arith.constant 0 : i32
          %dma_start3A_80 = arith.constant 0 : i32
          %dma_start3A_81 = tpu.memref_slice %arg2[%dma_start3A_79, %dma_start3A_80] : memref<51200x32xf32, #tpu.memory_space<hbm>> -> memref<51200x32xf32, #tpu.memory_space<hbm>>
          %dma_start3A_82 = tpu.memref_slice %arg15[%dma_start3A_75] : memref<5x!tpu.dma_semaphore, #tpu.memory_space<semaphore_mem>> -> memref<1x!tpu.dma_semaphore, #tpu.memory_space<semaphore_mem>>
          %dma_start3A_83 = tpu.memref_squeeze %dma_start3A_82 : memref<1x!tpu.dma_semaphore, #tpu.memory_space<semaphore_mem>> -> memref<!tpu.dma_semaphore, #tpu.memory_space<semaphore_mem>>
          tpu.enqueue_indirect_dma source(%dma_start3A_81 : memref<51200x32xf32, #tpu.memory_space<hbm>>) target(%arg13 : memref<125x32xf32, #tpu.memory_space<vmem>>) offsets(%dma_start3A_78 : memref<125xi32, #tpu.memory_space<vmem>>) semaphore(%dma_start3A_83 : memref<!tpu.dma_semaphore, #tpu.memory_space<semaphore_mem>>)
          %mul3A_84 = arith.constant 5 : i32
          %mul3A_85 = arith.muli %add3A_32, %mul3A_84 : i32
          %add3A_86 = arith.constant 4 : i32
          %add3A_87 = arith.addi %mul3A_85, %add3A_86 : i32
          %dma_start3A_88 = arith.constant 4 : i32
          %dma_start3A_89 = arith.constant 0 : i32
          %dma_start3A_90 = tpu.memref_slice %arg8[%add3A_87, %dma_start3A_89] : memref<40x125xi32, #tpu.memory_space<vmem>> -> memref<1x125xi32, #tpu.memory_space<vmem>>
          %dma_start3A_91 = tpu.memref_squeeze %dma_start3A_90 : memref<1x125xi32, #tpu.memory_space<vmem>> -> memref<125xi32, #tpu.memory_space<vmem>>
          %dma_start3A_92 = arith.constant 0 : i32
          %dma_start3A_93 = arith.constant 0 : i32
          %dma_start3A_94 = tpu.memref_slice %arg2[%dma_start3A_92, %dma_start3A_93] : memref<51200x32xf32, #tpu.memory_space<hbm>> -> memref<51200x32xf32, #tpu.memory_space<hbm>>
          %dma_start3A_95 = tpu.memref_slice %arg15[%dma_start3A_88] : memref<5x!tpu.dma_semaphore, #tpu.memory_space<semaphore_mem>> -> memref<1x!tpu.dma_semaphore, #tpu.memory_space<semaphore_mem>>
          %dma_start3A_96 = tpu.memref_squeeze %dma_start3A_95 : memref<1x!tpu.dma_semaphore, #tpu.memory_space<semaphore_mem>> -> memref<!tpu.dma_semaphore, #tpu.memory_space<semaphore_mem>>
          tpu.enqueue_indirect_dma source(%dma_start3A_94 : memref<51200x32xf32, #tpu.memory_space<hbm>>) target(%arg14 : memref<125x32xf32, #tpu.memory_space<vmem>>) offsets(%dma_start3A_91 : memref<125xi32, #tpu.memory_space<vmem>>) semaphore(%dma_start3A_96 : memref<!tpu.dma_semaphore, #tpu.memory_space<semaphore_mem>>)
          %dma_wait3A = arith.constant 0 : i32
          %dma_wait3A_97 = arith.constant 0 : i32
          %dma_wait3A_98 = tpu.memref_slice %arg8[%add3A_36, %dma_wait3A_97] : memref<40x125xi32, #tpu.memory_space<vmem>> -> memref<1x125xi32, #tpu.memory_space<vmem>>
          %dma_wait3A_99 = tpu.memref_squeeze %dma_wait3A_98 : memref<1x125xi32, #tpu.memory_space<vmem>> -> memref<125xi32, #tpu.memory_space<vmem>>
          %dma_wait3A_100 = arith.constant 0 : i32
          %dma_wait3A_101 = arith.constant 0 : i32
          %dma_wait3A_102 = tpu.memref_slice %arg2[%dma_wait3A_100, %dma_wait3A_101] : memref<51200x32xf32, #tpu.memory_space<hbm>> -> memref<51200x32xf32, #tpu.memory_space<hbm>>
          %dma_wait3A_103 = tpu.memref_slice %arg15[%dma_wait3A] : memref<5x!tpu.dma_semaphore, #tpu.memory_space<semaphore_mem>> -> memref<1x!tpu.dma_semaphore, #tpu.memory_space<semaphore_mem>>
          %dma_wait3A_104 = tpu.memref_squeeze %dma_wait3A_103 : memref<1x!tpu.dma_semaphore, #tpu.memory_space<semaphore_mem>> -> memref<!tpu.dma_semaphore, #tpu.memory_space<semaphore_mem>>
          tpu.wait_indirect_dma semaphore(%dma_wait3A_104 : memref<!tpu.dma_semaphore, #tpu.memory_space<semaphore_mem>>) src(%dma_wait3A_102 : memref<51200x32xf32, #tpu.memory_space<hbm>>) dst(%arg10 : memref<125x32xf32, #tpu.memory_space<vmem>>)
          %mul3A_105 = arith.constant 5 : i32
          %mul3A_106 = arith.muli %add3A_32, %mul3A_105 : i32
          %add3A_107 = arith.constant 0 : i32
          %add3A_108 = arith.addi %mul3A_106, %add3A_107 : i32
          %dma_start3A_109 = arith.constant 0 : i32
          %dma_start3A_110 = arith.constant 0 : i32
          %dma_start3A_111 = tpu.memref_slice %arg9[%add3A_108, %dma_start3A_110] : memref<40x125xi32, #tpu.memory_space<vmem>> -> memref<1x125xi32, #tpu.memory_space<vmem>>
          %dma_start3A_112 = tpu.memref_squeeze %dma_start3A_111 : memref<1x125xi32, #tpu.memory_space<vmem>> -> memref<125xi32, #tpu.memory_space<vmem>>
          %dma_start3A_113 = arith.constant 0 : i32
          %dma_start3A_114 = arith.constant 0 : i32
          %dma_start3A_115 = tpu.memref_slice %arg7[%dma_start3A_113, %dma_start3A_114] : memref<50176x32xf32, #tpu.memory_space<vmem_shared>> -> memref<50176x32xf32, #tpu.memory_space<vmem_shared>>
          %dma_start3A_116 = tpu.memref_slice %arg16[%dma_start3A_109] : memref<5x!tpu.dma_semaphore, #tpu.memory_space<semaphore_mem>> -> memref<1x!tpu.dma_semaphore, #tpu.memory_space<semaphore_mem>>
          %dma_start3A_117 = tpu.memref_squeeze %dma_start3A_116 : memref<1x!tpu.dma_semaphore, #tpu.memory_space<semaphore_mem>> -> memref<!tpu.dma_semaphore, #tpu.memory_space<semaphore_mem>>
          tpu.enqueue_indirect_dma source(%arg10 : memref<125x32xf32, #tpu.memory_space<vmem>>) target(%dma_start3A_115 : memref<50176x32xf32, #tpu.memory_space<vmem_shared>>) offsets(%dma_start3A_112 : memref<125xi32, #tpu.memory_space<vmem>>) semaphore(%dma_start3A_117 : memref<!tpu.dma_semaphore, #tpu.memory_space<semaphore_mem>>) {add = true}
          %dma_wait3A_118 = arith.constant 1 : i32
          %dma_wait3A_119 = arith.constant 0 : i32
          %dma_wait3A_120 = tpu.memref_slice %arg8[%add3A_48, %dma_wait3A_119] : memref<40x125xi32, #tpu.memory_space<vmem>> -> memref<1x125xi32, #tpu.memory_space<vmem>>
          %dma_wait3A_121 = tpu.memref_squeeze %dma_wait3A_120 : memref<1x125xi32, #tpu.memory_space<vmem>> -> memref<125xi32, #tpu.memory_space<vmem>>
          %dma_wait3A_122 = arith.constant 0 : i32
          %dma_wait3A_123 = arith.constant 0 : i32
          %dma_wait3A_124 = tpu.memref_slice %arg2[%dma_wait3A_122, %dma_wait3A_123] : memref<51200x32xf32, #tpu.memory_space<hbm>> -> memref<51200x32xf32, #tpu.memory_space<hbm>>
          %dma_wait3A_125 = tpu.memref_slice %arg15[%dma_wait3A_118] : memref<5x!tpu.dma_semaphore, #tpu.memory_space<semaphore_mem>> -> memref<1x!tpu.dma_semaphore, #tpu.memory_space<semaphore_mem>>
          %dma_wait3A_126 = tpu.memref_squeeze %dma_wait3A_125 : memref<1x!tpu.dma_semaphore, #tpu.memory_space<semaphore_mem>> -> memref<!tpu.dma_semaphore, #tpu.memory_space<semaphore_mem>>
          tpu.wait_indirect_dma semaphore(%dma_wait3A_126 : memref<!tpu.dma_semaphore, #tpu.memory_space<semaphore_mem>>) src(%dma_wait3A_124 : memref<51200x32xf32, #tpu.memory_space<hbm>>) dst(%arg11 : memref<125x32xf32, #tpu.memory_space<vmem>>)
          %mul3A_127 = arith.constant 5 : i32
          %mul3A_128 = arith.muli %add3A_32, %mul3A_127 : i32
          %add3A_129 = arith.constant 1 : i32
          %add3A_130 = arith.addi %mul3A_128, %add3A_129 : i32
          %dma_start3A_131 = arith.constant 1 : i32
          %dma_start3A_132 = arith.constant 0 : i32
          %dma_start3A_133 = tpu.memref_slice %arg9[%add3A_130, %dma_start3A_132] : memref<40x125xi32, #tpu.memory_space<vmem>> -> memref<1x125xi32, #tpu.memory_space<vmem>>
          %dma_start3A_134 = tpu.memref_squeeze %dma_start3A_133 : memref<1x125xi32, #tpu.memory_space<vmem>> -> memref<125xi32, #tpu.memory_space<vmem>>
          %dma_start3A_135 = arith.constant 0 : i32
          %dma_start3A_136 = arith.constant 0 : i32
          %dma_start3A_137 = tpu.memref_slice %arg7[%dma_start3A_135, %dma_start3A_136] : memref<50176x32xf32, #tpu.memory_space<vmem_shared>> -> memref<50176x32xf32, #tpu.memory_space<vmem_shared>>
          %dma_start3A_138 = tpu.memref_slice %arg16[%dma_start3A_131] : memref<5x!tpu.dma_semaphore, #tpu.memory_space<semaphore_mem>> -> memref<1x!tpu.dma_semaphore, #tpu.memory_space<semaphore_mem>>
          %dma_start3A_139 = tpu.memref_squeeze %dma_start3A_138 : memref<1x!tpu.dma_semaphore, #tpu.memory_space<semaphore_mem>> -> memref<!tpu.dma_semaphore, #tpu.memory_space<semaphore_mem>>
          tpu.enqueue_indirect_dma source(%arg11 : memref<125x32xf32, #tpu.memory_space<vmem>>) target(%dma_start3A_137 : memref<50176x32xf32, #tpu.memory_space<vmem_shared>>) offsets(%dma_start3A_134 : memref<125xi32, #tpu.memory_space<vmem>>) semaphore(%dma_start3A_139 : memref<!tpu.dma_semaphore, #tpu.memory_space<semaphore_mem>>) {add = true}
          %dma_wait3A_140 = arith.constant 2 : i32
          %dma_wait3A_141 = arith.constant 0 : i32
          %dma_wait3A_142 = tpu.memref_slice %arg8[%add3A_61, %dma_wait3A_141] : memref<40x125xi32, #tpu.memory_space<vmem>> -> memref<1x125xi32, #tpu.memory_space<vmem>>
          %dma_wait3A_143 = tpu.memref_squeeze %dma_wait3A_142 : memref<1x125xi32, #tpu.memory_space<vmem>> -> memref<125xi32, #tpu.memory_space<vmem>>
          %dma_wait3A_144 = arith.constant 0 : i32
          %dma_wait3A_145 = arith.constant 0 : i32
          %dma_wait3A_146 = tpu.memref_slice %arg2[%dma_wait3A_144, %dma_wait3A_145] : memref<51200x32xf32, #tpu.memory_space<hbm>> -> memref<51200x32xf32, #tpu.memory_space<hbm>>
          %dma_wait3A_147 = tpu.memref_slice %arg15[%dma_wait3A_140] : memref<5x!tpu.dma_semaphore, #tpu.memory_space<semaphore_mem>> -> memref<1x!tpu.dma_semaphore, #tpu.memory_space<semaphore_mem>>
          %dma_wait3A_148 = tpu.memref_squeeze %dma_wait3A_147 : memref<1x!tpu.dma_semaphore, #tpu.memory_space<semaphore_mem>> -> memref<!tpu.dma_semaphore, #tpu.memory_space<semaphore_mem>>
          tpu.wait_indirect_dma semaphore(%dma_wait3A_148 : memref<!tpu.dma_semaphore, #tpu.memory_space<semaphore_mem>>) src(%dma_wait3A_146 : memref<51200x32xf32, #tpu.memory_space<hbm>>) dst(%arg12 : memref<125x32xf32, #tpu.memory_space<vmem>>)
          %mul3A_149 = arith.constant 5 : i32
          %mul3A_150 = arith.muli %add3A_32, %mul3A_149 : i32
          %add3A_151 = arith.constant 2 : i32
          %add3A_152 = arith.addi %mul3A_150, %add3A_151 : i32
          %dma_start3A_153 = arith.constant 2 : i32
          %dma_start3A_154 = arith.constant 0 : i32
          %dma_start3A_155 = tpu.memref_slice %arg9[%add3A_152, %dma_start3A_154] : memref<40x125xi32, #tpu.memory_space<vmem>> -> memref<1x125xi32, #tpu.memory_space<vmem>>
          %dma_start3A_156 = tpu.memref_squeeze %dma_start3A_155 : memref<1x125xi32, #tpu.memory_space<vmem>> -> memref<125xi32, #tpu.memory_space<vmem>>
          %dma_start3A_157 = arith.constant 0 : i32
          %dma_start3A_158 = arith.constant 0 : i32
          %dma_start3A_159 = tpu.memref_slice %arg7[%dma_start3A_157, %dma_start3A_158] : memref<50176x32xf32, #tpu.memory_space<vmem_shared>> -> memref<50176x32xf32, #tpu.memory_space<vmem_shared>>
          %dma_start3A_160 = tpu.memref_slice %arg16[%dma_start3A_153] : memref<5x!tpu.dma_semaphore, #tpu.memory_space<semaphore_mem>> -> memref<1x!tpu.dma_semaphore, #tpu.memory_space<semaphore_mem>>
          %dma_start3A_161 = tpu.memref_squeeze %dma_start3A_160 : memref<1x!tpu.dma_semaphore, #tpu.memory_space<semaphore_mem>> -> memref<!tpu.dma_semaphore, #tpu.memory_space<semaphore_mem>>
          tpu.enqueue_indirect_dma source(%arg12 : memref<125x32xf32, #tpu.memory_space<vmem>>) target(%dma_start3A_159 : memref<50176x32xf32, #tpu.memory_space<vmem_shared>>) offsets(%dma_start3A_156 : memref<125xi32, #tpu.memory_space<vmem>>) semaphore(%dma_start3A_161 : memref<!tpu.dma_semaphore, #tpu.memory_space<semaphore_mem>>) {add = true}
          %dma_wait3A_162 = arith.constant 3 : i32
          %dma_wait3A_163 = arith.constant 0 : i32
          %dma_wait3A_164 = tpu.memref_slice %arg8[%add3A_74, %dma_wait3A_163] : memref<40x125xi32, #tpu.memory_space<vmem>> -> memref<1x125xi32, #tpu.memory_space<vmem>>
          %dma_wait3A_165 = tpu.memref_squeeze %dma_wait3A_164 : memref<1x125xi32, #tpu.memory_space<vmem>> -> memref<125xi32, #tpu.memory_space<vmem>>
          %dma_wait3A_166 = arith.constant 0 : i32
          %dma_wait3A_167 = arith.constant 0 : i32
          %dma_wait3A_168 = tpu.memref_slice %arg2[%dma_wait3A_166, %dma_wait3A_167] : memref<51200x32xf32, #tpu.memory_space<hbm>> -> memref<51200x32xf32, #tpu.memory_space<hbm>>
          %dma_wait3A_169 = tpu.memref_slice %arg15[%dma_wait3A_162] : memref<5x!tpu.dma_semaphore, #tpu.memory_space<semaphore_mem>> -> memref<1x!tpu.dma_semaphore, #tpu.memory_space<semaphore_mem>>
          %dma_wait3A_170 = tpu.memref_squeeze %dma_wait3A_169 : memref<1x!tpu.dma_semaphore, #tpu.memory_space<semaphore_mem>> -> memref<!tpu.dma_semaphore, #tpu.memory_space<semaphore_mem>>
          tpu.wait_indirect_dma semaphore(%dma_wait3A_170 : memref<!tpu.dma_semaphore, #tpu.memory_space<semaphore_mem>>) src(%dma_wait3A_168 : memref<51200x32xf32, #tpu.memory_space<hbm>>) dst(%arg13 : memref<125x32xf32, #tpu.memory_space<vmem>>)
          %mul3A_171 = arith.constant 5 : i32
          %mul3A_172 = arith.muli %add3A_32, %mul3A_171 : i32
          %add3A_173 = arith.constant 3 : i32
          %add3A_174 = arith.addi %mul3A_172, %add3A_173 : i32
          %dma_start3A_175 = arith.constant 3 : i32
          %dma_start3A_176 = arith.constant 0 : i32
          %dma_start3A_177 = tpu.memref_slice %arg9[%add3A_174, %dma_start3A_176] : memref<40x125xi32, #tpu.memory_space<vmem>> -> memref<1x125xi32, #tpu.memory_space<vmem>>
          %dma_start3A_178 = tpu.memref_squeeze %dma_start3A_177 : memref<1x125xi32, #tpu.memory_space<vmem>> -> memref<125xi32, #tpu.memory_space<vmem>>
          %dma_start3A_179 = arith.constant 0 : i32
          %dma_start3A_180 = arith.constant 0 : i32
          %dma_start3A_181 = tpu.memref_slice %arg7[%dma_start3A_179, %dma_start3A_180] : memref<50176x32xf32, #tpu.memory_space<vmem_shared>> -> memref<50176x32xf32, #tpu.memory_space<vmem_shared>>
          %dma_start3A_182 = tpu.memref_slice %arg16[%dma_start3A_175] : memref<5x!tpu.dma_semaphore, #tpu.memory_space<semaphore_mem>> -> memref<1x!tpu.dma_semaphore, #tpu.memory_space<semaphore_mem>>
          %dma_start3A_183 = tpu.memref_squeeze %dma_start3A_182 : memref<1x!tpu.dma_semaphore, #tpu.memory_space<semaphore_mem>> -> memref<!tpu.dma_semaphore, #tpu.memory_space<semaphore_mem>>
          tpu.enqueue_indirect_dma source(%arg13 : memref<125x32xf32, #tpu.memory_space<vmem>>) target(%dma_start3A_181 : memref<50176x32xf32, #tpu.memory_space<vmem_shared>>) offsets(%dma_start3A_178 : memref<125xi32, #tpu.memory_space<vmem>>) semaphore(%dma_start3A_183 : memref<!tpu.dma_semaphore, #tpu.memory_space<semaphore_mem>>) {add = true}
          %dma_wait3A_184 = arith.constant 4 : i32
          %dma_wait3A_185 = arith.constant 0 : i32
          %dma_wait3A_186 = tpu.memref_slice %arg8[%add3A_87, %dma_wait3A_185] : memref<40x125xi32, #tpu.memory_space<vmem>> -> memref<1x125xi32, #tpu.memory_space<vmem>>
          %dma_wait3A_187 = tpu.memref_squeeze %dma_wait3A_186 : memref<1x125xi32, #tpu.memory_space<vmem>> -> memref<125xi32, #tpu.memory_space<vmem>>
          %dma_wait3A_188 = arith.constant 0 : i32
          %dma_wait3A_189 = arith.constant 0 : i32
          %dma_wait3A_190 = tpu.memref_slice %arg2[%dma_wait3A_188, %dma_wait3A_189] : memref<51200x32xf32, #tpu.memory_space<hbm>> -> memref<51200x32xf32, #tpu.memory_space<hbm>>
          %dma_wait3A_191 = tpu.memref_slice %arg15[%dma_wait3A_184] : memref<5x!tpu.dma_semaphore, #tpu.memory_space<semaphore_mem>> -> memref<1x!tpu.dma_semaphore, #tpu.memory_space<semaphore_mem>>
          %dma_wait3A_192 = tpu.memref_squeeze %dma_wait3A_191 : memref<1x!tpu.dma_semaphore, #tpu.memory_space<semaphore_mem>> -> memref<!tpu.dma_semaphore, #tpu.memory_space<semaphore_mem>>
          tpu.wait_indirect_dma semaphore(%dma_wait3A_192 : memref<!tpu.dma_semaphore, #tpu.memory_space<semaphore_mem>>) src(%dma_wait3A_190 : memref<51200x32xf32, #tpu.memory_space<hbm>>) dst(%arg14 : memref<125x32xf32, #tpu.memory_space<vmem>>)
          %mul3A_193 = arith.constant 5 : i32
          %mul3A_194 = arith.muli %add3A_32, %mul3A_193 : i32
          %add3A_195 = arith.constant 4 : i32
          %add3A_196 = arith.addi %mul3A_194, %add3A_195 : i32
          %dma_start3A_197 = arith.constant 4 : i32
          %dma_start3A_198 = arith.constant 0 : i32
          %dma_start3A_199 = tpu.memref_slice %arg9[%add3A_196, %dma_start3A_198] : memref<40x125xi32, #tpu.memory_space<vmem>> -> memref<1x125xi32, #tpu.memory_space<vmem>>
          %dma_start3A_200 = tpu.memref_squeeze %dma_start3A_199 : memref<1x125xi32, #tpu.memory_space<vmem>> -> memref<125xi32, #tpu.memory_space<vmem>>
          %dma_start3A_201 = arith.constant 0 : i32
          %dma_start3A_202 = arith.constant 0 : i32
          %dma_start3A_203 = tpu.memref_slice %arg7[%dma_start3A_201, %dma_start3A_202] : memref<50176x32xf32, #tpu.memory_space<vmem_shared>> -> memref<50176x32xf32, #tpu.memory_space<vmem_shared>>
          %dma_start3A_204 = tpu.memref_slice %arg16[%dma_start3A_197] : memref<5x!tpu.dma_semaphore, #tpu.memory_space<semaphore_mem>> -> memref<1x!tpu.dma_semaphore, #tpu.memory_space<semaphore_mem>>
          %dma_start3A_205 = tpu.memref_squeeze %dma_start3A_204 : memref<1x!tpu.dma_semaphore, #tpu.memory_space<semaphore_mem>> -> memref<!tpu.dma_semaphore, #tpu.memory_space<semaphore_mem>>
          tpu.enqueue_indirect_dma source(%arg14 : memref<125x32xf32, #tpu.memory_space<vmem>>) target(%dma_start3A_203 : memref<50176x32xf32, #tpu.memory_space<vmem_shared>>) offsets(%dma_start3A_200 : memref<125xi32, #tpu.memory_space<vmem>>) semaphore(%dma_start3A_205 : memref<!tpu.dma_semaphore, #tpu.memory_space<semaphore_mem>>) {add = true}
          %dma_wait3A_206 = arith.constant 0 : i32
          %dma_wait3A_207 = arith.constant 0 : i32
          %dma_wait3A_208 = tpu.memref_slice %arg9[%add3A_108, %dma_wait3A_207] : memref<40x125xi32, #tpu.memory_space<vmem>> -> memref<1x125xi32, #tpu.memory_space<vmem>>
          %dma_wait3A_209 = tpu.memref_squeeze %dma_wait3A_208 : memref<1x125xi32, #tpu.memory_space<vmem>> -> memref<125xi32, #tpu.memory_space<vmem>>
          %dma_wait3A_210 = arith.constant 0 : i32
          %dma_wait3A_211 = arith.constant 0 : i32
          %dma_wait3A_212 = tpu.memref_slice %arg7[%dma_wait3A_210, %dma_wait3A_211] : memref<50176x32xf32, #tpu.memory_space<vmem_shared>> -> memref<50176x32xf32, #tpu.memory_space<vmem_shared>>
          %dma_wait3A_213 = tpu.memref_slice %arg16[%dma_wait3A_206] : memref<5x!tpu.dma_semaphore, #tpu.memory_space<semaphore_mem>> -> memref<1x!tpu.dma_semaphore, #tpu.memory_space<semaphore_mem>>
          %dma_wait3A_214 = tpu.memref_squeeze %dma_wait3A_213 : memref<1x!tpu.dma_semaphore, #tpu.memory_space<semaphore_mem>> -> memref<!tpu.dma_semaphore, #tpu.memory_space<semaphore_mem>>
          tpu.wait_indirect_dma semaphore(%dma_wait3A_214 : memref<!tpu.dma_semaphore, #tpu.memory_space<semaphore_mem>>) src(%arg10 : memref<125x32xf32, #tpu.memory_space<vmem>>) dst(%dma_wait3A_212 : memref<50176x32xf32, #tpu.memory_space<vmem_shared>>)
          %dma_wait3A_215 = arith.constant 1 : i32
          %dma_wait3A_216 = arith.constant 0 : i32
          %dma_wait3A_217 = tpu.memref_slice %arg9[%add3A_130, %dma_wait3A_216] : memref<40x125xi32, #tpu.memory_space<vmem>> -> memref<1x125xi32, #tpu.memory_space<vmem>>
          %dma_wait3A_218 = tpu.memref_squeeze %dma_wait3A_217 : memref<1x125xi32, #tpu.memory_space<vmem>> -> memref<125xi32, #tpu.memory_space<vmem>>
          %dma_wait3A_219 = arith.constant 0 : i32
          %dma_wait3A_220 = arith.constant 0 : i32
          %dma_wait3A_221 = tpu.memref_slice %arg7[%dma_wait3A_219, %dma_wait3A_220] : memref<50176x32xf32, #tpu.memory_space<vmem_shared>> -> memref<50176x32xf32, #tpu.memory_space<vmem_shared>>
          %dma_wait3A_222 = tpu.memref_slice %arg16[%dma_wait3A_215] : memref<5x!tpu.dma_semaphore, #tpu.memory_space<semaphore_mem>> -> memref<1x!tpu.dma_semaphore, #tpu.memory_space<semaphore_mem>>
          %dma_wait3A_223 = tpu.memref_squeeze %dma_wait3A_222 : memref<1x!tpu.dma_semaphore, #tpu.memory_space<semaphore_mem>> -> memref<!tpu.dma_semaphore, #tpu.memory_space<semaphore_mem>>
          tpu.wait_indirect_dma semaphore(%dma_wait3A_223 : memref<!tpu.dma_semaphore, #tpu.memory_space<semaphore_mem>>) src(%arg11 : memref<125x32xf32, #tpu.memory_space<vmem>>) dst(%dma_wait3A_221 : memref<50176x32xf32, #tpu.memory_space<vmem_shared>>)
          %dma_wait3A_224 = arith.constant 2 : i32
          %dma_wait3A_225 = arith.constant 0 : i32
          %dma_wait3A_226 = tpu.memref_slice %arg9[%add3A_152, %dma_wait3A_225] : memref<40x125xi32, #tpu.memory_space<vmem>> -> memref<1x125xi32, #tpu.memory_space<vmem>>
          %dma_wait3A_227 = tpu.memref_squeeze %dma_wait3A_226 : memref<1x125xi32, #tpu.memory_space<vmem>> -> memref<125xi32, #tpu.memory_space<vmem>>
          %dma_wait3A_228 = arith.constant 0 : i32
          %dma_wait3A_229 = arith.constant 0 : i32
          %dma_wait3A_230 = tpu.memref_slice %arg7[%dma_wait3A_228, %dma_wait3A_229] : memref<50176x32xf32, #tpu.memory_space<vmem_shared>> -> memref<50176x32xf32, #tpu.memory_space<vmem_shared>>
          %dma_wait3A_231 = tpu.memref_slice %arg16[%dma_wait3A_224] : memref<5x!tpu.dma_semaphore, #tpu.memory_space<semaphore_mem>> -> memref<1x!tpu.dma_semaphore, #tpu.memory_space<semaphore_mem>>
          %dma_wait3A_232 = tpu.memref_squeeze %dma_wait3A_231 : memref<1x!tpu.dma_semaphore, #tpu.memory_space<semaphore_mem>> -> memref<!tpu.dma_semaphore, #tpu.memory_space<semaphore_mem>>
          tpu.wait_indirect_dma semaphore(%dma_wait3A_232 : memref<!tpu.dma_semaphore, #tpu.memory_space<semaphore_mem>>) src(%arg12 : memref<125x32xf32, #tpu.memory_space<vmem>>) dst(%dma_wait3A_230 : memref<50176x32xf32, #tpu.memory_space<vmem_shared>>)
          %dma_wait3A_233 = arith.constant 3 : i32
          %dma_wait3A_234 = arith.constant 0 : i32
          %dma_wait3A_235 = tpu.memref_slice %arg9[%add3A_174, %dma_wait3A_234] : memref<40x125xi32, #tpu.memory_space<vmem>> -> memref<1x125xi32, #tpu.memory_space<vmem>>
          %dma_wait3A_236 = tpu.memref_squeeze %dma_wait3A_235 : memref<1x125xi32, #tpu.memory_space<vmem>> -> memref<125xi32, #tpu.memory_space<vmem>>
          %dma_wait3A_237 = arith.constant 0 : i32
          %dma_wait3A_238 = arith.constant 0 : i32
          %dma_wait3A_239 = tpu.memref_slice %arg7[%dma_wait3A_237, %dma_wait3A_238] : memref<50176x32xf32, #tpu.memory_space<vmem_shared>> -> memref<50176x32xf32, #tpu.memory_space<vmem_shared>>
          %dma_wait3A_240 = tpu.memref_slice %arg16[%dma_wait3A_233] : memref<5x!tpu.dma_semaphore, #tpu.memory_space<semaphore_mem>> -> memref<1x!tpu.dma_semaphore, #tpu.memory_space<semaphore_mem>>
          %dma_wait3A_241 = tpu.memref_squeeze %dma_wait3A_240 : memref<1x!tpu.dma_semaphore, #tpu.memory_space<semaphore_mem>> -> memref<!tpu.dma_semaphore, #tpu.memory_space<semaphore_mem>>
          tpu.wait_indirect_dma semaphore(%dma_wait3A_241 : memref<!tpu.dma_semaphore, #tpu.memory_space<semaphore_mem>>) src(%arg13 : memref<125x32xf32, #tpu.memory_space<vmem>>) dst(%dma_wait3A_239 : memref<50176x32xf32, #tpu.memory_space<vmem_shared>>)
          %dma_wait3A_242 = arith.constant 4 : i32
          %dma_wait3A_243 = arith.constant 0 : i32
          %dma_wait3A_244 = tpu.memref_slice %arg9[%add3A_196, %dma_wait3A_243] : memref<40x125xi32, #tpu.memory_space<vmem>> -> memref<1x125xi32, #tpu.memory_space<vmem>>
          %dma_wait3A_245 = tpu.memref_squeeze %dma_wait3A_244 : memref<1x125xi32, #tpu.memory_space<vmem>> -> memref<125xi32, #tpu.memory_space<vmem>>
          %dma_wait3A_246 = arith.constant 0 : i32
          %dma_wait3A_247 = arith.constant 0 : i32
          %dma_wait3A_248 = tpu.memref_slice %arg7[%dma_wait3A_246, %dma_wait3A_247] : memref<50176x32xf32, #tpu.memory_space<vmem_shared>> -> memref<50176x32xf32, #tpu.memory_space<vmem_shared>>
          %dma_wait3A_249 = tpu.memref_slice %arg16[%dma_wait3A_242] : memref<5x!tpu.dma_semaphore, #tpu.memory_space<semaphore_mem>> -> memref<1x!tpu.dma_semaphore, #tpu.memory_space<semaphore_mem>>
          %dma_wait3A_250 = tpu.memref_squeeze %dma_wait3A_249 : memref<1x!tpu.dma_semaphore, #tpu.memory_space<semaphore_mem>> -> memref<!tpu.dma_semaphore, #tpu.memory_space<semaphore_mem>>
          tpu.wait_indirect_dma semaphore(%dma_wait3A_250 : memref<!tpu.dma_semaphore, #tpu.memory_space<semaphore_mem>>) src(%arg14 : memref<125x32xf32, #tpu.memory_space<vmem>>) dst(%dma_wait3A_248 : memref<50176x32xf32, #tpu.memory_space<vmem_shared>>)
        }
        %scan3A_27 = arith.constant 8 : i32
      }
      %scan3A_11 = arith.constant 10 : i32
      %barrier3A_12 = arith.constant 0 : index
      tpu.barrier barrier_id(%barrier3A_12)
      "tpu.region"() ({
        %run_scoped3A = tpu.sem_alloc : memref<!tpu.dma_semaphore, #tpu.memory_space<semaphore_mem>>
        %dma_start3A = arith.constant 0 : i32
        %dma_start3A_13 = tpu.memref_slice %arg5[%mul3A_0, %dma_start3A] : memref<51200x32xf32, #tpu.memory_space<hbm>> -> memref<3136x32xf32, #tpu.memory_space<hbm>>
        %dma_start3A_14 = arith.constant 0 : i32
        %dma_start3A_15 = tpu.memref_slice %arg7[%mul3A_0, %dma_start3A_14] : memref<50176x32xf32, #tpu.memory_space<vmem_shared>> -> memref<3136x32xf32, #tpu.memory_space<vmem_shared>>
        tpu.enqueue_dma source(%dma_start3A_15 : memref<3136x32xf32, #tpu.memory_space<vmem_shared>>) target(%dma_start3A_13 : memref<3136x32xf32, #tpu.memory_space<hbm>>) target_semaphore(%run_scoped3A : memref<!tpu.dma_semaphore, #tpu.memory_space<semaphore_mem>>)
        %dma_wait3A = arith.constant 0 : i32
        %dma_wait3A_16 = tpu.memref_slice %arg5[%mul3A_0, %dma_wait3A] : memref<51200x32xf32, #tpu.memory_space<hbm>> -> memref<3136x32xf32, #tpu.memory_space<hbm>>
        %dma_wait3A_17 = arith.constant 0 : i32
        %dma_wait3A_18 = tpu.memref_slice %arg7[%mul3A_0, %dma_wait3A_17] : memref<50176x32xf32, #tpu.memory_space<vmem_shared>> -> memref<3136x32xf32, #tpu.memory_space<vmem_shared>>
        tpu.wait_dma2 semaphore(%run_scoped3A : memref<!tpu.dma_semaphore, #tpu.memory_space<semaphore_mem>>) src(%dma_wait3A_18 : memref<3136x32xf32, #tpu.memory_space<vmem_shared>>) dst(%dma_wait3A_16 : memref<3136x32xf32, #tpu.memory_space<hbm>>)
        tpu.yield
      }) : () -> ()
    } else {
    }
    %eq3A_3 = arith.constant 1 : i32
    %eq3A_4 = arith.cmpi eq, %arg0, %eq3A_3 : i32
    %convert_element_type3A_5 = arith.extui %eq3A_4 : i1 to i32
    %cond3A_6 = arith.constant 0 : i32
    %cond3A_7 = arith.cmpi ne, %convert_element_type3A_5, %cond3A_6 : i32
    scf.if %cond3A_7 {
      "tpu.region"() ({
        %run_scoped3A = tpu.sem_alloc : memref<!tpu.dma_semaphore, #tpu.memory_space<semaphore_mem>>
        %dma_start3A = arith.constant 0 : i32
        %dma_start3A_13 = tpu.memref_slice %arg7[%mul3A_0, %dma_start3A] : memref<50176x32xf32, #tpu.memory_space<vmem_shared>> -> memref<3136x32xf32, #tpu.memory_space<vmem_shared>>
        %dma_start3A_14 = arith.constant 0 : i32
        %dma_start3A_15 = tpu.memref_slice %arg3[%mul3A_0, %dma_start3A_14] : memref<51200x32xf32, #tpu.memory_space<hbm>> -> memref<3136x32xf32, #tpu.memory_space<hbm>>
        tpu.enqueue_dma source(%dma_start3A_15 : memref<3136x32xf32, #tpu.memory_space<hbm>>) target(%dma_start3A_13 : memref<3136x32xf32, #tpu.memory_space<vmem_shared>>) target_semaphore(%run_scoped3A : memref<!tpu.dma_semaphore, #tpu.memory_space<semaphore_mem>>)
        %dma_wait3A = arith.constant 0 : i32
        %dma_wait3A_16 = tpu.memref_slice %arg7[%mul3A_0, %dma_wait3A] : memref<50176x32xf32, #tpu.memory_space<vmem_shared>> -> memref<3136x32xf32, #tpu.memory_space<vmem_shared>>
        %dma_wait3A_17 = arith.constant 0 : i32
        %dma_wait3A_18 = tpu.memref_slice %arg3[%mul3A_0, %dma_wait3A_17] : memref<51200x32xf32, #tpu.memory_space<hbm>> -> memref<3136x32xf32, #tpu.memory_space<hbm>>
        tpu.wait_dma2 semaphore(%run_scoped3A : memref<!tpu.dma_semaphore, #tpu.memory_space<semaphore_mem>>) src(%dma_wait3A_18 : memref<3136x32xf32, #tpu.memory_space<hbm>>) dst(%dma_wait3A_16 : memref<3136x32xf32, #tpu.memory_space<vmem_shared>>)
        tpu.yield
      }) : () -> ()
      %barrier3A = arith.constant 0 : index
      tpu.barrier barrier_id(%barrier3A)
      %scan3A = arith.constant 0 : i32
      %scan3A_8 = arith.constant 10 : i32
      %scan3A_9 = arith.addi %scan3A, %scan3A_8 : i32
      %scan3A_10 = arith.constant 1 : i32
      scf.for %scan3A_13 = %scan3A to %scan3A_9 step %scan3A_10  : i32 {
        %mul3A_14 = arith.constant 1 : i32
        %mul3A_15 = arith.muli %scan3A_13, %mul3A_14 : i32
        %add3A = arith.constant 0 : i32
        %add3A_16 = arith.addi %add3A, %mul3A_15 : i32
        %mul3A_17 = arith.constant 400 : i32
        %mul3A_18 = arith.muli %arg1, %mul3A_17 : i32
        %mul3A_19 = arith.constant 40 : i32
        %mul3A_20 = arith.muli %add3A_16, %mul3A_19 : i32
        %add3A_21 = arith.addi %mul3A_18, %mul3A_20 : i32
        %run_scoped3A = arith.constant 0 : i32
        "tpu.region"() ({
          %run_scoped3A_28 = tpu.sem_alloc : memref<!tpu.dma_semaphore, #tpu.memory_space<semaphore_mem>>
          %dma_start3A = arith.constant 0 : i32
          %dma_start3A_29 = tpu.memref_slice %arg4[%run_scoped3A, %add3A_21, %dma_start3A] : memref<2x6400x125xi32, #tpu.memory_space<hbm>> -> memref<1x40x125xi32, #tpu.memory_space<hbm>>
          %dma_start3A_30 = tpu.memref_squeeze %dma_start3A_29 : memref<1x40x125xi32, #tpu.memory_space<hbm>> -> memref<40x125xi32, #tpu.memory_space<hbm>>
          %dma_start3A_31 = arith.constant 0 : i32
          %dma_start3A_32 = tpu.memref_slice %arg4[%run_scoped3A, %add3A_21, %dma_start3A_31] : memref<2x6400x125xi32, #tpu.memory_space<hbm>> -> memref<1x40x125xi32, #tpu.memory_space<hbm>>
          %dma_start3A_33 = tpu.memref_squeeze %dma_start3A_32 : memref<1x40x125xi32, #tpu.memory_space<hbm>> -> memref<40x125xi32, #tpu.memory_space<hbm>>
          tpu.enqueue_dma source(%dma_start3A_33 : memref<40x125xi32, #tpu.memory_space<hbm>>) target(%arg8 : memref<40x125xi32, #tpu.memory_space<vmem>>) target_semaphore(%run_scoped3A_28 : memref<!tpu.dma_semaphore, #tpu.memory_space<semaphore_mem>>)
          %dma_wait3A = arith.constant 0 : i32
          %dma_wait3A_34 = tpu.memref_slice %arg4[%run_scoped3A, %add3A_21, %dma_wait3A] : memref<2x6400x125xi32, #tpu.memory_space<hbm>> -> memref<1x40x125xi32, #tpu.memory_space<hbm>>
          %dma_wait3A_35 = tpu.memref_squeeze %dma_wait3A_34 : memref<1x40x125xi32, #tpu.memory_space<hbm>> -> memref<40x125xi32, #tpu.memory_space<hbm>>
          %dma_wait3A_36 = arith.constant 0 : i32
          %dma_wait3A_37 = tpu.memref_slice %arg4[%run_scoped3A, %add3A_21, %dma_wait3A_36] : memref<2x6400x125xi32, #tpu.memory_space<hbm>> -> memref<1x40x125xi32, #tpu.memory_space<hbm>>
          %dma_wait3A_38 = tpu.memref_squeeze %dma_wait3A_37 : memref<1x40x125xi32, #tpu.memory_space<hbm>> -> memref<40x125xi32, #tpu.memory_space<hbm>>
          tpu.wait_dma2 semaphore(%run_scoped3A_28 : memref<!tpu.dma_semaphore, #tpu.memory_space<semaphore_mem>>) src(%dma_wait3A_38 : memref<40x125xi32, #tpu.memory_space<hbm>>) dst(%arg8 : memref<40x125xi32, #tpu.memory_space<vmem>>)
          tpu.yield
        }) : () -> ()
        %run_scoped3A_22 = arith.constant 1 : i32
        "tpu.region"() ({
          %run_scoped3A_28 = tpu.sem_alloc : memref<!tpu.dma_semaphore, #tpu.memory_space<semaphore_mem>>
          %dma_start3A = arith.constant 0 : i32
          %dma_start3A_29 = tpu.memref_slice %arg4[%run_scoped3A_22, %add3A_21, %dma_start3A] : memref<2x6400x125xi32, #tpu.memory_space<hbm>> -> memref<1x40x125xi32, #tpu.memory_space<hbm>>
          %dma_start3A_30 = tpu.memref_squeeze %dma_start3A_29 : memref<1x40x125xi32, #tpu.memory_space<hbm>> -> memref<40x125xi32, #tpu.memory_space<hbm>>
          %dma_start3A_31 = arith.constant 0 : i32
          %dma_start3A_32 = tpu.memref_slice %arg4[%run_scoped3A_22, %add3A_21, %dma_start3A_31] : memref<2x6400x125xi32, #tpu.memory_space<hbm>> -> memref<1x40x125xi32, #tpu.memory_space<hbm>>
          %dma_start3A_33 = tpu.memref_squeeze %dma_start3A_32 : memref<1x40x125xi32, #tpu.memory_space<hbm>> -> memref<40x125xi32, #tpu.memory_space<hbm>>
          tpu.enqueue_dma source(%dma_start3A_33 : memref<40x125xi32, #tpu.memory_space<hbm>>) target(%arg9 : memref<40x125xi32, #tpu.memory_space<vmem>>) target_semaphore(%run_scoped3A_28 : memref<!tpu.dma_semaphore, #tpu.memory_space<semaphore_mem>>)
          %dma_wait3A = arith.constant 0 : i32
          %dma_wait3A_34 = tpu.memref_slice %arg4[%run_scoped3A_22, %add3A_21, %dma_wait3A] : memref<2x6400x125xi32, #tpu.memory_space<hbm>> -> memref<1x40x125xi32, #tpu.memory_space<hbm>>
          %dma_wait3A_35 = tpu.memref_squeeze %dma_wait3A_34 : memref<1x40x125xi32, #tpu.memory_space<hbm>> -> memref<40x125xi32, #tpu.memory_space<hbm>>
          %dma_wait3A_36 = arith.constant 0 : i32
          %dma_wait3A_37 = tpu.memref_slice %arg4[%run_scoped3A_22, %add3A_21, %dma_wait3A_36] : memref<2x6400x125xi32, #tpu.memory_space<hbm>> -> memref<1x40x125xi32, #tpu.memory_space<hbm>>
          %dma_wait3A_38 = tpu.memref_squeeze %dma_wait3A_37 : memref<1x40x125xi32, #tpu.memory_space<hbm>> -> memref<40x125xi32, #tpu.memory_space<hbm>>
          tpu.wait_dma2 semaphore(%run_scoped3A_28 : memref<!tpu.dma_semaphore, #tpu.memory_space<semaphore_mem>>) src(%dma_wait3A_38 : memref<40x125xi32, #tpu.memory_space<hbm>>) dst(%arg9 : memref<40x125xi32, #tpu.memory_space<vmem>>)
          tpu.yield
        }) : () -> ()
        %scan3A_23 = arith.constant 0 : i32
        %scan3A_24 = arith.constant 8 : i32
        %scan3A_25 = arith.addi %scan3A_23, %scan3A_24 : i32
        %scan3A_26 = arith.constant 1 : i32
        scf.for %scan3A_28 = %scan3A_23 to %scan3A_25 step %scan3A_26  : i32 {
          %mul3A_29 = arith.constant 1 : i32
          %mul3A_30 = arith.muli %scan3A_28, %mul3A_29 : i32
          %add3A_31 = arith.constant 0 : i32
          %add3A_32 = arith.addi %add3A_31, %mul3A_30 : i32
          %mul3A_33 = arith.constant 5 : i32
          %mul3A_34 = arith.muli %add3A_32, %mul3A_33 : i32
          %add3A_35 = arith.constant 0 : i32
          %add3A_36 = arith.addi %mul3A_34, %add3A_35 : i32
          %dma_start3A = arith.constant 0 : i32
          %dma_start3A_37 = arith.constant 0 : i32
          %dma_start3A_38 = tpu.memref_slice %arg8[%add3A_36, %dma_start3A_37] : memref<40x125xi32, #tpu.memory_space<vmem>> -> memref<1x125xi32, #tpu.memory_space<vmem>>
          %dma_start3A_39 = tpu.memref_squeeze %dma_start3A_38 : memref<1x125xi32, #tpu.memory_space<vmem>> -> memref<125xi32, #tpu.memory_space<vmem>>
          %dma_start3A_40 = arith.constant 0 : i32
          %dma_start3A_41 = arith.constant 0 : i32
          %dma_start3A_42 = tpu.memref_slice %arg3[%dma_start3A_40, %dma_start3A_41] : memref<51200x32xf32, #tpu.memory_space<hbm>> -> memref<51200x32xf32, #tpu.memory_space<hbm>>
          %dma_start3A_43 = tpu.memref_slice %arg15[%dma_start3A] : memref<5x!tpu.dma_semaphore, #tpu.memory_space<semaphore_mem>> -> memref<1x!tpu.dma_semaphore, #tpu.memory_space<semaphore_mem>>
          %dma_start3A_44 = tpu.memref_squeeze %dma_start3A_43 : memref<1x!tpu.dma_semaphore, #tpu.memory_space<semaphore_mem>> -> memref<!tpu.dma_semaphore, #tpu.memory_space<semaphore_mem>>
          tpu.enqueue_indirect_dma source(%dma_start3A_42 : memref<51200x32xf32, #tpu.memory_space<hbm>>) target(%arg10 : memref<125x32xf32, #tpu.memory_space<vmem>>) offsets(%dma_start3A_39 : memref<125xi32, #tpu.memory_space<vmem>>) semaphore(%dma_start3A_44 : memref<!tpu.dma_semaphore, #tpu.memory_space<semaphore_mem>>)
          %mul3A_45 = arith.constant 5 : i32
          %mul3A_46 = arith.muli %add3A_32, %mul3A_45 : i32
          %add3A_47 = arith.constant 1 : i32
          %add3A_48 = arith.addi %mul3A_46, %add3A_47 : i32
          %dma_start3A_49 = arith.constant 1 : i32
          %dma_start3A_50 = arith.constant 0 : i32
          %dma_start3A_51 = tpu.memref_slice %arg8[%add3A_48, %dma_start3A_50] : memref<40x125xi32, #tpu.memory_space<vmem>> -> memref<1x125xi32, #tpu.memory_space<vmem>>
          %dma_start3A_52 = tpu.memref_squeeze %dma_start3A_51 : memref<1x125xi32, #tpu.memory_space<vmem>> -> memref<125xi32, #tpu.memory_space<vmem>>
          %dma_start3A_53 = arith.constant 0 : i32
          %dma_start3A_54 = arith.constant 0 : i32
          %dma_start3A_55 = tpu.memref_slice %arg3[%dma_start3A_53, %dma_start3A_54] : memref<51200x32xf32, #tpu.memory_space<hbm>> -> memref<51200x32xf32, #tpu.memory_space<hbm>>
          %dma_start3A_56 = tpu.memref_slice %arg15[%dma_start3A_49] : memref<5x!tpu.dma_semaphore, #tpu.memory_space<semaphore_mem>> -> memref<1x!tpu.dma_semaphore, #tpu.memory_space<semaphore_mem>>
          %dma_start3A_57 = tpu.memref_squeeze %dma_start3A_56 : memref<1x!tpu.dma_semaphore, #tpu.memory_space<semaphore_mem>> -> memref<!tpu.dma_semaphore, #tpu.memory_space<semaphore_mem>>
          tpu.enqueue_indirect_dma source(%dma_start3A_55 : memref<51200x32xf32, #tpu.memory_space<hbm>>) target(%arg11 : memref<125x32xf32, #tpu.memory_space<vmem>>) offsets(%dma_start3A_52 : memref<125xi32, #tpu.memory_space<vmem>>) semaphore(%dma_start3A_57 : memref<!tpu.dma_semaphore, #tpu.memory_space<semaphore_mem>>)
          %mul3A_58 = arith.constant 5 : i32
          %mul3A_59 = arith.muli %add3A_32, %mul3A_58 : i32
          %add3A_60 = arith.constant 2 : i32
          %add3A_61 = arith.addi %mul3A_59, %add3A_60 : i32
          %dma_start3A_62 = arith.constant 2 : i32
          %dma_start3A_63 = arith.constant 0 : i32
          %dma_start3A_64 = tpu.memref_slice %arg8[%add3A_61, %dma_start3A_63] : memref<40x125xi32, #tpu.memory_space<vmem>> -> memref<1x125xi32, #tpu.memory_space<vmem>>
          %dma_start3A_65 = tpu.memref_squeeze %dma_start3A_64 : memref<1x125xi32, #tpu.memory_space<vmem>> -> memref<125xi32, #tpu.memory_space<vmem>>
          %dma_start3A_66 = arith.constant 0 : i32
          %dma_start3A_67 = arith.constant 0 : i32
          %dma_start3A_68 = tpu.memref_slice %arg3[%dma_start3A_66, %dma_start3A_67] : memref<51200x32xf32, #tpu.memory_space<hbm>> -> memref<51200x32xf32, #tpu.memory_space<hbm>>
          %dma_start3A_69 = tpu.memref_slice %arg15[%dma_start3A_62] : memref<5x!tpu.dma_semaphore, #tpu.memory_space<semaphore_mem>> -> memref<1x!tpu.dma_semaphore, #tpu.memory_space<semaphore_mem>>
          %dma_start3A_70 = tpu.memref_squeeze %dma_start3A_69 : memref<1x!tpu.dma_semaphore, #tpu.memory_space<semaphore_mem>> -> memref<!tpu.dma_semaphore, #tpu.memory_space<semaphore_mem>>
          tpu.enqueue_indirect_dma source(%dma_start3A_68 : memref<51200x32xf32, #tpu.memory_space<hbm>>) target(%arg12 : memref<125x32xf32, #tpu.memory_space<vmem>>) offsets(%dma_start3A_65 : memref<125xi32, #tpu.memory_space<vmem>>) semaphore(%dma_start3A_70 : memref<!tpu.dma_semaphore, #tpu.memory_space<semaphore_mem>>)
          %mul3A_71 = arith.constant 5 : i32
          %mul3A_72 = arith.muli %add3A_32, %mul3A_71 : i32
          %add3A_73 = arith.constant 3 : i32
          %add3A_74 = arith.addi %mul3A_72, %add3A_73 : i32
          %dma_start3A_75 = arith.constant 3 : i32
          %dma_start3A_76 = arith.constant 0 : i32
          %dma_start3A_77 = tpu.memref_slice %arg8[%add3A_74, %dma_start3A_76] : memref<40x125xi32, #tpu.memory_space<vmem>> -> memref<1x125xi32, #tpu.memory_space<vmem>>
          %dma_start3A_78 = tpu.memref_squeeze %dma_start3A_77 : memref<1x125xi32, #tpu.memory_space<vmem>> -> memref<125xi32, #tpu.memory_space<vmem>>
          %dma_start3A_79 = arith.constant 0 : i32
          %dma_start3A_80 = arith.constant 0 : i32
          %dma_start3A_81 = tpu.memref_slice %arg3[%dma_start3A_79, %dma_start3A_80] : memref<51200x32xf32, #tpu.memory_space<hbm>> -> memref<51200x32xf32, #tpu.memory_space<hbm>>
          %dma_start3A_82 = tpu.memref_slice %arg15[%dma_start3A_75] : memref<5x!tpu.dma_semaphore, #tpu.memory_space<semaphore_mem>> -> memref<1x!tpu.dma_semaphore, #tpu.memory_space<semaphore_mem>>
          %dma_start3A_83 = tpu.memref_squeeze %dma_start3A_82 : memref<1x!tpu.dma_semaphore, #tpu.memory_space<semaphore_mem>> -> memref<!tpu.dma_semaphore, #tpu.memory_space<semaphore_mem>>
          tpu.enqueue_indirect_dma source(%dma_start3A_81 : memref<51200x32xf32, #tpu.memory_space<hbm>>) target(%arg13 : memref<125x32xf32, #tpu.memory_space<vmem>>) offsets(%dma_start3A_78 : memref<125xi32, #tpu.memory_space<vmem>>) semaphore(%dma_start3A_83 : memref<!tpu.dma_semaphore, #tpu.memory_space<semaphore_mem>>)
          %mul3A_84 = arith.constant 5 : i32
          %mul3A_85 = arith.muli %add3A_32, %mul3A_84 : i32
          %add3A_86 = arith.constant 4 : i32
          %add3A_87 = arith.addi %mul3A_85, %add3A_86 : i32
          %dma_start3A_88 = arith.constant 4 : i32
          %dma_start3A_89 = arith.constant 0 : i32
          %dma_start3A_90 = tpu.memref_slice %arg8[%add3A_87, %dma_start3A_89] : memref<40x125xi32, #tpu.memory_space<vmem>> -> memref<1x125xi32, #tpu.memory_space<vmem>>
          %dma_start3A_91 = tpu.memref_squeeze %dma_start3A_90 : memref<1x125xi32, #tpu.memory_space<vmem>> -> memref<125xi32, #tpu.memory_space<vmem>>
          %dma_start3A_92 = arith.constant 0 : i32
          %dma_start3A_93 = arith.constant 0 : i32
          %dma_start3A_94 = tpu.memref_slice %arg3[%dma_start3A_92, %dma_start3A_93] : memref<51200x32xf32, #tpu.memory_space<hbm>> -> memref<51200x32xf32, #tpu.memory_space<hbm>>
          %dma_start3A_95 = tpu.memref_slice %arg15[%dma_start3A_88] : memref<5x!tpu.dma_semaphore, #tpu.memory_space<semaphore_mem>> -> memref<1x!tpu.dma_semaphore, #tpu.memory_space<semaphore_mem>>
          %dma_start3A_96 = tpu.memref_squeeze %dma_start3A_95 : memref<1x!tpu.dma_semaphore, #tpu.memory_space<semaphore_mem>> -> memref<!tpu.dma_semaphore, #tpu.memory_space<semaphore_mem>>
          tpu.enqueue_indirect_dma source(%dma_start3A_94 : memref<51200x32xf32, #tpu.memory_space<hbm>>) target(%arg14 : memref<125x32xf32, #tpu.memory_space<vmem>>) offsets(%dma_start3A_91 : memref<125xi32, #tpu.memory_space<vmem>>) semaphore(%dma_start3A_96 : memref<!tpu.dma_semaphore, #tpu.memory_space<semaphore_mem>>)
          %dma_wait3A = arith.constant 0 : i32
          %dma_wait3A_97 = arith.constant 0 : i32
          %dma_wait3A_98 = tpu.memref_slice %arg8[%add3A_36, %dma_wait3A_97] : memref<40x125xi32, #tpu.memory_space<vmem>> -> memref<1x125xi32, #tpu.memory_space<vmem>>
          %dma_wait3A_99 = tpu.memref_squeeze %dma_wait3A_98 : memref<1x125xi32, #tpu.memory_space<vmem>> -> memref<125xi32, #tpu.memory_space<vmem>>
          %dma_wait3A_100 = arith.constant 0 : i32
          %dma_wait3A_101 = arith.constant 0 : i32
          %dma_wait3A_102 = tpu.memref_slice %arg3[%dma_wait3A_100, %dma_wait3A_101] : memref<51200x32xf32, #tpu.memory_space<hbm>> -> memref<51200x32xf32, #tpu.memory_space<hbm>>
          %dma_wait3A_103 = tpu.memref_slice %arg15[%dma_wait3A] : memref<5x!tpu.dma_semaphore, #tpu.memory_space<semaphore_mem>> -> memref<1x!tpu.dma_semaphore, #tpu.memory_space<semaphore_mem>>
          %dma_wait3A_104 = tpu.memref_squeeze %dma_wait3A_103 : memref<1x!tpu.dma_semaphore, #tpu.memory_space<semaphore_mem>> -> memref<!tpu.dma_semaphore, #tpu.memory_space<semaphore_mem>>
          tpu.wait_indirect_dma semaphore(%dma_wait3A_104 : memref<!tpu.dma_semaphore, #tpu.memory_space<semaphore_mem>>) src(%dma_wait3A_102 : memref<51200x32xf32, #tpu.memory_space<hbm>>) dst(%arg10 : memref<125x32xf32, #tpu.memory_space<vmem>>)
          %mul3A_105 = arith.constant 5 : i32
          %mul3A_106 = arith.muli %add3A_32, %mul3A_105 : i32
          %add3A_107 = arith.constant 0 : i32
          %add3A_108 = arith.addi %mul3A_106, %add3A_107 : i32
          %dma_start3A_109 = arith.constant 0 : i32
          %dma_start3A_110 = arith.constant 0 : i32
          %dma_start3A_111 = tpu.memref_slice %arg9[%add3A_108, %dma_start3A_110] : memref<40x125xi32, #tpu.memory_space<vmem>> -> memref<1x125xi32, #tpu.memory_space<vmem>>
          %dma_start3A_112 = tpu.memref_squeeze %dma_start3A_111 : memref<1x125xi32, #tpu.memory_space<vmem>> -> memref<125xi32, #tpu.memory_space<vmem>>
          %dma_start3A_113 = arith.constant 0 : i32
          %dma_start3A_114 = arith.constant 0 : i32
          %dma_start3A_115 = tpu.memref_slice %arg7[%dma_start3A_113, %dma_start3A_114] : memref<50176x32xf32, #tpu.memory_space<vmem_shared>> -> memref<50176x32xf32, #tpu.memory_space<vmem_shared>>
          %dma_start3A_116 = tpu.memref_slice %arg16[%dma_start3A_109] : memref<5x!tpu.dma_semaphore, #tpu.memory_space<semaphore_mem>> -> memref<1x!tpu.dma_semaphore, #tpu.memory_space<semaphore_mem>>
          %dma_start3A_117 = tpu.memref_squeeze %dma_start3A_116 : memref<1x!tpu.dma_semaphore, #tpu.memory_space<semaphore_mem>> -> memref<!tpu.dma_semaphore, #tpu.memory_space<semaphore_mem>>
          tpu.enqueue_indirect_dma source(%arg10 : memref<125x32xf32, #tpu.memory_space<vmem>>) target(%dma_start3A_115 : memref<50176x32xf32, #tpu.memory_space<vmem_shared>>) offsets(%dma_start3A_112 : memref<125xi32, #tpu.memory_space<vmem>>) semaphore(%dma_start3A_117 : memref<!tpu.dma_semaphore, #tpu.memory_space<semaphore_mem>>) {add = true}
          %dma_wait3A_118 = arith.constant 1 : i32
          %dma_wait3A_119 = arith.constant 0 : i32
          %dma_wait3A_120 = tpu.memref_slice %arg8[%add3A_48, %dma_wait3A_119] : memref<40x125xi32, #tpu.memory_space<vmem>> -> memref<1x125xi32, #tpu.memory_space<vmem>>
          %dma_wait3A_121 = tpu.memref_squeeze %dma_wait3A_120 : memref<1x125xi32, #tpu.memory_space<vmem>> -> memref<125xi32, #tpu.memory_space<vmem>>
          %dma_wait3A_122 = arith.constant 0 : i32
          %dma_wait3A_123 = arith.constant 0 : i32
          %dma_wait3A_124 = tpu.memref_slice %arg3[%dma_wait3A_122, %dma_wait3A_123] : memref<51200x32xf32, #tpu.memory_space<hbm>> -> memref<51200x32xf32, #tpu.memory_space<hbm>>
          %dma_wait3A_125 = tpu.memref_slice %arg15[%dma_wait3A_118] : memref<5x!tpu.dma_semaphore, #tpu.memory_space<semaphore_mem>> -> memref<1x!tpu.dma_semaphore, #tpu.memory_space<semaphore_mem>>
          %dma_wait3A_126 = tpu.memref_squeeze %dma_wait3A_125 : memref<1x!tpu.dma_semaphore, #tpu.memory_space<semaphore_mem>> -> memref<!tpu.dma_semaphore, #tpu.memory_space<semaphore_mem>>
          tpu.wait_indirect_dma semaphore(%dma_wait3A_126 : memref<!tpu.dma_semaphore, #tpu.memory_space<semaphore_mem>>) src(%dma_wait3A_124 : memref<51200x32xf32, #tpu.memory_space<hbm>>) dst(%arg11 : memref<125x32xf32, #tpu.memory_space<vmem>>)
          %mul3A_127 = arith.constant 5 : i32
          %mul3A_128 = arith.muli %add3A_32, %mul3A_127 : i32
          %add3A_129 = arith.constant 1 : i32
          %add3A_130 = arith.addi %mul3A_128, %add3A_129 : i32
          %dma_start3A_131 = arith.constant 1 : i32
          %dma_start3A_132 = arith.constant 0 : i32
          %dma_start3A_133 = tpu.memref_slice %arg9[%add3A_130, %dma_start3A_132] : memref<40x125xi32, #tpu.memory_space<vmem>> -> memref<1x125xi32, #tpu.memory_space<vmem>>
          %dma_start3A_134 = tpu.memref_squeeze %dma_start3A_133 : memref<1x125xi32, #tpu.memory_space<vmem>> -> memref<125xi32, #tpu.memory_space<vmem>>
          %dma_start3A_135 = arith.constant 0 : i32
          %dma_start3A_136 = arith.constant 0 : i32
          %dma_start3A_137 = tpu.memref_slice %arg7[%dma_start3A_135, %dma_start3A_136] : memref<50176x32xf32, #tpu.memory_space<vmem_shared>> -> memref<50176x32xf32, #tpu.memory_space<vmem_shared>>
          %dma_start3A_138 = tpu.memref_slice %arg16[%dma_start3A_131] : memref<5x!tpu.dma_semaphore, #tpu.memory_space<semaphore_mem>> -> memref<1x!tpu.dma_semaphore, #tpu.memory_space<semaphore_mem>>
          %dma_start3A_139 = tpu.memref_squeeze %dma_start3A_138 : memref<1x!tpu.dma_semaphore, #tpu.memory_space<semaphore_mem>> -> memref<!tpu.dma_semaphore, #tpu.memory_space<semaphore_mem>>
          tpu.enqueue_indirect_dma source(%arg11 : memref<125x32xf32, #tpu.memory_space<vmem>>) target(%dma_start3A_137 : memref<50176x32xf32, #tpu.memory_space<vmem_shared>>) offsets(%dma_start3A_134 : memref<125xi32, #tpu.memory_space<vmem>>) semaphore(%dma_start3A_139 : memref<!tpu.dma_semaphore, #tpu.memory_space<semaphore_mem>>) {add = true}
          %dma_wait3A_140 = arith.constant 2 : i32
          %dma_wait3A_141 = arith.constant 0 : i32
          %dma_wait3A_142 = tpu.memref_slice %arg8[%add3A_61, %dma_wait3A_141] : memref<40x125xi32, #tpu.memory_space<vmem>> -> memref<1x125xi32, #tpu.memory_space<vmem>>
          %dma_wait3A_143 = tpu.memref_squeeze %dma_wait3A_142 : memref<1x125xi32, #tpu.memory_space<vmem>> -> memref<125xi32, #tpu.memory_space<vmem>>
          %dma_wait3A_144 = arith.constant 0 : i32
          %dma_wait3A_145 = arith.constant 0 : i32
          %dma_wait3A_146 = tpu.memref_slice %arg3[%dma_wait3A_144, %dma_wait3A_145] : memref<51200x32xf32, #tpu.memory_space<hbm>> -> memref<51200x32xf32, #tpu.memory_space<hbm>>
          %dma_wait3A_147 = tpu.memref_slice %arg15[%dma_wait3A_140] : memref<5x!tpu.dma_semaphore, #tpu.memory_space<semaphore_mem>> -> memref<1x!tpu.dma_semaphore, #tpu.memory_space<semaphore_mem>>
          %dma_wait3A_148 = tpu.memref_squeeze %dma_wait3A_147 : memref<1x!tpu.dma_semaphore, #tpu.memory_space<semaphore_mem>> -> memref<!tpu.dma_semaphore, #tpu.memory_space<semaphore_mem>>
          tpu.wait_indirect_dma semaphore(%dma_wait3A_148 : memref<!tpu.dma_semaphore, #tpu.memory_space<semaphore_mem>>) src(%dma_wait3A_146 : memref<51200x32xf32, #tpu.memory_space<hbm>>) dst(%arg12 : memref<125x32xf32, #tpu.memory_space<vmem>>)
          %mul3A_149 = arith.constant 5 : i32
          %mul3A_150 = arith.muli %add3A_32, %mul3A_149 : i32
          %add3A_151 = arith.constant 2 : i32
          %add3A_152 = arith.addi %mul3A_150, %add3A_151 : i32
          %dma_start3A_153 = arith.constant 2 : i32
          %dma_start3A_154 = arith.constant 0 : i32
          %dma_start3A_155 = tpu.memref_slice %arg9[%add3A_152, %dma_start3A_154] : memref<40x125xi32, #tpu.memory_space<vmem>> -> memref<1x125xi32, #tpu.memory_space<vmem>>
          %dma_start3A_156 = tpu.memref_squeeze %dma_start3A_155 : memref<1x125xi32, #tpu.memory_space<vmem>> -> memref<125xi32, #tpu.memory_space<vmem>>
          %dma_start3A_157 = arith.constant 0 : i32
          %dma_start3A_158 = arith.constant 0 : i32
          %dma_start3A_159 = tpu.memref_slice %arg7[%dma_start3A_157, %dma_start3A_158] : memref<50176x32xf32, #tpu.memory_space<vmem_shared>> -> memref<50176x32xf32, #tpu.memory_space<vmem_shared>>
          %dma_start3A_160 = tpu.memref_slice %arg16[%dma_start3A_153] : memref<5x!tpu.dma_semaphore, #tpu.memory_space<semaphore_mem>> -> memref<1x!tpu.dma_semaphore, #tpu.memory_space<semaphore_mem>>
          %dma_start3A_161 = tpu.memref_squeeze %dma_start3A_160 : memref<1x!tpu.dma_semaphore, #tpu.memory_space<semaphore_mem>> -> memref<!tpu.dma_semaphore, #tpu.memory_space<semaphore_mem>>
          tpu.enqueue_indirect_dma source(%arg12 : memref<125x32xf32, #tpu.memory_space<vmem>>) target(%dma_start3A_159 : memref<50176x32xf32, #tpu.memory_space<vmem_shared>>) offsets(%dma_start3A_156 : memref<125xi32, #tpu.memory_space<vmem>>) semaphore(%dma_start3A_161 : memref<!tpu.dma_semaphore, #tpu.memory_space<semaphore_mem>>) {add = true}
          %dma_wait3A_162 = arith.constant 3 : i32
          %dma_wait3A_163 = arith.constant 0 : i32
          %dma_wait3A_164 = tpu.memref_slice %arg8[%add3A_74, %dma_wait3A_163] : memref<40x125xi32, #tpu.memory_space<vmem>> -> memref<1x125xi32, #tpu.memory_space<vmem>>
          %dma_wait3A_165 = tpu.memref_squeeze %dma_wait3A_164 : memref<1x125xi32, #tpu.memory_space<vmem>> -> memref<125xi32, #tpu.memory_space<vmem>>
          %dma_wait3A_166 = arith.constant 0 : i32
          %dma_wait3A_167 = arith.constant 0 : i32
          %dma_wait3A_168 = tpu.memref_slice %arg3[%dma_wait3A_166, %dma_wait3A_167] : memref<51200x32xf32, #tpu.memory_space<hbm>> -> memref<51200x32xf32, #tpu.memory_space<hbm>>
          %dma_wait3A_169 = tpu.memref_slice %arg15[%dma_wait3A_162] : memref<5x!tpu.dma_semaphore, #tpu.memory_space<semaphore_mem>> -> memref<1x!tpu.dma_semaphore, #tpu.memory_space<semaphore_mem>>
          %dma_wait3A_170 = tpu.memref_squeeze %dma_wait3A_169 : memref<1x!tpu.dma_semaphore, #tpu.memory_space<semaphore_mem>> -> memref<!tpu.dma_semaphore, #tpu.memory_space<semaphore_mem>>
          tpu.wait_indirect_dma semaphore(%dma_wait3A_170 : memref<!tpu.dma_semaphore, #tpu.memory_space<semaphore_mem>>) src(%dma_wait3A_168 : memref<51200x32xf32, #tpu.memory_space<hbm>>) dst(%arg13 : memref<125x32xf32, #tpu.memory_space<vmem>>)
          %mul3A_171 = arith.constant 5 : i32
          %mul3A_172 = arith.muli %add3A_32, %mul3A_171 : i32
          %add3A_173 = arith.constant 3 : i32
          %add3A_174 = arith.addi %mul3A_172, %add3A_173 : i32
          %dma_start3A_175 = arith.constant 3 : i32
          %dma_start3A_176 = arith.constant 0 : i32
          %dma_start3A_177 = tpu.memref_slice %arg9[%add3A_174, %dma_start3A_176] : memref<40x125xi32, #tpu.memory_space<vmem>> -> memref<1x125xi32, #tpu.memory_space<vmem>>
          %dma_start3A_178 = tpu.memref_squeeze %dma_start3A_177 : memref<1x125xi32, #tpu.memory_space<vmem>> -> memref<125xi32, #tpu.memory_space<vmem>>
          %dma_start3A_179 = arith.constant 0 : i32
          %dma_start3A_180 = arith.constant 0 : i32
          %dma_start3A_181 = tpu.memref_slice %arg7[%dma_start3A_179, %dma_start3A_180] : memref<50176x32xf32, #tpu.memory_space<vmem_shared>> -> memref<50176x32xf32, #tpu.memory_space<vmem_shared>>
          %dma_start3A_182 = tpu.memref_slice %arg16[%dma_start3A_175] : memref<5x!tpu.dma_semaphore, #tpu.memory_space<semaphore_mem>> -> memref<1x!tpu.dma_semaphore, #tpu.memory_space<semaphore_mem>>
          %dma_start3A_183 = tpu.memref_squeeze %dma_start3A_182 : memref<1x!tpu.dma_semaphore, #tpu.memory_space<semaphore_mem>> -> memref<!tpu.dma_semaphore, #tpu.memory_space<semaphore_mem>>
          tpu.enqueue_indirect_dma source(%arg13 : memref<125x32xf32, #tpu.memory_space<vmem>>) target(%dma_start3A_181 : memref<50176x32xf32, #tpu.memory_space<vmem_shared>>) offsets(%dma_start3A_178 : memref<125xi32, #tpu.memory_space<vmem>>) semaphore(%dma_start3A_183 : memref<!tpu.dma_semaphore, #tpu.memory_space<semaphore_mem>>) {add = true}
          %dma_wait3A_184 = arith.constant 4 : i32
          %dma_wait3A_185 = arith.constant 0 : i32
          %dma_wait3A_186 = tpu.memref_slice %arg8[%add3A_87, %dma_wait3A_185] : memref<40x125xi32, #tpu.memory_space<vmem>> -> memref<1x125xi32, #tpu.memory_space<vmem>>
          %dma_wait3A_187 = tpu.memref_squeeze %dma_wait3A_186 : memref<1x125xi32, #tpu.memory_space<vmem>> -> memref<125xi32, #tpu.memory_space<vmem>>
          %dma_wait3A_188 = arith.constant 0 : i32
          %dma_wait3A_189 = arith.constant 0 : i32
          %dma_wait3A_190 = tpu.memref_slice %arg3[%dma_wait3A_188, %dma_wait3A_189] : memref<51200x32xf32, #tpu.memory_space<hbm>> -> memref<51200x32xf32, #tpu.memory_space<hbm>>
          %dma_wait3A_191 = tpu.memref_slice %arg15[%dma_wait3A_184] : memref<5x!tpu.dma_semaphore, #tpu.memory_space<semaphore_mem>> -> memref<1x!tpu.dma_semaphore, #tpu.memory_space<semaphore_mem>>
          %dma_wait3A_192 = tpu.memref_squeeze %dma_wait3A_191 : memref<1x!tpu.dma_semaphore, #tpu.memory_space<semaphore_mem>> -> memref<!tpu.dma_semaphore, #tpu.memory_space<semaphore_mem>>
          tpu.wait_indirect_dma semaphore(%dma_wait3A_192 : memref<!tpu.dma_semaphore, #tpu.memory_space<semaphore_mem>>) src(%dma_wait3A_190 : memref<51200x32xf32, #tpu.memory_space<hbm>>) dst(%arg14 : memref<125x32xf32, #tpu.memory_space<vmem>>)
          %mul3A_193 = arith.constant 5 : i32
          %mul3A_194 = arith.muli %add3A_32, %mul3A_193 : i32
          %add3A_195 = arith.constant 4 : i32
          %add3A_196 = arith.addi %mul3A_194, %add3A_195 : i32
          %dma_start3A_197 = arith.constant 4 : i32
          %dma_start3A_198 = arith.constant 0 : i32
          %dma_start3A_199 = tpu.memref_slice %arg9[%add3A_196, %dma_start3A_198] : memref<40x125xi32, #tpu.memory_space<vmem>> -> memref<1x125xi32, #tpu.memory_space<vmem>>
          %dma_start3A_200 = tpu.memref_squeeze %dma_start3A_199 : memref<1x125xi32, #tpu.memory_space<vmem>> -> memref<125xi32, #tpu.memory_space<vmem>>
          %dma_start3A_201 = arith.constant 0 : i32
          %dma_start3A_202 = arith.constant 0 : i32
          %dma_start3A_203 = tpu.memref_slice %arg7[%dma_start3A_201, %dma_start3A_202] : memref<50176x32xf32, #tpu.memory_space<vmem_shared>> -> memref<50176x32xf32, #tpu.memory_space<vmem_shared>>
          %dma_start3A_204 = tpu.memref_slice %arg16[%dma_start3A_197] : memref<5x!tpu.dma_semaphore, #tpu.memory_space<semaphore_mem>> -> memref<1x!tpu.dma_semaphore, #tpu.memory_space<semaphore_mem>>
          %dma_start3A_205 = tpu.memref_squeeze %dma_start3A_204 : memref<1x!tpu.dma_semaphore, #tpu.memory_space<semaphore_mem>> -> memref<!tpu.dma_semaphore, #tpu.memory_space<semaphore_mem>>
          tpu.enqueue_indirect_dma source(%arg14 : memref<125x32xf32, #tpu.memory_space<vmem>>) target(%dma_start3A_203 : memref<50176x32xf32, #tpu.memory_space<vmem_shared>>) offsets(%dma_start3A_200 : memref<125xi32, #tpu.memory_space<vmem>>) semaphore(%dma_start3A_205 : memref<!tpu.dma_semaphore, #tpu.memory_space<semaphore_mem>>) {add = true}
          %dma_wait3A_206 = arith.constant 0 : i32
          %dma_wait3A_207 = arith.constant 0 : i32
          %dma_wait3A_208 = tpu.memref_slice %arg9[%add3A_108, %dma_wait3A_207] : memref<40x125xi32, #tpu.memory_space<vmem>> -> memref<1x125xi32, #tpu.memory_space<vmem>>
          %dma_wait3A_209 = tpu.memref_squeeze %dma_wait3A_208 : memref<1x125xi32, #tpu.memory_space<vmem>> -> memref<125xi32, #tpu.memory_space<vmem>>
          %dma_wait3A_210 = arith.constant 0 : i32
          %dma_wait3A_211 = arith.constant 0 : i32
          %dma_wait3A_212 = tpu.memref_slice %arg7[%dma_wait3A_210, %dma_wait3A_211] : memref<50176x32xf32, #tpu.memory_space<vmem_shared>> -> memref<50176x32xf32, #tpu.memory_space<vmem_shared>>
          %dma_wait3A_213 = tpu.memref_slice %arg16[%dma_wait3A_206] : memref<5x!tpu.dma_semaphore, #tpu.memory_space<semaphore_mem>> -> memref<1x!tpu.dma_semaphore, #tpu.memory_space<semaphore_mem>>
          %dma_wait3A_214 = tpu.memref_squeeze %dma_wait3A_213 : memref<1x!tpu.dma_semaphore, #tpu.memory_space<semaphore_mem>> -> memref<!tpu.dma_semaphore, #tpu.memory_space<semaphore_mem>>
          tpu.wait_indirect_dma semaphore(%dma_wait3A_214 : memref<!tpu.dma_semaphore, #tpu.memory_space<semaphore_mem>>) src(%arg10 : memref<125x32xf32, #tpu.memory_space<vmem>>) dst(%dma_wait3A_212 : memref<50176x32xf32, #tpu.memory_space<vmem_shared>>)
          %dma_wait3A_215 = arith.constant 1 : i32
          %dma_wait3A_216 = arith.constant 0 : i32
          %dma_wait3A_217 = tpu.memref_slice %arg9[%add3A_130, %dma_wait3A_216] : memref<40x125xi32, #tpu.memory_space<vmem>> -> memref<1x125xi32, #tpu.memory_space<vmem>>
          %dma_wait3A_218 = tpu.memref_squeeze %dma_wait3A_217 : memref<1x125xi32, #tpu.memory_space<vmem>> -> memref<125xi32, #tpu.memory_space<vmem>>
          %dma_wait3A_219 = arith.constant 0 : i32
          %dma_wait3A_220 = arith.constant 0 : i32
          %dma_wait3A_221 = tpu.memref_slice %arg7[%dma_wait3A_219, %dma_wait3A_220] : memref<50176x32xf32, #tpu.memory_space<vmem_shared>> -> memref<50176x32xf32, #tpu.memory_space<vmem_shared>>
          %dma_wait3A_222 = tpu.memref_slice %arg16[%dma_wait3A_215] : memref<5x!tpu.dma_semaphore, #tpu.memory_space<semaphore_mem>> -> memref<1x!tpu.dma_semaphore, #tpu.memory_space<semaphore_mem>>
          %dma_wait3A_223 = tpu.memref_squeeze %dma_wait3A_222 : memref<1x!tpu.dma_semaphore, #tpu.memory_space<semaphore_mem>> -> memref<!tpu.dma_semaphore, #tpu.memory_space<semaphore_mem>>
          tpu.wait_indirect_dma semaphore(%dma_wait3A_223 : memref<!tpu.dma_semaphore, #tpu.memory_space<semaphore_mem>>) src(%arg11 : memref<125x32xf32, #tpu.memory_space<vmem>>) dst(%dma_wait3A_221 : memref<50176x32xf32, #tpu.memory_space<vmem_shared>>)
          %dma_wait3A_224 = arith.constant 2 : i32
          %dma_wait3A_225 = arith.constant 0 : i32
          %dma_wait3A_226 = tpu.memref_slice %arg9[%add3A_152, %dma_wait3A_225] : memref<40x125xi32, #tpu.memory_space<vmem>> -> memref<1x125xi32, #tpu.memory_space<vmem>>
          %dma_wait3A_227 = tpu.memref_squeeze %dma_wait3A_226 : memref<1x125xi32, #tpu.memory_space<vmem>> -> memref<125xi32, #tpu.memory_space<vmem>>
          %dma_wait3A_228 = arith.constant 0 : i32
          %dma_wait3A_229 = arith.constant 0 : i32
          %dma_wait3A_230 = tpu.memref_slice %arg7[%dma_wait3A_228, %dma_wait3A_229] : memref<50176x32xf32, #tpu.memory_space<vmem_shared>> -> memref<50176x32xf32, #tpu.memory_space<vmem_shared>>
          %dma_wait3A_231 = tpu.memref_slice %arg16[%dma_wait3A_224] : memref<5x!tpu.dma_semaphore, #tpu.memory_space<semaphore_mem>> -> memref<1x!tpu.dma_semaphore, #tpu.memory_space<semaphore_mem>>
          %dma_wait3A_232 = tpu.memref_squeeze %dma_wait3A_231 : memref<1x!tpu.dma_semaphore, #tpu.memory_space<semaphore_mem>> -> memref<!tpu.dma_semaphore, #tpu.memory_space<semaphore_mem>>
          tpu.wait_indirect_dma semaphore(%dma_wait3A_232 : memref<!tpu.dma_semaphore, #tpu.memory_space<semaphore_mem>>) src(%arg12 : memref<125x32xf32, #tpu.memory_space<vmem>>) dst(%dma_wait3A_230 : memref<50176x32xf32, #tpu.memory_space<vmem_shared>>)
          %dma_wait3A_233 = arith.constant 3 : i32
          %dma_wait3A_234 = arith.constant 0 : i32
          %dma_wait3A_235 = tpu.memref_slice %arg9[%add3A_174, %dma_wait3A_234] : memref<40x125xi32, #tpu.memory_space<vmem>> -> memref<1x125xi32, #tpu.memory_space<vmem>>
          %dma_wait3A_236 = tpu.memref_squeeze %dma_wait3A_235 : memref<1x125xi32, #tpu.memory_space<vmem>> -> memref<125xi32, #tpu.memory_space<vmem>>
          %dma_wait3A_237 = arith.constant 0 : i32
          %dma_wait3A_238 = arith.constant 0 : i32
          %dma_wait3A_239 = tpu.memref_slice %arg7[%dma_wait3A_237, %dma_wait3A_238] : memref<50176x32xf32, #tpu.memory_space<vmem_shared>> -> memref<50176x32xf32, #tpu.memory_space<vmem_shared>>
          %dma_wait3A_240 = tpu.memref_slice %arg16[%dma_wait3A_233] : memref<5x!tpu.dma_semaphore, #tpu.memory_space<semaphore_mem>> -> memref<1x!tpu.dma_semaphore, #tpu.memory_space<semaphore_mem>>
          %dma_wait3A_241 = tpu.memref_squeeze %dma_wait3A_240 : memref<1x!tpu.dma_semaphore, #tpu.memory_space<semaphore_mem>> -> memref<!tpu.dma_semaphore, #tpu.memory_space<semaphore_mem>>
          tpu.wait_indirect_dma semaphore(%dma_wait3A_241 : memref<!tpu.dma_semaphore, #tpu.memory_space<semaphore_mem>>) src(%arg13 : memref<125x32xf32, #tpu.memory_space<vmem>>) dst(%dma_wait3A_239 : memref<50176x32xf32, #tpu.memory_space<vmem_shared>>)
          %dma_wait3A_242 = arith.constant 4 : i32
          %dma_wait3A_243 = arith.constant 0 : i32
          %dma_wait3A_244 = tpu.memref_slice %arg9[%add3A_196, %dma_wait3A_243] : memref<40x125xi32, #tpu.memory_space<vmem>> -> memref<1x125xi32, #tpu.memory_space<vmem>>
          %dma_wait3A_245 = tpu.memref_squeeze %dma_wait3A_244 : memref<1x125xi32, #tpu.memory_space<vmem>> -> memref<125xi32, #tpu.memory_space<vmem>>
          %dma_wait3A_246 = arith.constant 0 : i32
          %dma_wait3A_247 = arith.constant 0 : i32
          %dma_wait3A_248 = tpu.memref_slice %arg7[%dma_wait3A_246, %dma_wait3A_247] : memref<50176x32xf32, #tpu.memory_space<vmem_shared>> -> memref<50176x32xf32, #tpu.memory_space<vmem_shared>>
          %dma_wait3A_249 = tpu.memref_slice %arg16[%dma_wait3A_242] : memref<5x!tpu.dma_semaphore, #tpu.memory_space<semaphore_mem>> -> memref<1x!tpu.dma_semaphore, #tpu.memory_space<semaphore_mem>>
          %dma_wait3A_250 = tpu.memref_squeeze %dma_wait3A_249 : memref<1x!tpu.dma_semaphore, #tpu.memory_space<semaphore_mem>> -> memref<!tpu.dma_semaphore, #tpu.memory_space<semaphore_mem>>
          tpu.wait_indirect_dma semaphore(%dma_wait3A_250 : memref<!tpu.dma_semaphore, #tpu.memory_space<semaphore_mem>>) src(%arg14 : memref<125x32xf32, #tpu.memory_space<vmem>>) dst(%dma_wait3A_248 : memref<50176x32xf32, #tpu.memory_space<vmem_shared>>)
        }
        %scan3A_27 = arith.constant 8 : i32
      }
      %scan3A_11 = arith.constant 10 : i32
      %barrier3A_12 = arith.constant 0 : index
      tpu.barrier barrier_id(%barrier3A_12)
      "tpu.region"() ({
        %run_scoped3A = tpu.sem_alloc : memref<!tpu.dma_semaphore, #tpu.memory_space<semaphore_mem>>
        %dma_start3A = arith.constant 0 : i32
        %dma_start3A_13 = tpu.memref_slice %arg6[%mul3A_0, %dma_start3A] : memref<51200x32xf32, #tpu.memory_space<hbm>> -> memref<3136x32xf32, #tpu.memory_space<hbm>>
        %dma_start3A_14 = arith.constant 0 : i32
        %dma_start3A_15 = tpu.memref_slice %arg7[%mul3A_0, %dma_start3A_14] : memref<50176x32xf32, #tpu.memory_space<vmem_shared>> -> memref<3136x32xf32, #tpu.memory_space<vmem_shared>>
        tpu.enqueue_dma source(%dma_start3A_15 : memref<3136x32xf32, #tpu.memory_space<vmem_shared>>) target(%dma_start3A_13 : memref<3136x32xf32, #tpu.memory_space<hbm>>) target_semaphore(%run_scoped3A : memref<!tpu.dma_semaphore, #tpu.memory_space<semaphore_mem>>)
        %dma_wait3A = arith.constant 0 : i32
        %dma_wait3A_16 = tpu.memref_slice %arg6[%mul3A_0, %dma_wait3A] : memref<51200x32xf32, #tpu.memory_space<hbm>> -> memref<3136x32xf32, #tpu.memory_space<hbm>>
        %dma_wait3A_17 = arith.constant 0 : i32
        %dma_wait3A_18 = tpu.memref_slice %arg7[%mul3A_0, %dma_wait3A_17] : memref<50176x32xf32, #tpu.memory_space<vmem_shared>> -> memref<3136x32xf32, #tpu.memory_space<vmem_shared>>
        tpu.wait_dma2 semaphore(%run_scoped3A : memref<!tpu.dma_semaphore, #tpu.memory_space<semaphore_mem>>) src(%dma_wait3A_18 : memref<3136x32xf32, #tpu.memory_space<vmem_shared>>) dst(%dma_wait3A_16 : memref<3136x32xf32, #tpu.memory_space<hbm>>)
        tpu.yield
      }) : () -> ()
    } else {
    }
    return
  }
}

module attributes {stable_mosaic.version = 14 : i64} {
  func.func @_y1_body(%arg0: i32, %arg1: memref<2048x64xf32, #tpu.memory_space<vmem>>, %arg2: memref<64x64xf32, #tpu.memory_space<vmem>>, %arg3: memref<2048xf32, #tpu.memory_space<vmem>>, %arg4: memref<2048xf32, #tpu.memory_space<vmem>>, %arg5: memref<2048x32xf32, #tpu.memory_space<vmem>>, %arg6: memref<2048x32xf32, #tpu.memory_space<vmem>>) attributes {dimension_semantics = [#tpu.dimension_semantics<arbitrary>], iteration_bounds = array<i64: 25>, scalar_prefetch = 0 : i64, scratch_operands = 0 : i64, tpu.core_type = #tpu.core_type<tc>, window_params = [{transform_indices = @transform_0, window_bounds = array<i64: 2048, 64>}, {pipeline_mode = #tpu.pipeline_mode<synchronous>, transform_indices = @transform_1, window_bounds = array<i64: 64, 64>}, {transform_indices = @transform_2, window_bounds = array<i64: 2048>}, {transform_indices = @transform_3, window_bounds = array<i64: 2048>}, {transform_indices = @transform_4, window_bounds = array<i64: 2048, 32>}, {transform_indices = @transform_5, window_bounds = array<i64: 2048, 32>}]} {
    %get3A = arith.constant 0 : index
    %get3A_0 = vector.load %arg3[%get3A] : memref<2048xf32, #tpu.memory_space<vmem>>, vector<2048xf32>
    %get3A_1 = arith.constant 0 : index
    %get3A_2 = vector.load %arg4[%get3A_1] : memref<2048xf32, #tpu.memory_space<vmem>>, vector<2048xf32>
    %add3A = arith.addf %get3A_0, %get3A_2 : vector<2048xf32>
    %add3A_3 = arith.constant 1.000000e+00 : f32
    %add3A_4 = vector.broadcast %add3A_3 : f32 to vector<2048xf32>
    %add3A_5 = arith.addf %add3A, %add3A_4 : vector<2048xf32>
    %rsqrt3A = math.rsqrt %add3A_5 : vector<2048xf32>
    %get3A_6 = arith.constant 0 : index
    %get3A_7 = arith.constant 0 : index
    %get3A_8 = vector.load %arg1[%get3A_6, %get3A_7] : memref<2048x64xf32, #tpu.memory_space<vmem>>, vector<2048x64xf32>
    %get3A_9 = arith.constant 0 : index
    %get3A_10 = arith.constant 0 : index
    %get3A_11 = vector.load %arg2[%get3A_9, %get3A_10] : memref<64x64xf32, #tpu.memory_space<vmem>>, vector<64x64xf32>
    %dot_general3A = arith.constant dense<0.000000e+00> : vector<2048x64xf32>
    %dot_general3A_12 = tpu.matmul %get3A_8, %get3A_11, %dot_general3A {dimension_numbers = #tpu.dot_dimension_numbers<[1], [0], [0], [1], [0, 0, 1, 1], [], []>, transpose_lhs_hint = false} : vector<2048x64xf32>, vector<64x64xf32>, vector<2048x64xf32> -> vector<2048x64xf32>
    %broadcast_in_dim3A = vector.shape_cast %rsqrt3A : vector<2048xf32> to vector<2048x1xf32>
    %mul3A = vector.broadcast %broadcast_in_dim3A : vector<2048x1xf32> to vector<2048x64xf32>
    %mul3A_13 = arith.mulf %dot_general3A_12, %mul3A : vector<2048x64xf32>
    %slice3A = vector.extract_strided_slice %mul3A_13 {offsets = [0, 0], sizes = [2048, 32], strides = [1, 1]} : vector<2048x64xf32> to vector<2048x32xf32>
    %swap3A = arith.constant 0 : index
    %swap3A_14 = arith.constant 0 : index
    %swap3A_15 = vector.load %arg5[%swap3A, %swap3A_14] : memref<2048x32xf32, #tpu.memory_space<vmem>>, vector<2048x32xf32>
    tpu.vector_store %arg5[%swap3A, %swap3A_14], %slice3A {strides = array<i32>} : memref<2048x32xf32, #tpu.memory_space<vmem>>, vector<2048x32xf32>,
    %slice3A_16 = vector.extract_strided_slice %mul3A_13 {offsets = [0, 32], sizes = [2048, 32], strides = [1, 1]} : vector<2048x64xf32> to vector<2048x32xf32>
    %swap3A_17 = arith.constant 0 : index
    %swap3A_18 = arith.constant 0 : index
    %swap3A_19 = vector.load %arg6[%swap3A_17, %swap3A_18] : memref<2048x32xf32, #tpu.memory_space<vmem>>, vector<2048x32xf32>
    tpu.vector_store %arg6[%swap3A_17, %swap3A_18], %slice3A_16 {strides = array<i32>} : memref<2048x32xf32, #tpu.memory_space<vmem>>, vector<2048x32xf32>,
    return
  }
  func.func @transform_0(%arg0: i32) -> (i32, i32) {
    %c0_i32 = arith.constant 0 : i32
    %c0_i32_0 = arith.constant 0 : i32
    return %arg0, %c0_i32 : i32, i32
  }
  func.func @transform_1(%arg0: i32) -> (i32, i32) {
    %c0_i32 = arith.constant 0 : i32
    %c0_i32_0 = arith.constant 0 : i32
    %c0_i32_1 = arith.constant 0 : i32
    return %c0_i32, %c0_i32_0 : i32, i32
  }
  func.func @transform_2(%arg0: i32) -> i32 {
    %c0_i32 = arith.constant 0 : i32
    return %arg0 : i32
  }
  func.func @transform_3(%arg0: i32) -> i32 {
    %add3A = arith.constant 25 : i32
    %add3A_0 = arith.addi %add3A, %arg0 : i32
    %c0_i32 = arith.constant 0 : i32
    return %add3A_0 : i32
  }
  func.func @transform_4(%arg0: i32) -> (i32, i32) {
    %c0_i32 = arith.constant 0 : i32
    %c0_i32_0 = arith.constant 0 : i32
    return %arg0, %c0_i32 : i32, i32
  }
  func.func @transform_5(%arg0: i32) -> (i32, i32) {
    %c0_i32 = arith.constant 0 : i32
    %c0_i32_0 = arith.constant 0 : i32
    return %arg0, %c0_i32 : i32, i32
  }
}

module attributes {stable_mosaic.version = 14 : i64} {
  func.func @_y2_body(%arg0: i32, %arg1: memref<2048x32xf32, #tpu.memory_space<vmem>>, %arg2: memref<2048x32xf32, #tpu.memory_space<vmem>>, %arg3: memref<2048xf32, #tpu.memory_space<vmem>>, %arg4: memref<2048xf32, #tpu.memory_space<vmem>>, %arg5: memref<1x64xf32, #tpu.memory_space<vmem>>, %arg6: memref<64x32xf32, #tpu.memory_space<vmem>>, %arg7: memref<2048x16xf32, #tpu.memory_space<vmem>>, %arg8: memref<2048x16xf32, #tpu.memory_space<vmem>>) attributes {dimension_semantics = [#tpu.dimension_semantics<arbitrary>], iteration_bounds = array<i64: 25>, scalar_prefetch = 0 : i64, scratch_operands = 0 : i64, tpu.core_type = #tpu.core_type<tc>, window_params = [{transform_indices = @transform_0, window_bounds = array<i64: 2048, 32>}, {transform_indices = @transform_1, window_bounds = array<i64: 2048, 32>}, {transform_indices = @transform_2, window_bounds = array<i64: 2048>}, {transform_indices = @transform_3, window_bounds = array<i64: 2048>}, {pipeline_mode = #tpu.pipeline_mode<synchronous>, transform_indices = @transform_4, window_bounds = array<i64: 1, 64>}, {pipeline_mode = #tpu.pipeline_mode<synchronous>, transform_indices = @transform_5, window_bounds = array<i64: 64, 32>}, {transform_indices = @transform_6, window_bounds = array<i64: 2048, 16>}, {transform_indices = @transform_7, window_bounds = array<i64: 2048, 16>}]} {
    %get3A = arith.constant 0 : index
    %get3A_0 = vector.load %arg3[%get3A] : memref<2048xf32, #tpu.memory_space<vmem>>, vector<2048xf32>
    %get3A_1 = arith.constant 0 : index
    %get3A_2 = vector.load %arg4[%get3A_1] : memref<2048xf32, #tpu.memory_space<vmem>>, vector<2048xf32>
    %add3A = arith.addf %get3A_0, %get3A_2 : vector<2048xf32>
    %add3A_3 = arith.constant 1.000000e+00 : f32
    %add3A_4 = vector.broadcast %add3A_3 : f32 to vector<2048xf32>
    %add3A_5 = arith.addf %add3A, %add3A_4 : vector<2048xf32>
    %rsqrt3A = math.rsqrt %add3A_5 : vector<2048xf32>
    %broadcast_in_dim3A = vector.shape_cast %rsqrt3A : vector<2048xf32> to vector<2048x1xf32>
    %get3A_6 = arith.constant 0 : index
    %get3A_7 = arith.constant 0 : index
    %get3A_8 = vector.load %arg1[%get3A_6, %get3A_7] : memref<2048x32xf32, #tpu.memory_space<vmem>>, vector<2048x32xf32>
    %get3A_9 = arith.constant 0 : index
    %get3A_10 = arith.constant 0 : index
    %get3A_11 = vector.load %arg2[%get3A_9, %get3A_10] : memref<2048x32xf32, #tpu.memory_space<vmem>>, vector<2048x32xf32>
    %concatenate3A = tpu.concatenate %get3A_8, %get3A_11 in 1 : vector<2048x32xf32>, vector<2048x32xf32> -> vector<2048x64xf32>
    %mul3A = vector.broadcast %broadcast_in_dim3A : vector<2048x1xf32> to vector<2048x64xf32>
    %mul3A_12 = arith.mulf %concatenate3A, %mul3A : vector<2048x64xf32>
    %get3A_13 = arith.constant 0 : index
    %get3A_14 = arith.constant 0 : index
    %get3A_15 = vector.load %arg5[%get3A_13, %get3A_14] : memref<1x64xf32, #tpu.memory_space<vmem>>, vector<1x64xf32>
    %add3A_16 = vector.broadcast %get3A_15 : vector<1x64xf32> to vector<2048x64xf32>
    %add3A_17 = arith.addf %mul3A_12, %add3A_16 : vector<2048x64xf32>
    %max3A = arith.constant 0.000000e+00 : f32
    %max3A_18 = vector.broadcast %max3A : f32 to vector<2048x64xf32>
    %max3A_19 = arith.maximumf %add3A_17, %max3A_18 : vector<2048x64xf32>
    %get3A_20 = arith.constant 0 : index
    %get3A_21 = arith.constant 0 : index
    %get3A_22 = vector.load %arg6[%get3A_20, %get3A_21] : memref<64x32xf32, #tpu.memory_space<vmem>>, vector<64x32xf32>
    %dot_general3A = arith.constant dense<0.000000e+00> : vector<2048x32xf32>
    %dot_general3A_23 = tpu.matmul %max3A_19, %get3A_22, %dot_general3A {dimension_numbers = #tpu.dot_dimension_numbers<[1], [0], [0], [1], [0, 0, 1, 1], [], []>, transpose_lhs_hint = false} : vector<2048x64xf32>, vector<64x32xf32>, vector<2048x32xf32> -> vector<2048x32xf32>
    %mul3A_24 = vector.broadcast %broadcast_in_dim3A : vector<2048x1xf32> to vector<2048x32xf32>
    %mul3A_25 = arith.mulf %dot_general3A_23, %mul3A_24 : vector<2048x32xf32>
    %slice3A = vector.extract_strided_slice %mul3A_25 {offsets = [0, 0], sizes = [2048, 16], strides = [1, 1]} : vector<2048x32xf32> to vector<2048x16xf32>
    %swap3A = arith.constant 0 : index
    %swap3A_26 = arith.constant 0 : index
    %swap3A_27 = vector.load %arg7[%swap3A, %swap3A_26] : memref<2048x16xf32, #tpu.memory_space<vmem>>, vector<2048x16xf32>
    tpu.vector_store %arg7[%swap3A, %swap3A_26], %slice3A {strides = array<i32>} : memref<2048x16xf32, #tpu.memory_space<vmem>>, vector<2048x16xf32>,
    %slice3A_28 = vector.extract_strided_slice %mul3A_25 {offsets = [0, 16], sizes = [2048, 16], strides = [1, 1]} : vector<2048x32xf32> to vector<2048x16xf32>
    %swap3A_29 = arith.constant 0 : index
    %swap3A_30 = arith.constant 0 : index
    %swap3A_31 = vector.load %arg8[%swap3A_29, %swap3A_30] : memref<2048x16xf32, #tpu.memory_space<vmem>>, vector<2048x16xf32>
    tpu.vector_store %arg8[%swap3A_29, %swap3A_30], %slice3A_28 {strides = array<i32>} : memref<2048x16xf32, #tpu.memory_space<vmem>>, vector<2048x16xf32>,
    return
  }
  func.func @transform_0(%arg0: i32) -> (i32, i32) {
    %c0_i32 = arith.constant 0 : i32
    %c0_i32_0 = arith.constant 0 : i32
    return %arg0, %c0_i32 : i32, i32
  }
  func.func @transform_1(%arg0: i32) -> (i32, i32) {
    %c0_i32 = arith.constant 0 : i32
    %c0_i32_0 = arith.constant 0 : i32
    return %arg0, %c0_i32 : i32, i32
  }
  func.func @transform_2(%arg0: i32) -> i32 {
    %c0_i32 = arith.constant 0 : i32
    return %arg0 : i32
  }
  func.func @transform_3(%arg0: i32) -> i32 {
    %add3A = arith.constant 25 : i32
    %add3A_0 = arith.addi %add3A, %arg0 : i32
    %c0_i32 = arith.constant 0 : i32
    return %add3A_0 : i32
  }
  func.func @transform_4(%arg0: i32) -> (i32, i32) {
    %c0_i32 = arith.constant 0 : i32
    %c0_i32_0 = arith.constant 0 : i32
    %c0_i32_1 = arith.constant 0 : i32
    return %c0_i32, %c0_i32_0 : i32, i32
  }
  func.func @transform_5(%arg0: i32) -> (i32, i32) {
    %c0_i32 = arith.constant 0 : i32
    %c0_i32_0 = arith.constant 0 : i32
    %c0_i32_1 = arith.constant 0 : i32
    return %c0_i32, %c0_i32_0 : i32, i32
  }
  func.func @transform_6(%arg0: i32) -> (i32, i32) {
    %c0_i32 = arith.constant 0 : i32
    %c0_i32_0 = arith.constant 0 : i32
    return %arg0, %c0_i32 : i32, i32
  }
  func.func @transform_7(%arg0: i32) -> (i32, i32) {
    %c0_i32 = arith.constant 0 : i32
    %c0_i32_0 = arith.constant 0 : i32
    return %arg0, %c0_i32 : i32, i32
  }
}

module attributes {stable_mosaic.version = 14 : i64} {
  func.func @_final_body(%arg0: i32, %arg1: memref<2048x16xf32, #tpu.memory_space<vmem>>, %arg2: memref<2048x16xf32, #tpu.memory_space<vmem>>, %arg3: memref<2048xf32, #tpu.memory_space<vmem>>, %arg4: memref<2048xf32, #tpu.memory_space<vmem>>, %arg5: memref<1x32xf32, #tpu.memory_space<vmem>>, %arg6: memref<2048x32xf32, #tpu.memory_space<vmem>>) attributes {dimension_semantics = [#tpu.dimension_semantics<arbitrary>], iteration_bounds = array<i64: 25>, scalar_prefetch = 0 : i64, scratch_operands = 0 : i64, tpu.core_type = #tpu.core_type<tc>, window_params = [{transform_indices = @transform_0, window_bounds = array<i64: 2048, 16>}, {transform_indices = @transform_1, window_bounds = array<i64: 2048, 16>}, {transform_indices = @transform_2, window_bounds = array<i64: 2048>}, {transform_indices = @transform_3, window_bounds = array<i64: 2048>}, {pipeline_mode = #tpu.pipeline_mode<synchronous>, transform_indices = @transform_4, window_bounds = array<i64: 1, 32>}, {transform_indices = @transform_5, window_bounds = array<i64: 2048, 32>}]} {
    %get3A = arith.constant 0 : index
    %get3A_0 = vector.load %arg3[%get3A] : memref<2048xf32, #tpu.memory_space<vmem>>, vector<2048xf32>
    %get3A_1 = arith.constant 0 : index
    %get3A_2 = vector.load %arg4[%get3A_1] : memref<2048xf32, #tpu.memory_space<vmem>>, vector<2048xf32>
    %add3A = arith.addf %get3A_0, %get3A_2 : vector<2048xf32>
    %add3A_3 = arith.constant 1.000000e+00 : f32
    %add3A_4 = vector.broadcast %add3A_3 : f32 to vector<2048xf32>
    %add3A_5 = arith.addf %add3A, %add3A_4 : vector<2048xf32>
    %rsqrt3A = math.rsqrt %add3A_5 : vector<2048xf32>
    %get3A_6 = arith.constant 0 : index
    %get3A_7 = arith.constant 0 : index
    %get3A_8 = vector.load %arg1[%get3A_6, %get3A_7] : memref<2048x16xf32, #tpu.memory_space<vmem>>, vector<2048x16xf32>
    %get3A_9 = arith.constant 0 : index
    %get3A_10 = arith.constant 0 : index
    %get3A_11 = vector.load %arg2[%get3A_9, %get3A_10] : memref<2048x16xf32, #tpu.memory_space<vmem>>, vector<2048x16xf32>
    %concatenate3A = tpu.concatenate %get3A_8, %get3A_11 in 1 : vector<2048x16xf32>, vector<2048x16xf32> -> vector<2048x32xf32>
    %broadcast_in_dim3A = vector.shape_cast %rsqrt3A : vector<2048xf32> to vector<2048x1xf32>
    %mul3A = vector.broadcast %broadcast_in_dim3A : vector<2048x1xf32> to vector<2048x32xf32>
    %mul3A_12 = arith.mulf %concatenate3A, %mul3A : vector<2048x32xf32>
    %get3A_13 = arith.constant 0 : index
    %get3A_14 = arith.constant 0 : index
    %get3A_15 = vector.load %arg5[%get3A_13, %get3A_14] : memref<1x32xf32, #tpu.memory_space<vmem>>, vector<1x32xf32>
    %add3A_16 = vector.broadcast %get3A_15 : vector<1x32xf32> to vector<2048x32xf32>
    %add3A_17 = arith.addf %mul3A_12, %add3A_16 : vector<2048x32xf32>
    %swap3A = arith.constant 0 : index
    %swap3A_18 = arith.constant 0 : index
    %swap3A_19 = vector.load %arg6[%swap3A, %swap3A_18] : memref<2048x32xf32, #tpu.memory_space<vmem>>, vector<2048x32xf32>
    tpu.vector_store %arg6[%swap3A, %swap3A_18], %add3A_17 {strides = array<i32>} : memref<2048x32xf32, #tpu.memory_space<vmem>>, vector<2048x32xf32>,
    return
  }
  func.func @transform_0(%arg0: i32) -> (i32, i32) {
    %c0_i32 = arith.constant 0 : i32
    %c0_i32_0 = arith.constant 0 : i32
    return %arg0, %c0_i32 : i32, i32
  }
  func.func @transform_1(%arg0: i32) -> (i32, i32) {
    %c0_i32 = arith.constant 0 : i32
    %c0_i32_0 = arith.constant 0 : i32
    return %arg0, %c0_i32 : i32, i32
  }
  func.func @transform_2(%arg0: i32) -> i32 {
    %c0_i32 = arith.constant 0 : i32
    return %arg0 : i32
  }
  func.func @transform_3(%arg0: i32) -> i32 {
    %add3A = arith.constant 25 : i32
    %add3A_0 = arith.addi %add3A, %arg0 : i32
    %c0_i32 = arith.constant 0 : i32
    return %add3A_0 : i32
  }
  func.func @transform_4(%arg0: i32) -> (i32, i32) {
    %c0_i32 = arith.constant 0 : i32
    %c0_i32_0 = arith.constant 0 : i32
    %c0_i32_1 = arith.constant 0 : i32
    return %c0_i32, %c0_i32_0 : i32, i32
  }
  func.func @transform_5(%arg0: i32) -> (i32, i32) {
    %c0_i32 = arith.constant 0 : i32
    %c0_i32_0 = arith.constant 0 : i32
    return %arg0, %c0_i32 : i32, i32
  }
}

</mosaic_0001>

<sc_bundles>
// kernel: kernel.11.cloned.1.call-start
scs
__scs_entry_jumppad:
0x0: {  	(pc) =	sbr.rel $0x88, $3  }
0x1: {  	(tag) =	ssettag $0x0;
	lr =	simm.s32 $0x1  }
0x2: {  	[smem:$0x3F9B] =	sst lr;
	_ =	strace $0xD0000000  }
0x3: {  	_ = 	snop  }
0x4: {  	_ = 	snop  }
0x5: {  	_ = 	snop  }
0x6: {  	_ = 	snop  }
0x7: {  	_ = 	snop  }
__scs_overlays_trampoline_lowered:
0x8: {  	[smem:$0x3FAA] =	sst s0  }
0x9: {  	[smem:$0x3FAB] =	sst s1  }
0xa: {  	[smem:$0x3FAC] =	sst s2  }
0xb: {  	[smem:$0x3FAD] =	sst s3  }
0xc: {  	[smem:$0x3FAE] =	sst s4  }
0xd: {  	[smem:$0x3FAF] =	sst s5  }
0xe: {  	[smem:$0x3FB0] =	sst s6  }
0xf: {  	[smem:$0x3FB1] =	sst s7  }
0x10: {  	[smem:$0x3FB2] =	sst s8  }
0x11: {  	[smem:$0x3FB3] =	sst s9;
	s0 =	simm.s32 @!p0 $0x0  }
0x12: {  	s1 =	sld [smem:$0x3F99];
	s0 =	simm.s32 @p0 $0x1  }
0x13: {  	[smem:$0x3FB4] =	sst s0;
	s0 =	simm.s32 @!p1 $0x0  }
0x14: {  	s2 =	sld [smem:$0x3F98];
	s0 =	simm.s32 @p1 $0x1  }
0x15: {  	[smem:$0x3FB5] =	sst s0;
	s0 =	simm.s32 @!p2 $0x0  }
0x16: {  	s3 =	sld [smem:$0x3FDB];
	s0 =	simm.s32 @p2 $0x1  }
0x17: {  	s4 =	simm.s32 $0x1BF5;
	[smem:$0x3FB7] =	sst s0  }
0x18: {  	s0 =	sld [smem:$0x3F9A];
	_ =	swait.ge [sflag:s4], $0x0  }
0x19: {  	s7 =	sld [smem:$0x3F9B]  }
0x1a: {  	s8 =	sadd.s32 $0xFFFFE003, lr  }
0x1b: {  	s9 =	sadd.s32 $0xFFFFFEF7, lr;
	s5 =	simm.s32 $0xFFFFFFFF;
	p2 =	slt.u32 s8, $0xFFFFF086  }
0x1c: {  	p1 =	slt.u32 s9, $0xF7A;
	s5 =	simm.s32 @!p2 $0x0  }
0x1d: {  	s5 =	simm.s32 @p1 $0x1;
	p0 =	seq.s32 s7, s2  }
0x1e: {  	s7 =	smul.u32 @!p0 $0xF7A, s2;
	p2 =	seq.s32 @!p0 s5, $0x0  }
0x1f: {  	s9 =	smul.u32 $0xF7A, s1;
	s8 =	simm.s32 @!p0 $0x1BF5;
	p2 =	por !p2, p0  }
0x20: {  	[sflag:s8] =	ssyncset.s32 @!p0 $0xFFFFF086;
	s6 =	sadd.s32 @!p0 s3, s7;
	s7 =	simm.s32 @!p0 $0x108  }
0x21: {  	s3 =	sadd.s32 s3, s9;
	s6 =	sadd.s32 @!p0 $0x88, s6;
	s7 =	simm.s32 @p2 $0x1082  }
0x22: {  	[simem:s7], [sflag:s8] =	dma.local @!p0 [hbm:s6], $0xF7A  }
0x23: {  	s9 =	sor.u32 $0xD0000000, s2;
	s6 =	simm.s32 $0x108;
	_ =	swait.ge @!p0 [sflag:s8], $0x0  }
0x24: {  	s3 =	sadd.s32 $0x88, s3;
	s6 =	simm.s32 @!p1 $0x1082;
	[sflag:s4] =	ssyncset.s32 $0xFFFFF086  }
0x25: {  	[simem:s6], [sflag:s4] =	dma.local [hbm:s3], $0xF7A  }
0x26: {  	[smem:$0x3F9B] =	sst s1;
	(tag) =	ssettag s2;
	_ =	strace s9  }
0x27: {  	s1 =	sld [smem:$0x3FAB]  }
0x28: {  	s2 =	sld [smem:$0x3FAC]  }
0x29: {  	s4 =	sld [smem:$0x3FAE]  }
0x2a: {  	p0 =	seq.s32 s5, $0x0;
	s5 =	sld [smem:$0x3FAF]  }
0x2b: {  	s6 =	sld [smem:$0x3FB0]  }
0x2c: {  	s7 =	sld [smem:$0x3FB1]  }
0x2d: {  	s3 =	simm.s32 $0x108;
	s8 =	sld [smem:$0x3FB2]  }
0x2e: {  	s3 =	simm.s32 @!p0 $0x1082;
	s9 =	sld [smem:$0x3FB3]  }
0x2f: {  	lr =	sadd.s32 s0, s3;
	s0 =	sld [smem:$0x3FAA]  }
0x30: {  	s3 =	sld [smem:$0x3FAD]  }
0x31: {  	[smem:$0x3FB6] =	sst s10  }
0x32: {  	s10 =	sld [smem:$0x3FB4];
	_ =	sdelay $0x3  }
0x33: {  	p0 =	seq.s32 s10, $0x1;
	s10 =	sld [smem:$0x3FB6];
	_ =	sdelay $0x3  }
0x34: {  	[smem:$0x3FB6] =	sst s10  }
0x35: {  	s10 =	sld [smem:$0x3FB5];
	_ =	sdelay $0x3  }
0x36: {  	p1 =	seq.s32 s10, $0x1;
	s10 =	sld [smem:$0x3FB6];
	_ =	sdelay $0x3  }
0x37: {  	[smem:$0x3FB6] =	sst s10  }
0x38: {  	s10 =	sld [smem:$0x3FB7]  }
0x39: {  	_ = 	snop;
	(pc) =	sbr.ind lr, $3  }
0x3a: {  	_ = 	snop  }
0x3b: {  	_ = 	snop  }
0x3c: {  	p2 =	seq.s32 s10, $0x1;
	s10 =	sld [smem:$0x3FB6]  }
0x3d: {  	_ =	shalt  }
0x3e: {  	_ =	shalt  }
0x3f: {  	_ =	shalt  }
0x40: {  	_ =	shalt  }
0x41: {  	_ =	shalt  }
0x42: {  	_ =	shalt  }
0x43: {  	_ =	shalt  }
0x44: {  	_ =	shalt  }
0x45: {  	_ =	shalt  }
0x46: {  	_ =	shalt  }
0x47: {  	_ =	shalt  }
0x48: {  	_ =	shalt  }
0x49: {  	_ =	shalt  }
0x4a: {  	_ =	shalt  }
0x4b: {  	_ =	shalt  }
0x4c: {  	_ =	shalt  }
0x4d: {  	_ =	shalt  }
0x4e: {  	_ =	shalt  }
0x4f: {  	_ =	shalt  }
0x50: {  	_ =	shalt  }
0x51: {  	_ =	shalt  }
0x52: {  	_ =	shalt  }
0x53: {  	_ =	shalt  }
0x54: {  	_ =	shalt  }
0x55: {  	_ =	shalt  }
0x56: {  	_ =	shalt  }
0x57: {  	_ =	shalt  }
0x58: {  	_ =	shalt  }
0x59: {  	_ =	shalt  }
0x5a: {  	_ =	shalt  }
0x5b: {  	_ =	shalt  }
0x5c: {  	_ =	shalt  }
0x5d: {  	_ =	shalt  }
0x5e: {  	_ =	shalt  }
0x5f: {  	_ =	shalt  }
0x60: {  	_ =	shalt  }
0x61: {  	_ =	shalt  }
0x62: {  	_ =	shalt  }
0x63: {  	_ =	shalt  }
0x64: {  	_ =	shalt  }
0x65: {  	_ =	shalt  }
0x66: {  	_ =	shalt  }
0x67: {  	_ =	shalt  }
0x68: {  	_ =	shalt  }
0x69: {  	_ =	shalt  }
0x6a: {  	_ =	shalt  }
0x6b: {  	_ =	shalt  }
0x6c: {  	_ =	shalt  }
0x6d: {  	_ =	shalt  }
0x6e: {  	_ =	shalt  }
0x6f: {  	_ =	shalt  }
0x70: {  	_ =	shalt  }
0x71: {  	_ =	shalt  }
0x72: {  	_ =	shalt  }
0x73: {  	_ =	shalt  }
0x74: {  	_ =	shalt  }
0x75: {  	_ =	shalt  }
0x76: {  	_ =	shalt  }
0x77: {  	_ =	shalt  }
0x78: {  	_ =	shalt  }
0x79: {  	_ =	shalt  }
0x7a: {  	_ =	shalt  }
0x7b: {  	_ =	shalt  }
0x7c: {  	_ =	shalt  }
0x7d: {  	_ =	shalt  }
0x7e: {  	_ =	shalt  }
0x7f: {  	_ =	shalt  }
0x80: {  	_ =	shalt  }
0x81: {  	_ =	shalt  }
0x82: {  	_ =	shalt  }
0x83: {  	_ =	shalt  }
0x84: {  	_ =	shalt  }
0x85: {  	_ =	shalt  }
0x86: {  	_ =	shalt  }
0x87: {  	_ =	shalt  }
.Lfunc_end0:
.L_simem_size_0:
called_computation.1_lowered:
.L_overlay_start_0:
0x88: {  	s2 =	sld [smem:$0x3FD9]  }
0x89: {  	s3 =	sld [smem:$0x3FFE];
	_ =	sdelay $0x1  }
0x8a: {  	s1 =	srdreg.scid  }
0x8b: {  	s0 =	sand.u32 $0x1, s1  }
0x8c: {  	s16 =	sshll.u32 s0, $0xA;
	s2 =	sadd.s32 s3, s2  }
0x8d: {  	s2 =	sadd.s32 s2, s16  }
0x8e: {  	[smem:$0x3FC2] =	sst s2  }
0x8f: {  	_ = 	snop  }
0x90: {  	(tm) =	ssettm $0x1  }
0x91: {  	s17 =	sld [smem:$0x3FFB];
	_ =	sdelay $0x3  }
0x92: {  	_ =	strace s17  }
0x93: {  	s2 =	sld [smem:$0x3FFC];
	_ =	sdelay $0x3  }
0x94: {  	_ =	strace s2  }
0x95: {  	s2 =	sld [smem:$0x3FFD];
	_ =	sdelay $0x3  }
0x96: {  	_ =	strace s2  }
0x97: {  	_ =	strace $0x8FFFFFFF  }
0x98: {  	s18 =	sld [smem:$0x3FDB];
	_ =	sdelay $0x1  }
0x99: {  	s19 =	simm.s32 $_scs_section_size  }
0x9a: {  	s4 =	simm.s32 $_size__tile_overlayer_lowered;
	s5 =	simm.s32 $_tile_overlayer_lowered  }
0x9b: {  	s22 =	simm.s32 $0x1BFF;
	s21 =	sshll.u32 s5, $0x1;
	s2 =	sadd.s32 s19, s18  }
0x9c: {  	s6 =	simm.s32 $0x0;
	s20 =	sshll.u32 s4, $0x1;
	s4 =	sadd.s32 s21, s2  }
0x9d: {  	[timem:s6], [sflag:s22] =	dma.local [hbm:s4], s20  }
0x9e: {  	_ =	swait.ge [sflag:s22], s20  }
0x9f: {  	s3 =	ssub.s32 $0x0, s20;
	[sflag:s22] =	ssyncset.done $0x0  }
0xa0: {  	[sflag:s22] =	ssyncadd.s32 s3;
	_ =	sdelay $0x1  }
0xa1: {  	s23 =	simm.s32 $0x1B8B  }
0xa2: {  	_ =	swait.ge [sflag:s23], $0x1  }
0xa3: {  	[sflag:s23] =	ssyncset.done $0x0  }
0xa4: {  	s25 =	simm.s32 $0x1B8E;
	s24 =	sld [smem:$0x3FFE];
	[sflag:s23] =	ssyncadd.s32 $0xFFFFFFFF  }
0xa5: {  	s26 =	simm.s32 $execute0_lowered;
	[smem:$0x3FD2] =	sst s25  }
0xa6: {  	s4 =	sshll.u32 s26, $0x1;
	_ =	strace $0x80000049;
	[dreg:$0x1] =	wrdreg $0xFFFFFFFF  }
0xa7: {  	s28 =	simm.s32 $_size_execute0_lowered;
	s2 =	sadd.s32 s2, s4;
	[dreg:$0x0] =	wrdreg $0x0  }
0xa8: {  	s4 =	sshll.u32 s28, $0x1;
	[dreg:$0x2] =	wrdreg s2  }
0xa9: {  	[dreg:$0x3] =	wrdreg s4  }
0xaa: {  	[dreg:$0x4] =	wrdreg $0xC0  }
0xab: {  	_ =	task [dreg:s6], $0x5FFFF  }
0xac: {  	[dreg:$0x1] =	wrdreg $0xFFFFFFFF  }
0xad: {  	[dreg:$0x0] =	wrdreg $0x60  }
0xae: {  	[dreg:$0x2] =	wrdreg s24  }
0xaf: {  	[dreg:$0x3] =	wrdreg $0x0  }
0xb0: {  	[dreg:$0x4] =	wrdreg $0x9  }
0xb1: {  	_ =	task.clear_ibuf [dreg:s6], $0x5FFFF;
	_ =	strace $0x90000049  }
0xb2: {  	s29 =	simm.s32 $0x9;
	_ =	strace $0x8000004B  }
0xb3: {  	_ =	swait.ge [sflag:s29], $0x1  }
0xb4: {  	[sflag:s29] =	ssyncadd.s32 $0xFFFFFFFF  }
0xb5: {  	_ =	strace $0x9000004B  }
0xb6: {  	_ =	sfence  }
0xb7: {  	s30 =	sld [smem:$0x0];
	_ =	sdelay $0x2  }
0xb8: {  	s31 =	sshll.u32 s1, $0xD;
	s1 =	sshrl.u32 s1, $0x2  }
0xb9: {  	s3 =	sand.u32 $0x4000, s31;
	s1 =	sadd.s32 s1, s30  }
0xba: {  	s0 =	sor.u32 s3, s0;
	s1 =	sshll.u32 s1, $0x11  }
0xbb: {  	s0 =	sor.u32 s1, s0  }
0xbc: {  	s0 =	sadd.s32 $0x8F2B, s0  }
0xbd: {  	[sflag:s0] =	ssyncadd.remote.s32 $0x1  }
0xbe: {  	_ =	sfence.sel $0xFFFF  }
0xbf: {  	[dreg:$0x0] =	wrdreg $0xFFFFFFFF;
	(pc) =	sbr.abs _section_cstart, $3  }
0xc0: {  	[dreg:$0x1] =	wrdreg $0xFFFFFFFF  }
0xc1: {  	_ =	task.clear_ibuf [dreg:s6], $0x2FFFF;
	_ =	strace $0x9FFFFFFF  }
0xc2: {  	(tm) =	ssettm $0x7FFFFFFF  }
0xc3: {  	_ =	shalt  }
tec
execute0_lowered:
.L_overlay_start_1:
0x0: {  	(tag) =	ssettag $0x1  }
0x1: {  	s0 =	rddreg [dreg:$0x0]  }
0x2: {  	s1 =	rddreg [dreg:$0x1]  }
0x3: {  	s9 =	simm.s32 $0x0;
	s2 =	srdreg.scid;
	s10 =	stileid.u32  }
0x4: {  	s18 =	simm.s32 $0xB;
	s20 =	simm.s32 $0x19C00;
	s28 =	simm.s32 $0x1  }
0x5: {  	s29 =	simm.s32 $0x2;
	s30 =	simm.s32 $0x3;
	s31 =	simm.s32 $0x4  }
0x6: {  	s13 =	simm.s32 $0xA;
	[smem:$0x7FF] =	sst s9;
	s4 =	sadd.s32 $0x34E00, s0  }
0x7: {  	s2 =	sand.u32 $0x1, s2;
	s5 =	sadd.s32 $0x66E00, s0;
	s6 =	sadd.s32 $0x2E00, s0  }
0x8: {  	s8 =	smul.u32 $0x18800, s10;
	s11 =	sadd.s32 $0xCAE00, s0;
	s21 =	sadd.s32 $0x98E00, s0  }
0x9: {  	s12 =	sadd.s32 $0x1BE00, s0;
	_ =	strace $0x8000004A;
	[dreg:$0x4] =	wrdreg s11  }
0xa: {  	s26 =	sshll.u32 s10, $0x6;
	s3 =	ssub.s32 $0x2, s2;
	[dreg:$0x5] =	wrdreg s21  }
0xb: {  	p0 =	seq.s32 s2, $0x1;
	s11 =	smul.u32 $0x190, s10;
	[dreg:$0xa] =	wrdreg s26  }
0xc: {  	s0 =	sor.u32 $0x1C0B, s26;
	s21 =	simm.s32 $0x7D;
	s26 =	simm.s32 $0x1EE80  }
0xd: {  	s10 =	simm.s32 $0x8;
	s7 =	sshrl.u32 s3, $0x1;
	s22 =	sadd.s32 s8, s1  }
0xe: {  	s23 =	sshrl.u32 s8, $0x3;
	[dreg:$0xb] =	wrdreg s0;
	s0 =	simm.s32 $0x5  }
0xf: {  	s3 =	ssub.s32 s3, s7;
	s8 =	sadd.s32 s4, s23;
	[dreg:$0x6] =	wrdreg s23  }
.Ltmp0:
0x10: {  	s24 =	sadd.s32 s5, s23;
	s14 =	sshrl.u32 s22, $0x3;
	(pc) =	sbr.rel .LBB2_1-.Ltmp0, $4  }
0x11: {  	s22 =	simm.s32 $0x1B000;
	s23 =	simm.s32 $0x1BFA0;
	[dreg:$0x7] =	wrdreg s8  }
0x12: {  	s7 =	simm.s32 $0x7;
	[dreg:$0x8] =	wrdreg s24;
	s25 =	smax.u32 s3, $0x1  }
0x13: {  	s24 =	simm.s32 $0x1CF40;
	s3 =	simm.s32 $0x6;
	[dreg:$0xc] =	wrdreg s14  }
0x14: {  	s8 =	simm.s32 $0x9;
	[dreg:$0x9] =	wrdreg s25;
	s25 =	simm.s32 $0x1DEE0  }
.LBB2_12:
0x15: {  	s14 =	rddreg [dreg:$0x6];
	[bflag:$0x0] =	sbarrier.arrive $0xFFFF  }
0x16: {  	s2 =	sadd.s32 s2, s14;
	s14 =	rddreg [dreg:$0xc]  }
0x17: {  	[hbm:s2], [sflag:s15] =	dma.local [spmem:s14], $0x3100  }
0x18: {  	_ =	swait.ge [sflag:s18], $0x3100  }
0x19: {  	s9 =	sadd.s32 $0x1, s9;
	s19 =	rddreg [dreg:$0x9]  }
0x1a: {  	p1 =	sne.s32 s9, s19  }
.Ltmp1:
0x1b: {  	_ = 	snop;
	(pc) =	sbr.rel @!p1 .LBB2_13-.Ltmp1, $3  }
0x1c: {  	_ =	sdelay $0x1  }
0x1d: {  	[sflag:s18] =	ssyncset.done $0x0  }
0x1e: {  	[sflag:s18] =	ssyncadd.s32 $0xFFFFCF00  }
.LBB2_1:
.Ltmp2:
0x1f: {  	(pc) =	sbr.rel @!p0 .LBB2_2-.Ltmp2, $2  }
0x20: {  	_ =	sdelay $0x2  }
0x21: {  	[dreg:$0x3] =	wrdreg s9  }
0x22: {  	s2 =	rddreg [dreg:$0x8]  }
0x23: {  	s9 =	rddreg [dreg:$0xb]  }
0x24: {  	[spmem:s14], [sflag:s9] =	dma.local [hbm:s2], $0x3100  }
0x25: {  	_ =	swait.ge [sflag:s18], $0x3100  }
0x26: {  	[sflag:s18] =	ssyncset.done $0x0  }
0x27: {  	[sflag:s18] =	ssyncadd.s32 $0xFFFFCF00  }
0x28: {  	s15 =	simm.s32 $0x0;
	s14 =	simm.s32 $0x0;
	[bflag:$0x0] =	sbarrier.arrive $0xFFFF  }
.LBB2_8:
0x29: {  	s2 =	smul.u32 $0x28, s15;
	_ =	sdelay $0x1  }
0x2a: {  	s2 =	sadd.s32 s11, s2  }
0x2b: {  	s2 =	sshll.u32 s2, $0x4  }
0x2c: {  	s16 =	simm.s32 $0x18800;
	s9 =	sadd.s32 s6, s2  }
0x2d: {  	[tilespmem:s16], [sflag:$0xB] =	stream.linear.gather [hbm4b:s9+s14], $0x1400, $0x38;
	[tilespmem:$0x1FE20] =	vst v63  }
0x2e: {  	_ =	swait.ge [sflag:s18], $0x1400  }
0x2f: {  	[sflag:s18] =	ssyncset.done $0x0  }
0x30: {  	s2 =	sadd.s32 s2, s12;
	[sflag:s18] =	ssyncadd.s32 $0xFFFFEC00  }
0x31: {  	[tilespmem:s20], [sflag:$0xB] =	stream.linear.gather [hbm4b:s2+s14], $0x1400, $0x38;
	[tilespmem:$0x1FE20] =	vst v63  }
0x32: {  	_ =	swait.ge [sflag:s18], $0x1400  }
0x33: {  	[sflag:s18] =	ssyncset.done $0x0  }
0x34: {  	s17 =	simm.s32 $0x18800;
	[sflag:s18] =	ssyncadd.s32 $0xFFFFEC00  }
0x35: {  	[tilespmem:s22], [sflag:$0x1] =	stream.indirect.gather [hbm4b:s5+s21], $0x20, s17, s21, $0xb8;
	[tilespmem:$0x1FE20] =	vst v63  }
0x36: {  	s19 =	simm.s32 $0x18880  }
0x37: {  	[tilespmem:s23], [sflag:$0x2] =	stream.indirect.gather [hbm4b:s5+s21], $0x20, s19, s21, $0xb8;
	[tilespmem:$0x1FE20] =	vst v63  }
0x38: {  	s9 =	simm.s32 $0x18900  }
0x39: {  	[tilespmem:s24], [sflag:$0x3] =	stream.indirect.gather [hbm4b:s5+s21], $0x20, s9, s21, $0xb8;
	[tilespmem:$0x1FE20] =	vst v63  }
0x3a: {  	s16 =	simm.s32 $0x18980  }
0x3b: {  	[tilespmem:s25], [sflag:$0x4] =	stream.indirect.gather [hbm4b:s5+s21], $0x20, s16, s21, $0xb8;
	[tilespmem:$0x1FE20] =	vst v63  }
0x3c: {  	s17 =	simm.s32 $0x18A00  }
0x3d: {  	[tilespmem:s26], [sflag:$0x5] =	stream.indirect.gather [hbm4b:s5+s21], $0x20, s17, s21, $0xb8;
	[tilespmem:$0x1FE20] =	vst v63  }
0x3e: {  	_ =	swait.ge [sflag:s28], $0xFA0  }
0x3f: {  	[sflag:s28] =	ssyncset.done $0x0  }
0x40: {  	s19 =	simm.s32 $0x19C00;
	[sflag:s28] =	ssyncadd.s32 $0xFFFFF060  }
0x41: {  	[spmem:s1] =	stream.indirect.scatter.add.f32 [tilespmem:s22], [sflag:$0x6], $0x20, s19, s21, $0xb8;
	[tilespmem:$0x1FE20] =	vst v63  }
0x42: {  	_ =	swait.ge [sflag:s29], $0xFA0  }
0x43: {  	[sflag:s29] =	ssyncset.done $0x0  }
0x44: {  	s9 =	simm.s32 $0x19C80;
	[sflag:s29] =	ssyncadd.s32 $0xFFFFF060  }
0x45: {  	[spmem:s1] =	stream.indirect.scatter.add.f32 [tilespmem:s23], [sflag:$0x7], $0x20, s9, s21, $0xb8;
	[tilespmem:$0x1FE20] =	vst v63  }
0x46: {  	_ =	swait.ge [sflag:s30], $0xFA0  }
0x47: {  	[sflag:s30] =	ssyncset.done $0x0  }
0x48: {  	s16 =	simm.s32 $0x19D00;
	[sflag:s30] =	ssyncadd.s32 $0xFFFFF060  }
0x49: {  	[spmem:s1] =	stream.indirect.scatter.add.f32 [tilespmem:s24], [sflag:$0x8], $0x20, s16, s21, $0xb8;
	[tilespmem:$0x1FE20] =	vst v63  }
0x4a: {  	_ =	swait.ge [sflag:s31], $0xFA0  }
0x4b: {  	[sflag:s31] =	ssyncset.done $0x0  }
0x4c: {  	s17 =	simm.s32 $0x19D80;
	[sflag:s31] =	ssyncadd.s32 $0xFFFFF060  }
0x4d: {  	[spmem:s1] =	stream.indirect.scatter.add.f32 [tilespmem:s25], [sflag:$0x9], $0x20, s17, s21, $0xb8;
	[tilespmem:$0x1FE20] =	vst v63  }
0x4e: {  	_ =	swait.ge [sflag:s0], $0xFA0  }
0x4f: {  	[sflag:s0] =	ssyncset.done $0x0  }
0x50: {  	s19 =	simm.s32 $0x19E00;
	[sflag:s0] =	ssyncadd.s32 $0xFFFFF060  }
0x51: {  	[spmem:s1] =	stream.indirect.scatter.add.f32 [tilespmem:s26], [sflag:$0xA], $0x20, s19, s21, $0xb8;
	[tilespmem:$0x1FE20] =	vst v63  }
0x52: {  	_ =	swait.ge [sflag:s3], $0xFA0  }
0x53: {  	[sflag:s3] =	ssyncset.done $0x0  }
0x54: {  	[sflag:s3] =	ssyncadd.s32 $0xFFFFF060  }
0x55: {  	_ =	swait.ge [sflag:s7], $0xFA0  }
0x56: {  	[sflag:s7] =	ssyncset.done $0x0  }
0x57: {  	[sflag:s7] =	ssyncadd.s32 $0xFFFFF060  }
0x58: {  	_ =	swait.ge [sflag:s10], $0xFA0  }
0x59: {  	[sflag:s10] =	ssyncset.done $0x0  }
0x5a: {  	[sflag:s10] =	ssyncadd.s32 $0xFFFFF060  }
0x5b: {  	_ =	swait.ge [sflag:s8], $0xFA0  }
0x5c: {  	[sflag:s8] =	ssyncset.done $0x0  }
0x5d: {  	[sflag:s8] =	ssyncadd.s32 $0xFFFFF060  }
0x5e: {  	_ =	swait.ge [sflag:s13], $0xFA0  }
0x5f: {  	s2 =	simm.s32 $0x1400;
	s9 =	simm.s32 $0x280;
	[sflag:s13] =	ssyncset.done $0x0  }
.LBB2_9:
0x60: {  	s19 =	sadd.s32 $0x18800, s9  }
0x61: {  	[sflag:s13] =	ssyncadd.s32 $0xFFFFF060;
	s17 =	smov.u32 s2;
	s16 =	sadd.s32 $0xA00, s2  }
0x62: {  	[tilespmem:s22], [sflag:$0x1] =	stream.indirect.gather [hbm4b:s5+s21], $0x20, s19, s21, $0xb8;
	[tilespmem:$0x1FE20] =	vst v63  }
0x63: {  	p1 =	sne.s32 s2, $0x4600;
	s2 =	sadd.s32 $0x18880, s9  }
0x64: {  	[tilespmem:s23], [sflag:$0x2] =	stream.indirect.gather [hbm4b:s5+s21], $0x20, s2, s21, $0xb8;
	[tilespmem:$0x1FE20] =	vst v63  }
0x65: {  	s2 =	sadd.s32 $0x18900, s9  }
0x66: {  	[tilespmem:s24], [sflag:$0x3] =	stream.indirect.gather [hbm4b:s5+s21], $0x20, s2, s21, $0xb8;
	[tilespmem:$0x1FE20] =	vst v63  }
0x67: {  	s2 =	sadd.s32 $0x18980, s9  }
0x68: {  	[tilespmem:s25], [sflag:$0x4] =	stream.indirect.gather [hbm4b:s5+s21], $0x20, s2, s21, $0xb8;
	[tilespmem:$0x1FE20] =	vst v63  }
0x69: {  	s2 =	sadd.s32 $0x18A00, s9  }
0x6a: {  	[tilespmem:s26], [sflag:$0x5] =	stream.indirect.gather [hbm4b:s5+s21], $0x20, s2, s21, $0xb8;
	[tilespmem:$0x1FE20] =	vst v63  }
0x6b: {  	_ =	swait.ge [sflag:s28], $0xFA0  }
0x6c: {  	[sflag:s28] =	ssyncset.done $0x0  }
0x6d: {  	s2 =	sadd.s32 $0x19C00, s9;
	[sflag:s28] =	ssyncadd.s32 $0xFFFFF060  }
0x6e: {  	[spmem:s1] =	stream.indirect.scatter.add.f32 [tilespmem:s22], [sflag:$0x6], $0x20, s2, s21, $0xb8;
	[tilespmem:$0x1FE20] =	vst v63  }
0x6f: {  	_ =	swait.ge [sflag:s29], $0xFA0  }
0x70: {  	[sflag:s29] =	ssyncset.done $0x0  }
0x71: {  	s2 =	sadd.s32 $0x19C80, s9;
	[sflag:s29] =	ssyncadd.s32 $0xFFFFF060  }
0x72: {  	[spmem:s1] =	stream.indirect.scatter.add.f32 [tilespmem:s23], [sflag:$0x7], $0x20, s2, s21, $0xb8;
	[tilespmem:$0x1FE20] =	vst v63  }
0x73: {  	_ =	swait.ge [sflag:s30], $0xFA0  }
0x74: {  	[sflag:s30] =	ssyncset.done $0x0  }
0x75: {  	s2 =	sadd.s32 $0x19D00, s9;
	[sflag:s30] =	ssyncadd.s32 $0xFFFFF060  }
0x76: {  	[spmem:s1] =	stream.indirect.scatter.add.f32 [tilespmem:s24], [sflag:$0x8], $0x20, s2, s21, $0xb8;
	[tilespmem:$0x1FE20] =	vst v63  }
0x77: {  	_ =	swait.ge [sflag:s31], $0xFA0  }
0x78: {  	[sflag:s31] =	ssyncset.done $0x0  }
0x79: {  	s2 =	sadd.s32 $0x19D80, s9;
	[sflag:s31] =	ssyncadd.s32 $0xFFFFF060  }
0x7a: {  	[spmem:s1] =	stream.indirect.scatter.add.f32 [tilespmem:s25], [sflag:$0x9], $0x20, s2, s21, $0xb8;
	[tilespmem:$0x1FE20] =	vst v63  }
0x7b: {  	_ =	swait.ge [sflag:s0], $0xFA0  }
0x7c: {  	[sflag:s0] =	ssyncset.done $0x0  }
0x7d: {  	s2 =	sadd.s32 $0x19E00, s9;
	[sflag:s0] =	ssyncadd.s32 $0xFFFFF060  }
0x7e: {  	[spmem:s1] =	stream.indirect.scatter.add.f32 [tilespmem:s26], [sflag:$0xA], $0x20, s2, s21, $0xb8;
	[tilespmem:$0x1FE20] =	vst v63  }
0x7f: {  	_ =	swait.ge [sflag:s3], $0xFA0  }
0x80: {  	[sflag:s3] =	ssyncset.done $0x0  }
0x81: {  	[sflag:s3] =	ssyncadd.s32 $0xFFFFF060  }
0x82: {  	_ =	swait.ge [sflag:s7], $0xFA0  }
0x83: {  	[sflag:s7] =	ssyncset.done $0x0  }
0x84: {  	[sflag:s7] =	ssyncadd.s32 $0xFFFFF060  }
0x85: {  	_ =	swait.ge [sflag:s10], $0xFA0  }
0x86: {  	[sflag:s10] =	ssyncset.done $0x0  }
0x87: {  	[sflag:s10] =	ssyncadd.s32 $0xFFFFF060  }
.Ltmp3:
0x88: {  	_ =	swait.ge [sflag:s8], $0xFA0;
	(pc) =	sbr.rel @p1 .LBB2_9-.Ltmp3, $4  }
0x89: {  	[sflag:s8] =	ssyncset.done $0x0  }
0x8a: {  	[sflag:s8] =	ssyncadd.s32 $0xFFFFF060  }
0x8b: {  	_ =	swait.ge [sflag:s13], $0xFA0  }
0x8c: {  	s9 =	sshra.s32 s17, $0x2;
	s2 =	smov.u32 s16;
	[sflag:s13] =	ssyncset.done $0x0  }
0x8d: {  	s2 =	sadd.s32 $0x18800, s9;
	[sflag:s13] =	ssyncadd.s32 $0xFFFFF060  }
0x8e: {  	[tilespmem:s22], [sflag:$0x1] =	stream.indirect.gather [hbm4b:s5+s21], $0x20, s2, s21, $0xb8;
	[tilespmem:$0x1FE20] =	vst v63  }
0x8f: {  	s16 =	sadd.s32 $0x18880, s9  }
0x90: {  	[tilespmem:s23], [sflag:$0x2] =	stream.indirect.gather [hbm4b:s5+s21], $0x20, s16, s21, $0xb8;
	[tilespmem:$0x1FE20] =	vst v63  }
0x91: {  	s17 =	sadd.s32 $0x18900, s9  }
0x92: {  	[tilespmem:s24], [sflag:$0x3] =	stream.indirect.gather [hbm4b:s5+s21], $0x20, s17, s21, $0xb8;
	[tilespmem:$0x1FE20] =	vst v63  }
0x93: {  	s19 =	sadd.s32 $0x18980, s9  }
0x94: {  	[tilespmem:s25], [sflag:$0x4] =	stream.indirect.gather [hbm4b:s5+s21], $0x20, s19, s21, $0xb8;
	[tilespmem:$0x1FE20] =	vst v63  }
0x95: {  	s16 =	sadd.s32 $0x18A00, s9  }
0x96: {  	[tilespmem:s26], [sflag:$0x5] =	stream.indirect.gather [hbm4b:s5+s21], $0x20, s16, s21, $0xb8;
	[tilespmem:$0x1FE20] =	vst v63  }
0x97: {  	_ =	swait.ge [sflag:s28], $0xFA0  }
0x98: {  	[sflag:s28] =	ssyncset.done $0x0  }
0x99: {  	s17 =	sadd.s32 $0x19C00, s9;
	[sflag:s28] =	ssyncadd.s32 $0xFFFFF060  }
0x9a: {  	[spmem:s1] =	stream.indirect.scatter.add.f32 [tilespmem:s22], [sflag:$0x6], $0x20, s17, s21, $0xb8;
	[tilespmem:$0x1FE20] =	vst v63  }
0x9b: {  	_ =	swait.ge [sflag:s29], $0xFA0  }
0x9c: {  	[sflag:s29] =	ssyncset.done $0x0  }
0x9d: {  	s19 =	sadd.s32 $0x19C80, s9;
	[sflag:s29] =	ssyncadd.s32 $0xFFFFF060  }
0x9e: {  	[spmem:s1] =	stream.indirect.scatter.add.f32 [tilespmem:s23], [sflag:$0x7], $0x20, s19, s21, $0xb8;
	[tilespmem:$0x1FE20] =	vst v63  }
0x9f: {  	_ =	swait.ge [sflag:s30], $0xFA0  }
0xa0: {  	[sflag:s30] =	ssyncset.done $0x0  }
0xa1: {  	s16 =	sadd.s32 $0x19D00, s9;
	[sflag:s30] =	ssyncadd.s32 $0xFFFFF060  }
0xa2: {  	[spmem:s1] =	stream.indirect.scatter.add.f32 [tilespmem:s24], [sflag:$0x8], $0x20, s16, s21, $0xb8;
	[tilespmem:$0x1FE20] =	vst v63  }
0xa3: {  	_ =	swait.ge [sflag:s31], $0xFA0  }
0xa4: {  	[sflag:s31] =	ssyncset.done $0x0  }
0xa5: {  	s17 =	sadd.s32 $0x19D80, s9;
	[sflag:s31] =	ssyncadd.s32 $0xFFFFF060  }
0xa6: {  	[spmem:s1] =	stream.indirect.scatter.add.f32 [tilespmem:s25], [sflag:$0x9], $0x20, s17, s21, $0xb8;
	[tilespmem:$0x1FE20] =	vst v63  }
0xa7: {  	_ =	swait.ge [sflag:s0], $0xFA0  }
0xa8: {  	[sflag:s0] =	ssyncset.done $0x0  }
0xa9: {  	s19 =	sadd.s32 $0x19E00, s9;
	[sflag:s0] =	ssyncadd.s32 $0xFFFFF060  }
0xaa: {  	[spmem:s1] =	stream.indirect.scatter.add.f32 [tilespmem:s26], [sflag:$0xA], $0x20, s19, s21, $0xb8;
	[tilespmem:$0x1FE20] =	vst v63  }
0xab: {  	_ =	swait.ge [sflag:s3], $0xFA0  }
0xac: {  	[sflag:s3] =	ssyncset.done $0x0  }
0xad: {  	[sflag:s3] =	ssyncadd.s32 $0xFFFFF060  }
0xae: {  	_ =	swait.ge [sflag:s7], $0xFA0  }
0xaf: {  	[sflag:s7] =	ssyncset.done $0x0  }
0xb0: {  	[sflag:s7] =	ssyncadd.s32 $0xFFFFF060  }
0xb1: {  	_ =	swait.ge [sflag:s10], $0xFA0  }
0xb2: {  	[sflag:s10] =	ssyncset.done $0x0  }
0xb3: {  	s15 =	sadd.s32 $0x1, s15;
	[sflag:s10] =	ssyncadd.s32 $0xFFFFF060  }
0xb4: {  	p1 =	sne.s32 s15, $0xA;
	_ =	swait.ge [sflag:s8], $0xFA0  }
.Ltmp4:
0xb5: {  	[sflag:s8] =	ssyncset.done $0x0;
	(pc) =	sbr.rel @p1 .LBB2_8-.Ltmp4, $4  }
0xb6: {  	[sflag:s8] =	ssyncadd.s32 $0xFFFFF060  }
0xb7: {  	_ =	swait.ge [sflag:s13], $0xFA0  }
0xb8: {  	[sflag:s13] =	ssyncset.done $0x0  }
0xb9: {  	[sflag:s13] =	ssyncadd.s32 $0xFFFFF060  }
.Ltmp5:
0xba: {  	(pc) =	sbr.rel .LBB2_12-.Ltmp5, $4  }
0xbb: {  	_ = 	snop  }
0xbc: {  	s2 =	rddreg [dreg:$0x5]  }
0xbd: {  	s15 =	rddreg [dreg:$0xb]  }
0xbe: {  	s9 =	rddreg [dreg:$0x3]  }
.LBB2_2:
0xbf: {  	s2 =	rddreg [dreg:$0xa]  }
0xc0: {  	s19 =	rddreg [dreg:$0x7];
	s9 =	sor.u32 $0x1C0B, s2  }
0xc1: {  	[dreg:$0xd] =	wrdreg s9  }
0xc2: {  	[spmem:s14], [sflag:s9] =	dma.local [hbm:s19], $0x3100  }
0xc3: {  	_ =	swait.ge [sflag:s18], $0x3100  }
0xc4: {  	[sflag:s18] =	ssyncset.done $0x0  }
0xc5: {  	[sflag:s18] =	ssyncadd.s32 $0xFFFFCF00  }
0xc6: {  	s15 =	simm.s32 $0x0;
	s14 =	simm.s32 $0x0;
	[bflag:$0x0] =	sbarrier.arrive $0xFFFF  }
.LBB2_3:
0xc7: {  	s2 =	smul.u32 $0x28, s15;
	_ =	sdelay $0x1  }
0xc8: {  	s2 =	sadd.s32 s11, s2  }
0xc9: {  	s2 =	sshll.u32 s2, $0x4  }
0xca: {  	s16 =	simm.s32 $0x18800;
	s9 =	sadd.s32 s6, s2  }
0xcb: {  	[tilespmem:s16], [sflag:$0xB] =	stream.linear.gather [hbm4b:s9+s14], $0x1400, $0x38;
	[tilespmem:$0x1FE20] =	vst v63  }
0xcc: {  	_ =	swait.ge [sflag:s18], $0x1400  }
0xcd: {  	[sflag:s18] =	ssyncset.done $0x0  }
0xce: {  	s2 =	sadd.s32 s2, s12;
	[sflag:s18] =	ssyncadd.s32 $0xFFFFEC00  }
0xcf: {  	[tilespmem:s20], [sflag:$0xB] =	stream.linear.gather [hbm4b:s2+s14], $0x1400, $0x38;
	[tilespmem:$0x1FE20] =	vst v63  }
0xd0: {  	_ =	swait.ge [sflag:s18], $0x1400  }
0xd1: {  	[sflag:s18] =	ssyncset.done $0x0  }
0xd2: {  	s17 =	simm.s32 $0x18800;
	[sflag:s18] =	ssyncadd.s32 $0xFFFFEC00  }
0xd3: {  	[tilespmem:s22], [sflag:$0x1] =	stream.indirect.gather [hbm4b:s4+s21], $0x20, s17, s21, $0xb8;
	[tilespmem:$0x1FE20] =	vst v63  }
0xd4: {  	s19 =	simm.s32 $0x18880  }
0xd5: {  	[tilespmem:s23], [sflag:$0x2] =	stream.indirect.gather [hbm4b:s4+s21], $0x20, s19, s21, $0xb8;
	[tilespmem:$0x1FE20] =	vst v63  }
0xd6: {  	s9 =	simm.s32 $0x18900  }
0xd7: {  	[tilespmem:s24], [sflag:$0x3] =	stream.indirect.gather [hbm4b:s4+s21], $0x20, s9, s21, $0xb8;
	[tilespmem:$0x1FE20] =	vst v63  }
0xd8: {  	s16 =	simm.s32 $0x18980  }
0xd9: {  	[tilespmem:s25], [sflag:$0x4] =	stream.indirect.gather [hbm4b:s4+s21], $0x20, s16, s21, $0xb8;
	[tilespmem:$0x1FE20] =	vst v63  }
0xda: {  	s17 =	simm.s32 $0x18A00  }
0xdb: {  	[tilespmem:s26], [sflag:$0x5] =	stream.indirect.gather [hbm4b:s4+s21], $0x20, s17, s21, $0xb8;
	[tilespmem:$0x1FE20] =	vst v63  }
0xdc: {  	_ =	swait.ge [sflag:s28], $0xFA0  }
0xdd: {  	[sflag:s28] =	ssyncset.done $0x0  }
0xde: {  	s19 =	simm.s32 $0x19C00;
	[sflag:s28] =	ssyncadd.s32 $0xFFFFF060  }
0xdf: {  	[spmem:s1] =	stream.indirect.scatter.add.f32 [tilespmem:s22], [sflag:$0x6], $0x20, s19, s21, $0xb8;
	[tilespmem:$0x1FE20] =	vst v63  }
0xe0: {  	_ =	swait.ge [sflag:s29], $0xFA0  }
0xe1: {  	[sflag:s29] =	ssyncset.done $0x0  }
0xe2: {  	s9 =	simm.s32 $0x19C80;
	[sflag:s29] =	ssyncadd.s32 $0xFFFFF060  }
0xe3: {  	[spmem:s1] =	stream.indirect.scatter.add.f32 [tilespmem:s23], [sflag:$0x7], $0x20, s9, s21, $0xb8;
	[tilespmem:$0x1FE20] =	vst v63  }
0xe4: {  	_ =	swait.ge [sflag:s30], $0xFA0  }
0xe5: {  	[sflag:s30] =	ssyncset.done $0x0  }
0xe6: {  	s16 =	simm.s32 $0x19D00;
	[sflag:s30] =	ssyncadd.s32 $0xFFFFF060  }
0xe7: {  	[spmem:s1] =	stream.indirect.scatter.add.f32 [tilespmem:s24], [sflag:$0x8], $0x20, s16, s21, $0xb8;
	[tilespmem:$0x1FE20] =	vst v63  }
0xe8: {  	_ =	swait.ge [sflag:s31], $0xFA0  }
0xe9: {  	[sflag:s31] =	ssyncset.done $0x0  }
0xea: {  	s17 =	simm.s32 $0x19D80;
	[sflag:s31] =	ssyncadd.s32 $0xFFFFF060  }
0xeb: {  	[spmem:s1] =	stream.indirect.scatter.add.f32 [tilespmem:s25], [sflag:$0x9], $0x20, s17, s21, $0xb8;
	[tilespmem:$0x1FE20] =	vst v63  }
0xec: {  	_ =	swait.ge [sflag:s0], $0xFA0  }
0xed: {  	[sflag:s0] =	ssyncset.done $0x0  }
0xee: {  	s19 =	simm.s32 $0x19E00;
	[sflag:s0] =	ssyncadd.s32 $0xFFFFF060  }
0xef: {  	[spmem:s1] =	stream.indirect.scatter.add.f32 [tilespmem:s26], [sflag:$0xA], $0x20, s19, s21, $0xb8;
	[tilespmem:$0x1FE20] =	vst v63  }
0xf0: {  	_ =	swait.ge [sflag:s3], $0xFA0  }
0xf1: {  	[sflag:s3] =	ssyncset.done $0x0  }
0xf2: {  	[sflag:s3] =	ssyncadd.s32 $0xFFFFF060  }
0xf3: {  	_ =	swait.ge [sflag:s7], $0xFA0  }
0xf4: {  	[sflag:s7] =	ssyncset.done $0x0  }
0xf5: {  	[sflag:s7] =	ssyncadd.s32 $0xFFFFF060  }
0xf6: {  	_ =	swait.ge [sflag:s10], $0xFA0  }
0xf7: {  	[sflag:s10] =	ssyncset.done $0x0  }
0xf8: {  	[sflag:s10] =	ssyncadd.s32 $0xFFFFF060  }
0xf9: {  	_ =	swait.ge [sflag:s8], $0xFA0  }
0xfa: {  	[sflag:s8] =	ssyncset.done $0x0  }
0xfb: {  	[sflag:s8] =	ssyncadd.s32 $0xFFFFF060  }
0xfc: {  	_ =	swait.ge [sflag:s13], $0xFA0  }
0xfd: {  	s9 =	simm.s32 $0x280;
	s17 =	simm.s32 $0x1400;
	[sflag:s13] =	ssyncset.done $0x0  }
.LBB2_4:
0xfe: {  	s19 =	sadd.s32 $0x18800, s9  }
0xff: {  	[sflag:s13] =	ssyncadd.s32 $0xFFFFF060;
	s16 =	smov.u32 s17;
	s2 =	sadd.s32 $0xA00, s17  }
0x100: {  	[tilespmem:s22], [sflag:$0x1] =	stream.indirect.gather [hbm4b:s4+s21], $0x20, s19, s21, $0xb8;
	[tilespmem:$0x1FE20] =	vst v63  }
0x101: {  	p1 =	sne.s32 s17, $0x4600;
	s17 =	sadd.s32 $0x18880, s9  }
0x102: {  	[tilespmem:s23], [sflag:$0x2] =	stream.indirect.gather [hbm4b:s4+s21], $0x20, s17, s21, $0xb8;
	[tilespmem:$0x1FE20] =	vst v63  }
0x103: {  	s17 =	sadd.s32 $0x18900, s9  }
0x104: {  	[tilespmem:s24], [sflag:$0x3] =	stream.indirect.gather [hbm4b:s4+s21], $0x20, s17, s21, $0xb8;
	[tilespmem:$0x1FE20] =	vst v63  }
0x105: {  	s17 =	sadd.s32 $0x18980, s9  }
0x106: {  	[tilespmem:s25], [sflag:$0x4] =	stream.indirect.gather [hbm4b:s4+s21], $0x20, s17, s21, $0xb8;
	[tilespmem:$0x1FE20] =	vst v63  }
0x107: {  	s17 =	sadd.s32 $0x18A00, s9  }
0x108: {  	[tilespmem:s26], [sflag:$0x5] =	stream.indirect.gather [hbm4b:s4+s21], $0x20, s17, s21, $0xb8;
	[tilespmem:$0x1FE20] =	vst v63  }
0x109: {  	_ =	swait.ge [sflag:s28], $0xFA0  }
0x10a: {  	[sflag:s28] =	ssyncset.done $0x0  }
0x10b: {  	s17 =	sadd.s32 $0x19C00, s9;
	[sflag:s28] =	ssyncadd.s32 $0xFFFFF060  }
0x10c: {  	[spmem:s1] =	stream.indirect.scatter.add.f32 [tilespmem:s22], [sflag:$0x6], $0x20, s17, s21, $0xb8;
	[tilespmem:$0x1FE20] =	vst v63  }
0x10d: {  	_ =	swait.ge [sflag:s29], $0xFA0  }
0x10e: {  	[sflag:s29] =	ssyncset.done $0x0  }
0x10f: {  	s17 =	sadd.s32 $0x19C80, s9;
	[sflag:s29] =	ssyncadd.s32 $0xFFFFF060  }
0x110: {  	[spmem:s1] =	stream.indirect.scatter.add.f32 [tilespmem:s23], [sflag:$0x7], $0x20, s17, s21, $0xb8;
	[tilespmem:$0x1FE20] =	vst v63  }
0x111: {  	_ =	swait.ge [sflag:s30], $0xFA0  }
0x112: {  	[sflag:s30] =	ssyncset.done $0x0  }
0x113: {  	s17 =	sadd.s32 $0x19D00, s9;
	[sflag:s30] =	ssyncadd.s32 $0xFFFFF060  }
0x114: {  	[spmem:s1] =	stream.indirect.scatter.add.f32 [tilespmem:s24], [sflag:$0x8], $0x20, s17, s21, $0xb8;
	[tilespmem:$0x1FE20] =	vst v63  }
0x115: {  	_ =	swait.ge [sflag:s31], $0xFA0  }
0x116: {  	[sflag:s31] =	ssyncset.done $0x0  }
0x117: {  	s17 =	sadd.s32 $0x19D80, s9;
	[sflag:s31] =	ssyncadd.s32 $0xFFFFF060  }
0x118: {  	[spmem:s1] =	stream.indirect.scatter.add.f32 [tilespmem:s25], [sflag:$0x9], $0x20, s17, s21, $0xb8;
	[tilespmem:$0x1FE20] =	vst v63  }
0x119: {  	_ =	swait.ge [sflag:s0], $0xFA0  }
0x11a: {  	[sflag:s0] =	ssyncset.done $0x0  }
0x11b: {  	s9 =	sadd.s32 $0x19E00, s9;
	[sflag:s0] =	ssyncadd.s32 $0xFFFFF060  }
0x11c: {  	[spmem:s1] =	stream.indirect.scatter.add.f32 [tilespmem:s26], [sflag:$0xA], $0x20, s9, s21, $0xb8;
	[tilespmem:$0x1FE20] =	vst v63  }
0x11d: {  	_ =	swait.ge [sflag:s3], $0xFA0  }
0x11e: {  	[sflag:s3] =	ssyncset.done $0x0  }
0x11f: {  	[sflag:s3] =	ssyncadd.s32 $0xFFFFF060  }
0x120: {  	_ =	swait.ge [sflag:s7], $0xFA0  }
0x121: {  	[sflag:s7] =	ssyncset.done $0x0  }
0x122: {  	[sflag:s7] =	ssyncadd.s32 $0xFFFFF060  }
0x123: {  	_ =	swait.ge [sflag:s10], $0xFA0  }
0x124: {  	[sflag:s10] =	ssyncset.done $0x0  }
0x125: {  	[sflag:s10] =	ssyncadd.s32 $0xFFFFF060  }
.Ltmp6:
0x126: {  	_ =	swait.ge [sflag:s8], $0xFA0;
	(pc) =	sbr.rel @p1 .LBB2_4-.Ltmp6, $4  }
0x127: {  	[sflag:s8] =	ssyncset.done $0x0  }
0x128: {  	[sflag:s8] =	ssyncadd.s32 $0xFFFFF060  }
0x129: {  	_ =	swait.ge [sflag:s13], $0xFA0  }
0x12a: {  	s17 =	smov.u32 s2;
	s9 =	sshra.s32 s16, $0x2;
	[sflag:s13] =	ssyncset.done $0x0  }
0x12b: {  	s2 =	sadd.s32 $0x18800, s9;
	[sflag:s13] =	ssyncadd.s32 $0xFFFFF060  }
0x12c: {  	[tilespmem:s22], [sflag:$0x1] =	stream.indirect.gather [hbm4b:s4+s21], $0x20, s2, s21, $0xb8;
	[tilespmem:$0x1FE20] =	vst v63  }
0x12d: {  	s16 =	sadd.s32 $0x18880, s9  }
0x12e: {  	[tilespmem:s23], [sflag:$0x2] =	stream.indirect.gather [hbm4b:s4+s21], $0x20, s16, s21, $0xb8;
	[tilespmem:$0x1FE20] =	vst v63  }
0x12f: {  	s17 =	sadd.s32 $0x18900, s9  }
0x130: {  	[tilespmem:s24], [sflag:$0x3] =	stream.indirect.gather [hbm4b:s4+s21], $0x20, s17, s21, $0xb8;
	[tilespmem:$0x1FE20] =	vst v63  }
0x131: {  	s19 =	sadd.s32 $0x18980, s9  }
0x132: {  	[tilespmem:s25], [sflag:$0x4] =	stream.indirect.gather [hbm4b:s4+s21], $0x20, s19, s21, $0xb8;
	[tilespmem:$0x1FE20] =	vst v63  }
0x133: {  	s16 =	sadd.s32 $0x18A00, s9  }
0x134: {  	[tilespmem:s26], [sflag:$0x5] =	stream.indirect.gather [hbm4b:s4+s21], $0x20, s16, s21, $0xb8;
	[tilespmem:$0x1FE20] =	vst v63  }
0x135: {  	_ =	swait.ge [sflag:s28], $0xFA0  }
0x136: {  	[sflag:s28] =	ssyncset.done $0x0  }
0x137: {  	s17 =	sadd.s32 $0x19C00, s9;
	[sflag:s28] =	ssyncadd.s32 $0xFFFFF060  }
0x138: {  	[spmem:s1] =	stream.indirect.scatter.add.f32 [tilespmem:s22], [sflag:$0x6], $0x20, s17, s21, $0xb8;
	[tilespmem:$0x1FE20] =	vst v63  }
0x139: {  	_ =	swait.ge [sflag:s29], $0xFA0  }
0x13a: {  	[sflag:s29] =	ssyncset.done $0x0  }
0x13b: {  	s19 =	sadd.s32 $0x19C80, s9;
	[sflag:s29] =	ssyncadd.s32 $0xFFFFF060  }
0x13c: {  	[spmem:s1] =	stream.indirect.scatter.add.f32 [tilespmem:s23], [sflag:$0x7], $0x20, s19, s21, $0xb8;
	[tilespmem:$0x1FE20] =	vst v63  }
0x13d: {  	_ =	swait.ge [sflag:s30], $0xFA0  }
0x13e: {  	[sflag:s30] =	ssyncset.done $0x0  }
0x13f: {  	s16 =	sadd.s32 $0x19D00, s9;
	[sflag:s30] =	ssyncadd.s32 $0xFFFFF060  }
0x140: {  	[spmem:s1] =	stream.indirect.scatter.add.f32 [tilespmem:s24], [sflag:$0x8], $0x20, s16, s21, $0xb8;
	[tilespmem:$0x1FE20] =	vst v63  }
0x141: {  	_ =	swait.ge [sflag:s31], $0xFA0  }
0x142: {  	[sflag:s31] =	ssyncset.done $0x0  }
0x143: {  	s17 =	sadd.s32 $0x19D80, s9;
	[sflag:s31] =	ssyncadd.s32 $0xFFFFF060  }
0x144: {  	[spmem:s1] =	stream.indirect.scatter.add.f32 [tilespmem:s25], [sflag:$0x9], $0x20, s17, s21, $0xb8;
	[tilespmem:$0x1FE20] =	vst v63  }
0x145: {  	_ =	swait.ge [sflag:s0], $0xFA0  }
0x146: {  	[sflag:s0] =	ssyncset.done $0x0  }
0x147: {  	s19 =	sadd.s32 $0x19E00, s9;
	[sflag:s0] =	ssyncadd.s32 $0xFFFFF060  }
0x148: {  	[spmem:s1] =	stream.indirect.scatter.add.f32 [tilespmem:s26], [sflag:$0xA], $0x20, s19, s21, $0xb8;
	[tilespmem:$0x1FE20] =	vst v63  }
0x149: {  	_ =	swait.ge [sflag:s3], $0xFA0  }
0x14a: {  	[sflag:s3] =	ssyncset.done $0x0  }
0x14b: {  	[sflag:s3] =	ssyncadd.s32 $0xFFFFF060  }
0x14c: {  	_ =	swait.ge [sflag:s7], $0xFA0  }
0x14d: {  	[sflag:s7] =	ssyncset.done $0x0  }
0x14e: {  	[sflag:s7] =	ssyncadd.s32 $0xFFFFF060  }
0x14f: {  	_ =	swait.ge [sflag:s10], $0xFA0  }
0x150: {  	[sflag:s10] =	ssyncset.done $0x0  }
0x151: {  	s15 =	sadd.s32 $0x1, s15;
	[sflag:s10] =	ssyncadd.s32 $0xFFFFF060  }
0x152: {  	p1 =	seq.s32 s15, $0xA;
	_ =	swait.ge [sflag:s8], $0xFA0  }
.Ltmp7:
0x153: {  	[sflag:s8] =	ssyncset.done $0x0;
	(pc) =	sbr.rel @!p1 .LBB2_3-.Ltmp7, $4  }
0x154: {  	[sflag:s8] =	ssyncadd.s32 $0xFFFFF060  }
0x155: {  	_ =	swait.ge [sflag:s13], $0xFA0  }
0x156: {  	[sflag:s13] =	ssyncset.done $0x0  }
0x157: {  	[sflag:s13] =	ssyncadd.s32 $0xFFFFF060  }
.Ltmp8:
0x158: {  	(pc) =	sbr.rel .LBB2_12-.Ltmp8, $4  }
0x159: {  	_ = 	snop  }
0x15a: {  	s2 =	rddreg [dreg:$0x4]  }
0x15b: {  	s9 =	rddreg [dreg:$0x3]  }
0x15c: {  	s15 =	rddreg [dreg:$0xd]  }
.LBB2_13:
0x15d: {  	_ =	sfence.sel $0x180000  }
0x15e: {  	[bflag:$0x0] =	sbarrier.arrive $0xFFFF  }
0x15f: {  	_ =	strace $0x9000004A  }
0x160: {  	s0 =	stileid.u32;
	[bflag:$0x2] =	sbarrier.arrive $0xFFFF  }
0x161: {  	p0 =	sne.s32 s0, $0x0;
	s0 =	rddreg [dreg:$0x2]  }
0x162: {  	s0 =	sadd.s32 @!p0 $0x100000, s0  }
0x163: {  	[sflag:s0] =	ssyncadd.tile.s32 @!p0 $0x1;
	_ =	shalt  }
.Lfunc_end2:
_tile_overlayer_lowered:
.L_overlay_start_2:
0x164: {  	(tag) =	ssettag $0x2  }
0x165: {  	s0 =	rddreg [dreg:$0x0];
	s2 =	stileid.u32  }
0x166: {  	s1 =	rddreg [dreg:$0x1];
	p0 =	sne.s32 s2, $0x0  }
0x167: {  	s3 =	rddreg [dreg:$0x2];
	[bflag:$0x3] =	sbarrier.arrive $0xFFFF;
	s2 =	simm.s32 @!p0 $0x1C0B  }
0x168: {  	[timem:s3], [sflag:s2] =	dma.local @!p0 [hbm:s0], s1  }
0x169: {  	s0 =	simm.s32 @!p0 $0xB  }
0x16a: {  	_ =	swait.ge @!p0 [sflag:s0], s1  }
0x16b: {  	s1 =	ssub.s32 @!p0 $0x0, s1;
	[sflag:s0] =	ssyncset.done @!p0 $0x0  }
0x16c: {  	[sflag:s0] =	ssyncadd.s32 @!p0 s1  }
0x16d: {  	[bflag:$0x3] =	sbarrier.arrive $0xFFFF  }
0x16e: {  	_ =	shalt  }

// kernel: kernel.14.cloned.1.call-start
scs
__scs_entry_jumppad:
0x0: {  	(pc) =	sbr.rel $0x88, $3  }
0x1: {  	(tag) =	ssettag $0x0;
	lr =	simm.s32 $0x1  }
0x2: {  	[smem:$0x3F9B] =	sst lr;
	_ =	strace $0xD0000000  }
0x3: {  	_ = 	snop  }
0x4: {  	_ = 	snop  }
0x5: {  	_ = 	snop  }
0x6: {  	_ = 	snop  }
0x7: {  	_ = 	snop  }
__scs_overlays_trampoline_lowered:
0x8: {  	[smem:$0x3FAA] =	sst s0  }
0x9: {  	[smem:$0x3FAB] =	sst s1  }
0xa: {  	[smem:$0x3FAC] =	sst s2  }
0xb: {  	[smem:$0x3FAD] =	sst s3  }
0xc: {  	[smem:$0x3FAE] =	sst s4  }
0xd: {  	[smem:$0x3FAF] =	sst s5  }
0xe: {  	[smem:$0x3FB0] =	sst s6  }
0xf: {  	[smem:$0x3FB1] =	sst s7  }
0x10: {  	[smem:$0x3FB2] =	sst s8  }
0x11: {  	[smem:$0x3FB3] =	sst s9;
	s0 =	simm.s32 @!p0 $0x0  }
0x12: {  	s1 =	sld [smem:$0x3F99];
	s0 =	simm.s32 @p0 $0x1  }
0x13: {  	[smem:$0x3FB4] =	sst s0;
	s0 =	simm.s32 @!p1 $0x0  }
0x14: {  	s2 =	sld [smem:$0x3F98];
	s0 =	simm.s32 @p1 $0x1  }
0x15: {  	[smem:$0x3FB5] =	sst s0;
	s0 =	simm.s32 @!p2 $0x0  }
0x16: {  	s3 =	sld [smem:$0x3FDB];
	s0 =	simm.s32 @p2 $0x1  }
0x17: {  	s4 =	simm.s32 $0x1BF5;
	[smem:$0x3FB7] =	sst s0  }
0x18: {  	s0 =	sld [smem:$0x3F9A];
	_ =	swait.ge [sflag:s4], $0x0  }
0x19: {  	s7 =	sld [smem:$0x3F9B]  }
0x1a: {  	s8 =	sadd.s32 $0xFFFFE003, lr  }
0x1b: {  	s9 =	sadd.s32 $0xFFFFFEF7, lr;
	s5 =	simm.s32 $0xFFFFFFFF;
	p2 =	slt.u32 s8, $0xFFFFF086  }
0x1c: {  	p1 =	slt.u32 s9, $0xF7A;
	s5 =	simm.s32 @!p2 $0x0  }
0x1d: {  	s5 =	simm.s32 @p1 $0x1;
	p0 =	seq.s32 s7, s2  }
0x1e: {  	s7 =	smul.u32 @!p0 $0xF7A, s2;
	p2 =	seq.s32 @!p0 s5, $0x0  }
0x1f: {  	s9 =	smul.u32 $0xF7A, s1;
	s8 =	simm.s32 @!p0 $0x1BF5;
	p2 =	por !p2, p0  }
0x20: {  	[sflag:s8] =	ssyncset.s32 @!p0 $0xFFFFF086;
	s6 =	sadd.s32 @!p0 s3, s7;
	s7 =	simm.s32 @!p0 $0x108  }
0x21: {  	s3 =	sadd.s32 s3, s9;
	s6 =	sadd.s32 @!p0 $0x88, s6;
	s7 =	simm.s32 @p2 $0x1082  }
0x22: {  	[simem:s7], [sflag:s8] =	dma.local @!p0 [hbm:s6], $0xF7A  }
0x23: {  	s9 =	sor.u32 $0xD0000000, s2;
	s6 =	simm.s32 $0x108;
	_ =	swait.ge @!p0 [sflag:s8], $0x0  }
0x24: {  	s3 =	sadd.s32 $0x88, s3;
	s6 =	simm.s32 @!p1 $0x1082;
	[sflag:s4] =	ssyncset.s32 $0xFFFFF086  }
0x25: {  	[simem:s6], [sflag:s4] =	dma.local [hbm:s3], $0xF7A  }
0x26: {  	[smem:$0x3F9B] =	sst s1;
	(tag) =	ssettag s2;
	_ =	strace s9  }
0x27: {  	s1 =	sld [smem:$0x3FAB]  }
0x28: {  	s2 =	sld [smem:$0x3FAC]  }
0x29: {  	s4 =	sld [smem:$0x3FAE]  }
0x2a: {  	p0 =	seq.s32 s5, $0x0;
	s5 =	sld [smem:$0x3FAF]  }
0x2b: {  	s6 =	sld [smem:$0x3FB0]  }
0x2c: {  	s7 =	sld [smem:$0x3FB1]  }
0x2d: {  	s3 =	simm.s32 $0x108;
	s8 =	sld [smem:$0x3FB2]  }
0x2e: {  	s3 =	simm.s32 @!p0 $0x1082;
	s9 =	sld [smem:$0x3FB3]  }
0x2f: {  	lr =	sadd.s32 s0, s3;
	s0 =	sld [smem:$0x3FAA]  }
0x30: {  	s3 =	sld [smem:$0x3FAD]  }
0x31: {  	[smem:$0x3FB6] =	sst s10  }
0x32: {  	s10 =	sld [smem:$0x3FB4];
	_ =	sdelay $0x3  }
0x33: {  	p0 =	seq.s32 s10, $0x1;
	s10 =	sld [smem:$0x3FB6];
	_ =	sdelay $0x3  }
0x34: {  	[smem:$0x3FB6] =	sst s10  }
0x35: {  	s10 =	sld [smem:$0x3FB5];
	_ =	sdelay $0x3  }
0x36: {  	p1 =	seq.s32 s10, $0x1;
	s10 =	sld [smem:$0x3FB6];
	_ =	sdelay $0x3  }
0x37: {  	[smem:$0x3FB6] =	sst s10  }
0x38: {  	s10 =	sld [smem:$0x3FB7]  }
0x39: {  	_ = 	snop;
	(pc) =	sbr.ind lr, $3  }
0x3a: {  	_ = 	snop  }
0x3b: {  	_ = 	snop  }
0x3c: {  	p2 =	seq.s32 s10, $0x1;
	s10 =	sld [smem:$0x3FB6]  }
0x3d: {  	_ =	shalt  }
0x3e: {  	_ =	shalt  }
0x3f: {  	_ =	shalt  }
0x40: {  	_ =	shalt  }
0x41: {  	_ =	shalt  }
0x42: {  	_ =	shalt  }
0x43: {  	_ =	shalt  }
0x44: {  	_ =	shalt  }
0x45: {  	_ =	shalt  }
0x46: {  	_ =	shalt  }
0x47: {  	_ =	shalt  }
0x48: {  	_ =	shalt  }
0x49: {  	_ =	shalt  }
0x4a: {  	_ =	shalt  }
0x4b: {  	_ =	shalt  }
0x4c: {  	_ =	shalt  }
0x4d: {  	_ =	shalt  }
0x4e: {  	_ =	shalt  }
0x4f: {  	_ =	shalt  }
0x50: {  	_ =	shalt  }
0x51: {  	_ =	shalt  }
0x52: {  	_ =	shalt  }
0x53: {  	_ =	shalt  }
0x54: {  	_ =	shalt  }
0x55: {  	_ =	shalt  }
0x56: {  	_ =	shalt  }
0x57: {  	_ =	shalt  }
0x58: {  	_ =	shalt  }
0x59: {  	_ =	shalt  }
0x5a: {  	_ =	shalt  }
0x5b: {  	_ =	shalt  }
0x5c: {  	_ =	shalt  }
0x5d: {  	_ =	shalt  }
0x5e: {  	_ =	shalt  }
0x5f: {  	_ =	shalt  }
0x60: {  	_ =	shalt  }
0x61: {  	_ =	shalt  }
0x62: {  	_ =	shalt  }
0x63: {  	_ =	shalt  }
0x64: {  	_ =	shalt  }
0x65: {  	_ =	shalt  }
0x66: {  	_ =	shalt  }
0x67: {  	_ =	shalt  }
0x68: {  	_ =	shalt  }
0x69: {  	_ =	shalt  }
0x6a: {  	_ =	shalt  }
0x6b: {  	_ =	shalt  }
0x6c: {  	_ =	shalt  }
0x6d: {  	_ =	shalt  }
0x6e: {  	_ =	shalt  }
0x6f: {  	_ =	shalt  }
0x70: {  	_ =	shalt  }
0x71: {  	_ =	shalt  }
0x72: {  	_ =	shalt  }
0x73: {  	_ =	shalt  }
0x74: {  	_ =	shalt  }
0x75: {  	_ =	shalt  }
0x76: {  	_ =	shalt  }
0x77: {  	_ =	shalt  }
0x78: {  	_ =	shalt  }
0x79: {  	_ =	shalt  }
0x7a: {  	_ =	shalt  }
0x7b: {  	_ =	shalt  }
0x7c: {  	_ =	shalt  }
0x7d: {  	_ =	shalt  }
0x7e: {  	_ =	shalt  }
0x7f: {  	_ =	shalt  }
0x80: {  	_ =	shalt  }
0x81: {  	_ =	shalt  }
0x82: {  	_ =	shalt  }
0x83: {  	_ =	shalt  }
0x84: {  	_ =	shalt  }
0x85: {  	_ =	shalt  }
0x86: {  	_ =	shalt  }
0x87: {  	_ =	shalt  }
.Lfunc_end0:
.L_simem_size_0:
called_computation.2_lowered:
.L_overlay_start_0:
0x88: {  	s2 =	sld [smem:$0x3FD9]  }
0x89: {  	s3 =	sld [smem:$0x3FFE];
	_ =	sdelay $0x1  }
0x8a: {  	s1 =	srdreg.scid  }
0x8b: {  	s0 =	sand.u32 $0x1, s1  }
0x8c: {  	s17 =	sshll.u32 s0, $0xA;
	s2 =	sadd.s32 s3, s2  }
0x8d: {  	s2 =	sadd.s32 s2, s17  }
0x8e: {  	[smem:$0x3FC2] =	sst s2  }
0x8f: {  	_ = 	snop  }
0x90: {  	s2 =	sld [smem:$0x3FD0];
	(tm) =	ssettm $0x1  }
0x91: {  	s18 =	sld [smem:$0x3FFB];
	_ =	sdelay $0x3  }
0x92: {  	_ =	strace s18  }
0x93: {  	s3 =	sld [smem:$0x3FFC];
	_ =	sdelay $0x3  }
0x94: {  	_ =	strace s3  }
0x95: {  	s3 =	sld [smem:$0x3FFD];
	_ =	sdelay $0x3  }
0x96: {  	_ =	strace s3  }
0x97: {  	_ =	strace $0x8FFFFFFF  }
0x98: {  	s19 =	sld [smem:$0x3FDB];
	_ =	sdelay $0x1  }
0x99: {  	s4 =	simm.s32 $_scs_section_size  }
0x9a: {  	s5 =	simm.s32 $_size__tile_overlayer_lowered;
	s6 =	simm.s32 $_tile_overlayer_lowered  }
0x9b: {  	s22 =	simm.s32 $0x1BFF;
	s21 =	sshll.u32 s6, $0x1;
	s3 =	sadd.s32 s4, s19  }
0x9c: {  	s7 =	simm.s32 $0x0;
	s20 =	sshll.u32 s5, $0x1;
	s5 =	sadd.s32 s21, s3  }
0x9d: {  	[timem:s7], [sflag:s22] =	dma.local [hbm:s5], s20  }
0x9e: {  	_ =	swait.ge [sflag:s22], s20  }
0x9f: {  	s4 =	ssub.s32 $0x0, s20;
	[sflag:s22] =	ssyncset.done $0x0  }
0xa0: {  	[sflag:s22] =	ssyncadd.s32 s4;
	_ =	sdelay $0x1  }
0xa1: {  	s23 =	simm.s32 $0x1B8B  }
0xa2: {  	_ =	swait.ge [sflag:s23], $0x1  }
0xa3: {  	[sflag:s23] =	ssyncset.done $0x0  }
0xa4: {  	s25 =	simm.s32 $0x1B8E;
	s24 =	sld [smem:$0x3FFE];
	[sflag:s23] =	ssyncadd.s32 $0xFFFFFFFF  }
0xa5: {  	s26 =	simm.s32 $execute0_lowered;
	[smem:$0x3FD2] =	sst s25  }
0xa6: {  	s5 =	sshll.u32 s26, $0x1;
	_ =	strace $0x8000004C;
	[dreg:$0x1] =	wrdreg $0xFFFFFFFF  }
0xa7: {  	s28 =	simm.s32 $_size_execute0_lowered;
	s3 =	sadd.s32 s3, s5;
	[dreg:$0x0] =	wrdreg $0x0  }
0xa8: {  	s5 =	sshll.u32 s28, $0x1;
	[dreg:$0x2] =	wrdreg s3  }
0xa9: {  	[dreg:$0x3] =	wrdreg s5  }
0xaa: {  	[dreg:$0x4] =	wrdreg $0xC0  }
0xab: {  	_ =	task [dreg:s7], $0x5FFFF  }
0xac: {  	[dreg:$0x1] =	wrdreg $0xFFFFFFFF  }
0xad: {  	[dreg:$0x0] =	wrdreg $0x60  }
0xae: {  	[dreg:$0x2] =	wrdreg s2  }
0xaf: {  	[dreg:$0x3] =	wrdreg s24  }
0xb0: {  	[dreg:$0x4] =	wrdreg $0x0  }
0xb1: {  	[dreg:$0x5] =	wrdreg $0x12A800  }
0xb2: {  	[dreg:$0x6] =	wrdreg $0x9  }
0xb3: {  	_ =	task.clear_ibuf [dreg:s7], $0x7FFFF;
	_ =	strace $0x9000004C  }
0xb4: {  	s29 =	simm.s32 $0x9;
	_ =	strace $0x8000004E  }
0xb5: {  	_ =	swait.ge [sflag:s29], $0x1  }
0xb6: {  	[sflag:s29] =	ssyncadd.s32 $0xFFFFFFFF  }
0xb7: {  	_ =	strace $0x9000004E  }
0xb8: {  	_ =	sfence  }
0xb9: {  	s30 =	sld [smem:$0x0];
	_ =	sdelay $0x2  }
0xba: {  	s31 =	sshll.u32 s1, $0xD;
	s1 =	sshrl.u32 s1, $0x2  }
0xbb: {  	s3 =	sand.u32 $0x4000, s31;
	s1 =	sadd.s32 s1, s30  }
0xbc: {  	s0 =	sor.u32 s3, s0;
	s1 =	sshll.u32 s1, $0x11  }
0xbd: {  	s0 =	sor.u32 s1, s0  }
0xbe: {  	s0 =	sadd.s32 $0x8F2B, s0  }
0xbf: {  	[sflag:s0] =	ssyncadd.remote.s32 $0x1  }
0xc0: {  	_ =	sfence.sel $0xFFFF  }
0xc1: {  	[dreg:$0x0] =	wrdreg $0xFFFFFFFF;
	(pc) =	sbr.abs _section_cstart, $3  }
0xc2: {  	[dreg:$0x1] =	wrdreg $0xFFFFFFFF  }
0xc3: {  	_ =	task.clear_ibuf [dreg:s7], $0x2FFFF;
	_ =	strace $0x9FFFFFFF  }
0xc4: {  	(tm) =	ssettm $0x7FFFFFFF  }
0xc5: {  	_ =	shalt  }
tec
execute0_lowered:
.L_overlay_start_1:
0x0: {  	(tag) =	ssettag $0x1  }
0x1: {  	s0 =	rddreg [dreg:$0x0]  }
0x2: {  	s3 =	rddreg [dreg:$0x1]  }
0x3: {  	s1 =	rddreg [dreg:$0x2]  }
0x4: {  	s2 =	rddreg [dreg:$0x3]  }
0x5: {  	s11 =	simm.s32 $0x0;
	s5 =	srdreg.scid;
	s10 =	stileid.u32  }
0x6: {  	s28 =	simm.s32 $0x10370;
	s29 =	simm.s32 $0x10B40;
	s30 =	simm.s32 $0x11310  }
0x7: {  	s31 =	simm.s32 $0x11AE0;
	[smem:$0x7FF] =	sst s11;
	s4 =	sadd.s32 $0x34E00, s3  }
0x8: {  	s6 =	sadd.s32 $0x2E00, s3;
	s5 =	sand.u32 $0x1, s5;
	s7 =	smul.u32 $0xC400, s10  }
0x9: {  	s13 =	sadd.s32 $0x66E00, s3;
	s8 =	sadd.s32 $0x4DE00, s3;
	s9 =	smul.u32 $0xC800, s10  }
0xa: {  	s20 =	smul.u32 $0x190, s10;
	_ =	strace $0x8000004D;
	[dreg:$0x6] =	wrdreg s6  }
0xb: {  	s21 =	sadd.s32 $0x1BE00, s3;
	s23 =	sshll.u32 s10, $0x6;
	[dreg:$0x7] =	wrdreg s13  }
0xc: {  	s10 =	simm.s32 $0x5;
	s3 =	simm.s32 $0xE;
	[dreg:$0x8] =	wrdreg s8  }
0xd: {  	s14 =	ssub.s32 $0x2, s5;
	p0 =	seq.s32 s5, $0x1;
	[dreg:$0xd] =	wrdreg s21  }
0xe: {  	[dreg:$0xf] =	wrdreg s23;
	s13 =	simm.s32 $0x6;
	s8 =	simm.s32 $0xB  }
0xf: {  	s21 =	simm.s32 $0xF;
	s15 =	sshrl.u32 s14, $0x1;
	s12 =	sshrl.u32 s7, $0x3  }
0x10: {  	s16 =	sadd.s32 s7, s1;
	s18 =	sshrl.u32 s9, $0x3;
	s19 =	sadd.s32 s9, s2  }
0x11: {  	[dreg:$0xc] =	wrdreg s20;
	s9 =	simm.s32 $0x3;
	s7 =	simm.s32 $0x4  }
0x12: {  	s20 =	simm.s32 $0xA;
	s6 =	ssub.s32 s14, s15;
	s17 =	sadd.s32 s0, s12  }
0x13: {  	s0 =	sadd.s32 s0, s18;
	[dreg:$0x9] =	wrdreg s12;
	s22 =	sadd.s32 s4, s12  }
0x14: {  	s24 =	sadd.s32 s4, s18;
	s12 =	sshrl.u32 s16, $0x3;
	[dreg:$0xa] =	wrdreg s17  }
0x15: {  	s26 =	sshrl.u32 s19, $0x3;
	s4 =	simm.s32 $0x1;
	[dreg:$0xb] =	wrdreg s0  }
0x16: {  	s15 =	simm.s32 $0x7;
	s14 =	simm.s32 $0x8;
	[dreg:$0xe] =	wrdreg s22  }
0x17: {  	s16 =	simm.s32 $0x9;
	s18 =	simm.s32 $0xD;
	[dreg:$0x10] =	wrdreg s24  }
.Ltmp0:
0x18: {  	s25 =	smax.u32 s6, $0x1;
	s0 =	sor.u32 $0x1C11, s23;
	(pc) =	sbr.rel .LBB2_1-.Ltmp0, $4  }
0x19: {  	[dreg:$0x14] =	wrdreg s26;
	s23 =	simm.s32 $0x7D;
	s24 =	simm.s32 $0xEC00  }
0x1a: {  	s26 =	simm.s32 $0xFBA0;
	s6 =	simm.s32 $0x2;
	[dreg:$0x13] =	wrdreg s12  }
0x1b: {  	s17 =	simm.s32 $0xC;
	s22 =	simm.s32 $0x10;
	[dreg:$0x11] =	wrdreg s25  }
0x1c: {  	[dreg:$0x12] =	wrdreg s0;
	s25 =	simm.s32 $0xF3D0;
	s0 =	simm.s32 $0x122B0  }
.LBB2_12:
0x1d: {  	s12 =	rddreg [dreg:$0x9];
	[bflag:$0x0] =	sbarrier.arrive $0xFFFF  }
0x1e: {  	s5 =	sadd.s32 s5, s12;
	s12 =	rddreg [dreg:$0x13]  }
0x1f: {  	[hbm:s5], [sflag:s19] =	dma.local [spmem:s12], $0x1880  }
0x20: {  	s19 =	simm.s32 $0x11  }
0x21: {  	_ =	swait.ge [sflag:s19], $0x1880  }
0x22: {  	s11 =	sadd.s32 $0x1, s11;
	s5 =	rddreg [dreg:$0x11]  }
0x23: {  	p1 =	sne.s32 s11, s5  }
.Ltmp1:
0x24: {  	_ = 	snop;
	(pc) =	sbr.rel @!p1 .LBB2_13-.Ltmp1, $3  }
0x25: {  	_ =	sdelay $0x1  }
0x26: {  	[sflag:s19] =	ssyncset.done $0x0  }
0x27: {  	[sflag:s19] =	ssyncadd.s32 $0xFFFFE780  }
.LBB2_1:
.Ltmp2:
0x28: {  	(pc) =	sbr.rel @!p0 .LBB2_2-.Ltmp2, $2  }
0x29: {  	_ =	sdelay $0x2  }
0x2a: {  	[dreg:$0x5] =	wrdreg s11  }
0x2b: {  	s5 =	rddreg [dreg:$0xe]  }
0x2c: {  	s11 =	rddreg [dreg:$0x12]  }
0x2d: {  	[spmem:s12], [sflag:s11] =	dma.local [hbm:s5], $0x1880  }
0x2e: {  	s12 =	simm.s32 $0x11  }
0x2f: {  	_ =	swait.ge [sflag:s12], $0x1880  }
0x30: {  	[sflag:s12] =	ssyncset.done $0x0;
	s5 =	rddreg [dreg:$0x10]  }
0x31: {  	s19 =	rddreg [dreg:$0x14];
	[sflag:s12] =	ssyncadd.s32 $0xFFFFE780  }
0x32: {  	[spmem:s19], [sflag:s11] =	dma.local [hbm:s5], $0x1900  }
0x33: {  	_ =	swait.ge [sflag:s12], $0x1900  }
0x34: {  	[sflag:s12] =	ssyncset.done $0x0  }
0x35: {  	[sflag:s12] =	ssyncadd.s32 $0xFFFFE700  }
0x36: {  	s5 =	simm.s32 $0x0;
	[bflag:$0x0] =	sbarrier.arrive $0xFFFF  }
.LBB2_8:
0x37: {  	s12 =	smul.u32 $0x28, s5  }
0x38: {  	s11 =	rddreg [dreg:$0xc]  }
0x39: {  	[dreg:$0x17] =	wrdreg s5;
	s5 =	sadd.s32 s11, s12  }
0x3a: {  	s19 =	rddreg [dreg:$0x6];
	s5 =	sshll.u32 s5, $0x4  }
0x3b: {  	s12 =	simm.s32 $0xC400;
	s11 =	sadd.s32 s19, s5;
	s19 =	simm.s32 $0x0  }
0x3c: {  	[tilespmem:s12], [sflag:$0x11] =	stream.linear.gather [hbm4b:s11+s19], $0x1400, $0x38;
	[tilespmem:$0x1F280] =	vst v63  }
0x3d: {  	s12 =	simm.s32 $0x11  }
0x3e: {  	_ =	swait.ge [sflag:s12], $0x1400  }
0x3f: {  	[sflag:s12] =	ssyncset.done $0x0;
	s11 =	rddreg [dreg:$0xd]  }
0x40: {  	[sflag:s12] =	ssyncadd.s32 $0xFFFFEC00;
	s5 =	sadd.s32 s5, s11;
	s11 =	simm.s32 $0xD800  }
0x41: {  	[tilespmem:s11], [sflag:$0x11] =	stream.linear.gather [hbm4b:s5+s19], $0x1400, $0x38;
	[tilespmem:$0x1F280] =	vst v63  }
0x42: {  	_ =	swait.ge [sflag:s12], $0x1400  }
0x43: {  	[sflag:s12] =	ssyncset.done $0x0  }
0x44: {  	s11 =	simm.s32 $0xC400;
	[sflag:s12] =	ssyncadd.s32 $0xFFFFEC00  }
0x45: {  	[tilespmem:s24], [sflag:$0x1] =	stream.indirect.gather [spmem:s2], $0x10, s11, s23, $0xb8;
	[tilespmem:$0x1F280] =	vst v63  }
0x46: {  	s12 =	simm.s32 $0xC480  }
0x47: {  	[tilespmem:s25], [sflag:$0x2] =	stream.indirect.gather [spmem:s2], $0x10, s12, s23, $0xb8;
	[tilespmem:$0x1F280] =	vst v63  }
0x48: {  	s19 =	simm.s32 $0xC500  }
0x49: {  	[tilespmem:s26], [sflag:$0x3] =	stream.indirect.gather [spmem:s2], $0x10, s19, s23, $0xb8;
	[tilespmem:$0x1F280] =	vst v63  }
0x4a: {  	s11 =	simm.s32 $0xC580  }
0x4b: {  	[tilespmem:s28], [sflag:$0x4] =	stream.indirect.gather [spmem:s2], $0x10, s11, s23, $0xb8;
	[tilespmem:$0x1F280] =	vst v63  }
0x4c: {  	s12 =	simm.s32 $0xC600  }
0x4d: {  	[tilespmem:s29], [sflag:$0x5] =	stream.indirect.gather [spmem:s2], $0x10, s12, s23, $0xb8;
	[tilespmem:$0x1F280] =	vst v63  }
0x4e: {  	s19 =	simm.s32 $0xC680  }
0x4f: {  	[tilespmem:s30], [sflag:$0x6] =	stream.indirect.gather [spmem:s2], $0x10, s19, s23, $0xb8;
	[tilespmem:$0x1F280] =	vst v63  }
0x50: {  	s11 =	simm.s32 $0xC700  }
0x51: {  	[tilespmem:s31], [sflag:$0x7] =	stream.indirect.gather [spmem:s2], $0x10, s11, s23, $0xb8;
	[tilespmem:$0x1F280] =	vst v63  }
0x52: {  	s12 =	simm.s32 $0xC780  }
0x53: {  	[tilespmem:s0], [sflag:$0x8] =	stream.indirect.gather [spmem:s2], $0x10, s12, s23, $0xb8;
	[tilespmem:$0x1F280] =	vst v63  }
0x54: {  	_ =	swait.ge [sflag:s4], $0x7D0  }
0x55: {  	[sflag:s4] =	ssyncset.done $0x0  }
0x56: {  	s19 =	simm.s32 $0xD800;
	[sflag:s4] =	ssyncadd.s32 $0xFFFFF830  }
0x57: {  	[spmem:s1] =	stream.indirect.scatter.add.f32 [tilespmem:s24], [sflag:$0x9], $0x10, s19, s23, $0xb8;
	[tilespmem:$0x1F280] =	vst v63  }
0x58: {  	_ =	swait.ge [sflag:s6], $0x7D0  }
0x59: {  	[sflag:s6] =	ssyncset.done $0x0  }
0x5a: {  	s24 =	simm.s32 $0xD880;
	[sflag:s6] =	ssyncadd.s32 $0xFFFFF830  }
0x5b: {  	[spmem:s1] =	stream.indirect.scatter.add.f32 [tilespmem:s25], [sflag:$0xA], $0x10, s24, s23, $0xb8;
	[tilespmem:$0x1F280] =	vst v63  }
0x5c: {  	_ =	swait.ge [sflag:s9], $0x7D0  }
0x5d: {  	[sflag:s9] =	ssyncset.done $0x0  }
0x5e: {  	s25 =	simm.s32 $0xD900;
	[sflag:s9] =	ssyncadd.s32 $0xFFFFF830  }
0x5f: {  	[spmem:s1] =	stream.indirect.scatter.add.f32 [tilespmem:s26], [sflag:$0xB], $0x10, s25, s23, $0xb8;
	[tilespmem:$0x1F280] =	vst v63  }
0x60: {  	_ =	swait.ge [sflag:s7], $0x7D0  }
0x61: {  	[sflag:s7] =	ssyncset.done $0x0  }
0x62: {  	s11 =	simm.s32 $0xD980;
	[sflag:s7] =	ssyncadd.s32 $0xFFFFF830  }
0x63: {  	[spmem:s1] =	stream.indirect.scatter.add.f32 [tilespmem:s28], [sflag:$0xC], $0x10, s11, s23, $0xb8;
	[tilespmem:$0x1F280] =	vst v63  }
0x64: {  	_ =	swait.ge [sflag:s10], $0x7D0  }
0x65: {  	[sflag:s10] =	ssyncset.done $0x0  }
0x66: {  	s12 =	simm.s32 $0xDA00;
	[sflag:s10] =	ssyncadd.s32 $0xFFFFF830  }
0x67: {  	[spmem:s1] =	stream.indirect.scatter.add.f32 [tilespmem:s29], [sflag:$0xD], $0x10, s12, s23, $0xb8;
	[tilespmem:$0x1F280] =	vst v63  }
0x68: {  	_ =	swait.ge [sflag:s13], $0x7D0  }
0x69: {  	[sflag:s13] =	ssyncset.done $0x0  }
0x6a: {  	s19 =	simm.s32 $0xDA80;
	[sflag:s13] =	ssyncadd.s32 $0xFFFFF830  }
0x6b: {  	[spmem:s1] =	stream.indirect.scatter.add.f32 [tilespmem:s30], [sflag:$0xE], $0x10, s19, s23, $0xb8;
	[tilespmem:$0x1F280] =	vst v63  }
0x6c: {  	_ =	swait.ge [sflag:s15], $0x7D0  }
0x6d: {  	[sflag:s15] =	ssyncset.done $0x0  }
0x6e: {  	s24 =	simm.s32 $0xDB00;
	[sflag:s15] =	ssyncadd.s32 $0xFFFFF830  }
0x6f: {  	[spmem:s1] =	stream.indirect.scatter.add.f32 [tilespmem:s31], [sflag:$0xF], $0x10, s24, s23, $0xb8;
	[tilespmem:$0x1F280] =	vst v63  }
0x70: {  	_ =	swait.ge [sflag:s14], $0x7D0  }
0x71: {  	[sflag:s14] =	ssyncset.done $0x0  }
0x72: {  	s25 =	simm.s32 $0xDB80;
	[sflag:s14] =	ssyncadd.s32 $0xFFFFF830  }
0x73: {  	[spmem:s1] =	stream.indirect.scatter.add.f32 [tilespmem:s0], [sflag:$0x10], $0x10, s25, s23, $0xb8;
	[tilespmem:$0x1F280] =	vst v63  }
0x74: {  	_ =	swait.ge [sflag:s16], $0x7D0  }
0x75: {  	[sflag:s16] =	ssyncset.done $0x0  }
0x76: {  	[sflag:s16] =	ssyncadd.s32 $0xFFFFF830  }
0x77: {  	_ =	swait.ge [sflag:s20], $0x7D0  }
0x78: {  	[sflag:s20] =	ssyncset.done $0x0  }
0x79: {  	[sflag:s20] =	ssyncadd.s32 $0xFFFFF830  }
0x7a: {  	_ =	swait.ge [sflag:s8], $0x7D0  }
0x7b: {  	[sflag:s8] =	ssyncset.done $0x0  }
0x7c: {  	[sflag:s8] =	ssyncadd.s32 $0xFFFFF830  }
0x7d: {  	_ =	swait.ge [sflag:s17], $0x7D0  }
0x7e: {  	[sflag:s17] =	ssyncset.done $0x0  }
0x7f: {  	[sflag:s17] =	ssyncadd.s32 $0xFFFFF830  }
0x80: {  	_ =	swait.ge [sflag:s18], $0x7D0  }
0x81: {  	[sflag:s18] =	ssyncset.done $0x0  }
0x82: {  	[sflag:s18] =	ssyncadd.s32 $0xFFFFF830  }
0x83: {  	_ =	swait.ge [sflag:s3], $0x7D0  }
0x84: {  	[sflag:s3] =	ssyncset.done $0x0  }
0x85: {  	[sflag:s3] =	ssyncadd.s32 $0xFFFFF830  }
0x86: {  	_ =	swait.ge [sflag:s21], $0x7D0  }
0x87: {  	[sflag:s21] =	ssyncset.done $0x0  }
0x88: {  	[sflag:s21] =	ssyncadd.s32 $0xFFFFF830  }
0x89: {  	_ =	swait.ge [sflag:s22], $0x7D0  }
0x8a: {  	s5 =	simm.s32 $0x2000;
	s12 =	simm.s32 $0x400;
	[sflag:s22] =	ssyncset.done $0x0  }
.LBB2_9:
0x8b: {  	s25 =	simm.s32 $0xEC00;
	s24 =	sadd.s32 $0xC400, s12  }
0x8c: {  	[sflag:s22] =	ssyncadd.s32 $0xFFFFF830;
	s19 =	smov.u32 s5;
	s11 =	sadd.s32 $0x1000, s5  }
0x8d: {  	[tilespmem:s25], [sflag:$0x1] =	stream.indirect.gather [spmem:s2], $0x10, s24, s23, $0xb8;
	[tilespmem:$0x1F280] =	vst v63  }
0x8e: {  	s25 =	simm.s32 $0xF3D0;
	s24 =	simm.s32 $0xEC00  }
0x8f: {  	p1 =	sne.s32 s5, $0x4000;
	s5 =	sadd.s32 $0xC480, s12  }
0x90: {  	[tilespmem:s25], [sflag:$0x2] =	stream.indirect.gather [spmem:s2], $0x10, s5, s23, $0xb8;
	[tilespmem:$0x1F280] =	vst v63  }
0x91: {  	s5 =	sadd.s32 $0xC500, s12  }
0x92: {  	[tilespmem:s26], [sflag:$0x3] =	stream.indirect.gather [spmem:s2], $0x10, s5, s23, $0xb8;
	[tilespmem:$0x1F280] =	vst v63  }
0x93: {  	s5 =	sadd.s32 $0xC580, s12  }
0x94: {  	[tilespmem:s28], [sflag:$0x4] =	stream.indirect.gather [spmem:s2], $0x10, s5, s23, $0xb8;
	[tilespmem:$0x1F280] =	vst v63  }
0x95: {  	s5 =	sadd.s32 $0xC600, s12  }
0x96: {  	[tilespmem:s29], [sflag:$0x5] =	stream.indirect.gather [spmem:s2], $0x10, s5, s23, $0xb8;
	[tilespmem:$0x1F280] =	vst v63  }
0x97: {  	s5 =	sadd.s32 $0xC680, s12  }
0x98: {  	[tilespmem:s30], [sflag:$0x6] =	stream.indirect.gather [spmem:s2], $0x10, s5, s23, $0xb8;
	[tilespmem:$0x1F280] =	vst v63  }
0x99: {  	s5 =	sadd.s32 $0xC700, s12  }
0x9a: {  	[tilespmem:s31], [sflag:$0x7] =	stream.indirect.gather [spmem:s2], $0x10, s5, s23, $0xb8;
	[tilespmem:$0x1F280] =	vst v63  }
0x9b: {  	s5 =	sadd.s32 $0xC780, s12  }
0x9c: {  	[tilespmem:s0], [sflag:$0x8] =	stream.indirect.gather [spmem:s2], $0x10, s5, s23, $0xb8;
	[tilespmem:$0x1F280] =	vst v63  }
0x9d: {  	_ =	swait.ge [sflag:s4], $0x7D0  }
0x9e: {  	[sflag:s4] =	ssyncset.done $0x0  }
0x9f: {  	s5 =	sadd.s32 $0xD800, s12;
	[sflag:s4] =	ssyncadd.s32 $0xFFFFF830  }
0xa0: {  	[spmem:s1] =	stream.indirect.scatter.add.f32 [tilespmem:s24], [sflag:$0x9], $0x10, s5, s23, $0xb8;
	[tilespmem:$0x1F280] =	vst v63  }
0xa1: {  	_ =	swait.ge [sflag:s6], $0x7D0  }
0xa2: {  	[sflag:s6] =	ssyncset.done $0x0  }
0xa3: {  	s5 =	sadd.s32 $0xD880, s12;
	[sflag:s6] =	ssyncadd.s32 $0xFFFFF830  }
0xa4: {  	[spmem:s1] =	stream.indirect.scatter.add.f32 [tilespmem:s25], [sflag:$0xA], $0x10, s5, s23, $0xb8;
	[tilespmem:$0x1F280] =	vst v63  }
0xa5: {  	_ =	swait.ge [sflag:s9], $0x7D0  }
0xa6: {  	[sflag:s9] =	ssyncset.done $0x0  }
0xa7: {  	s5 =	sadd.s32 $0xD900, s12;
	[sflag:s9] =	ssyncadd.s32 $0xFFFFF830  }
0xa8: {  	[spmem:s1] =	stream.indirect.scatter.add.f32 [tilespmem:s26], [sflag:$0xB], $0x10, s5, s23, $0xb8;
	[tilespmem:$0x1F280] =	vst v63  }
0xa9: {  	_ =	swait.ge [sflag:s7], $0x7D0  }
0xaa: {  	[sflag:s7] =	ssyncset.done $0x0  }
0xab: {  	s5 =	sadd.s32 $0xD980, s12;
	[sflag:s7] =	ssyncadd.s32 $0xFFFFF830  }
0xac: {  	[spmem:s1] =	stream.indirect.scatter.add.f32 [tilespmem:s28], [sflag:$0xC], $0x10, s5, s23, $0xb8;
	[tilespmem:$0x1F280] =	vst v63  }
0xad: {  	_ =	swait.ge [sflag:s10], $0x7D0  }
0xae: {  	[sflag:s10] =	ssyncset.done $0x0  }
0xaf: {  	s5 =	sadd.s32 $0xDA00, s12;
	[sflag:s10] =	ssyncadd.s32 $0xFFFFF830  }
0xb0: {  	[spmem:s1] =	stream.indirect.scatter.add.f32 [tilespmem:s29], [sflag:$0xD], $0x10, s5, s23, $0xb8;
	[tilespmem:$0x1F280] =	vst v63  }
0xb1: {  	_ =	swait.ge [sflag:s13], $0x7D0  }
0xb2: {  	[sflag:s13] =	ssyncset.done $0x0  }
0xb3: {  	s5 =	sadd.s32 $0xDA80, s12;
	[sflag:s13] =	ssyncadd.s32 $0xFFFFF830  }
0xb4: {  	[spmem:s1] =	stream.indirect.scatter.add.f32 [tilespmem:s30], [sflag:$0xE], $0x10, s5, s23, $0xb8;
	[tilespmem:$0x1F280] =	vst v63  }
0xb5: {  	_ =	swait.ge [sflag:s15], $0x7D0  }
0xb6: {  	[sflag:s15] =	ssyncset.done $0x0  }
0xb7: {  	s5 =	sadd.s32 $0xDB00, s12;
	[sflag:s15] =	ssyncadd.s32 $0xFFFFF830  }
0xb8: {  	[spmem:s1] =	stream.indirect.scatter.add.f32 [tilespmem:s31], [sflag:$0xF], $0x10, s5, s23, $0xb8;
	[tilespmem:$0x1F280] =	vst v63  }
0xb9: {  	_ =	swait.ge [sflag:s14], $0x7D0  }
0xba: {  	[sflag:s14] =	ssyncset.done $0x0  }
0xbb: {  	s5 =	sadd.s32 $0xDB80, s12;
	[sflag:s14] =	ssyncadd.s32 $0xFFFFF830  }
0xbc: {  	[spmem:s1] =	stream.indirect.scatter.add.f32 [tilespmem:s0], [sflag:$0x10], $0x10, s5, s23, $0xb8;
	[tilespmem:$0x1F280] =	vst v63  }
0xbd: {  	_ =	swait.ge [sflag:s16], $0x7D0  }
0xbe: {  	[sflag:s16] =	ssyncset.done $0x0  }
0xbf: {  	[sflag:s16] =	ssyncadd.s32 $0xFFFFF830  }
0xc0: {  	_ =	swait.ge [sflag:s20], $0x7D0  }
0xc1: {  	[sflag:s20] =	ssyncset.done $0x0  }
0xc2: {  	[sflag:s20] =	ssyncadd.s32 $0xFFFFF830  }
0xc3: {  	_ =	swait.ge [sflag:s8], $0x7D0  }
0xc4: {  	[sflag:s8] =	ssyncset.done $0x0  }
0xc5: {  	[sflag:s8] =	ssyncadd.s32 $0xFFFFF830  }
0xc6: {  	_ =	swait.ge [sflag:s17], $0x7D0  }
0xc7: {  	[sflag:s17] =	ssyncset.done $0x0  }
0xc8: {  	[sflag:s17] =	ssyncadd.s32 $0xFFFFF830  }
0xc9: {  	_ =	swait.ge [sflag:s18], $0x7D0  }
0xca: {  	[sflag:s18] =	ssyncset.done $0x0  }
0xcb: {  	[sflag:s18] =	ssyncadd.s32 $0xFFFFF830  }
0xcc: {  	_ =	swait.ge [sflag:s3], $0x7D0  }
0xcd: {  	[sflag:s3] =	ssyncset.done $0x0  }
0xce: {  	[sflag:s3] =	ssyncadd.s32 $0xFFFFF830  }
.Ltmp3:
0xcf: {  	_ =	swait.ge [sflag:s21], $0x7D0;
	(pc) =	sbr.rel @p1 .LBB2_9-.Ltmp3, $4  }
0xd0: {  	[sflag:s21] =	ssyncset.done $0x0  }
0xd1: {  	[sflag:s21] =	ssyncadd.s32 $0xFFFFF830  }
0xd2: {  	_ =	swait.ge [sflag:s22], $0x7D0  }
0xd3: {  	s12 =	sshra.s32 s19, $0x2;
	s5 =	smov.u32 s11;
	[sflag:s22] =	ssyncset.done $0x0  }
0xd4: {  	s5 =	sadd.s32 $0xC400, s12;
	[sflag:s22] =	ssyncadd.s32 $0xFFFFF830  }
0xd5: {  	[tilespmem:s24], [sflag:$0x1] =	stream.indirect.gather [spmem:s2], $0x10, s5, s23, $0xb8;
	[tilespmem:$0x1F280] =	vst v63  }
0xd6: {  	s19 =	sadd.s32 $0xC480, s12  }
0xd7: {  	[tilespmem:s25], [sflag:$0x2] =	stream.indirect.gather [spmem:s2], $0x10, s19, s23, $0xb8;
	[tilespmem:$0x1F280] =	vst v63  }
0xd8: {  	s11 =	sadd.s32 $0xC500, s12  }
0xd9: {  	[tilespmem:s26], [sflag:$0x3] =	stream.indirect.gather [spmem:s2], $0x10, s11, s23, $0xb8;
	[tilespmem:$0x1F280] =	vst v63  }
0xda: {  	s19 =	sadd.s32 $0xC580, s12  }
0xdb: {  	[tilespmem:s28], [sflag:$0x4] =	stream.indirect.gather [spmem:s2], $0x10, s19, s23, $0xb8;
	[tilespmem:$0x1F280] =	vst v63  }
0xdc: {  	s11 =	sadd.s32 $0xC600, s12  }
0xdd: {  	[tilespmem:s29], [sflag:$0x5] =	stream.indirect.gather [spmem:s2], $0x10, s11, s23, $0xb8;
	[tilespmem:$0x1F280] =	vst v63  }
0xde: {  	s19 =	sadd.s32 $0xC680, s12  }
0xdf: {  	[tilespmem:s30], [sflag:$0x6] =	stream.indirect.gather [spmem:s2], $0x10, s19, s23, $0xb8;
	[tilespmem:$0x1F280] =	vst v63  }
0xe0: {  	s11 =	sadd.s32 $0xC700, s12  }
0xe1: {  	[tilespmem:s31], [sflag:$0x7] =	stream.indirect.gather [spmem:s2], $0x10, s11, s23, $0xb8;
	[tilespmem:$0x1F280] =	vst v63  }
0xe2: {  	s19 =	sadd.s32 $0xC780, s12  }
0xe3: {  	[tilespmem:s0], [sflag:$0x8] =	stream.indirect.gather [spmem:s2], $0x10, s19, s23, $0xb8;
	[tilespmem:$0x1F280] =	vst v63  }
0xe4: {  	_ =	swait.ge [sflag:s4], $0x7D0  }
0xe5: {  	[sflag:s4] =	ssyncset.done $0x0  }
0xe6: {  	s11 =	sadd.s32 $0xD800, s12;
	[sflag:s4] =	ssyncadd.s32 $0xFFFFF830  }
0xe7: {  	[spmem:s1] =	stream.indirect.scatter.add.f32 [tilespmem:s24], [sflag:$0x9], $0x10, s11, s23, $0xb8;
	[tilespmem:$0x1F280] =	vst v63  }
0xe8: {  	_ =	swait.ge [sflag:s6], $0x7D0  }
0xe9: {  	[sflag:s6] =	ssyncset.done $0x0  }
0xea: {  	s19 =	sadd.s32 $0xD880, s12;
	[sflag:s6] =	ssyncadd.s32 $0xFFFFF830  }
0xeb: {  	[spmem:s1] =	stream.indirect.scatter.add.f32 [tilespmem:s25], [sflag:$0xA], $0x10, s19, s23, $0xb8;
	[tilespmem:$0x1F280] =	vst v63  }
0xec: {  	_ =	swait.ge [sflag:s9], $0x7D0  }
0xed: {  	[sflag:s9] =	ssyncset.done $0x0  }
0xee: {  	s11 =	sadd.s32 $0xD900, s12;
	[sflag:s9] =	ssyncadd.s32 $0xFFFFF830  }
0xef: {  	[spmem:s1] =	stream.indirect.scatter.add.f32 [tilespmem:s26], [sflag:$0xB], $0x10, s11, s23, $0xb8;
	[tilespmem:$0x1F280] =	vst v63  }
0xf0: {  	_ =	swait.ge [sflag:s7], $0x7D0  }
0xf1: {  	[sflag:s7] =	ssyncset.done $0x0  }
0xf2: {  	s19 =	sadd.s32 $0xD980, s12;
	[sflag:s7] =	ssyncadd.s32 $0xFFFFF830  }
0xf3: {  	[spmem:s1] =	stream.indirect.scatter.add.f32 [tilespmem:s28], [sflag:$0xC], $0x10, s19, s23, $0xb8;
	[tilespmem:$0x1F280] =	vst v63  }
0xf4: {  	_ =	swait.ge [sflag:s10], $0x7D0  }
0xf5: {  	[sflag:s10] =	ssyncset.done $0x0  }
0xf6: {  	s11 =	sadd.s32 $0xDA00, s12;
	[sflag:s10] =	ssyncadd.s32 $0xFFFFF830  }
0xf7: {  	[spmem:s1] =	stream.indirect.scatter.add.f32 [tilespmem:s29], [sflag:$0xD], $0x10, s11, s23, $0xb8;
	[tilespmem:$0x1F280] =	vst v63  }
0xf8: {  	_ =	swait.ge [sflag:s13], $0x7D0  }
0xf9: {  	[sflag:s13] =	ssyncset.done $0x0  }
0xfa: {  	s19 =	sadd.s32 $0xDA80, s12;
	[sflag:s13] =	ssyncadd.s32 $0xFFFFF830  }
0xfb: {  	[spmem:s1] =	stream.indirect.scatter.add.f32 [tilespmem:s30], [sflag:$0xE], $0x10, s19, s23, $0xb8;
	[tilespmem:$0x1F280] =	vst v63  }
0xfc: {  	_ =	swait.ge [sflag:s15], $0x7D0  }
0xfd: {  	[sflag:s15] =	ssyncset.done $0x0  }
0xfe: {  	s11 =	sadd.s32 $0xDB00, s12;
	[sflag:s15] =	ssyncadd.s32 $0xFFFFF830  }
0xff: {  	[spmem:s1] =	stream.indirect.scatter.add.f32 [tilespmem:s31], [sflag:$0xF], $0x10, s11, s23, $0xb8;
	[tilespmem:$0x1F280] =	vst v63  }
0x100: {  	_ =	swait.ge [sflag:s14], $0x7D0  }
0x101: {  	[sflag:s14] =	ssyncset.done $0x0  }
0x102: {  	s12 =	sadd.s32 $0xDB80, s12;
	[sflag:s14] =	ssyncadd.s32 $0xFFFFF830  }
0x103: {  	[spmem:s1] =	stream.indirect.scatter.add.f32 [tilespmem:s0], [sflag:$0x10], $0x10, s12, s23, $0xb8;
	[tilespmem:$0x1F280] =	vst v63  }
0x104: {  	_ =	swait.ge [sflag:s16], $0x7D0  }
0x105: {  	[sflag:s16] =	ssyncset.done $0x0  }
0x106: {  	[sflag:s16] =	ssyncadd.s32 $0xFFFFF830  }
0x107: {  	_ =	swait.ge [sflag:s20], $0x7D0  }
0x108: {  	[sflag:s20] =	ssyncset.done $0x0  }
0x109: {  	[sflag:s20] =	ssyncadd.s32 $0xFFFFF830  }
0x10a: {  	_ =	swait.ge [sflag:s8], $0x7D0  }
0x10b: {  	[sflag:s8] =	ssyncset.done $0x0  }
0x10c: {  	[sflag:s8] =	ssyncadd.s32 $0xFFFFF830  }
0x10d: {  	_ =	swait.ge [sflag:s17], $0x7D0  }
0x10e: {  	[sflag:s17] =	ssyncset.done $0x0  }
0x10f: {  	[sflag:s17] =	ssyncadd.s32 $0xFFFFF830  }
0x110: {  	_ =	swait.ge [sflag:s18], $0x7D0  }
0x111: {  	[sflag:s18] =	ssyncset.done $0x0  }
0x112: {  	[sflag:s18] =	ssyncadd.s32 $0xFFFFF830  }
0x113: {  	_ =	swait.ge [sflag:s3], $0x7D0  }
0x114: {  	[sflag:s3] =	ssyncset.done $0x0  }
0x115: {  	[sflag:s3] =	ssyncadd.s32 $0xFFFFF830  }
0x116: {  	_ =	swait.ge [sflag:s21], $0x7D0  }
0x117: {  	[sflag:s21] =	ssyncset.done $0x0  }
0x118: {  	[sflag:s21] =	ssyncadd.s32 $0xFFFFF830  }
0x119: {  	_ =	swait.ge [sflag:s22], $0x7D0  }
0x11a: {  	s19 =	rddreg [dreg:$0x17]  }
0x11b: {  	s5 =	sadd.s32 $0x1, s19  }
0x11c: {  	p1 =	sne.s32 s5, $0xA  }
.Ltmp4:
0x11d: {  	_ = 	snop;
	(pc) =	sbr.rel @p1 .LBB2_8-.Ltmp4, $3  }
0x11e: {  	_ =	sdelay $0x1  }
0x11f: {  	[sflag:s22] =	ssyncset.done $0x0  }
0x120: {  	[sflag:s22] =	ssyncadd.s32 $0xFFFFF830  }
.Ltmp5:
0x121: {  	(pc) =	sbr.rel .LBB2_12-.Ltmp5, $4  }
0x122: {  	_ = 	snop  }
0x123: {  	s5 =	rddreg [dreg:$0x8]  }
0x124: {  	s19 =	rddreg [dreg:$0x12]  }
0x125: {  	s11 =	rddreg [dreg:$0x5]  }
.LBB2_2:
0x126: {  	s5 =	rddreg [dreg:$0xf]  }
0x127: {  	s11 =	rddreg [dreg:$0xa];
	s19 =	sor.u32 $0x1C11, s5  }
0x128: {  	[spmem:s12], [sflag:s19] =	dma.local [hbm:s11], $0x1880  }
0x129: {  	s11 =	simm.s32 $0x11  }
0x12a: {  	_ =	swait.ge [sflag:s11], $0x1880;
	[dreg:$0x15] =	wrdreg s19  }
0x12b: {  	[sflag:s11] =	ssyncset.done $0x0;
	s5 =	rddreg [dreg:$0xb]  }
0x12c: {  	s12 =	rddreg [dreg:$0x14];
	[sflag:s11] =	ssyncadd.s32 $0xFFFFE780  }
0x12d: {  	[spmem:s12], [sflag:s19] =	dma.local [hbm:s5], $0x1900  }
0x12e: {  	_ =	swait.ge [sflag:s11], $0x1900  }
0x12f: {  	[sflag:s11] =	ssyncset.done $0x0  }
0x130: {  	[sflag:s11] =	ssyncadd.s32 $0xFFFFE700  }
0x131: {  	s5 =	simm.s32 $0x0;
	[bflag:$0x0] =	sbarrier.arrive $0xFFFF  }
.LBB2_3:
0x132: {  	s12 =	smul.u32 $0x28, s5  }
0x133: {  	s11 =	rddreg [dreg:$0xc]  }
0x134: {  	[dreg:$0x16] =	wrdreg s5;
	s5 =	sadd.s32 s11, s12  }
0x135: {  	s19 =	rddreg [dreg:$0x6];
	s5 =	sshll.u32 s5, $0x4  }
0x136: {  	s12 =	simm.s32 $0xC400;
	s11 =	sadd.s32 s19, s5;
	s19 =	simm.s32 $0x0  }
0x137: {  	[tilespmem:s12], [sflag:$0x11] =	stream.linear.gather [hbm4b:s11+s19], $0x1400, $0x38;
	[tilespmem:$0x1F280] =	vst v63  }
0x138: {  	s12 =	simm.s32 $0x11  }
0x139: {  	_ =	swait.ge [sflag:s12], $0x1400  }
0x13a: {  	[sflag:s12] =	ssyncset.done $0x0;
	s11 =	rddreg [dreg:$0xd]  }
0x13b: {  	[sflag:s12] =	ssyncadd.s32 $0xFFFFEC00;
	s5 =	sadd.s32 s5, s11;
	s11 =	simm.s32 $0xD800  }
0x13c: {  	[tilespmem:s11], [sflag:$0x11] =	stream.linear.gather [hbm4b:s5+s19], $0x1400, $0x38;
	[tilespmem:$0x1F280] =	vst v63  }
0x13d: {  	_ =	swait.ge [sflag:s12], $0x1400  }
0x13e: {  	[sflag:s12] =	ssyncset.done $0x0  }
0x13f: {  	s11 =	simm.s32 $0xC400;
	[sflag:s12] =	ssyncadd.s32 $0xFFFFEC00  }
0x140: {  	[tilespmem:s24], [sflag:$0x1] =	stream.indirect.gather [spmem:s2], $0x10, s11, s23, $0xb8;
	[tilespmem:$0x1F280] =	vst v63  }
0x141: {  	s12 =	simm.s32 $0xC480  }
0x142: {  	[tilespmem:s25], [sflag:$0x2] =	stream.indirect.gather [spmem:s2], $0x10, s12, s23, $0xb8;
	[tilespmem:$0x1F280] =	vst v63  }
0x143: {  	s19 =	simm.s32 $0xC500  }
0x144: {  	[tilespmem:s26], [sflag:$0x3] =	stream.indirect.gather [spmem:s2], $0x10, s19, s23, $0xb8;
	[tilespmem:$0x1F280] =	vst v63  }
0x145: {  	s11 =	simm.s32 $0xC580  }
0x146: {  	[tilespmem:s28], [sflag:$0x4] =	stream.indirect.gather [spmem:s2], $0x10, s11, s23, $0xb8;
	[tilespmem:$0x1F280] =	vst v63  }
0x147: {  	s12 =	simm.s32 $0xC600  }
0x148: {  	[tilespmem:s29], [sflag:$0x5] =	stream.indirect.gather [spmem:s2], $0x10, s12, s23, $0xb8;
	[tilespmem:$0x1F280] =	vst v63  }
0x149: {  	s19 =	simm.s32 $0xC680  }
0x14a: {  	[tilespmem:s30], [sflag:$0x6] =	stream.indirect.gather [spmem:s2], $0x10, s19, s23, $0xb8;
	[tilespmem:$0x1F280] =	vst v63  }
0x14b: {  	s11 =	simm.s32 $0xC700  }
0x14c: {  	[tilespmem:s31], [sflag:$0x7] =	stream.indirect.gather [spmem:s2], $0x10, s11, s23, $0xb8;
	[tilespmem:$0x1F280] =	vst v63  }
0x14d: {  	s12 =	simm.s32 $0xC780  }
0x14e: {  	[tilespmem:s0], [sflag:$0x8] =	stream.indirect.gather [spmem:s2], $0x10, s12, s23, $0xb8;
	[tilespmem:$0x1F280] =	vst v63  }
0x14f: {  	_ =	swait.ge [sflag:s4], $0x7D0  }
0x150: {  	[sflag:s4] =	ssyncset.done $0x0  }
0x151: {  	s19 =	simm.s32 $0xD800;
	[sflag:s4] =	ssyncadd.s32 $0xFFFFF830  }
0x152: {  	[spmem:s1] =	stream.indirect.scatter.add.f32 [tilespmem:s24], [sflag:$0x9], $0x10, s19, s23, $0xb8;
	[tilespmem:$0x1F280] =	vst v63  }
0x153: {  	_ =	swait.ge [sflag:s6], $0x7D0  }
0x154: {  	[sflag:s6] =	ssyncset.done $0x0  }
0x155: {  	s24 =	simm.s32 $0xD880;
	[sflag:s6] =	ssyncadd.s32 $0xFFFFF830  }
0x156: {  	[spmem:s1] =	stream.indirect.scatter.add.f32 [tilespmem:s25], [sflag:$0xA], $0x10, s24, s23, $0xb8;
	[tilespmem:$0x1F280] =	vst v63  }
0x157: {  	_ =	swait.ge [sflag:s9], $0x7D0  }
0x158: {  	[sflag:s9] =	ssyncset.done $0x0  }
0x159: {  	s25 =	simm.s32 $0xD900;
	[sflag:s9] =	ssyncadd.s32 $0xFFFFF830  }
0x15a: {  	[spmem:s1] =	stream.indirect.scatter.add.f32 [tilespmem:s26], [sflag:$0xB], $0x10, s25, s23, $0xb8;
	[tilespmem:$0x1F280] =	vst v63  }
0x15b: {  	_ =	swait.ge [sflag:s7], $0x7D0  }
0x15c: {  	[sflag:s7] =	ssyncset.done $0x0  }
0x15d: {  	s11 =	simm.s32 $0xD980;
	[sflag:s7] =	ssyncadd.s32 $0xFFFFF830  }
0x15e: {  	[spmem:s1] =	stream.indirect.scatter.add.f32 [tilespmem:s28], [sflag:$0xC], $0x10, s11, s23, $0xb8;
	[tilespmem:$0x1F280] =	vst v63  }
0x15f: {  	_ =	swait.ge [sflag:s10], $0x7D0  }
0x160: {  	[sflag:s10] =	ssyncset.done $0x0  }
0x161: {  	s12 =	simm.s32 $0xDA00;
	[sflag:s10] =	ssyncadd.s32 $0xFFFFF830  }
0x162: {  	[spmem:s1] =	stream.indirect.scatter.add.f32 [tilespmem:s29], [sflag:$0xD], $0x10, s12, s23, $0xb8;
	[tilespmem:$0x1F280] =	vst v63  }
0x163: {  	_ =	swait.ge [sflag:s13], $0x7D0  }
0x164: {  	[sflag:s13] =	ssyncset.done $0x0  }
0x165: {  	s19 =	simm.s32 $0xDA80;
	[sflag:s13] =	ssyncadd.s32 $0xFFFFF830  }
0x166: {  	[spmem:s1] =	stream.indirect.scatter.add.f32 [tilespmem:s30], [sflag:$0xE], $0x10, s19, s23, $0xb8;
	[tilespmem:$0x1F280] =	vst v63  }
0x167: {  	_ =	swait.ge [sflag:s15], $0x7D0  }
0x168: {  	[sflag:s15] =	ssyncset.done $0x0  }
0x169: {  	s24 =	simm.s32 $0xDB00;
	[sflag:s15] =	ssyncadd.s32 $0xFFFFF830  }
0x16a: {  	[spmem:s1] =	stream.indirect.scatter.add.f32 [tilespmem:s31], [sflag:$0xF], $0x10, s24, s23, $0xb8;
	[tilespmem:$0x1F280] =	vst v63  }
0x16b: {  	_ =	swait.ge [sflag:s14], $0x7D0  }
0x16c: {  	[sflag:s14] =	ssyncset.done $0x0  }
0x16d: {  	s25 =	simm.s32 $0xDB80;
	[sflag:s14] =	ssyncadd.s32 $0xFFFFF830  }
0x16e: {  	[spmem:s1] =	stream.indirect.scatter.add.f32 [tilespmem:s0], [sflag:$0x10], $0x10, s25, s23, $0xb8;
	[tilespmem:$0x1F280] =	vst v63  }
0x16f: {  	_ =	swait.ge [sflag:s16], $0x7D0  }
0x170: {  	[sflag:s16] =	ssyncset.done $0x0  }
0x171: {  	[sflag:s16] =	ssyncadd.s32 $0xFFFFF830  }
0x172: {  	_ =	swait.ge [sflag:s20], $0x7D0  }
0x173: {  	[sflag:s20] =	ssyncset.done $0x0  }
0x174: {  	[sflag:s20] =	ssyncadd.s32 $0xFFFFF830  }
0x175: {  	_ =	swait.ge [sflag:s8], $0x7D0  }
0x176: {  	[sflag:s8] =	ssyncset.done $0x0  }
0x177: {  	[sflag:s8] =	ssyncadd.s32 $0xFFFFF830  }
0x178: {  	_ =	swait.ge [sflag:s17], $0x7D0  }
0x179: {  	[sflag:s17] =	ssyncset.done $0x0  }
0x17a: {  	[sflag:s17] =	ssyncadd.s32 $0xFFFFF830  }
0x17b: {  	_ =	swait.ge [sflag:s18], $0x7D0  }
0x17c: {  	[sflag:s18] =	ssyncset.done $0x0  }
0x17d: {  	[sflag:s18] =	ssyncadd.s32 $0xFFFFF830  }
0x17e: {  	_ =	swait.ge [sflag:s3], $0x7D0  }
0x17f: {  	[sflag:s3] =	ssyncset.done $0x0  }
0x180: {  	[sflag:s3] =	ssyncadd.s32 $0xFFFFF830  }
0x181: {  	_ =	swait.ge [sflag:s21], $0x7D0  }
0x182: {  	[sflag:s21] =	ssyncset.done $0x0  }
0x183: {  	[sflag:s21] =	ssyncadd.s32 $0xFFFFF830  }
0x184: {  	_ =	swait.ge [sflag:s22], $0x7D0  }
0x185: {  	s5 =	simm.s32 $0x2000;
	s12 =	simm.s32 $0x400;
	[sflag:s22] =	ssyncset.done $0x0  }
.LBB2_4:
0x186: {  	s25 =	simm.s32 $0xEC00;
	s24 =	sadd.s32 $0xC400, s12  }
0x187: {  	[sflag:s22] =	ssyncadd.s32 $0xFFFFF830;
	s19 =	smov.u32 s5;
	s11 =	sadd.s32 $0x1000, s5  }
0x188: {  	[tilespmem:s25], [sflag:$0x1] =	stream.indirect.gather [spmem:s2], $0x10, s24, s23, $0xb8;
	[tilespmem:$0x1F280] =	vst v63  }
0x189: {  	s25 =	simm.s32 $0xF3D0;
	s24 =	simm.s32 $0xEC00  }
0x18a: {  	p1 =	sne.s32 s5, $0x4000;
	s5 =	sadd.s32 $0xC480, s12  }
0x18b: {  	[tilespmem:s25], [sflag:$0x2] =	stream.indirect.gather [spmem:s2], $0x10, s5, s23, $0xb8;
	[tilespmem:$0x1F280] =	vst v63  }
0x18c: {  	s5 =	sadd.s32 $0xC500, s12  }
0x18d: {  	[tilespmem:s26], [sflag:$0x3] =	stream.indirect.gather [spmem:s2], $0x10, s5, s23, $0xb8;
	[tilespmem:$0x1F280] =	vst v63  }
0x18e: {  	s5 =	sadd.s32 $0xC580, s12  }
0x18f: {  	[tilespmem:s28], [sflag:$0x4] =	stream.indirect.gather [spmem:s2], $0x10, s5, s23, $0xb8;
	[tilespmem:$0x1F280] =	vst v63  }
0x190: {  	s5 =	sadd.s32 $0xC600, s12  }
0x191: {  	[tilespmem:s29], [sflag:$0x5] =	stream.indirect.gather [spmem:s2], $0x10, s5, s23, $0xb8;
	[tilespmem:$0x1F280] =	vst v63  }
0x192: {  	s5 =	sadd.s32 $0xC680, s12  }
0x193: {  	[tilespmem:s30], [sflag:$0x6] =	stream.indirect.gather [spmem:s2], $0x10, s5, s23, $0xb8;
	[tilespmem:$0x1F280] =	vst v63  }
0x194: {  	s5 =	sadd.s32 $0xC700, s12  }
0x195: {  	[tilespmem:s31], [sflag:$0x7] =	stream.indirect.gather [spmem:s2], $0x10, s5, s23, $0xb8;
	[tilespmem:$0x1F280] =	vst v63  }
0x196: {  	s5 =	sadd.s32 $0xC780, s12  }
0x197: {  	[tilespmem:s0], [sflag:$0x8] =	stream.indirect.gather [spmem:s2], $0x10, s5, s23, $0xb8;
	[tilespmem:$0x1F280] =	vst v63  }
0x198: {  	_ =	swait.ge [sflag:s4], $0x7D0  }
0x199: {  	[sflag:s4] =	ssyncset.done $0x0  }
0x19a: {  	s5 =	sadd.s32 $0xD800, s12;
	[sflag:s4] =	ssyncadd.s32 $0xFFFFF830  }
0x19b: {  	[spmem:s1] =	stream.indirect.scatter.add.f32 [tilespmem:s24], [sflag:$0x9], $0x10, s5, s23, $0xb8;
	[tilespmem:$0x1F280] =	vst v63  }
0x19c: {  	_ =	swait.ge [sflag:s6], $0x7D0  }
0x19d: {  	[sflag:s6] =	ssyncset.done $0x0  }
0x19e: {  	s5 =	sadd.s32 $0xD880, s12;
	[sflag:s6] =	ssyncadd.s32 $0xFFFFF830  }
0x19f: {  	[spmem:s1] =	stream.indirect.scatter.add.f32 [tilespmem:s25], [sflag:$0xA], $0x10, s5, s23, $0xb8;
	[tilespmem:$0x1F280] =	vst v63  }
0x1a0: {  	_ =	swait.ge [sflag:s9], $0x7D0  }
0x1a1: {  	[sflag:s9] =	ssyncset.done $0x0  }
0x1a2: {  	s5 =	sadd.s32 $0xD900, s12;
	[sflag:s9] =	ssyncadd.s32 $0xFFFFF830  }
0x1a3: {  	[spmem:s1] =	stream.indirect.scatter.add.f32 [tilespmem:s26], [sflag:$0xB], $0x10, s5, s23, $0xb8;
	[tilespmem:$0x1F280] =	vst v63  }
0x1a4: {  	_ =	swait.ge [sflag:s7], $0x7D0  }
0x1a5: {  	[sflag:s7] =	ssyncset.done $0x0  }
0x1a6: {  	s5 =	sadd.s32 $0xD980, s12;
	[sflag:s7] =	ssyncadd.s32 $0xFFFFF830  }
0x1a7: {  	[spmem:s1] =	stream.indirect.scatter.add.f32 [tilespmem:s28], [sflag:$0xC], $0x10, s5, s23, $0xb8;
	[tilespmem:$0x1F280] =	vst v63  }
0x1a8: {  	_ =	swait.ge [sflag:s10], $0x7D0  }
0x1a9: {  	[sflag:s10] =	ssyncset.done $0x0  }
0x1aa: {  	s5 =	sadd.s32 $0xDA00, s12;
	[sflag:s10] =	ssyncadd.s32 $0xFFFFF830  }
0x1ab: {  	[spmem:s1] =	stream.indirect.scatter.add.f32 [tilespmem:s29], [sflag:$0xD], $0x10, s5, s23, $0xb8;
	[tilespmem:$0x1F280] =	vst v63  }
0x1ac: {  	_ =	swait.ge [sflag:s13], $0x7D0  }
0x1ad: {  	[sflag:s13] =	ssyncset.done $0x0  }
0x1ae: {  	s5 =	sadd.s32 $0xDA80, s12;
	[sflag:s13] =	ssyncadd.s32 $0xFFFFF830  }
0x1af: {  	[spmem:s1] =	stream.indirect.scatter.add.f32 [tilespmem:s30], [sflag:$0xE], $0x10, s5, s23, $0xb8;
	[tilespmem:$0x1F280] =	vst v63  }
0x1b0: {  	_ =	swait.ge [sflag:s15], $0x7D0  }
0x1b1: {  	[sflag:s15] =	ssyncset.done $0x0  }
0x1b2: {  	s5 =	sadd.s32 $0xDB00, s12;
	[sflag:s15] =	ssyncadd.s32 $0xFFFFF830  }
0x1b3: {  	[spmem:s1] =	stream.indirect.scatter.add.f32 [tilespmem:s31], [sflag:$0xF], $0x10, s5, s23, $0xb8;
	[tilespmem:$0x1F280] =	vst v63  }
0x1b4: {  	_ =	swait.ge [sflag:s14], $0x7D0  }
0x1b5: {  	[sflag:s14] =	ssyncset.done $0x0  }
0x1b6: {  	s5 =	sadd.s32 $0xDB80, s12;
	[sflag:s14] =	ssyncadd.s32 $0xFFFFF830  }
0x1b7: {  	[spmem:s1] =	stream.indirect.scatter.add.f32 [tilespmem:s0], [sflag:$0x10], $0x10, s5, s23, $0xb8;
	[tilespmem:$0x1F280] =	vst v63  }
0x1b8: {  	_ =	swait.ge [sflag:s16], $0x7D0  }
0x1b9: {  	[sflag:s16] =	ssyncset.done $0x0  }
0x1ba: {  	[sflag:s16] =	ssyncadd.s32 $0xFFFFF830  }
0x1bb: {  	_ =	swait.ge [sflag:s20], $0x7D0  }
0x1bc: {  	[sflag:s20] =	ssyncset.done $0x0  }
0x1bd: {  	[sflag:s20] =	ssyncadd.s32 $0xFFFFF830  }
0x1be: {  	_ =	swait.ge [sflag:s8], $0x7D0  }
0x1bf: {  	[sflag:s8] =	ssyncset.done $0x0  }
0x1c0: {  	[sflag:s8] =	ssyncadd.s32 $0xFFFFF830  }
0x1c1: {  	_ =	swait.ge [sflag:s17], $0x7D0  }
0x1c2: {  	[sflag:s17] =	ssyncset.done $0x0  }
0x1c3: {  	[sflag:s17] =	ssyncadd.s32 $0xFFFFF830  }
0x1c4: {  	_ =	swait.ge [sflag:s18], $0x7D0  }
0x1c5: {  	[sflag:s18] =	ssyncset.done $0x0  }
0x1c6: {  	[sflag:s18] =	ssyncadd.s32 $0xFFFFF830  }
0x1c7: {  	_ =	swait.ge [sflag:s3], $0x7D0  }
0x1c8: {  	[sflag:s3] =	ssyncset.done $0x0  }
0x1c9: {  	[sflag:s3] =	ssyncadd.s32 $0xFFFFF830  }
.Ltmp6:
0x1ca: {  	_ =	swait.ge [sflag:s21], $0x7D0;
	(pc) =	sbr.rel @p1 .LBB2_4-.Ltmp6, $4  }
0x1cb: {  	[sflag:s21] =	ssyncset.done $0x0  }
0x1cc: {  	[sflag:s21] =	ssyncadd.s32 $0xFFFFF830  }
0x1cd: {  	_ =	swait.ge [sflag:s22], $0x7D0  }
0x1ce: {  	s12 =	sshra.s32 s19, $0x2;
	s5 =	smov.u32 s11;
	[sflag:s22] =	ssyncset.done $0x0  }
0x1cf: {  	s5 =	sadd.s32 $0xC400, s12;
	[sflag:s22] =	ssyncadd.s32 $0xFFFFF830  }
0x1d0: {  	[tilespmem:s24], [sflag:$0x1] =	stream.indirect.gather [spmem:s2], $0x10, s5, s23, $0xb8;
	[tilespmem:$0x1F280] =	vst v63  }
0x1d1: {  	s19 =	sadd.s32 $0xC480, s12  }
0x1d2: {  	[tilespmem:s25], [sflag:$0x2] =	stream.indirect.gather [spmem:s2], $0x10, s19, s23, $0xb8;
	[tilespmem:$0x1F280] =	vst v63  }
0x1d3: {  	s11 =	sadd.s32 $0xC500, s12  }
0x1d4: {  	[tilespmem:s26], [sflag:$0x3] =	stream.indirect.gather [spmem:s2], $0x10, s11, s23, $0xb8;
	[tilespmem:$0x1F280] =	vst v63  }
0x1d5: {  	s19 =	sadd.s32 $0xC580, s12  }
0x1d6: {  	[tilespmem:s28], [sflag:$0x4] =	stream.indirect.gather [spmem:s2], $0x10, s19, s23, $0xb8;
	[tilespmem:$0x1F280] =	vst v63  }
0x1d7: {  	s11 =	sadd.s32 $0xC600, s12  }
0x1d8: {  	[tilespmem:s29], [sflag:$0x5] =	stream.indirect.gather [spmem:s2], $0x10, s11, s23, $0xb8;
	[tilespmem:$0x1F280] =	vst v63  }
0x1d9: {  	s19 =	sadd.s32 $0xC680, s12  }
0x1da: {  	[tilespmem:s30], [sflag:$0x6] =	stream.indirect.gather [spmem:s2], $0x10, s19, s23, $0xb8;
	[tilespmem:$0x1F280] =	vst v63  }
0x1db: {  	s11 =	sadd.s32 $0xC700, s12  }
0x1dc: {  	[tilespmem:s31], [sflag:$0x7] =	stream.indirect.gather [spmem:s2], $0x10, s11, s23, $0xb8;
	[tilespmem:$0x1F280] =	vst v63  }
0x1dd: {  	s19 =	sadd.s32 $0xC780, s12  }
0x1de: {  	[tilespmem:s0], [sflag:$0x8] =	stream.indirect.gather [spmem:s2], $0x10, s19, s23, $0xb8;
	[tilespmem:$0x1F280] =	vst v63  }
0x1df: {  	_ =	swait.ge [sflag:s4], $0x7D0  }
0x1e0: {  	[sflag:s4] =	ssyncset.done $0x0  }
0x1e1: {  	s11 =	sadd.s32 $0xD800, s12;
	[sflag:s4] =	ssyncadd.s32 $0xFFFFF830  }
0x1e2: {  	[spmem:s1] =	stream.indirect.scatter.add.f32 [tilespmem:s24], [sflag:$0x9], $0x10, s11, s23, $0xb8;
	[tilespmem:$0x1F280] =	vst v63  }
0x1e3: {  	_ =	swait.ge [sflag:s6], $0x7D0  }
0x1e4: {  	[sflag:s6] =	ssyncset.done $0x0  }
0x1e5: {  	s19 =	sadd.s32 $0xD880, s12;
	[sflag:s6] =	ssyncadd.s32 $0xFFFFF830  }
0x1e6: {  	[spmem:s1] =	stream.indirect.scatter.add.f32 [tilespmem:s25], [sflag:$0xA], $0x10, s19, s23, $0xb8;
	[tilespmem:$0x1F280] =	vst v63  }
0x1e7: {  	_ =	swait.ge [sflag:s9], $0x7D0  }
0x1e8: {  	[sflag:s9] =	ssyncset.done $0x0  }
0x1e9: {  	s11 =	sadd.s32 $0xD900, s12;
	[sflag:s9] =	ssyncadd.s32 $0xFFFFF830  }
0x1ea: {  	[spmem:s1] =	stream.indirect.scatter.add.f32 [tilespmem:s26], [sflag:$0xB], $0x10, s11, s23, $0xb8;
	[tilespmem:$0x1F280] =	vst v63  }
0x1eb: {  	_ =	swait.ge [sflag:s7], $0x7D0  }
0x1ec: {  	[sflag:s7] =	ssyncset.done $0x0  }
0x1ed: {  	s19 =	sadd.s32 $0xD980, s12;
	[sflag:s7] =	ssyncadd.s32 $0xFFFFF830  }
0x1ee: {  	[spmem:s1] =	stream.indirect.scatter.add.f32 [tilespmem:s28], [sflag:$0xC], $0x10, s19, s23, $0xb8;
	[tilespmem:$0x1F280] =	vst v63  }
0x1ef: {  	_ =	swait.ge [sflag:s10], $0x7D0  }
0x1f0: {  	[sflag:s10] =	ssyncset.done $0x0  }
0x1f1: {  	s11 =	sadd.s32 $0xDA00, s12;
	[sflag:s10] =	ssyncadd.s32 $0xFFFFF830  }
0x1f2: {  	[spmem:s1] =	stream.indirect.scatter.add.f32 [tilespmem:s29], [sflag:$0xD], $0x10, s11, s23, $0xb8;
	[tilespmem:$0x1F280] =	vst v63  }
0x1f3: {  	_ =	swait.ge [sflag:s13], $0x7D0  }
0x1f4: {  	[sflag:s13] =	ssyncset.done $0x0  }
0x1f5: {  	s19 =	sadd.s32 $0xDA80, s12;
	[sflag:s13] =	ssyncadd.s32 $0xFFFFF830  }
0x1f6: {  	[spmem:s1] =	stream.indirect.scatter.add.f32 [tilespmem:s30], [sflag:$0xE], $0x10, s19, s23, $0xb8;
	[tilespmem:$0x1F280] =	vst v63  }
0x1f7: {  	_ =	swait.ge [sflag:s15], $0x7D0  }
0x1f8: {  	[sflag:s15] =	ssyncset.done $0x0  }
0x1f9: {  	s11 =	sadd.s32 $0xDB00, s12;
	[sflag:s15] =	ssyncadd.s32 $0xFFFFF830  }
0x1fa: {  	[spmem:s1] =	stream.indirect.scatter.add.f32 [tilespmem:s31], [sflag:$0xF], $0x10, s11, s23, $0xb8;
	[tilespmem:$0x1F280] =	vst v63  }
0x1fb: {  	_ =	swait.ge [sflag:s14], $0x7D0  }
0x1fc: {  	[sflag:s14] =	ssyncset.done $0x0  }
0x1fd: {  	s12 =	sadd.s32 $0xDB80, s12;
	[sflag:s14] =	ssyncadd.s32 $0xFFFFF830  }
0x1fe: {  	[spmem:s1] =	stream.indirect.scatter.add.f32 [tilespmem:s0], [sflag:$0x10], $0x10, s12, s23, $0xb8;
	[tilespmem:$0x1F280] =	vst v63  }
0x1ff: {  	_ =	swait.ge [sflag:s16], $0x7D0  }
0x200: {  	[sflag:s16] =	ssyncset.done $0x0  }
0x201: {  	[sflag:s16] =	ssyncadd.s32 $0xFFFFF830  }
0x202: {  	_ =	swait.ge [sflag:s20], $0x7D0  }
0x203: {  	[sflag:s20] =	ssyncset.done $0x0  }
0x204: {  	[sflag:s20] =	ssyncadd.s32 $0xFFFFF830  }
0x205: {  	_ =	swait.ge [sflag:s8], $0x7D0  }
0x206: {  	[sflag:s8] =	ssyncset.done $0x0  }
0x207: {  	[sflag:s8] =	ssyncadd.s32 $0xFFFFF830  }
0x208: {  	_ =	swait.ge [sflag:s17], $0x7D0  }
0x209: {  	[sflag:s17] =	ssyncset.done $0x0  }
0x20a: {  	[sflag:s17] =	ssyncadd.s32 $0xFFFFF830  }
0x20b: {  	_ =	swait.ge [sflag:s18], $0x7D0  }
0x20c: {  	[sflag:s18] =	ssyncset.done $0x0  }
0x20d: {  	[sflag:s18] =	ssyncadd.s32 $0xFFFFF830  }
0x20e: {  	_ =	swait.ge [sflag:s3], $0x7D0  }
0x20f: {  	[sflag:s3] =	ssyncset.done $0x0  }
0x210: {  	[sflag:s3] =	ssyncadd.s32 $0xFFFFF830  }
0x211: {  	_ =	swait.ge [sflag:s21], $0x7D0  }
0x212: {  	[sflag:s21] =	ssyncset.done $0x0  }
0x213: {  	[sflag:s21] =	ssyncadd.s32 $0xFFFFF830  }
0x214: {  	_ =	swait.ge [sflag:s22], $0x7D0  }
0x215: {  	s19 =	rddreg [dreg:$0x16]  }
0x216: {  	s5 =	sadd.s32 $0x1, s19  }
0x217: {  	p1 =	seq.s32 s5, $0xA  }
.Ltmp7:
0x218: {  	_ = 	snop;
	(pc) =	sbr.rel @!p1 .LBB2_3-.Ltmp7, $3  }
0x219: {  	_ =	sdelay $0x1  }
0x21a: {  	[sflag:s22] =	ssyncset.done $0x0  }
0x21b: {  	[sflag:s22] =	ssyncadd.s32 $0xFFFFF830  }
.Ltmp8:
0x21c: {  	(pc) =	sbr.rel .LBB2_12-.Ltmp8, $4  }
0x21d: {  	_ = 	snop  }
0x21e: {  	s5 =	rddreg [dreg:$0x7]  }
0x21f: {  	s11 =	rddreg [dreg:$0x5]  }
0x220: {  	s19 =	rddreg [dreg:$0x15]  }
.LBB2_13:
0x221: {  	_ =	sfence.sel $0x180000  }
0x222: {  	[bflag:$0x0] =	sbarrier.arrive $0xFFFF  }
0x223: {  	_ =	strace $0x9000004D  }
0x224: {  	s0 =	stileid.u32;
	[bflag:$0x2] =	sbarrier.arrive $0xFFFF  }
0x225: {  	p0 =	sne.s32 s0, $0x0;
	s0 =	rddreg [dreg:$0x4]  }
0x226: {  	s0 =	sadd.s32 @!p0 $0x100000, s0  }
0x227: {  	[sflag:s0] =	ssyncadd.tile.s32 @!p0 $0x1;
	_ =	shalt  }
.Lfunc_end2:
_tile_overlayer_lowered:
.L_overlay_start_2:
0x228: {  	(tag) =	ssettag $0x2  }
0x229: {  	s0 =	rddreg [dreg:$0x0];
	s2 =	stileid.u32  }
0x22a: {  	s1 =	rddreg [dreg:$0x1];
	p0 =	sne.s32 s2, $0x0  }
0x22b: {  	s3 =	rddreg [dreg:$0x2];
	[bflag:$0x3] =	sbarrier.arrive $0xFFFF;
	s2 =	simm.s32 @!p0 $0x1C11  }
0x22c: {  	[timem:s3], [sflag:s2] =	dma.local @!p0 [hbm:s0], s1  }
0x22d: {  	s0 =	simm.s32 @!p0 $0x11  }
0x22e: {  	_ =	swait.ge @!p0 [sflag:s0], s1  }
0x22f: {  	s1 =	ssub.s32 @!p0 $0x0, s1;
	[sflag:s0] =	ssyncset.done @!p0 $0x0  }
0x230: {  	[sflag:s0] =	ssyncadd.s32 @!p0 s1  }
0x231: {  	[bflag:$0x3] =	sbarrier.arrive $0xFFFF  }
0x232: {  	_ =	shalt  }

// kernel: kernel.8.cloned.1.call-start
scs
__scs_entry_jumppad:
0x0: {  	(pc) =	sbr.rel $0x88, $3  }
0x1: {  	(tag) =	ssettag $0x0;
	lr =	simm.s32 $0x1  }
0x2: {  	[smem:$0x3F9B] =	sst lr;
	_ =	strace $0xD0000000  }
0x3: {  	_ = 	snop  }
0x4: {  	_ = 	snop  }
0x5: {  	_ = 	snop  }
0x6: {  	_ = 	snop  }
0x7: {  	_ = 	snop  }
__scs_overlays_trampoline_lowered:
0x8: {  	[smem:$0x3FAA] =	sst s0  }
0x9: {  	[smem:$0x3FAB] =	sst s1  }
0xa: {  	[smem:$0x3FAC] =	sst s2  }
0xb: {  	[smem:$0x3FAD] =	sst s3  }
0xc: {  	[smem:$0x3FAE] =	sst s4  }
0xd: {  	[smem:$0x3FAF] =	sst s5  }
0xe: {  	[smem:$0x3FB0] =	sst s6  }
0xf: {  	[smem:$0x3FB1] =	sst s7  }
0x10: {  	[smem:$0x3FB2] =	sst s8  }
0x11: {  	[smem:$0x3FB3] =	sst s9;
	s0 =	simm.s32 @!p0 $0x0  }
0x12: {  	s1 =	sld [smem:$0x3F99];
	s0 =	simm.s32 @p0 $0x1  }
0x13: {  	[smem:$0x3FB4] =	sst s0;
	s0 =	simm.s32 @!p1 $0x0  }
0x14: {  	s2 =	sld [smem:$0x3F98];
	s0 =	simm.s32 @p1 $0x1  }
0x15: {  	[smem:$0x3FB5] =	sst s0;
	s0 =	simm.s32 @!p2 $0x0  }
0x16: {  	s3 =	sld [smem:$0x3FDB];
	s0 =	simm.s32 @p2 $0x1  }
0x17: {  	s4 =	simm.s32 $0x1BF5;
	[smem:$0x3FB7] =	sst s0  }
0x18: {  	s0 =	sld [smem:$0x3F9A];
	_ =	swait.ge [sflag:s4], $0x0  }
0x19: {  	s7 =	sld [smem:$0x3F9B]  }
0x1a: {  	s8 =	sadd.s32 $0xFFFFE003, lr  }
0x1b: {  	s9 =	sadd.s32 $0xFFFFFEF7, lr;
	s5 =	simm.s32 $0xFFFFFFFF;
	p2 =	slt.u32 s8, $0xFFFFF086  }
0x1c: {  	p1 =	slt.u32 s9, $0xF7A;
	s5 =	simm.s32 @!p2 $0x0  }
0x1d: {  	s5 =	simm.s32 @p1 $0x1;
	p0 =	seq.s32 s7, s2  }
0x1e: {  	s7 =	smul.u32 @!p0 $0xF7A, s2;
	p2 =	seq.s32 @!p0 s5, $0x0  }
0x1f: {  	s9 =	smul.u32 $0xF7A, s1;
	s8 =	simm.s32 @!p0 $0x1BF5;
	p2 =	por !p2, p0  }
0x20: {  	[sflag:s8] =	ssyncset.s32 @!p0 $0xFFFFF086;
	s6 =	sadd.s32 @!p0 s3, s7;
	s7 =	simm.s32 @!p0 $0x108  }
0x21: {  	s3 =	sadd.s32 s3, s9;
	s6 =	sadd.s32 @!p0 $0x88, s6;
	s7 =	simm.s32 @p2 $0x1082  }
0x22: {  	[simem:s7], [sflag:s8] =	dma.local @!p0 [hbm:s6], $0xF7A  }
0x23: {  	s9 =	sor.u32 $0xD0000000, s2;
	s6 =	simm.s32 $0x108;
	_ =	swait.ge @!p0 [sflag:s8], $0x0  }
0x24: {  	s3 =	sadd.s32 $0x88, s3;
	s6 =	simm.s32 @!p1 $0x1082;
	[sflag:s4] =	ssyncset.s32 $0xFFFFF086  }
0x25: {  	[simem:s6], [sflag:s4] =	dma.local [hbm:s3], $0xF7A  }
0x26: {  	[smem:$0x3F9B] =	sst s1;
	(tag) =	ssettag s2;
	_ =	strace s9  }
0x27: {  	s1 =	sld [smem:$0x3FAB]  }
0x28: {  	s2 =	sld [smem:$0x3FAC]  }
0x29: {  	s4 =	sld [smem:$0x3FAE]  }
0x2a: {  	p0 =	seq.s32 s5, $0x0;
	s5 =	sld [smem:$0x3FAF]  }
0x2b: {  	s6 =	sld [smem:$0x3FB0]  }
0x2c: {  	s7 =	sld [smem:$0x3FB1]  }
0x2d: {  	s3 =	simm.s32 $0x108;
	s8 =	sld [smem:$0x3FB2]  }
0x2e: {  	s3 =	simm.s32 @!p0 $0x1082;
	s9 =	sld [smem:$0x3FB3]  }
0x2f: {  	lr =	sadd.s32 s0, s3;
	s0 =	sld [smem:$0x3FAA]  }
0x30: {  	s3 =	sld [smem:$0x3FAD]  }
0x31: {  	[smem:$0x3FB6] =	sst s10  }
0x32: {  	s10 =	sld [smem:$0x3FB4];
	_ =	sdelay $0x3  }
0x33: {  	p0 =	seq.s32 s10, $0x1;
	s10 =	sld [smem:$0x3FB6];
	_ =	sdelay $0x3  }
0x34: {  	[smem:$0x3FB6] =	sst s10  }
0x35: {  	s10 =	sld [smem:$0x3FB5];
	_ =	sdelay $0x3  }
0x36: {  	p1 =	seq.s32 s10, $0x1;
	s10 =	sld [smem:$0x3FB6];
	_ =	sdelay $0x3  }
0x37: {  	[smem:$0x3FB6] =	sst s10  }
0x38: {  	s10 =	sld [smem:$0x3FB7]  }
0x39: {  	_ = 	snop;
	(pc) =	sbr.ind lr, $3  }
0x3a: {  	_ = 	snop  }
0x3b: {  	_ = 	snop  }
0x3c: {  	p2 =	seq.s32 s10, $0x1;
	s10 =	sld [smem:$0x3FB6]  }
0x3d: {  	_ =	shalt  }
0x3e: {  	_ =	shalt  }
0x3f: {  	_ =	shalt  }
0x40: {  	_ =	shalt  }
0x41: {  	_ =	shalt  }
0x42: {  	_ =	shalt  }
0x43: {  	_ =	shalt  }
0x44: {  	_ =	shalt  }
0x45: {  	_ =	shalt  }
0x46: {  	_ =	shalt  }
0x47: {  	_ =	shalt  }
0x48: {  	_ =	shalt  }
0x49: {  	_ =	shalt  }
0x4a: {  	_ =	shalt  }
0x4b: {  	_ =	shalt  }
0x4c: {  	_ =	shalt  }
0x4d: {  	_ =	shalt  }
0x4e: {  	_ =	shalt  }
0x4f: {  	_ =	shalt  }
0x50: {  	_ =	shalt  }
0x51: {  	_ =	shalt  }
0x52: {  	_ =	shalt  }
0x53: {  	_ =	shalt  }
0x54: {  	_ =	shalt  }
0x55: {  	_ =	shalt  }
0x56: {  	_ =	shalt  }
0x57: {  	_ =	shalt  }
0x58: {  	_ =	shalt  }
0x59: {  	_ =	shalt  }
0x5a: {  	_ =	shalt  }
0x5b: {  	_ =	shalt  }
0x5c: {  	_ =	shalt  }
0x5d: {  	_ =	shalt  }
0x5e: {  	_ =	shalt  }
0x5f: {  	_ =	shalt  }
0x60: {  	_ =	shalt  }
0x61: {  	_ =	shalt  }
0x62: {  	_ =	shalt  }
0x63: {  	_ =	shalt  }
0x64: {  	_ =	shalt  }
0x65: {  	_ =	shalt  }
0x66: {  	_ =	shalt  }
0x67: {  	_ =	shalt  }
0x68: {  	_ =	shalt  }
0x69: {  	_ =	shalt  }
0x6a: {  	_ =	shalt  }
0x6b: {  	_ =	shalt  }
0x6c: {  	_ =	shalt  }
0x6d: {  	_ =	shalt  }
0x6e: {  	_ =	shalt  }
0x6f: {  	_ =	shalt  }
0x70: {  	_ =	shalt  }
0x71: {  	_ =	shalt  }
0x72: {  	_ =	shalt  }
0x73: {  	_ =	shalt  }
0x74: {  	_ =	shalt  }
0x75: {  	_ =	shalt  }
0x76: {  	_ =	shalt  }
0x77: {  	_ =	shalt  }
0x78: {  	_ =	shalt  }
0x79: {  	_ =	shalt  }
0x7a: {  	_ =	shalt  }
0x7b: {  	_ =	shalt  }
0x7c: {  	_ =	shalt  }
0x7d: {  	_ =	shalt  }
0x7e: {  	_ =	shalt  }
0x7f: {  	_ =	shalt  }
0x80: {  	_ =	shalt  }
0x81: {  	_ =	shalt  }
0x82: {  	_ =	shalt  }
0x83: {  	_ =	shalt  }
0x84: {  	_ =	shalt  }
0x85: {  	_ =	shalt  }
0x86: {  	_ =	shalt  }
0x87: {  	_ =	shalt  }
.Lfunc_end0:
.L_simem_size_0:
called_computation_lowered:
.L_overlay_start_0:
0x88: {  	s2 =	sld [smem:$0x3FD9]  }
0x89: {  	s3 =	sld [smem:$0x3FFE];
	_ =	sdelay $0x1  }
0x8a: {  	s1 =	srdreg.scid  }
0x8b: {  	s0 =	sand.u32 $0x1, s1  }
0x8c: {  	s17 =	sshll.u32 s0, $0xA;
	s2 =	sadd.s32 s3, s2  }
0x8d: {  	s2 =	sadd.s32 s2, s17  }
0x8e: {  	[smem:$0x3FC2] =	sst s2  }
0x8f: {  	_ = 	snop  }
0x90: {  	s2 =	sld [smem:$0x3FD0];
	(tm) =	ssettm $0x1  }
0x91: {  	s18 =	sld [smem:$0x3FFB];
	_ =	sdelay $0x3  }
0x92: {  	_ =	strace s18  }
0x93: {  	s3 =	sld [smem:$0x3FFC];
	_ =	sdelay $0x3  }
0x94: {  	_ =	strace s3  }
0x95: {  	s3 =	sld [smem:$0x3FFD];
	_ =	sdelay $0x3  }
0x96: {  	_ =	strace s3  }
0x97: {  	_ =	strace $0x8FFFFFFF  }
0x98: {  	s19 =	sld [smem:$0x3FDB];
	_ =	sdelay $0x1  }
0x99: {  	s4 =	simm.s32 $_scs_section_size  }
0x9a: {  	s5 =	simm.s32 $_size__tile_overlayer_lowered;
	s6 =	simm.s32 $_tile_overlayer_lowered  }
0x9b: {  	s22 =	simm.s32 $0x1BFF;
	s21 =	sshll.u32 s6, $0x1;
	s3 =	sadd.s32 s4, s19  }
0x9c: {  	s7 =	simm.s32 $0x0;
	s20 =	sshll.u32 s5, $0x1;
	s5 =	sadd.s32 s21, s3  }
0x9d: {  	[timem:s7], [sflag:s22] =	dma.local [hbm:s5], s20  }
0x9e: {  	_ =	swait.ge [sflag:s22], s20  }
0x9f: {  	s4 =	ssub.s32 $0x0, s20;
	[sflag:s22] =	ssyncset.done $0x0  }
0xa0: {  	[sflag:s22] =	ssyncadd.s32 s4;
	_ =	sdelay $0x1  }
0xa1: {  	s23 =	simm.s32 $0x1B8B  }
0xa2: {  	_ =	swait.ge [sflag:s23], $0x1  }
0xa3: {  	[sflag:s23] =	ssyncset.done $0x0  }
0xa4: {  	s25 =	simm.s32 $0x1B8E;
	s24 =	sld [smem:$0x3FFE];
	[sflag:s23] =	ssyncadd.s32 $0xFFFFFFFF  }
0xa5: {  	s26 =	simm.s32 $execute0_lowered;
	[smem:$0x3FD2] =	sst s25  }
0xa6: {  	s5 =	sshll.u32 s26, $0x1;
	_ =	strace $0x80000046;
	[dreg:$0x1] =	wrdreg $0xFFFFFFFF  }
0xa7: {  	s28 =	simm.s32 $_size_execute0_lowered;
	s3 =	sadd.s32 s3, s5;
	[dreg:$0x0] =	wrdreg $0x0  }
0xa8: {  	s5 =	sshll.u32 s28, $0x1;
	[dreg:$0x2] =	wrdreg s3  }
0xa9: {  	[dreg:$0x3] =	wrdreg s5  }
0xaa: {  	[dreg:$0x4] =	wrdreg $0xC0  }
0xab: {  	_ =	task [dreg:s7], $0x5FFFF  }
0xac: {  	[dreg:$0x1] =	wrdreg $0xFFFFFFFF  }
0xad: {  	[dreg:$0x0] =	wrdreg $0x60  }
0xae: {  	[dreg:$0x2] =	wrdreg s24  }
0xaf: {  	[dreg:$0x3] =	wrdreg s2  }
0xb0: {  	[dreg:$0x4] =	wrdreg $0x0  }
0xb1: {  	[dreg:$0x5] =	wrdreg $0x9  }
0xb2: {  	_ =	task.clear_ibuf [dreg:s7], $0x6FFFF;
	_ =	strace $0x90000046  }
0xb3: {  	s29 =	simm.s32 $0x9;
	_ =	strace $0x80000048  }
0xb4: {  	_ =	swait.ge [sflag:s29], $0x1  }
0xb5: {  	[sflag:s29] =	ssyncadd.s32 $0xFFFFFFFF  }
0xb6: {  	_ =	strace $0x90000048  }
0xb7: {  	_ =	sfence  }
0xb8: {  	s30 =	sld [smem:$0x0];
	_ =	sdelay $0x2  }
0xb9: {  	s31 =	sshll.u32 s1, $0xD;
	s1 =	sshrl.u32 s1, $0x2  }
0xba: {  	s3 =	sand.u32 $0x4000, s31;
	s1 =	sadd.s32 s1, s30  }
0xbb: {  	s0 =	sor.u32 s3, s0;
	s1 =	sshll.u32 s1, $0x11  }
0xbc: {  	s0 =	sor.u32 s1, s0  }
0xbd: {  	s0 =	sadd.s32 $0x8F2B, s0  }
0xbe: {  	[sflag:s0] =	ssyncadd.remote.s32 $0x1  }
0xbf: {  	_ =	sfence.sel $0xFFFF  }
0xc0: {  	[dreg:$0x0] =	wrdreg $0xFFFFFFFF;
	(pc) =	sbr.abs _section_cstart, $3  }
0xc1: {  	[dreg:$0x1] =	wrdreg $0xFFFFFFFF  }
0xc2: {  	_ =	task.clear_ibuf [dreg:s7], $0x2FFFF;
	_ =	strace $0x9FFFFFFF  }
0xc3: {  	(tm) =	ssettm $0x7FFFFFFF  }
tec
execute0_lowered:
.L_overlay_start_1:
0x0: {  	(tag) =	ssettag $0x1  }
0x1: {  	s6 =	rddreg [dreg:$0x0]  }
0x2: {  	s8 =	rddreg [dreg:$0x1]  }
0x3: {  	s2 =	rddreg [dreg:$0x2]  }
0x4: {  	s0 =	rddreg [dreg:$0x3]  }
0x5: {  	s4 =	srdreg.scid;
	s3 =	simm.s32 $0x0;
	s1 =	stileid.u32  }
0x6: {  	s14 =	simm.s32 $0x7D;
	s15 =	simm.s32 $0x1;
	s16 =	simm.s32 $0x2  }
0x7: {  	s17 =	simm.s32 $0x3;
	s18 =	simm.s32 $0x4;
	s19 =	simm.s32 $0x5  }
0x8: {  	s20 =	simm.s32 $0x0;
	s4 =	sand.u32 $0x1, s4;
	[smem:$0x7FF] =	sst s3  }
0x9: {  	s7 =	smul.u32 $0xC80, s1;
	s31 =	sshll.u32 s1, $0x6;
	s5 =	sshll.u32 s4, $0x4  }
0xa: {  	_ =	strace $0x80000047;
	s10 =	ssub.s32 $0x2, s4;
	s12 =	smul.u32 $0xC800, s4  }
0xb: {  	s4 =	sadd.s32 $0x34E00, s6;
	s5 =	sor.u32 s1, s5;
	s9 =	sshrl.u32 s7, $0x3  }
0xc: {  	s29 =	sshrl.u32 s10, $0x1;
	s30 =	sadd.s32 s7, s2;
	s11 =	smul.u32 $0x6400, s5  }
0xd: {  	s28 =	sadd.s32 s9, s6;
	s9 =	ssub.s32 s10, s29;
	s7 =	sadd.s32 s7, s12  }
0xe: {  	s10 =	sshrl.u32 s30, $0x3;
	s12 =	simm.s32 $0x7080;
	s5 =	sadd.s32 $0x35000, s28  }
0xf: {  	s13 =	sshrl.u32 s7, $0x3;
	s9 =	smax.u32 s9, $0x1;
	s11 =	sshrl.u32 s11, $0x3  }
0x10: {  	s8 =	sadd.s32 s8, s13;
	s13 =	simm.s32 $0xC80;
	s11 =	sadd.s32 s6, s11  }
0x11: {  	s6 =	sor.u32 $0x1C06, s31;
	s7 =	sadd.s32 $0x1BE00, s11;
	s11 =	simm.s32 $0x6  }
.LBB2_1:
0x12: {  	[spmem:s10], [sflag:s6] =	dma.local [hbm:s5], $0x190  }
0x13: {  	_ =	swait.ge [sflag:s11], $0x190  }
0x14: {  	[sflag:s11] =	ssyncset.done $0x0  }
0x15: {  	[sflag:s11] =	ssyncadd.s32 $0xFFFFFE70  }
0x16: {  	[tilespmem:s12], [sflag:$0x6] =	stream.linear.gather [hbm4b:s4+s3], $0x80, $0x38;
	[tilespmem:$0x7100] =	vst v63  }
0x17: {  	_ =	swait.ge [sflag:s11], $0x80  }
0x18: {  	[sflag:s11] =	ssyncset.done $0x0  }
0x19: {  	[sflag:s11] =	ssyncadd.s32 $0xFFFFFF80  }
0x1a: {  	[tilespmem:s13], [sflag:$0x6] =	stream.linear.gather [hbm4b:s7+s3], $0x6400, $0x38;
	[tilespmem:$0x7100] =	vst v63  }
0x1b: {  	_ =	swait.ge [sflag:s11], $0x6400  }
0x1c: {  	[sflag:s11] =	ssyncset.done $0x0  }
0x1d: {  	[sflag:s11] =	ssyncadd.s32 $0xFFFF9C00  }
0x1e: {  	s21 =	simm.s32 $0xC80;
	[bflag:$0x0] =	sbarrier.arrive $0xFFFF  }
0x1f: {  	[spmem:s2] =	stream.indirect.scatter.add.f32 [tilespmem:s12], [sflag:$0x1], $0x1, s21, s14, $0xb8;
	[tilespmem:$0x7100] =	vst v63  }
0x20: {  	s28 =	simm.s32 $0xD00  }
0x21: {  	[spmem:s2] =	stream.indirect.scatter.add.f32 [tilespmem:s12], [sflag:$0x2], $0x1, s28, s14, $0xb8;
	[tilespmem:$0x7100] =	vst v63  }
0x22: {  	s29 =	simm.s32 $0xD80  }
0x23: {  	[spmem:s2] =	stream.indirect.scatter.add.f32 [tilespmem:s12], [sflag:$0x3], $0x1, s29, s14, $0xb8;
	[tilespmem:$0x7100] =	vst v63  }
0x24: {  	s30 =	simm.s32 $0xE00  }
0x25: {  	[spmem:s2] =	stream.indirect.scatter.add.f32 [tilespmem:s12], [sflag:$0x4], $0x1, s30, s14, $0xb8;
	[tilespmem:$0x7100] =	vst v63  }
0x26: {  	s31 =	simm.s32 $0xE80  }
0x27: {  	[spmem:s2] =	stream.indirect.scatter.add.f32 [tilespmem:s12], [sflag:$0x5], $0x1, s31, s14, $0xb8;
	[tilespmem:$0x7100] =	vst v63  }
0x28: {  	_ =	swait.ge [sflag:s15], $0x7D  }
0x29: {  	[sflag:s15] =	ssyncset.done $0x0  }
0x2a: {  	[sflag:s15] =	ssyncadd.s32 $0xFFFFFF83  }
0x2b: {  	_ =	swait.ge [sflag:s16], $0x7D  }
0x2c: {  	[sflag:s16] =	ssyncset.done $0x0  }
0x2d: {  	[sflag:s16] =	ssyncadd.s32 $0xFFFFFF83  }
0x2e: {  	_ =	swait.ge [sflag:s17], $0x7D  }
0x2f: {  	[sflag:s17] =	ssyncset.done $0x0  }
0x30: {  	[sflag:s17] =	ssyncadd.s32 $0xFFFFFF83  }
0x31: {  	_ =	swait.ge [sflag:s18], $0x7D  }
0x32: {  	[sflag:s18] =	ssyncset.done $0x0  }
0x33: {  	[sflag:s18] =	ssyncadd.s32 $0xFFFFFF83  }
0x34: {  	_ =	swait.ge [sflag:s19], $0x7D  }
0x35: {  	s22 =	simm.s32 $0x1400;
	s21 =	simm.s32 $0x280;
	[sflag:s19] =	ssyncset.done $0x0  }
.LBB2_2:
0x36: {  	s23 =	sadd.s32 $0xC80, s21  }
0x37: {  	[sflag:s19] =	ssyncadd.s32 $0xFFFFFF83;
	s24 =	smov.u32 s22;
	s25 =	sadd.s32 $0xA00, s22  }
0x38: {  	[spmem:s2] =	stream.indirect.scatter.add.f32 [tilespmem:s12], [sflag:$0x1], $0x1, s23, s14, $0xb8;
	[tilespmem:$0x7100] =	vst v63  }
0x39: {  	p0 =	sne.s32 s22, $0x18600;
	s22 =	sadd.s32 $0xD00, s21  }
0x3a: {  	[spmem:s2] =	stream.indirect.scatter.add.f32 [tilespmem:s12], [sflag:$0x2], $0x1, s22, s14, $0xb8;
	[tilespmem:$0x7100] =	vst v63  }
0x3b: {  	s22 =	sadd.s32 $0xD80, s21  }
0x3c: {  	[spmem:s2] =	stream.indirect.scatter.add.f32 [tilespmem:s12], [sflag:$0x3], $0x1, s22, s14, $0xb8;
	[tilespmem:$0x7100] =	vst v63  }
0x3d: {  	s22 =	sadd.s32 $0xE00, s21  }
0x3e: {  	[spmem:s2] =	stream.indirect.scatter.add.f32 [tilespmem:s12], [sflag:$0x4], $0x1, s22, s14, $0xb8;
	[tilespmem:$0x7100] =	vst v63  }
0x3f: {  	s21 =	sadd.s32 $0xE80, s21  }
0x40: {  	[spmem:s2] =	stream.indirect.scatter.add.f32 [tilespmem:s12], [sflag:$0x5], $0x1, s21, s14, $0xb8;
	[tilespmem:$0x7100] =	vst v63  }
0x41: {  	_ =	swait.ge [sflag:s15], $0x7D  }
0x42: {  	[sflag:s15] =	ssyncset.done $0x0  }
0x43: {  	[sflag:s15] =	ssyncadd.s32 $0xFFFFFF83  }
0x44: {  	_ =	swait.ge [sflag:s16], $0x7D  }
0x45: {  	[sflag:s16] =	ssyncset.done $0x0  }
0x46: {  	[sflag:s16] =	ssyncadd.s32 $0xFFFFFF83  }
0x47: {  	_ =	swait.ge [sflag:s17], $0x7D  }
0x48: {  	[sflag:s17] =	ssyncset.done $0x0  }
0x49: {  	[sflag:s17] =	ssyncadd.s32 $0xFFFFFF83  }
.Ltmp0:
0x4a: {  	_ =	swait.ge [sflag:s18], $0x7D;
	(pc) =	sbr.rel @p0 .LBB2_2-.Ltmp0, $4  }
0x4b: {  	[sflag:s18] =	ssyncset.done $0x0  }
0x4c: {  	[sflag:s18] =	ssyncadd.s32 $0xFFFFFF83  }
0x4d: {  	_ =	swait.ge [sflag:s19], $0x7D  }
0x4e: {  	s22 =	smov.u32 s25;
	s21 =	sshra.s32 s24, $0x2;
	[sflag:s19] =	ssyncset.done $0x0  }
0x4f: {  	s22 =	sadd.s32 $0xC80, s21;
	[sflag:s19] =	ssyncadd.s32 $0xFFFFFF83  }
0x50: {  	[spmem:s2] =	stream.indirect.scatter.add.f32 [tilespmem:s12], [sflag:$0x1], $0x1, s22, s14, $0xb8;
	[tilespmem:$0x7100] =	vst v63  }
0x51: {  	s28 =	sadd.s32 $0xD00, s21  }
0x52: {  	[spmem:s2] =	stream.indirect.scatter.add.f32 [tilespmem:s12], [sflag:$0x2], $0x1, s28, s14, $0xb8;
	[tilespmem:$0x7100] =	vst v63  }
0x53: {  	s29 =	sadd.s32 $0xD80, s21  }
0x54: {  	[spmem:s2] =	stream.indirect.scatter.add.f32 [tilespmem:s12], [sflag:$0x3], $0x1, s29, s14, $0xb8;
	[tilespmem:$0x7100] =	vst v63  }
0x55: {  	s30 =	sadd.s32 $0xE00, s21  }
0x56: {  	[spmem:s2] =	stream.indirect.scatter.add.f32 [tilespmem:s12], [sflag:$0x4], $0x1, s30, s14, $0xb8;
	[tilespmem:$0x7100] =	vst v63  }
0x57: {  	s31 =	sadd.s32 $0xE80, s21  }
0x58: {  	[spmem:s2] =	stream.indirect.scatter.add.f32 [tilespmem:s12], [sflag:$0x5], $0x1, s31, s14, $0xb8;
	[tilespmem:$0x7100] =	vst v63  }
0x59: {  	_ =	swait.ge [sflag:s15], $0x7D  }
0x5a: {  	[sflag:s15] =	ssyncset.done $0x0  }
0x5b: {  	[sflag:s15] =	ssyncadd.s32 $0xFFFFFF83  }
0x5c: {  	_ =	swait.ge [sflag:s16], $0x7D  }
0x5d: {  	[sflag:s16] =	ssyncset.done $0x0  }
0x5e: {  	[sflag:s16] =	ssyncadd.s32 $0xFFFFFF83  }
0x5f: {  	_ =	swait.ge [sflag:s17], $0x7D  }
0x60: {  	[sflag:s17] =	ssyncset.done $0x0  }
0x61: {  	[sflag:s17] =	ssyncadd.s32 $0xFFFFFF83  }
0x62: {  	_ =	swait.ge [sflag:s18], $0x7D  }
0x63: {  	[sflag:s18] =	ssyncset.done $0x0  }
0x64: {  	[sflag:s18] =	ssyncadd.s32 $0xFFFFFF83  }
0x65: {  	_ =	swait.ge [sflag:s19], $0x7D  }
0x66: {  	s20 =	sadd.s32 $0x1, s20;
	[sflag:s19] =	ssyncset.done $0x0  }
0x67: {  	p0 =	sne.s32 s20, s9;
	[sflag:s19] =	ssyncadd.s32 $0xFFFFFF83  }
.Ltmp1:
0x68: {  	[bflag:$0x0] =	sbarrier.arrive $0xFFFF;
	(pc) =	sbr.rel @p0 .LBB2_1-.Ltmp1, $4  }
0x69: {  	[hbm:s8], [sflag:s6] =	dma.local [spmem:s10], $0x190  }
0x6a: {  	_ =	swait.ge [sflag:s11], $0x190  }
0x6b: {  	[sflag:s11] =	ssyncset.done $0x0  }
0x6c: {  	[sflag:s11] =	ssyncadd.s32 $0xFFFFFE70  }
0x6d: {  	_ =	sfence.sel $0x180000  }
0x6e: {  	[bflag:$0x0] =	sbarrier.arrive $0xFFFF  }
0x6f: {  	p0 =	sne.s32 s1, $0x0;
	_ =	strace $0x90000047  }
0x70: {  	s0 =	sadd.s32 @!p0 $0x100000, s0;
	[bflag:$0x2] =	sbarrier.arrive $0xFFFF  }
0x71: {  	[sflag:s0] =	ssyncadd.tile.s32 @!p0 $0x1;
	_ =	shalt  }
.Lfunc_end2:
_tile_overlayer_lowered:
.L_overlay_start_2:
0x72: {  	(tag) =	ssettag $0x2  }
0x73: {  	s0 =	rddreg [dreg:$0x0];
	s2 =	stileid.u32  }
0x74: {  	s1 =	rddreg [dreg:$0x1];
	p0 =	sne.s32 s2, $0x0  }
0x75: {  	s3 =	rddreg [dreg:$0x2];
	[bflag:$0x3] =	sbarrier.arrive $0xFFFF;
	s2 =	simm.s32 @!p0 $0x1C06  }
0x76: {  	[timem:s3], [sflag:s2] =	dma.local @!p0 [hbm:s0], s1  }
0x77: {  	s0 =	simm.s32 @!p0 $0x6  }
0x78: {  	_ =	swait.ge @!p0 [sflag:s0], s1  }
0x79: {  	s1 =	ssub.s32 @!p0 $0x0, s1;
	[sflag:s0] =	ssyncset.done @!p0 $0x0  }
0x7a: {  	[sflag:s0] =	ssyncadd.s32 @!p0 s1  }
0x7b: {  	[bflag:$0x3] =	sbarrier.arrive $0xFFFF  }
0x7c: {  	_ =	shalt  }

</sc_bundles>
